<compile_context>
chip_gen: v7x
topology: tpu7x:2x2x1
jax: 0.10.2.dev20260603
libtpu: 0.0.44.dev20260713+nightly
codegen_flags: <defaults>
</compile_context>

<pallas_src>
import functools

import jax
import jax.numpy as jnp
from jax import lax
from jax.experimental import pallas as pl
from jax.experimental.pallas import tpu as pltpu
from jax.experimental.pallas import tpu_sc as plsc

NC, NS, L = 2, 16, 16
NW = NC * NS


@functools.partial(jax.jit, static_argnums=(2, 3))
def _sc_gather(table_t, idx, heads, stride):
    win2, win2b = idx.shape
    n = win2 * win2b
    per_tile_rows = win2 // NW
    b = win2b
    chunks = per_tile_rows
    groups = b // L
    hb = heads * b

    mesh = plsc.VectorSubcoreMesh(core_axis_name="c", subcore_axis_name="s")

    @functools.partial(
        pl.kernel,
        out_type=jax.ShapeDtypeStruct((heads, win2, win2b), jnp.float32),
        mesh=mesh,
        compiler_params=pltpu.CompilerParams(needs_layout_passes=False),
        scratch_types=[
            pltpu.VMEM((heads * stride,), jnp.float32),
            pltpu.VMEM((2 * b,), jnp.int32),
            pltpu.VMEM((2 * hb,), jnp.float32),
            pltpu.VMEM_SHARED((heads * stride,), jnp.float32),
            pltpu.SemaphoreType.DMA,
            pltpu.SemaphoreType.DMA,
            pltpu.SemaphoreType.DMA,
            pltpu.SemaphoreType.DMA,
            pltpu.SemaphoreType.DMA,
        ],
    )
    def k(tab_hbm, idx_hbm, out_hbm, tab_v, idx_v, out_v, tab_sh,
          sem_i0, sem_i1, sem_o0, sem_o1, sem_t):
        sid = lax.axis_index("s")
        wid = sid * NC + lax.axis_index("c")
        row0 = wid * per_tile_rows
        @pl.when(sid == 0)
        def _():
            for h in range(heads):
                pltpu.async_copy(tab_hbm.at[h],
                                 tab_sh.at[pl.ds(h * stride, stride)], sem_t)

        def idx_fetch(c, p, sem):
            pltpu.async_copy(idx_hbm.at[row0 + c],
                             idx_v.at[pl.ds(p * b, b)], sem)

        def drain_out(p, sem):
            for h in range(heads):
                pltpu.make_async_copy(out_hbm.at[0, 0],
                                      out_v.at[pl.ds(p * hb + h * b, b)],
                                      sem).wait()

        def do_chunk(c, p, sem_i, sem_o, first, last):
            pltpu.make_async_copy(idx_hbm.at[0],
                                  idx_v.at[pl.ds(p * b, b)], sem_i).wait()
            @pl.when(jnp.logical_not(first))
            def _():
                drain_out(p, sem_o)

            obase = p * hb
            ibase = p * b

            @plsc.parallel_loop(0, groups, unroll=4)
            def _(i):
                iv = idx_v[pl.ds(ibase + i * L, L)]
                for h in range(heads):
                    out_v[pl.ds(obase + h * b + i * L, L)] = (
                        plsc.load_gather(
                            tab_v.at[pl.ds(h * stride, stride)], [iv]))

            for h in range(heads):
                pltpu.async_copy(out_v.at[pl.ds(obase + h * b, b)],
                                 out_hbm.at[h, row0 + c], sem_o)

            @pl.when(jnp.logical_not(last))
            def _():
                idx_fetch(c + 2, p, sem_i)

        idx_fetch(0, 0, sem_i0)
        idx_fetch(1, 1, sem_i1)
        @pl.when(sid == 0)
        def _():
            for h in range(heads):
                pltpu.make_async_copy(tab_hbm.at[h],
                                      tab_sh.at[pl.ds(h * stride, stride)],
                                      sem_t).wait()
        plsc.subcore_barrier()
        pltpu.sync_copy(tab_sh, tab_v)

        n2 = chunks // 2

        @pl.loop(0, n2)
        def _(c2):
            c = 2 * c2
            do_chunk(c, 0, sem_i0, sem_o0, c2 == 0, c2 == n2 - 1)
            do_chunk(c + 1, 1, sem_i1, sem_o1, c2 == 0, c2 == n2 - 1)

        drain_out(0, sem_o0)
        drain_out(1, sem_o1)

    return k(table_t, idx)


def kernel(relative_position_bias_table, relative_position_index):
    rows, heads = relative_position_bias_table.shape
    stride = 4096
    table_t = jnp.pad(relative_position_bias_table.T,
                      ((0, 0), (0, stride - rows)))
    idx = relative_position_index.astype(jnp.int32)
    return _sc_gather(table_t, idx, heads, stride)

# --- scband reference (transcript-rebuilt; emitter-appended) ---
"""Pipeline reference for scband-position-embedding-relative-68358699483969 (READ-ONLY COPY).

The authoritative reference and input builder live on the scoring server;
editing this copy changes nothing except your own understanding.
"""

import jax, jax.numpy as jnp
import numpy as np

WINDOW = 32
HEADS = 16

def _rel_index(win):
    coords_h = np.arange(win)
    coords_w = np.arange(win)
    coords = np.stack(np.meshgrid(coords_h, coords_w, indexing='ij'))
    coords_flatten = coords.reshape(2, -1)
    rel = coords_flatten[:, :, None] - coords_flatten[:, None, :]
    rel = rel.transpose(1, 2, 0).copy()
    rel[:, :, 0] += win - 1
    rel[:, :, 1] += win - 1
    rel[:, :, 0] *= 2 * win - 1
    return rel.sum(-1)

def setup_inputs(seed: int = 0) -> dict:
    key = jax.random.key(seed)
    table = jax.random.normal(key, ((2 * WINDOW - 1) * (2 * WINDOW - 1), HEADS), dtype=jnp.float32) * 0.02
    idx = jnp.asarray(_rel_index(WINDOW), dtype=jnp.int32)
    return {"relative_position_bias_table": table, "relative_position_index": idx}

def reference(relative_position_bias_table, relative_position_index):
    win2 = WINDOW * WINDOW
    bias = jnp.take(relative_position_bias_table, relative_position_index.reshape(-1), axis=0)
    bias = bias.reshape(win2, win2, -1)
    bias = jnp.transpose(bias, (2, 0, 1))
    return bias

if __name__ == "__main__":
    import jax
    _d = setup_inputs()
    print(jax.jit(kernel)(*tuple(_d.values())))

</pallas_src>

<mosaic_0001>
#map = affine_map<(d0, d1) -> (0, 0)>
#map1 = affine_map<(d0, d1) -> (0, 0, 0)>
module attributes {stable_mosaic.version = 14 : i64} {
  func.func @k(%arg0: i32, %arg1: i32, %arg2: memref<16x4096xf32, #tpu.memory_space<hbm>>, %arg3: memref<1024x1024xi32, #tpu.memory_space<hbm>>, %arg4: memref<16x1024x1024xf32, #tpu.memory_space<hbm>>, %arg5: memref<65536xf32, #tpu.memory_space<vmem>>, %arg6: memref<2048xi32, #tpu.memory_space<vmem>>, %arg7: memref<32768xf32, #tpu.memory_space<vmem>>, %arg8: memref<65536xf32, #tpu.memory_space<vmem_shared>>, %arg9: memref<!tpu.dma_semaphore, #tpu.memory_space<semaphore_mem>>, %arg10: memref<!tpu.dma_semaphore, #tpu.memory_space<semaphore_mem>>, %arg11: memref<!tpu.dma_semaphore, #tpu.memory_space<semaphore_mem>>, %arg12: memref<!tpu.dma_semaphore, #tpu.memory_space<semaphore_mem>>, %arg13: memref<!tpu.dma_semaphore, #tpu.memory_space<semaphore_mem>>) attributes {dimension_semantics = [#tpu.dimension_semantics<core_parallel>, #tpu.dimension_semantics<subcore_parallel>], iteration_bounds = array<i64: 2, 16>, scalar_prefetch = 0 : i64, scratch_operands = 9 : i64, tpu.core_type = #tpu.core_type<sc_vector_subcore>, window_params = [{transform_indices = #map}, {transform_indices = #map}, {transform_indices = #map1}]} {
    %mul3A = arith.constant 2 : i32
    %mul3A_0 = arith.muli %arg1, %mul3A : i32
    %add3A = arith.addi %mul3A_0, %arg0 : i32
    %mul3A_1 = arith.constant 32 : i32
    %mul3A_2 = arith.muli %add3A, %mul3A_1 : i32
    %eq3A = arith.constant 0 : i32
    %eq3A_3 = arith.cmpi eq, %arg1, %eq3A : i32
    %convert_element_type3A = arith.extui %eq3A_3 : i1 to i32
    %cond3A = arith.constant 0 : i32
    %cond3A_4 = arith.cmpi ne, %convert_element_type3A, %cond3A : i32
    scf.if %cond3A_4 {
      %dma_start3A_420 = arith.constant 0 : i32
      %dma_start3A_421 = arith.constant 0 : i32
      %dma_start3A_422 = tpu.memref_slice %arg8[%dma_start3A_421] : memref<65536xf32, #tpu.memory_space<vmem_shared>> -> memref<4096xf32, #tpu.memory_space<vmem_shared>>
      %dma_start3A_423 = arith.constant 0 : i32
      %dma_start3A_424 = tpu.memref_slice %arg2[%dma_start3A_420, %dma_start3A_423] : memref<16x4096xf32, #tpu.memory_space<hbm>> -> memref<1x4096xf32, #tpu.memory_space<hbm>>
      %dma_start3A_425 = tpu.memref_squeeze %dma_start3A_424 : memref<1x4096xf32, #tpu.memory_space<hbm>> -> memref<4096xf32, #tpu.memory_space<hbm>>
      tpu.enqueue_dma source(%dma_start3A_425 : memref<4096xf32, #tpu.memory_space<hbm>>) target(%dma_start3A_422 : memref<4096xf32, #tpu.memory_space<vmem_shared>>) target_semaphore(%arg13 : memref<!tpu.dma_semaphore, #tpu.memory_space<semaphore_mem>>)
      %dma_start3A_426 = arith.constant 1 : i32
      %dma_start3A_427 = arith.constant 4096 : i32
      %dma_start3A_428 = tpu.memref_slice %arg8[%dma_start3A_427] : memref<65536xf32, #tpu.memory_space<vmem_shared>> -> memref<4096xf32, #tpu.memory_space<vmem_shared>>
      %dma_start3A_429 = arith.constant 0 : i32
      %dma_start3A_430 = tpu.memref_slice %arg2[%dma_start3A_426, %dma_start3A_429] : memref<16x4096xf32, #tpu.memory_space<hbm>> -> memref<1x4096xf32, #tpu.memory_space<hbm>>
      %dma_start3A_431 = tpu.memref_squeeze %dma_start3A_430 : memref<1x4096xf32, #tpu.memory_space<hbm>> -> memref<4096xf32, #tpu.memory_space<hbm>>
      tpu.enqueue_dma source(%dma_start3A_431 : memref<4096xf32, #tpu.memory_space<hbm>>) target(%dma_start3A_428 : memref<4096xf32, #tpu.memory_space<vmem_shared>>) target_semaphore(%arg13 : memref<!tpu.dma_semaphore, #tpu.memory_space<semaphore_mem>>)
      %dma_start3A_432 = arith.constant 2 : i32
      %dma_start3A_433 = arith.constant 8192 : i32
      %dma_start3A_434 = tpu.memref_slice %arg8[%dma_start3A_433] : memref<65536xf32, #tpu.memory_space<vmem_shared>> -> memref<4096xf32, #tpu.memory_space<vmem_shared>>
      %dma_start3A_435 = arith.constant 0 : i32
      %dma_start3A_436 = tpu.memref_slice %arg2[%dma_start3A_432, %dma_start3A_435] : memref<16x4096xf32, #tpu.memory_space<hbm>> -> memref<1x4096xf32, #tpu.memory_space<hbm>>
      %dma_start3A_437 = tpu.memref_squeeze %dma_start3A_436 : memref<1x4096xf32, #tpu.memory_space<hbm>> -> memref<4096xf32, #tpu.memory_space<hbm>>
      tpu.enqueue_dma source(%dma_start3A_437 : memref<4096xf32, #tpu.memory_space<hbm>>) target(%dma_start3A_434 : memref<4096xf32, #tpu.memory_space<vmem_shared>>) target_semaphore(%arg13 : memref<!tpu.dma_semaphore, #tpu.memory_space<semaphore_mem>>)
      %dma_start3A_438 = arith.constant 3 : i32
      %dma_start3A_439 = arith.constant 12288 : i32
      %dma_start3A_440 = tpu.memref_slice %arg8[%dma_start3A_439] : memref<65536xf32, #tpu.memory_space<vmem_shared>> -> memref<4096xf32, #tpu.memory_space<vmem_shared>>
      %dma_start3A_441 = arith.constant 0 : i32
      %dma_start3A_442 = tpu.memref_slice %arg2[%dma_start3A_438, %dma_start3A_441] : memref<16x4096xf32, #tpu.memory_space<hbm>> -> memref<1x4096xf32, #tpu.memory_space<hbm>>
      %dma_start3A_443 = tpu.memref_squeeze %dma_start3A_442 : memref<1x4096xf32, #tpu.memory_space<hbm>> -> memref<4096xf32, #tpu.memory_space<hbm>>
      tpu.enqueue_dma source(%dma_start3A_443 : memref<4096xf32, #tpu.memory_space<hbm>>) target(%dma_start3A_440 : memref<4096xf32, #tpu.memory_space<vmem_shared>>) target_semaphore(%arg13 : memref<!tpu.dma_semaphore, #tpu.memory_space<semaphore_mem>>)
      %dma_start3A_444 = arith.constant 4 : i32
      %dma_start3A_445 = arith.constant 16384 : i32
      %dma_start3A_446 = tpu.memref_slice %arg8[%dma_start3A_445] : memref<65536xf32, #tpu.memory_space<vmem_shared>> -> memref<4096xf32, #tpu.memory_space<vmem_shared>>
      %dma_start3A_447 = arith.constant 0 : i32
      %dma_start3A_448 = tpu.memref_slice %arg2[%dma_start3A_444, %dma_start3A_447] : memref<16x4096xf32, #tpu.memory_space<hbm>> -> memref<1x4096xf32, #tpu.memory_space<hbm>>
      %dma_start3A_449 = tpu.memref_squeeze %dma_start3A_448 : memref<1x4096xf32, #tpu.memory_space<hbm>> -> memref<4096xf32, #tpu.memory_space<hbm>>
      tpu.enqueue_dma source(%dma_start3A_449 : memref<4096xf32, #tpu.memory_space<hbm>>) target(%dma_start3A_446 : memref<4096xf32, #tpu.memory_space<vmem_shared>>) target_semaphore(%arg13 : memref<!tpu.dma_semaphore, #tpu.memory_space<semaphore_mem>>)
      %dma_start3A_450 = arith.constant 5 : i32
      %dma_start3A_451 = arith.constant 20480 : i32
      %dma_start3A_452 = tpu.memref_slice %arg8[%dma_start3A_451] : memref<65536xf32, #tpu.memory_space<vmem_shared>> -> memref<4096xf32, #tpu.memory_space<vmem_shared>>
      %dma_start3A_453 = arith.constant 0 : i32
      %dma_start3A_454 = tpu.memref_slice %arg2[%dma_start3A_450, %dma_start3A_453] : memref<16x4096xf32, #tpu.memory_space<hbm>> -> memref<1x4096xf32, #tpu.memory_space<hbm>>
      %dma_start3A_455 = tpu.memref_squeeze %dma_start3A_454 : memref<1x4096xf32, #tpu.memory_space<hbm>> -> memref<4096xf32, #tpu.memory_space<hbm>>
      tpu.enqueue_dma source(%dma_start3A_455 : memref<4096xf32, #tpu.memory_space<hbm>>) target(%dma_start3A_452 : memref<4096xf32, #tpu.memory_space<vmem_shared>>) target_semaphore(%arg13 : memref<!tpu.dma_semaphore, #tpu.memory_space<semaphore_mem>>)
      %dma_start3A_456 = arith.constant 6 : i32
      %dma_start3A_457 = arith.constant 24576 : i32
      %dma_start3A_458 = tpu.memref_slice %arg8[%dma_start3A_457] : memref<65536xf32, #tpu.memory_space<vmem_shared>> -> memref<4096xf32, #tpu.memory_space<vmem_shared>>
      %dma_start3A_459 = arith.constant 0 : i32
      %dma_start3A_460 = tpu.memref_slice %arg2[%dma_start3A_456, %dma_start3A_459] : memref<16x4096xf32, #tpu.memory_space<hbm>> -> memref<1x4096xf32, #tpu.memory_space<hbm>>
      %dma_start3A_461 = tpu.memref_squeeze %dma_start3A_460 : memref<1x4096xf32, #tpu.memory_space<hbm>> -> memref<4096xf32, #tpu.memory_space<hbm>>
      tpu.enqueue_dma source(%dma_start3A_461 : memref<4096xf32, #tpu.memory_space<hbm>>) target(%dma_start3A_458 : memref<4096xf32, #tpu.memory_space<vmem_shared>>) target_semaphore(%arg13 : memref<!tpu.dma_semaphore, #tpu.memory_space<semaphore_mem>>)
      %dma_start3A_462 = arith.constant 7 : i32
      %dma_start3A_463 = arith.constant 28672 : i32
      %dma_start3A_464 = tpu.memref_slice %arg8[%dma_start3A_463] : memref<65536xf32, #tpu.memory_space<vmem_shared>> -> memref<4096xf32, #tpu.memory_space<vmem_shared>>
      %dma_start3A_465 = arith.constant 0 : i32
      %dma_start3A_466 = tpu.memref_slice %arg2[%dma_start3A_462, %dma_start3A_465] : memref<16x4096xf32, #tpu.memory_space<hbm>> -> memref<1x4096xf32, #tpu.memory_space<hbm>>
      %dma_start3A_467 = tpu.memref_squeeze %dma_start3A_466 : memref<1x4096xf32, #tpu.memory_space<hbm>> -> memref<4096xf32, #tpu.memory_space<hbm>>
      tpu.enqueue_dma source(%dma_start3A_467 : memref<4096xf32, #tpu.memory_space<hbm>>) target(%dma_start3A_464 : memref<4096xf32, #tpu.memory_space<vmem_shared>>) target_semaphore(%arg13 : memref<!tpu.dma_semaphore, #tpu.memory_space<semaphore_mem>>)
      %dma_start3A_468 = arith.constant 8 : i32
      %dma_start3A_469 = arith.constant 32768 : i32
      %dma_start3A_470 = tpu.memref_slice %arg8[%dma_start3A_469] : memref<65536xf32, #tpu.memory_space<vmem_shared>> -> memref<4096xf32, #tpu.memory_space<vmem_shared>>
      %dma_start3A_471 = arith.constant 0 : i32
      %dma_start3A_472 = tpu.memref_slice %arg2[%dma_start3A_468, %dma_start3A_471] : memref<16x4096xf32, #tpu.memory_space<hbm>> -> memref<1x4096xf32, #tpu.memory_space<hbm>>
      %dma_start3A_473 = tpu.memref_squeeze %dma_start3A_472 : memref<1x4096xf32, #tpu.memory_space<hbm>> -> memref<4096xf32, #tpu.memory_space<hbm>>
      tpu.enqueue_dma source(%dma_start3A_473 : memref<4096xf32, #tpu.memory_space<hbm>>) target(%dma_start3A_470 : memref<4096xf32, #tpu.memory_space<vmem_shared>>) target_semaphore(%arg13 : memref<!tpu.dma_semaphore, #tpu.memory_space<semaphore_mem>>)
      %dma_start3A_474 = arith.constant 9 : i32
      %dma_start3A_475 = arith.constant 36864 : i32
      %dma_start3A_476 = tpu.memref_slice %arg8[%dma_start3A_475] : memref<65536xf32, #tpu.memory_space<vmem_shared>> -> memref<4096xf32, #tpu.memory_space<vmem_shared>>
      %dma_start3A_477 = arith.constant 0 : i32
      %dma_start3A_478 = tpu.memref_slice %arg2[%dma_start3A_474, %dma_start3A_477] : memref<16x4096xf32, #tpu.memory_space<hbm>> -> memref<1x4096xf32, #tpu.memory_space<hbm>>
      %dma_start3A_479 = tpu.memref_squeeze %dma_start3A_478 : memref<1x4096xf32, #tpu.memory_space<hbm>> -> memref<4096xf32, #tpu.memory_space<hbm>>
      tpu.enqueue_dma source(%dma_start3A_479 : memref<4096xf32, #tpu.memory_space<hbm>>) target(%dma_start3A_476 : memref<4096xf32, #tpu.memory_space<vmem_shared>>) target_semaphore(%arg13 : memref<!tpu.dma_semaphore, #tpu.memory_space<semaphore_mem>>)
      %dma_start3A_480 = arith.constant 10 : i32
      %dma_start3A_481 = arith.constant 40960 : i32
      %dma_start3A_482 = tpu.memref_slice %arg8[%dma_start3A_481] : memref<65536xf32, #tpu.memory_space<vmem_shared>> -> memref<4096xf32, #tpu.memory_space<vmem_shared>>
      %dma_start3A_483 = arith.constant 0 : i32
      %dma_start3A_484 = tpu.memref_slice %arg2[%dma_start3A_480, %dma_start3A_483] : memref<16x4096xf32, #tpu.memory_space<hbm>> -> memref<1x4096xf32, #tpu.memory_space<hbm>>
      %dma_start3A_485 = tpu.memref_squeeze %dma_start3A_484 : memref<1x4096xf32, #tpu.memory_space<hbm>> -> memref<4096xf32, #tpu.memory_space<hbm>>
      tpu.enqueue_dma source(%dma_start3A_485 : memref<4096xf32, #tpu.memory_space<hbm>>) target(%dma_start3A_482 : memref<4096xf32, #tpu.memory_space<vmem_shared>>) target_semaphore(%arg13 : memref<!tpu.dma_semaphore, #tpu.memory_space<semaphore_mem>>)
      %dma_start3A_486 = arith.constant 11 : i32
      %dma_start3A_487 = arith.constant 45056 : i32
      %dma_start3A_488 = tpu.memref_slice %arg8[%dma_start3A_487] : memref<65536xf32, #tpu.memory_space<vmem_shared>> -> memref<4096xf32, #tpu.memory_space<vmem_shared>>
      %dma_start3A_489 = arith.constant 0 : i32
      %dma_start3A_490 = tpu.memref_slice %arg2[%dma_start3A_486, %dma_start3A_489] : memref<16x4096xf32, #tpu.memory_space<hbm>> -> memref<1x4096xf32, #tpu.memory_space<hbm>>
      %dma_start3A_491 = tpu.memref_squeeze %dma_start3A_490 : memref<1x4096xf32, #tpu.memory_space<hbm>> -> memref<4096xf32, #tpu.memory_space<hbm>>
      tpu.enqueue_dma source(%dma_start3A_491 : memref<4096xf32, #tpu.memory_space<hbm>>) target(%dma_start3A_488 : memref<4096xf32, #tpu.memory_space<vmem_shared>>) target_semaphore(%arg13 : memref<!tpu.dma_semaphore, #tpu.memory_space<semaphore_mem>>)
      %dma_start3A_492 = arith.constant 12 : i32
      %dma_start3A_493 = arith.constant 49152 : i32
      %dma_start3A_494 = tpu.memref_slice %arg8[%dma_start3A_493] : memref<65536xf32, #tpu.memory_space<vmem_shared>> -> memref<4096xf32, #tpu.memory_space<vmem_shared>>
      %dma_start3A_495 = arith.constant 0 : i32
      %dma_start3A_496 = tpu.memref_slice %arg2[%dma_start3A_492, %dma_start3A_495] : memref<16x4096xf32, #tpu.memory_space<hbm>> -> memref<1x4096xf32, #tpu.memory_space<hbm>>
      %dma_start3A_497 = tpu.memref_squeeze %dma_start3A_496 : memref<1x4096xf32, #tpu.memory_space<hbm>> -> memref<4096xf32, #tpu.memory_space<hbm>>
      tpu.enqueue_dma source(%dma_start3A_497 : memref<4096xf32, #tpu.memory_space<hbm>>) target(%dma_start3A_494 : memref<4096xf32, #tpu.memory_space<vmem_shared>>) target_semaphore(%arg13 : memref<!tpu.dma_semaphore, #tpu.memory_space<semaphore_mem>>)
      %dma_start3A_498 = arith.constant 13 : i32
      %dma_start3A_499 = arith.constant 53248 : i32
      %dma_start3A_500 = tpu.memref_slice %arg8[%dma_start3A_499] : memref<65536xf32, #tpu.memory_space<vmem_shared>> -> memref<4096xf32, #tpu.memory_space<vmem_shared>>
      %dma_start3A_501 = arith.constant 0 : i32
      %dma_start3A_502 = tpu.memref_slice %arg2[%dma_start3A_498, %dma_start3A_501] : memref<16x4096xf32, #tpu.memory_space<hbm>> -> memref<1x4096xf32, #tpu.memory_space<hbm>>
      %dma_start3A_503 = tpu.memref_squeeze %dma_start3A_502 : memref<1x4096xf32, #tpu.memory_space<hbm>> -> memref<4096xf32, #tpu.memory_space<hbm>>
      tpu.enqueue_dma source(%dma_start3A_503 : memref<4096xf32, #tpu.memory_space<hbm>>) target(%dma_start3A_500 : memref<4096xf32, #tpu.memory_space<vmem_shared>>) target_semaphore(%arg13 : memref<!tpu.dma_semaphore, #tpu.memory_space<semaphore_mem>>)
      %dma_start3A_504 = arith.constant 14 : i32
      %dma_start3A_505 = arith.constant 57344 : i32
      %dma_start3A_506 = tpu.memref_slice %arg8[%dma_start3A_505] : memref<65536xf32, #tpu.memory_space<vmem_shared>> -> memref<4096xf32, #tpu.memory_space<vmem_shared>>
      %dma_start3A_507 = arith.constant 0 : i32
      %dma_start3A_508 = tpu.memref_slice %arg2[%dma_start3A_504, %dma_start3A_507] : memref<16x4096xf32, #tpu.memory_space<hbm>> -> memref<1x4096xf32, #tpu.memory_space<hbm>>
      %dma_start3A_509 = tpu.memref_squeeze %dma_start3A_508 : memref<1x4096xf32, #tpu.memory_space<hbm>> -> memref<4096xf32, #tpu.memory_space<hbm>>
      tpu.enqueue_dma source(%dma_start3A_509 : memref<4096xf32, #tpu.memory_space<hbm>>) target(%dma_start3A_506 : memref<4096xf32, #tpu.memory_space<vmem_shared>>) target_semaphore(%arg13 : memref<!tpu.dma_semaphore, #tpu.memory_space<semaphore_mem>>)
      %dma_start3A_510 = arith.constant 15 : i32
      %dma_start3A_511 = arith.constant 61440 : i32
      %dma_start3A_512 = tpu.memref_slice %arg8[%dma_start3A_511] : memref<65536xf32, #tpu.memory_space<vmem_shared>> -> memref<4096xf32, #tpu.memory_space<vmem_shared>>
      %dma_start3A_513 = arith.constant 0 : i32
      %dma_start3A_514 = tpu.memref_slice %arg2[%dma_start3A_510, %dma_start3A_513] : memref<16x4096xf32, #tpu.memory_space<hbm>> -> memref<1x4096xf32, #tpu.memory_space<hbm>>
      %dma_start3A_515 = tpu.memref_squeeze %dma_start3A_514 : memref<1x4096xf32, #tpu.memory_space<hbm>> -> memref<4096xf32, #tpu.memory_space<hbm>>
      tpu.enqueue_dma source(%dma_start3A_515 : memref<4096xf32, #tpu.memory_space<hbm>>) target(%dma_start3A_512 : memref<4096xf32, #tpu.memory_space<vmem_shared>>) target_semaphore(%arg13 : memref<!tpu.dma_semaphore, #tpu.memory_space<semaphore_mem>>)
    } else {
    }
    %add3A_5 = arith.constant 0 : i32
    %add3A_6 = arith.addi %mul3A_2, %add3A_5 : i32
    %dma_start3A = arith.constant 0 : i32
    %dma_start3A_7 = tpu.memref_slice %arg6[%dma_start3A] : memref<2048xi32, #tpu.memory_space<vmem>> -> memref<1024xi32, #tpu.memory_space<vmem>>
    %dma_start3A_8 = arith.constant 0 : i32
    %dma_start3A_9 = tpu.memref_slice %arg3[%add3A_6, %dma_start3A_8] : memref<1024x1024xi32, #tpu.memory_space<hbm>> -> memref<1x1024xi32, #tpu.memory_space<hbm>>
    %dma_start3A_10 = tpu.memref_squeeze %dma_start3A_9 : memref<1x1024xi32, #tpu.memory_space<hbm>> -> memref<1024xi32, #tpu.memory_space<hbm>>
    %dma_start3A_11 = arith.constant 0 : i32
    %dma_start3A_12 = tpu.memref_slice %arg6[%dma_start3A_11] : memref<2048xi32, #tpu.memory_space<vmem>> -> memref<1024xi32, #tpu.memory_space<vmem>>
    %dma_start3A_13 = arith.constant 0 : i32
    %dma_start3A_14 = tpu.memref_slice %arg3[%add3A_6, %dma_start3A_13] : memref<1024x1024xi32, #tpu.memory_space<hbm>> -> memref<1x1024xi32, #tpu.memory_space<hbm>>
    %dma_start3A_15 = tpu.memref_squeeze %dma_start3A_14 : memref<1x1024xi32, #tpu.memory_space<hbm>> -> memref<1024xi32, #tpu.memory_space<hbm>>
    tpu.enqueue_dma source(%dma_start3A_15 : memref<1024xi32, #tpu.memory_space<hbm>>) target(%dma_start3A_12 : memref<1024xi32, #tpu.memory_space<vmem>>) target_semaphore(%arg9 : memref<!tpu.dma_semaphore, #tpu.memory_space<semaphore_mem>>)
    %add3A_16 = arith.constant 1 : i32
    %add3A_17 = arith.addi %mul3A_2, %add3A_16 : i32
    %dma_start3A_18 = arith.constant 1024 : i32
    %dma_start3A_19 = tpu.memref_slice %arg6[%dma_start3A_18] : memref<2048xi32, #tpu.memory_space<vmem>> -> memref<1024xi32, #tpu.memory_space<vmem>>
    %dma_start3A_20 = arith.constant 0 : i32
    %dma_start3A_21 = tpu.memref_slice %arg3[%add3A_17, %dma_start3A_20] : memref<1024x1024xi32, #tpu.memory_space<hbm>> -> memref<1x1024xi32, #tpu.memory_space<hbm>>
    %dma_start3A_22 = tpu.memref_squeeze %dma_start3A_21 : memref<1x1024xi32, #tpu.memory_space<hbm>> -> memref<1024xi32, #tpu.memory_space<hbm>>
    %dma_start3A_23 = arith.constant 1024 : i32
    %dma_start3A_24 = tpu.memref_slice %arg6[%dma_start3A_23] : memref<2048xi32, #tpu.memory_space<vmem>> -> memref<1024xi32, #tpu.memory_space<vmem>>
    %dma_start3A_25 = arith.constant 0 : i32
    %dma_start3A_26 = tpu.memref_slice %arg3[%add3A_17, %dma_start3A_25] : memref<1024x1024xi32, #tpu.memory_space<hbm>> -> memref<1x1024xi32, #tpu.memory_space<hbm>>
    %dma_start3A_27 = tpu.memref_squeeze %dma_start3A_26 : memref<1x1024xi32, #tpu.memory_space<hbm>> -> memref<1024xi32, #tpu.memory_space<hbm>>
    tpu.enqueue_dma source(%dma_start3A_27 : memref<1024xi32, #tpu.memory_space<hbm>>) target(%dma_start3A_24 : memref<1024xi32, #tpu.memory_space<vmem>>) target_semaphore(%arg10 : memref<!tpu.dma_semaphore, #tpu.memory_space<semaphore_mem>>)
    %eq3A_28 = arith.constant 0 : i32
    %eq3A_29 = arith.cmpi eq, %arg1, %eq3A_28 : i32
    %convert_element_type3A_30 = arith.extui %eq3A_29 : i1 to i32
    %cond3A_31 = arith.constant 0 : i32
    %cond3A_32 = arith.cmpi ne, %convert_element_type3A_30, %cond3A_31 : i32
    scf.if %cond3A_32 {
      %dma_wait3A_420 = arith.constant 0 : i32
      %dma_wait3A_421 = arith.constant 0 : i32
      %dma_wait3A_422 = tpu.memref_slice %arg8[%dma_wait3A_421] : memref<65536xf32, #tpu.memory_space<vmem_shared>> -> memref<4096xf32, #tpu.memory_space<vmem_shared>>
      %dma_wait3A_423 = arith.constant 0 : i32
      %dma_wait3A_424 = tpu.memref_slice %arg2[%dma_wait3A_420, %dma_wait3A_423] : memref<16x4096xf32, #tpu.memory_space<hbm>> -> memref<1x4096xf32, #tpu.memory_space<hbm>>
      %dma_wait3A_425 = tpu.memref_squeeze %dma_wait3A_424 : memref<1x4096xf32, #tpu.memory_space<hbm>> -> memref<4096xf32, #tpu.memory_space<hbm>>
      tpu.wait_dma2 semaphore(%arg13 : memref<!tpu.dma_semaphore, #tpu.memory_space<semaphore_mem>>) src(%dma_wait3A_425 : memref<4096xf32, #tpu.memory_space<hbm>>) dst(%dma_wait3A_422 : memref<4096xf32, #tpu.memory_space<vmem_shared>>)
      %dma_wait3A_426 = arith.constant 1 : i32
      %dma_wait3A_427 = arith.constant 4096 : i32
      %dma_wait3A_428 = tpu.memref_slice %arg8[%dma_wait3A_427] : memref<65536xf32, #tpu.memory_space<vmem_shared>> -> memref<4096xf32, #tpu.memory_space<vmem_shared>>
      %dma_wait3A_429 = arith.constant 0 : i32
      %dma_wait3A_430 = tpu.memref_slice %arg2[%dma_wait3A_426, %dma_wait3A_429] : memref<16x4096xf32, #tpu.memory_space<hbm>> -> memref<1x4096xf32, #tpu.memory_space<hbm>>
      %dma_wait3A_431 = tpu.memref_squeeze %dma_wait3A_430 : memref<1x4096xf32, #tpu.memory_space<hbm>> -> memref<4096xf32, #tpu.memory_space<hbm>>
      tpu.wait_dma2 semaphore(%arg13 : memref<!tpu.dma_semaphore, #tpu.memory_space<semaphore_mem>>) src(%dma_wait3A_431 : memref<4096xf32, #tpu.memory_space<hbm>>) dst(%dma_wait3A_428 : memref<4096xf32, #tpu.memory_space<vmem_shared>>)
      %dma_wait3A_432 = arith.constant 2 : i32
      %dma_wait3A_433 = arith.constant 8192 : i32
      %dma_wait3A_434 = tpu.memref_slice %arg8[%dma_wait3A_433] : memref<65536xf32, #tpu.memory_space<vmem_shared>> -> memref<4096xf32, #tpu.memory_space<vmem_shared>>
      %dma_wait3A_435 = arith.constant 0 : i32
      %dma_wait3A_436 = tpu.memref_slice %arg2[%dma_wait3A_432, %dma_wait3A_435] : memref<16x4096xf32, #tpu.memory_space<hbm>> -> memref<1x4096xf32, #tpu.memory_space<hbm>>
      %dma_wait3A_437 = tpu.memref_squeeze %dma_wait3A_436 : memref<1x4096xf32, #tpu.memory_space<hbm>> -> memref<4096xf32, #tpu.memory_space<hbm>>
      tpu.wait_dma2 semaphore(%arg13 : memref<!tpu.dma_semaphore, #tpu.memory_space<semaphore_mem>>) src(%dma_wait3A_437 : memref<4096xf32, #tpu.memory_space<hbm>>) dst(%dma_wait3A_434 : memref<4096xf32, #tpu.memory_space<vmem_shared>>)
      %dma_wait3A_438 = arith.constant 3 : i32
      %dma_wait3A_439 = arith.constant 12288 : i32
      %dma_wait3A_440 = tpu.memref_slice %arg8[%dma_wait3A_439] : memref<65536xf32, #tpu.memory_space<vmem_shared>> -> memref<4096xf32, #tpu.memory_space<vmem_shared>>
      %dma_wait3A_441 = arith.constant 0 : i32
      %dma_wait3A_442 = tpu.memref_slice %arg2[%dma_wait3A_438, %dma_wait3A_441] : memref<16x4096xf32, #tpu.memory_space<hbm>> -> memref<1x4096xf32, #tpu.memory_space<hbm>>
      %dma_wait3A_443 = tpu.memref_squeeze %dma_wait3A_442 : memref<1x4096xf32, #tpu.memory_space<hbm>> -> memref<4096xf32, #tpu.memory_space<hbm>>
      tpu.wait_dma2 semaphore(%arg13 : memref<!tpu.dma_semaphore, #tpu.memory_space<semaphore_mem>>) src(%dma_wait3A_443 : memref<4096xf32, #tpu.memory_space<hbm>>) dst(%dma_wait3A_440 : memref<4096xf32, #tpu.memory_space<vmem_shared>>)
      %dma_wait3A_444 = arith.constant 4 : i32
      %dma_wait3A_445 = arith.constant 16384 : i32
      %dma_wait3A_446 = tpu.memref_slice %arg8[%dma_wait3A_445] : memref<65536xf32, #tpu.memory_space<vmem_shared>> -> memref<4096xf32, #tpu.memory_space<vmem_shared>>
      %dma_wait3A_447 = arith.constant 0 : i32
      %dma_wait3A_448 = tpu.memref_slice %arg2[%dma_wait3A_444, %dma_wait3A_447] : memref<16x4096xf32, #tpu.memory_space<hbm>> -> memref<1x4096xf32, #tpu.memory_space<hbm>>
      %dma_wait3A_449 = tpu.memref_squeeze %dma_wait3A_448 : memref<1x4096xf32, #tpu.memory_space<hbm>> -> memref<4096xf32, #tpu.memory_space<hbm>>
      tpu.wait_dma2 semaphore(%arg13 : memref<!tpu.dma_semaphore, #tpu.memory_space<semaphore_mem>>) src(%dma_wait3A_449 : memref<4096xf32, #tpu.memory_space<hbm>>) dst(%dma_wait3A_446 : memref<4096xf32, #tpu.memory_space<vmem_shared>>)
      %dma_wait3A_450 = arith.constant 5 : i32
      %dma_wait3A_451 = arith.constant 20480 : i32
      %dma_wait3A_452 = tpu.memref_slice %arg8[%dma_wait3A_451] : memref<65536xf32, #tpu.memory_space<vmem_shared>> -> memref<4096xf32, #tpu.memory_space<vmem_shared>>
      %dma_wait3A_453 = arith.constant 0 : i32
      %dma_wait3A_454 = tpu.memref_slice %arg2[%dma_wait3A_450, %dma_wait3A_453] : memref<16x4096xf32, #tpu.memory_space<hbm>> -> memref<1x4096xf32, #tpu.memory_space<hbm>>
      %dma_wait3A_455 = tpu.memref_squeeze %dma_wait3A_454 : memref<1x4096xf32, #tpu.memory_space<hbm>> -> memref<4096xf32, #tpu.memory_space<hbm>>
      tpu.wait_dma2 semaphore(%arg13 : memref<!tpu.dma_semaphore, #tpu.memory_space<semaphore_mem>>) src(%dma_wait3A_455 : memref<4096xf32, #tpu.memory_space<hbm>>) dst(%dma_wait3A_452 : memref<4096xf32, #tpu.memory_space<vmem_shared>>)
      %dma_wait3A_456 = arith.constant 6 : i32
      %dma_wait3A_457 = arith.constant 24576 : i32
      %dma_wait3A_458 = tpu.memref_slice %arg8[%dma_wait3A_457] : memref<65536xf32, #tpu.memory_space<vmem_shared>> -> memref<4096xf32, #tpu.memory_space<vmem_shared>>
      %dma_wait3A_459 = arith.constant 0 : i32
      %dma_wait3A_460 = tpu.memref_slice %arg2[%dma_wait3A_456, %dma_wait3A_459] : memref<16x4096xf32, #tpu.memory_space<hbm>> -> memref<1x4096xf32, #tpu.memory_space<hbm>>
      %dma_wait3A_461 = tpu.memref_squeeze %dma_wait3A_460 : memref<1x4096xf32, #tpu.memory_space<hbm>> -> memref<4096xf32, #tpu.memory_space<hbm>>
      tpu.wait_dma2 semaphore(%arg13 : memref<!tpu.dma_semaphore, #tpu.memory_space<semaphore_mem>>) src(%dma_wait3A_461 : memref<4096xf32, #tpu.memory_space<hbm>>) dst(%dma_wait3A_458 : memref<4096xf32, #tpu.memory_space<vmem_shared>>)
      %dma_wait3A_462 = arith.constant 7 : i32
      %dma_wait3A_463 = arith.constant 28672 : i32
      %dma_wait3A_464 = tpu.memref_slice %arg8[%dma_wait3A_463] : memref<65536xf32, #tpu.memory_space<vmem_shared>> -> memref<4096xf32, #tpu.memory_space<vmem_shared>>
      %dma_wait3A_465 = arith.constant 0 : i32
      %dma_wait3A_466 = tpu.memref_slice %arg2[%dma_wait3A_462, %dma_wait3A_465] : memref<16x4096xf32, #tpu.memory_space<hbm>> -> memref<1x4096xf32, #tpu.memory_space<hbm>>
      %dma_wait3A_467 = tpu.memref_squeeze %dma_wait3A_466 : memref<1x4096xf32, #tpu.memory_space<hbm>> -> memref<4096xf32, #tpu.memory_space<hbm>>
      tpu.wait_dma2 semaphore(%arg13 : memref<!tpu.dma_semaphore, #tpu.memory_space<semaphore_mem>>) src(%dma_wait3A_467 : memref<4096xf32, #tpu.memory_space<hbm>>) dst(%dma_wait3A_464 : memref<4096xf32, #tpu.memory_space<vmem_shared>>)
      %dma_wait3A_468 = arith.constant 8 : i32
      %dma_wait3A_469 = arith.constant 32768 : i32
      %dma_wait3A_470 = tpu.memref_slice %arg8[%dma_wait3A_469] : memref<65536xf32, #tpu.memory_space<vmem_shared>> -> memref<4096xf32, #tpu.memory_space<vmem_shared>>
      %dma_wait3A_471 = arith.constant 0 : i32
      %dma_wait3A_472 = tpu.memref_slice %arg2[%dma_wait3A_468, %dma_wait3A_471] : memref<16x4096xf32, #tpu.memory_space<hbm>> -> memref<1x4096xf32, #tpu.memory_space<hbm>>
      %dma_wait3A_473 = tpu.memref_squeeze %dma_wait3A_472 : memref<1x4096xf32, #tpu.memory_space<hbm>> -> memref<4096xf32, #tpu.memory_space<hbm>>
      tpu.wait_dma2 semaphore(%arg13 : memref<!tpu.dma_semaphore, #tpu.memory_space<semaphore_mem>>) src(%dma_wait3A_473 : memref<4096xf32, #tpu.memory_space<hbm>>) dst(%dma_wait3A_470 : memref<4096xf32, #tpu.memory_space<vmem_shared>>)
      %dma_wait3A_474 = arith.constant 9 : i32
      %dma_wait3A_475 = arith.constant 36864 : i32
      %dma_wait3A_476 = tpu.memref_slice %arg8[%dma_wait3A_475] : memref<65536xf32, #tpu.memory_space<vmem_shared>> -> memref<4096xf32, #tpu.memory_space<vmem_shared>>
      %dma_wait3A_477 = arith.constant 0 : i32
      %dma_wait3A_478 = tpu.memref_slice %arg2[%dma_wait3A_474, %dma_wait3A_477] : memref<16x4096xf32, #tpu.memory_space<hbm>> -> memref<1x4096xf32, #tpu.memory_space<hbm>>
      %dma_wait3A_479 = tpu.memref_squeeze %dma_wait3A_478 : memref<1x4096xf32, #tpu.memory_space<hbm>> -> memref<4096xf32, #tpu.memory_space<hbm>>
      tpu.wait_dma2 semaphore(%arg13 : memref<!tpu.dma_semaphore, #tpu.memory_space<semaphore_mem>>) src(%dma_wait3A_479 : memref<4096xf32, #tpu.memory_space<hbm>>) dst(%dma_wait3A_476 : memref<4096xf32, #tpu.memory_space<vmem_shared>>)
      %dma_wait3A_480 = arith.constant 10 : i32
      %dma_wait3A_481 = arith.constant 40960 : i32
      %dma_wait3A_482 = tpu.memref_slice %arg8[%dma_wait3A_481] : memref<65536xf32, #tpu.memory_space<vmem_shared>> -> memref<4096xf32, #tpu.memory_space<vmem_shared>>
      %dma_wait3A_483 = arith.constant 0 : i32
      %dma_wait3A_484 = tpu.memref_slice %arg2[%dma_wait3A_480, %dma_wait3A_483] : memref<16x4096xf32, #tpu.memory_space<hbm>> -> memref<1x4096xf32, #tpu.memory_space<hbm>>
      %dma_wait3A_485 = tpu.memref_squeeze %dma_wait3A_484 : memref<1x4096xf32, #tpu.memory_space<hbm>> -> memref<4096xf32, #tpu.memory_space<hbm>>
      tpu.wait_dma2 semaphore(%arg13 : memref<!tpu.dma_semaphore, #tpu.memory_space<semaphore_mem>>) src(%dma_wait3A_485 : memref<4096xf32, #tpu.memory_space<hbm>>) dst(%dma_wait3A_482 : memref<4096xf32, #tpu.memory_space<vmem_shared>>)
      %dma_wait3A_486 = arith.constant 11 : i32
      %dma_wait3A_487 = arith.constant 45056 : i32
      %dma_wait3A_488 = tpu.memref_slice %arg8[%dma_wait3A_487] : memref<65536xf32, #tpu.memory_space<vmem_shared>> -> memref<4096xf32, #tpu.memory_space<vmem_shared>>
      %dma_wait3A_489 = arith.constant 0 : i32
      %dma_wait3A_490 = tpu.memref_slice %arg2[%dma_wait3A_486, %dma_wait3A_489] : memref<16x4096xf32, #tpu.memory_space<hbm>> -> memref<1x4096xf32, #tpu.memory_space<hbm>>
      %dma_wait3A_491 = tpu.memref_squeeze %dma_wait3A_490 : memref<1x4096xf32, #tpu.memory_space<hbm>> -> memref<4096xf32, #tpu.memory_space<hbm>>
      tpu.wait_dma2 semaphore(%arg13 : memref<!tpu.dma_semaphore, #tpu.memory_space<semaphore_mem>>) src(%dma_wait3A_491 : memref<4096xf32, #tpu.memory_space<hbm>>) dst(%dma_wait3A_488 : memref<4096xf32, #tpu.memory_space<vmem_shared>>)
      %dma_wait3A_492 = arith.constant 12 : i32
      %dma_wait3A_493 = arith.constant 49152 : i32
      %dma_wait3A_494 = tpu.memref_slice %arg8[%dma_wait3A_493] : memref<65536xf32, #tpu.memory_space<vmem_shared>> -> memref<4096xf32, #tpu.memory_space<vmem_shared>>
      %dma_wait3A_495 = arith.constant 0 : i32
      %dma_wait3A_496 = tpu.memref_slice %arg2[%dma_wait3A_492, %dma_wait3A_495] : memref<16x4096xf32, #tpu.memory_space<hbm>> -> memref<1x4096xf32, #tpu.memory_space<hbm>>
      %dma_wait3A_497 = tpu.memref_squeeze %dma_wait3A_496 : memref<1x4096xf32, #tpu.memory_space<hbm>> -> memref<4096xf32, #tpu.memory_space<hbm>>
      tpu.wait_dma2 semaphore(%arg13 : memref<!tpu.dma_semaphore, #tpu.memory_space<semaphore_mem>>) src(%dma_wait3A_497 : memref<4096xf32, #tpu.memory_space<hbm>>) dst(%dma_wait3A_494 : memref<4096xf32, #tpu.memory_space<vmem_shared>>)
      %dma_wait3A_498 = arith.constant 13 : i32
      %dma_wait3A_499 = arith.constant 53248 : i32
      %dma_wait3A_500 = tpu.memref_slice %arg8[%dma_wait3A_499] : memref<65536xf32, #tpu.memory_space<vmem_shared>> -> memref<4096xf32, #tpu.memory_space<vmem_shared>>
      %dma_wait3A_501 = arith.constant 0 : i32
      %dma_wait3A_502 = tpu.memref_slice %arg2[%dma_wait3A_498, %dma_wait3A_501] : memref<16x4096xf32, #tpu.memory_space<hbm>> -> memref<1x4096xf32, #tpu.memory_space<hbm>>
      %dma_wait3A_503 = tpu.memref_squeeze %dma_wait3A_502 : memref<1x4096xf32, #tpu.memory_space<hbm>> -> memref<4096xf32, #tpu.memory_space<hbm>>
      tpu.wait_dma2 semaphore(%arg13 : memref<!tpu.dma_semaphore, #tpu.memory_space<semaphore_mem>>) src(%dma_wait3A_503 : memref<4096xf32, #tpu.memory_space<hbm>>) dst(%dma_wait3A_500 : memref<4096xf32, #tpu.memory_space<vmem_shared>>)
      %dma_wait3A_504 = arith.constant 14 : i32
      %dma_wait3A_505 = arith.constant 57344 : i32
      %dma_wait3A_506 = tpu.memref_slice %arg8[%dma_wait3A_505] : memref<65536xf32, #tpu.memory_space<vmem_shared>> -> memref<4096xf32, #tpu.memory_space<vmem_shared>>
      %dma_wait3A_507 = arith.constant 0 : i32
      %dma_wait3A_508 = tpu.memref_slice %arg2[%dma_wait3A_504, %dma_wait3A_507] : memref<16x4096xf32, #tpu.memory_space<hbm>> -> memref<1x4096xf32, #tpu.memory_space<hbm>>
      %dma_wait3A_509 = tpu.memref_squeeze %dma_wait3A_508 : memref<1x4096xf32, #tpu.memory_space<hbm>> -> memref<4096xf32, #tpu.memory_space<hbm>>
      tpu.wait_dma2 semaphore(%arg13 : memref<!tpu.dma_semaphore, #tpu.memory_space<semaphore_mem>>) src(%dma_wait3A_509 : memref<4096xf32, #tpu.memory_space<hbm>>) dst(%dma_wait3A_506 : memref<4096xf32, #tpu.memory_space<vmem_shared>>)
      %dma_wait3A_510 = arith.constant 15 : i32
      %dma_wait3A_511 = arith.constant 61440 : i32
      %dma_wait3A_512 = tpu.memref_slice %arg8[%dma_wait3A_511] : memref<65536xf32, #tpu.memory_space<vmem_shared>> -> memref<4096xf32, #tpu.memory_space<vmem_shared>>
      %dma_wait3A_513 = arith.constant 0 : i32
      %dma_wait3A_514 = tpu.memref_slice %arg2[%dma_wait3A_510, %dma_wait3A_513] : memref<16x4096xf32, #tpu.memory_space<hbm>> -> memref<1x4096xf32, #tpu.memory_space<hbm>>
      %dma_wait3A_515 = tpu.memref_squeeze %dma_wait3A_514 : memref<1x4096xf32, #tpu.memory_space<hbm>> -> memref<4096xf32, #tpu.memory_space<hbm>>
      tpu.wait_dma2 semaphore(%arg13 : memref<!tpu.dma_semaphore, #tpu.memory_space<semaphore_mem>>) src(%dma_wait3A_515 : memref<4096xf32, #tpu.memory_space<hbm>>) dst(%dma_wait3A_512 : memref<4096xf32, #tpu.memory_space<vmem_shared>>)
    } else {
    }
    %barrier3A = arith.constant 0 : index
    tpu.barrier barrier_id(%barrier3A)
    "tpu.region"() ({
      %run_scoped3A = tpu.sem_alloc : memref<!tpu.dma_semaphore, #tpu.memory_space<semaphore_mem>>
      tpu.enqueue_dma source(%arg8 : memref<65536xf32, #tpu.memory_space<vmem_shared>>) target(%arg5 : memref<65536xf32, #tpu.memory_space<vmem>>) target_semaphore(%run_scoped3A : memref<!tpu.dma_semaphore, #tpu.memory_space<semaphore_mem>>)
      tpu.wait_dma2 semaphore(%run_scoped3A : memref<!tpu.dma_semaphore, #tpu.memory_space<semaphore_mem>>) src(%arg8 : memref<65536xf32, #tpu.memory_space<vmem_shared>>) dst(%arg5 : memref<65536xf32, #tpu.memory_space<vmem>>)
      tpu.yield
    }) : () -> ()
    %scan3A = arith.constant 0 : i32
    %scan3A_33 = arith.constant 16 : i32
    %scan3A_34 = arith.addi %scan3A, %scan3A_33 : i32
    %scan3A_35 = arith.constant 1 : i32
    scf.for %scan3A_420 = %scan3A to %scan3A_34 step %scan3A_35  : i32 {
      %mul3A_421 = arith.constant 1 : i32
      %mul3A_422 = arith.muli %scan3A_420, %mul3A_421 : i32
      %add3A_423 = arith.constant 0 : i32
      %add3A_424 = arith.addi %add3A_423, %mul3A_422 : i32
      %mul3A_425 = arith.constant 2 : i32
      %mul3A_426 = arith.muli %mul3A_425, %add3A_424 : i32
      %eq3A_427 = arith.constant 0 : i32
      %eq3A_428 = arith.cmpi eq, %add3A_424, %eq3A_427 : i32
      %eq3A_429 = arith.constant 15 : i32
      %eq3A_430 = arith.cmpi eq, %add3A_424, %eq3A_429 : i32
      %dma_wait3A_431 = arith.constant 0 : i32
      %dma_wait3A_432 = arith.constant 0 : i32
      %dma_wait3A_433 = tpu.memref_slice %arg6[%dma_wait3A_432] : memref<2048xi32, #tpu.memory_space<vmem>> -> memref<1024xi32, #tpu.memory_space<vmem>>
      %dma_wait3A_434 = arith.constant 0 : i32
      %dma_wait3A_435 = tpu.memref_slice %arg3[%dma_wait3A_431, %dma_wait3A_434] : memref<1024x1024xi32, #tpu.memory_space<hbm>> -> memref<1x1024xi32, #tpu.memory_space<hbm>>
      %dma_wait3A_436 = tpu.memref_squeeze %dma_wait3A_435 : memref<1x1024xi32, #tpu.memory_space<hbm>> -> memref<1024xi32, #tpu.memory_space<hbm>>
      %dma_wait3A_437 = arith.constant 0 : i32
      %dma_wait3A_438 = tpu.memref_slice %arg6[%dma_wait3A_437] : memref<2048xi32, #tpu.memory_space<vmem>> -> memref<1024xi32, #tpu.memory_space<vmem>>
      %dma_wait3A_439 = arith.constant 0 : i32
      %dma_wait3A_440 = tpu.memref_slice %arg3[%dma_wait3A_431, %dma_wait3A_439] : memref<1024x1024xi32, #tpu.memory_space<hbm>> -> memref<1x1024xi32, #tpu.memory_space<hbm>>
      %dma_wait3A_441 = tpu.memref_squeeze %dma_wait3A_440 : memref<1x1024xi32, #tpu.memory_space<hbm>> -> memref<1024xi32, #tpu.memory_space<hbm>>
      tpu.wait_dma2 semaphore(%arg9 : memref<!tpu.dma_semaphore, #tpu.memory_space<semaphore_mem>>) src(%dma_wait3A_441 : memref<1024xi32, #tpu.memory_space<hbm>>) dst(%dma_wait3A_438 : memref<1024xi32, #tpu.memory_space<vmem>>)
      %not3A = arith.constant true
      %not3A_442 = arith.xori %eq3A_428, %not3A : i1
      %convert_element_type3A_443 = arith.extui %not3A_442 : i1 to i32
      %cond3A_444 = arith.constant 0 : i32
      %cond3A_445 = arith.cmpi ne, %convert_element_type3A_443, %cond3A_444 : i32
      scf.if %cond3A_445 {
        %dma_wait3A_867 = arith.constant 0 : i32
        %dma_wait3A_868 = arith.constant 0 : i32
        %dma_wait3A_869 = arith.constant 0 : i32
        %dma_wait3A_870 = tpu.memref_slice %arg7[%dma_wait3A_869] : memref<32768xf32, #tpu.memory_space<vmem>> -> memref<1024xf32, #tpu.memory_space<vmem>>
        %dma_wait3A_871 = arith.constant 0 : i32
        %dma_wait3A_872 = tpu.memref_slice %arg4[%dma_wait3A_867, %dma_wait3A_868, %dma_wait3A_871] : memref<16x1024x1024xf32, #tpu.memory_space<hbm>> -> memref<1x1x1024xf32, #tpu.memory_space<hbm>>
        %dma_wait3A_873 = tpu.memref_squeeze %dma_wait3A_872 : memref<1x1x1024xf32, #tpu.memory_space<hbm>> -> memref<1024xf32, #tpu.memory_space<hbm>>
        %dma_wait3A_874 = arith.constant 0 : i32
        %dma_wait3A_875 = tpu.memref_slice %arg7[%dma_wait3A_874] : memref<32768xf32, #tpu.memory_space<vmem>> -> memref<1024xf32, #tpu.memory_space<vmem>>
        %dma_wait3A_876 = arith.constant 0 : i32
        %dma_wait3A_877 = tpu.memref_slice %arg4[%dma_wait3A_867, %dma_wait3A_868, %dma_wait3A_876] : memref<16x1024x1024xf32, #tpu.memory_space<hbm>> -> memref<1x1x1024xf32, #tpu.memory_space<hbm>>
        %dma_wait3A_878 = tpu.memref_squeeze %dma_wait3A_877 : memref<1x1x1024xf32, #tpu.memory_space<hbm>> -> memref<1024xf32, #tpu.memory_space<hbm>>
        tpu.wait_dma2 semaphore(%arg11 : memref<!tpu.dma_semaphore, #tpu.memory_space<semaphore_mem>>) src(%dma_wait3A_878 : memref<1024xf32, #tpu.memory_space<hbm>>) dst(%dma_wait3A_875 : memref<1024xf32, #tpu.memory_space<vmem>>)
        %dma_wait3A_879 = arith.constant 0 : i32
        %dma_wait3A_880 = arith.constant 0 : i32
        %dma_wait3A_881 = arith.constant 1024 : i32
        %dma_wait3A_882 = tpu.memref_slice %arg7[%dma_wait3A_881] : memref<32768xf32, #tpu.memory_space<vmem>> -> memref<1024xf32, #tpu.memory_space<vmem>>
        %dma_wait3A_883 = arith.constant 0 : i32
        %dma_wait3A_884 = tpu.memref_slice %arg4[%dma_wait3A_879, %dma_wait3A_880, %dma_wait3A_883] : memref<16x1024x1024xf32, #tpu.memory_space<hbm>> -> memref<1x1x1024xf32, #tpu.memory_space<hbm>>
        %dma_wait3A_885 = tpu.memref_squeeze %dma_wait3A_884 : memref<1x1x1024xf32, #tpu.memory_space<hbm>> -> memref<1024xf32, #tpu.memory_space<hbm>>
        %dma_wait3A_886 = arith.constant 1024 : i32
        %dma_wait3A_887 = tpu.memref_slice %arg7[%dma_wait3A_886] : memref<32768xf32, #tpu.memory_space<vmem>> -> memref<1024xf32, #tpu.memory_space<vmem>>
        %dma_wait3A_888 = arith.constant 0 : i32
        %dma_wait3A_889 = tpu.memref_slice %arg4[%dma_wait3A_879, %dma_wait3A_880, %dma_wait3A_888] : memref<16x1024x1024xf32, #tpu.memory_space<hbm>> -> memref<1x1x1024xf32, #tpu.memory_space<hbm>>
        %dma_wait3A_890 = tpu.memref_squeeze %dma_wait3A_889 : memref<1x1x1024xf32, #tpu.memory_space<hbm>> -> memref<1024xf32, #tpu.memory_space<hbm>>
        tpu.wait_dma2 semaphore(%arg11 : memref<!tpu.dma_semaphore, #tpu.memory_space<semaphore_mem>>) src(%dma_wait3A_890 : memref<1024xf32, #tpu.memory_space<hbm>>) dst(%dma_wait3A_887 : memref<1024xf32, #tpu.memory_space<vmem>>)
        %dma_wait3A_891 = arith.constant 0 : i32
        %dma_wait3A_892 = arith.constant 0 : i32
        %dma_wait3A_893 = arith.constant 2048 : i32
        %dma_wait3A_894 = tpu.memref_slice %arg7[%dma_wait3A_893] : memref<32768xf32, #tpu.memory_space<vmem>> -> memref<1024xf32, #tpu.memory_space<vmem>>
        %dma_wait3A_895 = arith.constant 0 : i32
        %dma_wait3A_896 = tpu.memref_slice %arg4[%dma_wait3A_891, %dma_wait3A_892, %dma_wait3A_895] : memref<16x1024x1024xf32, #tpu.memory_space<hbm>> -> memref<1x1x1024xf32, #tpu.memory_space<hbm>>
        %dma_wait3A_897 = tpu.memref_squeeze %dma_wait3A_896 : memref<1x1x1024xf32, #tpu.memory_space<hbm>> -> memref<1024xf32, #tpu.memory_space<hbm>>
        %dma_wait3A_898 = arith.constant 2048 : i32
        %dma_wait3A_899 = tpu.memref_slice %arg7[%dma_wait3A_898] : memref<32768xf32, #tpu.memory_space<vmem>> -> memref<1024xf32, #tpu.memory_space<vmem>>
        %dma_wait3A_900 = arith.constant 0 : i32
        %dma_wait3A_901 = tpu.memref_slice %arg4[%dma_wait3A_891, %dma_wait3A_892, %dma_wait3A_900] : memref<16x1024x1024xf32, #tpu.memory_space<hbm>> -> memref<1x1x1024xf32, #tpu.memory_space<hbm>>
        %dma_wait3A_902 = tpu.memref_squeeze %dma_wait3A_901 : memref<1x1x1024xf32, #tpu.memory_space<hbm>> -> memref<1024xf32, #tpu.memory_space<hbm>>
        tpu.wait_dma2 semaphore(%arg11 : memref<!tpu.dma_semaphore, #tpu.memory_space<semaphore_mem>>) src(%dma_wait3A_902 : memref<1024xf32, #tpu.memory_space<hbm>>) dst(%dma_wait3A_899 : memref<1024xf32, #tpu.memory_space<vmem>>)
        %dma_wait3A_903 = arith.constant 0 : i32
        %dma_wait3A_904 = arith.constant 0 : i32
        %dma_wait3A_905 = arith.constant 3072 : i32
        %dma_wait3A_906 = tpu.memref_slice %arg7[%dma_wait3A_905] : memref<32768xf32, #tpu.memory_space<vmem>> -> memref<1024xf32, #tpu.memory_space<vmem>>
        %dma_wait3A_907 = arith.constant 0 : i32
        %dma_wait3A_908 = tpu.memref_slice %arg4[%dma_wait3A_903, %dma_wait3A_904, %dma_wait3A_907] : memref<16x1024x1024xf32, #tpu.memory_space<hbm>> -> memref<1x1x1024xf32, #tpu.memory_space<hbm>>
        %dma_wait3A_909 = tpu.memref_squeeze %dma_wait3A_908 : memref<1x1x1024xf32, #tpu.memory_space<hbm>> -> memref<1024xf32, #tpu.memory_space<hbm>>
        %dma_wait3A_910 = arith.constant 3072 : i32
        %dma_wait3A_911 = tpu.memref_slice %arg7[%dma_wait3A_910] : memref<32768xf32, #tpu.memory_space<vmem>> -> memref<1024xf32, #tpu.memory_space<vmem>>
        %dma_wait3A_912 = arith.constant 0 : i32
        %dma_wait3A_913 = tpu.memref_slice %arg4[%dma_wait3A_903, %dma_wait3A_904, %dma_wait3A_912] : memref<16x1024x1024xf32, #tpu.memory_space<hbm>> -> memref<1x1x1024xf32, #tpu.memory_space<hbm>>
        %dma_wait3A_914 = tpu.memref_squeeze %dma_wait3A_913 : memref<1x1x1024xf32, #tpu.memory_space<hbm>> -> memref<1024xf32, #tpu.memory_space<hbm>>
        tpu.wait_dma2 semaphore(%arg11 : memref<!tpu.dma_semaphore, #tpu.memory_space<semaphore_mem>>) src(%dma_wait3A_914 : memref<1024xf32, #tpu.memory_space<hbm>>) dst(%dma_wait3A_911 : memref<1024xf32, #tpu.memory_space<vmem>>)
        %dma_wait3A_915 = arith.constant 0 : i32
        %dma_wait3A_916 = arith.constant 0 : i32
        %dma_wait3A_917 = arith.constant 4096 : i32
        %dma_wait3A_918 = tpu.memref_slice %arg7[%dma_wait3A_917] : memref<32768xf32, #tpu.memory_space<vmem>> -> memref<1024xf32, #tpu.memory_space<vmem>>
        %dma_wait3A_919 = arith.constant 0 : i32
        %dma_wait3A_920 = tpu.memref_slice %arg4[%dma_wait3A_915, %dma_wait3A_916, %dma_wait3A_919] : memref<16x1024x1024xf32, #tpu.memory_space<hbm>> -> memref<1x1x1024xf32, #tpu.memory_space<hbm>>
        %dma_wait3A_921 = tpu.memref_squeeze %dma_wait3A_920 : memref<1x1x1024xf32, #tpu.memory_space<hbm>> -> memref<1024xf32, #tpu.memory_space<hbm>>
        %dma_wait3A_922 = arith.constant 4096 : i32
        %dma_wait3A_923 = tpu.memref_slice %arg7[%dma_wait3A_922] : memref<32768xf32, #tpu.memory_space<vmem>> -> memref<1024xf32, #tpu.memory_space<vmem>>
        %dma_wait3A_924 = arith.constant 0 : i32
        %dma_wait3A_925 = tpu.memref_slice %arg4[%dma_wait3A_915, %dma_wait3A_916, %dma_wait3A_924] : memref<16x1024x1024xf32, #tpu.memory_space<hbm>> -> memref<1x1x1024xf32, #tpu.memory_space<hbm>>
        %dma_wait3A_926 = tpu.memref_squeeze %dma_wait3A_925 : memref<1x1x1024xf32, #tpu.memory_space<hbm>> -> memref<1024xf32, #tpu.memory_space<hbm>>
        tpu.wait_dma2 semaphore(%arg11 : memref<!tpu.dma_semaphore, #tpu.memory_space<semaphore_mem>>) src(%dma_wait3A_926 : memref<1024xf32, #tpu.memory_space<hbm>>) dst(%dma_wait3A_923 : memref<1024xf32, #tpu.memory_space<vmem>>)
        %dma_wait3A_927 = arith.constant 0 : i32
        %dma_wait3A_928 = arith.constant 0 : i32
        %dma_wait3A_929 = arith.constant 5120 : i32
        %dma_wait3A_930 = tpu.memref_slice %arg7[%dma_wait3A_929] : memref<32768xf32, #tpu.memory_space<vmem>> -> memref<1024xf32, #tpu.memory_space<vmem>>
        %dma_wait3A_931 = arith.constant 0 : i32
        %dma_wait3A_932 = tpu.memref_slice %arg4[%dma_wait3A_927, %dma_wait3A_928, %dma_wait3A_931] : memref<16x1024x1024xf32, #tpu.memory_space<hbm>> -> memref<1x1x1024xf32, #tpu.memory_space<hbm>>
        %dma_wait3A_933 = tpu.memref_squeeze %dma_wait3A_932 : memref<1x1x1024xf32, #tpu.memory_space<hbm>> -> memref<1024xf32, #tpu.memory_space<hbm>>
        %dma_wait3A_934 = arith.constant 5120 : i32
        %dma_wait3A_935 = tpu.memref_slice %arg7[%dma_wait3A_934] : memref<32768xf32, #tpu.memory_space<vmem>> -> memref<1024xf32, #tpu.memory_space<vmem>>
        %dma_wait3A_936 = arith.constant 0 : i32
        %dma_wait3A_937 = tpu.memref_slice %arg4[%dma_wait3A_927, %dma_wait3A_928, %dma_wait3A_936] : memref<16x1024x1024xf32, #tpu.memory_space<hbm>> -> memref<1x1x1024xf32, #tpu.memory_space<hbm>>
        %dma_wait3A_938 = tpu.memref_squeeze %dma_wait3A_937 : memref<1x1x1024xf32, #tpu.memory_space<hbm>> -> memref<1024xf32, #tpu.memory_space<hbm>>
        tpu.wait_dma2 semaphore(%arg11 : memref<!tpu.dma_semaphore, #tpu.memory_space<semaphore_mem>>) src(%dma_wait3A_938 : memref<1024xf32, #tpu.memory_space<hbm>>) dst(%dma_wait3A_935 : memref<1024xf32, #tpu.memory_space<vmem>>)
        %dma_wait3A_939 = arith.constant 0 : i32
        %dma_wait3A_940 = arith.constant 0 : i32
        %dma_wait3A_941 = arith.constant 6144 : i32
        %dma_wait3A_942 = tpu.memref_slice %arg7[%dma_wait3A_941] : memref<32768xf32, #tpu.memory_space<vmem>> -> memref<1024xf32, #tpu.memory_space<vmem>>
        %dma_wait3A_943 = arith.constant 0 : i32
        %dma_wait3A_944 = tpu.memref_slice %arg4[%dma_wait3A_939, %dma_wait3A_940, %dma_wait3A_943] : memref<16x1024x1024xf32, #tpu.memory_space<hbm>> -> memref<1x1x1024xf32, #tpu.memory_space<hbm>>
        %dma_wait3A_945 = tpu.memref_squeeze %dma_wait3A_944 : memref<1x1x1024xf32, #tpu.memory_space<hbm>> -> memref<1024xf32, #tpu.memory_space<hbm>>
        %dma_wait3A_946 = arith.constant 6144 : i32
        %dma_wait3A_947 = tpu.memref_slice %arg7[%dma_wait3A_946] : memref<32768xf32, #tpu.memory_space<vmem>> -> memref<1024xf32, #tpu.memory_space<vmem>>
        %dma_wait3A_948 = arith.constant 0 : i32
        %dma_wait3A_949 = tpu.memref_slice %arg4[%dma_wait3A_939, %dma_wait3A_940, %dma_wait3A_948] : memref<16x1024x1024xf32, #tpu.memory_space<hbm>> -> memref<1x1x1024xf32, #tpu.memory_space<hbm>>
        %dma_wait3A_950 = tpu.memref_squeeze %dma_wait3A_949 : memref<1x1x1024xf32, #tpu.memory_space<hbm>> -> memref<1024xf32, #tpu.memory_space<hbm>>
        tpu.wait_dma2 semaphore(%arg11 : memref<!tpu.dma_semaphore, #tpu.memory_space<semaphore_mem>>) src(%dma_wait3A_950 : memref<1024xf32, #tpu.memory_space<hbm>>) dst(%dma_wait3A_947 : memref<1024xf32, #tpu.memory_space<vmem>>)
        %dma_wait3A_951 = arith.constant 0 : i32
        %dma_wait3A_952 = arith.constant 0 : i32
        %dma_wait3A_953 = arith.constant 7168 : i32
        %dma_wait3A_954 = tpu.memref_slice %arg7[%dma_wait3A_953] : memref<32768xf32, #tpu.memory_space<vmem>> -> memref<1024xf32, #tpu.memory_space<vmem>>
        %dma_wait3A_955 = arith.constant 0 : i32
        %dma_wait3A_956 = tpu.memref_slice %arg4[%dma_wait3A_951, %dma_wait3A_952, %dma_wait3A_955] : memref<16x1024x1024xf32, #tpu.memory_space<hbm>> -> memref<1x1x1024xf32, #tpu.memory_space<hbm>>
        %dma_wait3A_957 = tpu.memref_squeeze %dma_wait3A_956 : memref<1x1x1024xf32, #tpu.memory_space<hbm>> -> memref<1024xf32, #tpu.memory_space<hbm>>
        %dma_wait3A_958 = arith.constant 7168 : i32
        %dma_wait3A_959 = tpu.memref_slice %arg7[%dma_wait3A_958] : memref<32768xf32, #tpu.memory_space<vmem>> -> memref<1024xf32, #tpu.memory_space<vmem>>
        %dma_wait3A_960 = arith.constant 0 : i32
        %dma_wait3A_961 = tpu.memref_slice %arg4[%dma_wait3A_951, %dma_wait3A_952, %dma_wait3A_960] : memref<16x1024x1024xf32, #tpu.memory_space<hbm>> -> memref<1x1x1024xf32, #tpu.memory_space<hbm>>
        %dma_wait3A_962 = tpu.memref_squeeze %dma_wait3A_961 : memref<1x1x1024xf32, #tpu.memory_space<hbm>> -> memref<1024xf32, #tpu.memory_space<hbm>>
        tpu.wait_dma2 semaphore(%arg11 : memref<!tpu.dma_semaphore, #tpu.memory_space<semaphore_mem>>) src(%dma_wait3A_962 : memref<1024xf32, #tpu.memory_space<hbm>>) dst(%dma_wait3A_959 : memref<1024xf32, #tpu.memory_space<vmem>>)
        %dma_wait3A_963 = arith.constant 0 : i32
        %dma_wait3A_964 = arith.constant 0 : i32
        %dma_wait3A_965 = arith.constant 8192 : i32
        %dma_wait3A_966 = tpu.memref_slice %arg7[%dma_wait3A_965] : memref<32768xf32, #tpu.memory_space<vmem>> -> memref<1024xf32, #tpu.memory_space<vmem>>
        %dma_wait3A_967 = arith.constant 0 : i32
        %dma_wait3A_968 = tpu.memref_slice %arg4[%dma_wait3A_963, %dma_wait3A_964, %dma_wait3A_967] : memref<16x1024x1024xf32, #tpu.memory_space<hbm>> -> memref<1x1x1024xf32, #tpu.memory_space<hbm>>
        %dma_wait3A_969 = tpu.memref_squeeze %dma_wait3A_968 : memref<1x1x1024xf32, #tpu.memory_space<hbm>> -> memref<1024xf32, #tpu.memory_space<hbm>>
        %dma_wait3A_970 = arith.constant 8192 : i32
        %dma_wait3A_971 = tpu.memref_slice %arg7[%dma_wait3A_970] : memref<32768xf32, #tpu.memory_space<vmem>> -> memref<1024xf32, #tpu.memory_space<vmem>>
        %dma_wait3A_972 = arith.constant 0 : i32
        %dma_wait3A_973 = tpu.memref_slice %arg4[%dma_wait3A_963, %dma_wait3A_964, %dma_wait3A_972] : memref<16x1024x1024xf32, #tpu.memory_space<hbm>> -> memref<1x1x1024xf32, #tpu.memory_space<hbm>>
        %dma_wait3A_974 = tpu.memref_squeeze %dma_wait3A_973 : memref<1x1x1024xf32, #tpu.memory_space<hbm>> -> memref<1024xf32, #tpu.memory_space<hbm>>
        tpu.wait_dma2 semaphore(%arg11 : memref<!tpu.dma_semaphore, #tpu.memory_space<semaphore_mem>>) src(%dma_wait3A_974 : memref<1024xf32, #tpu.memory_space<hbm>>) dst(%dma_wait3A_971 : memref<1024xf32, #tpu.memory_space<vmem>>)
        %dma_wait3A_975 = arith.constant 0 : i32
        %dma_wait3A_976 = arith.constant 0 : i32
        %dma_wait3A_977 = arith.constant 9216 : i32
        %dma_wait3A_978 = tpu.memref_slice %arg7[%dma_wait3A_977] : memref<32768xf32, #tpu.memory_space<vmem>> -> memref<1024xf32, #tpu.memory_space<vmem>>
        %dma_wait3A_979 = arith.constant 0 : i32
        %dma_wait3A_980 = tpu.memref_slice %arg4[%dma_wait3A_975, %dma_wait3A_976, %dma_wait3A_979] : memref<16x1024x1024xf32, #tpu.memory_space<hbm>> -> memref<1x1x1024xf32, #tpu.memory_space<hbm>>
        %dma_wait3A_981 = tpu.memref_squeeze %dma_wait3A_980 : memref<1x1x1024xf32, #tpu.memory_space<hbm>> -> memref<1024xf32, #tpu.memory_space<hbm>>
        %dma_wait3A_982 = arith.constant 9216 : i32
        %dma_wait3A_983 = tpu.memref_slice %arg7[%dma_wait3A_982] : memref<32768xf32, #tpu.memory_space<vmem>> -> memref<1024xf32, #tpu.memory_space<vmem>>
        %dma_wait3A_984 = arith.constant 0 : i32
        %dma_wait3A_985 = tpu.memref_slice %arg4[%dma_wait3A_975, %dma_wait3A_976, %dma_wait3A_984] : memref<16x1024x1024xf32, #tpu.memory_space<hbm>> -> memref<1x1x1024xf32, #tpu.memory_space<hbm>>
        %dma_wait3A_986 = tpu.memref_squeeze %dma_wait3A_985 : memref<1x1x1024xf32, #tpu.memory_space<hbm>> -> memref<1024xf32, #tpu.memory_space<hbm>>
        tpu.wait_dma2 semaphore(%arg11 : memref<!tpu.dma_semaphore, #tpu.memory_space<semaphore_mem>>) src(%dma_wait3A_986 : memref<1024xf32, #tpu.memory_space<hbm>>) dst(%dma_wait3A_983 : memref<1024xf32, #tpu.memory_space<vmem>>)
        %dma_wait3A_987 = arith.constant 0 : i32
        %dma_wait3A_988 = arith.constant 0 : i32
        %dma_wait3A_989 = arith.constant 10240 : i32
        %dma_wait3A_990 = tpu.memref_slice %arg7[%dma_wait3A_989] : memref<32768xf32, #tpu.memory_space<vmem>> -> memref<1024xf32, #tpu.memory_space<vmem>>
        %dma_wait3A_991 = arith.constant 0 : i32
        %dma_wait3A_992 = tpu.memref_slice %arg4[%dma_wait3A_987, %dma_wait3A_988, %dma_wait3A_991] : memref<16x1024x1024xf32, #tpu.memory_space<hbm>> -> memref<1x1x1024xf32, #tpu.memory_space<hbm>>
        %dma_wait3A_993 = tpu.memref_squeeze %dma_wait3A_992 : memref<1x1x1024xf32, #tpu.memory_space<hbm>> -> memref<1024xf32, #tpu.memory_space<hbm>>
        %dma_wait3A_994 = arith.constant 10240 : i32
        %dma_wait3A_995 = tpu.memref_slice %arg7[%dma_wait3A_994] : memref<32768xf32, #tpu.memory_space<vmem>> -> memref<1024xf32, #tpu.memory_space<vmem>>
        %dma_wait3A_996 = arith.constant 0 : i32
        %dma_wait3A_997 = tpu.memref_slice %arg4[%dma_wait3A_987, %dma_wait3A_988, %dma_wait3A_996] : memref<16x1024x1024xf32, #tpu.memory_space<hbm>> -> memref<1x1x1024xf32, #tpu.memory_space<hbm>>
        %dma_wait3A_998 = tpu.memref_squeeze %dma_wait3A_997 : memref<1x1x1024xf32, #tpu.memory_space<hbm>> -> memref<1024xf32, #tpu.memory_space<hbm>>
        tpu.wait_dma2 semaphore(%arg11 : memref<!tpu.dma_semaphore, #tpu.memory_space<semaphore_mem>>) src(%dma_wait3A_998 : memref<1024xf32, #tpu.memory_space<hbm>>) dst(%dma_wait3A_995 : memref<1024xf32, #tpu.memory_space<vmem>>)
        %dma_wait3A_999 = arith.constant 0 : i32
        %dma_wait3A_1000 = arith.constant 0 : i32
        %dma_wait3A_1001 = arith.constant 11264 : i32
        %dma_wait3A_1002 = tpu.memref_slice %arg7[%dma_wait3A_1001] : memref<32768xf32, #tpu.memory_space<vmem>> -> memref<1024xf32, #tpu.memory_space<vmem>>
        %dma_wait3A_1003 = arith.constant 0 : i32
        %dma_wait3A_1004 = tpu.memref_slice %arg4[%dma_wait3A_999, %dma_wait3A_1000, %dma_wait3A_1003] : memref<16x1024x1024xf32, #tpu.memory_space<hbm>> -> memref<1x1x1024xf32, #tpu.memory_space<hbm>>
        %dma_wait3A_1005 = tpu.memref_squeeze %dma_wait3A_1004 : memref<1x1x1024xf32, #tpu.memory_space<hbm>> -> memref<1024xf32, #tpu.memory_space<hbm>>
        %dma_wait3A_1006 = arith.constant 11264 : i32
        %dma_wait3A_1007 = tpu.memref_slice %arg7[%dma_wait3A_1006] : memref<32768xf32, #tpu.memory_space<vmem>> -> memref<1024xf32, #tpu.memory_space<vmem>>
        %dma_wait3A_1008 = arith.constant 0 : i32
        %dma_wait3A_1009 = tpu.memref_slice %arg4[%dma_wait3A_999, %dma_wait3A_1000, %dma_wait3A_1008] : memref<16x1024x1024xf32, #tpu.memory_space<hbm>> -> memref<1x1x1024xf32, #tpu.memory_space<hbm>>
        %dma_wait3A_1010 = tpu.memref_squeeze %dma_wait3A_1009 : memref<1x1x1024xf32, #tpu.memory_space<hbm>> -> memref<1024xf32, #tpu.memory_space<hbm>>
        tpu.wait_dma2 semaphore(%arg11 : memref<!tpu.dma_semaphore, #tpu.memory_space<semaphore_mem>>) src(%dma_wait3A_1010 : memref<1024xf32, #tpu.memory_space<hbm>>) dst(%dma_wait3A_1007 : memref<1024xf32, #tpu.memory_space<vmem>>)
        %dma_wait3A_1011 = arith.constant 0 : i32
        %dma_wait3A_1012 = arith.constant 0 : i32
        %dma_wait3A_1013 = arith.constant 12288 : i32
        %dma_wait3A_1014 = tpu.memref_slice %arg7[%dma_wait3A_1013] : memref<32768xf32, #tpu.memory_space<vmem>> -> memref<1024xf32, #tpu.memory_space<vmem>>
        %dma_wait3A_1015 = arith.constant 0 : i32
        %dma_wait3A_1016 = tpu.memref_slice %arg4[%dma_wait3A_1011, %dma_wait3A_1012, %dma_wait3A_1015] : memref<16x1024x1024xf32, #tpu.memory_space<hbm>> -> memref<1x1x1024xf32, #tpu.memory_space<hbm>>
        %dma_wait3A_1017 = tpu.memref_squeeze %dma_wait3A_1016 : memref<1x1x1024xf32, #tpu.memory_space<hbm>> -> memref<1024xf32, #tpu.memory_space<hbm>>
        %dma_wait3A_1018 = arith.constant 12288 : i32
        %dma_wait3A_1019 = tpu.memref_slice %arg7[%dma_wait3A_1018] : memref<32768xf32, #tpu.memory_space<vmem>> -> memref<1024xf32, #tpu.memory_space<vmem>>
        %dma_wait3A_1020 = arith.constant 0 : i32
        %dma_wait3A_1021 = tpu.memref_slice %arg4[%dma_wait3A_1011, %dma_wait3A_1012, %dma_wait3A_1020] : memref<16x1024x1024xf32, #tpu.memory_space<hbm>> -> memref<1x1x1024xf32, #tpu.memory_space<hbm>>
        %dma_wait3A_1022 = tpu.memref_squeeze %dma_wait3A_1021 : memref<1x1x1024xf32, #tpu.memory_space<hbm>> -> memref<1024xf32, #tpu.memory_space<hbm>>
        tpu.wait_dma2 semaphore(%arg11 : memref<!tpu.dma_semaphore, #tpu.memory_space<semaphore_mem>>) src(%dma_wait3A_1022 : memref<1024xf32, #tpu.memory_space<hbm>>) dst(%dma_wait3A_1019 : memref<1024xf32, #tpu.memory_space<vmem>>)
        %dma_wait3A_1023 = arith.constant 0 : i32
        %dma_wait3A_1024 = arith.constant 0 : i32
        %dma_wait3A_1025 = arith.constant 13312 : i32
        %dma_wait3A_1026 = tpu.memref_slice %arg7[%dma_wait3A_1025] : memref<32768xf32, #tpu.memory_space<vmem>> -> memref<1024xf32, #tpu.memory_space<vmem>>
        %dma_wait3A_1027 = arith.constant 0 : i32
        %dma_wait3A_1028 = tpu.memref_slice %arg4[%dma_wait3A_1023, %dma_wait3A_1024, %dma_wait3A_1027] : memref<16x1024x1024xf32, #tpu.memory_space<hbm>> -> memref<1x1x1024xf32, #tpu.memory_space<hbm>>
        %dma_wait3A_1029 = tpu.memref_squeeze %dma_wait3A_1028 : memref<1x1x1024xf32, #tpu.memory_space<hbm>> -> memref<1024xf32, #tpu.memory_space<hbm>>
        %dma_wait3A_1030 = arith.constant 13312 : i32
        %dma_wait3A_1031 = tpu.memref_slice %arg7[%dma_wait3A_1030] : memref<32768xf32, #tpu.memory_space<vmem>> -> memref<1024xf32, #tpu.memory_space<vmem>>
        %dma_wait3A_1032 = arith.constant 0 : i32
        %dma_wait3A_1033 = tpu.memref_slice %arg4[%dma_wait3A_1023, %dma_wait3A_1024, %dma_wait3A_1032] : memref<16x1024x1024xf32, #tpu.memory_space<hbm>> -> memref<1x1x1024xf32, #tpu.memory_space<hbm>>
        %dma_wait3A_1034 = tpu.memref_squeeze %dma_wait3A_1033 : memref<1x1x1024xf32, #tpu.memory_space<hbm>> -> memref<1024xf32, #tpu.memory_space<hbm>>
        tpu.wait_dma2 semaphore(%arg11 : memref<!tpu.dma_semaphore, #tpu.memory_space<semaphore_mem>>) src(%dma_wait3A_1034 : memref<1024xf32, #tpu.memory_space<hbm>>) dst(%dma_wait3A_1031 : memref<1024xf32, #tpu.memory_space<vmem>>)
        %dma_wait3A_1035 = arith.constant 0 : i32
        %dma_wait3A_1036 = arith.constant 0 : i32
        %dma_wait3A_1037 = arith.constant 14336 : i32
        %dma_wait3A_1038 = tpu.memref_slice %arg7[%dma_wait3A_1037] : memref<32768xf32, #tpu.memory_space<vmem>> -> memref<1024xf32, #tpu.memory_space<vmem>>
        %dma_wait3A_1039 = arith.constant 0 : i32
        %dma_wait3A_1040 = tpu.memref_slice %arg4[%dma_wait3A_1035, %dma_wait3A_1036, %dma_wait3A_1039] : memref<16x1024x1024xf32, #tpu.memory_space<hbm>> -> memref<1x1x1024xf32, #tpu.memory_space<hbm>>
        %dma_wait3A_1041 = tpu.memref_squeeze %dma_wait3A_1040 : memref<1x1x1024xf32, #tpu.memory_space<hbm>> -> memref<1024xf32, #tpu.memory_space<hbm>>
        %dma_wait3A_1042 = arith.constant 14336 : i32
        %dma_wait3A_1043 = tpu.memref_slice %arg7[%dma_wait3A_1042] : memref<32768xf32, #tpu.memory_space<vmem>> -> memref<1024xf32, #tpu.memory_space<vmem>>
        %dma_wait3A_1044 = arith.constant 0 : i32
        %dma_wait3A_1045 = tpu.memref_slice %arg4[%dma_wait3A_1035, %dma_wait3A_1036, %dma_wait3A_1044] : memref<16x1024x1024xf32, #tpu.memory_space<hbm>> -> memref<1x1x1024xf32, #tpu.memory_space<hbm>>
        %dma_wait3A_1046 = tpu.memref_squeeze %dma_wait3A_1045 : memref<1x1x1024xf32, #tpu.memory_space<hbm>> -> memref<1024xf32, #tpu.memory_space<hbm>>
        tpu.wait_dma2 semaphore(%arg11 : memref<!tpu.dma_semaphore, #tpu.memory_space<semaphore_mem>>) src(%dma_wait3A_1046 : memref<1024xf32, #tpu.memory_space<hbm>>) dst(%dma_wait3A_1043 : memref<1024xf32, #tpu.memory_space<vmem>>)
        %dma_wait3A_1047 = arith.constant 0 : i32
        %dma_wait3A_1048 = arith.constant 0 : i32
        %dma_wait3A_1049 = arith.constant 15360 : i32
        %dma_wait3A_1050 = tpu.memref_slice %arg7[%dma_wait3A_1049] : memref<32768xf32, #tpu.memory_space<vmem>> -> memref<1024xf32, #tpu.memory_space<vmem>>
        %dma_wait3A_1051 = arith.constant 0 : i32
        %dma_wait3A_1052 = tpu.memref_slice %arg4[%dma_wait3A_1047, %dma_wait3A_1048, %dma_wait3A_1051] : memref<16x1024x1024xf32, #tpu.memory_space<hbm>> -> memref<1x1x1024xf32, #tpu.memory_space<hbm>>
        %dma_wait3A_1053 = tpu.memref_squeeze %dma_wait3A_1052 : memref<1x1x1024xf32, #tpu.memory_space<hbm>> -> memref<1024xf32, #tpu.memory_space<hbm>>
        %dma_wait3A_1054 = arith.constant 15360 : i32
        %dma_wait3A_1055 = tpu.memref_slice %arg7[%dma_wait3A_1054] : memref<32768xf32, #tpu.memory_space<vmem>> -> memref<1024xf32, #tpu.memory_space<vmem>>
        %dma_wait3A_1056 = arith.constant 0 : i32
        %dma_wait3A_1057 = tpu.memref_slice %arg4[%dma_wait3A_1047, %dma_wait3A_1048, %dma_wait3A_1056] : memref<16x1024x1024xf32, #tpu.memory_space<hbm>> -> memref<1x1x1024xf32, #tpu.memory_space<hbm>>
        %dma_wait3A_1058 = tpu.memref_squeeze %dma_wait3A_1057 : memref<1x1x1024xf32, #tpu.memory_space<hbm>> -> memref<1024xf32, #tpu.memory_space<hbm>>
        tpu.wait_dma2 semaphore(%arg11 : memref<!tpu.dma_semaphore, #tpu.memory_space<semaphore_mem>>) src(%dma_wait3A_1058 : memref<1024xf32, #tpu.memory_space<hbm>>) dst(%dma_wait3A_1055 : memref<1024xf32, #tpu.memory_space<vmem>>)
      } else {
      }
      %parallel_loop3A = arith.constant 0 : i32
      %parallel_loop3A_446 = arith.constant 64 : i32
      %parallel_loop3A_447 = arith.constant 1 : i32
      scf.for %parallel_loop3A_867 = %parallel_loop3A to %parallel_loop3A_446 step %parallel_loop3A_447  : i32 {
        %parallel_loop3A_868 = arith.constant 16 : i32
        %parallel_loop3A_869 = arith.muli %parallel_loop3A_867, %parallel_loop3A_868 : i32
        %parallel_loop3A_870 = arith.constant 0 : i32
        %parallel_loop3A_871 = arith.addi %parallel_loop3A_870, %parallel_loop3A_869 : i32
        %parallel_loop3A_872 = arith.index_cast %parallel_loop3A_871 : i32 to index
        %parallel_loop3A_873 = tpu.vector_load %arg6[%parallel_loop3A_872] {strides = array<i32>} : memref<2048xi32, #tpu.memory_space<vmem>>, vector<16xi32>,
        %parallel_loop3A_874 = arith.constant 0 : i32
        %parallel_loop3A_875 = tpu.memref_slice %arg5[%parallel_loop3A_874] : memref<65536xf32, #tpu.memory_space<vmem>> -> memref<4096xf32, #tpu.memory_space<vmem>>
        %parallel_loop3A_876 = tpu.vector_load_idx %parallel_loop3A_875[%parallel_loop3A_873] : memref<4096xf32, #tpu.memory_space<vmem>>[vector<16xi32>], vector<16xf32>,
        %parallel_loop3A_877 = arith.constant 16 : i32
        %parallel_loop3A_878 = arith.muli %parallel_loop3A_867, %parallel_loop3A_877 : i32
        %parallel_loop3A_879 = arith.constant 0 : i32
        %parallel_loop3A_880 = arith.addi %parallel_loop3A_879, %parallel_loop3A_878 : i32
        %parallel_loop3A_881 = arith.index_cast %parallel_loop3A_880 : i32 to index
        %parallel_loop3A_882 = tpu.vector_load %arg7[%parallel_loop3A_881] {strides = array<i32>} : memref<32768xf32, #tpu.memory_space<vmem>>, vector<16xf32>,
        tpu.vector_store %arg7[%parallel_loop3A_881], %parallel_loop3A_876 {strides = array<i32>} : memref<32768xf32, #tpu.memory_space<vmem>>, vector<16xf32>,
        %parallel_loop3A_883 = arith.constant 4096 : i32
        %parallel_loop3A_884 = tpu.memref_slice %arg5[%parallel_loop3A_883] : memref<65536xf32, #tpu.memory_space<vmem>> -> memref<4096xf32, #tpu.memory_space<vmem>>
        %parallel_loop3A_885 = tpu.vector_load_idx %parallel_loop3A_884[%parallel_loop3A_873] : memref<4096xf32, #tpu.memory_space<vmem>>[vector<16xi32>], vector<16xf32>,
        %parallel_loop3A_886 = arith.constant 16 : i32
        %parallel_loop3A_887 = arith.muli %parallel_loop3A_867, %parallel_loop3A_886 : i32
        %parallel_loop3A_888 = arith.constant 1024 : i32
        %parallel_loop3A_889 = arith.addi %parallel_loop3A_888, %parallel_loop3A_887 : i32
        %parallel_loop3A_890 = arith.index_cast %parallel_loop3A_889 : i32 to index
        %parallel_loop3A_891 = tpu.vector_load %arg7[%parallel_loop3A_890] {strides = array<i32>} : memref<32768xf32, #tpu.memory_space<vmem>>, vector<16xf32>,
        tpu.vector_store %arg7[%parallel_loop3A_890], %parallel_loop3A_885 {strides = array<i32>} : memref<32768xf32, #tpu.memory_space<vmem>>, vector<16xf32>,
        %parallel_loop3A_892 = arith.constant 8192 : i32
        %parallel_loop3A_893 = tpu.memref_slice %arg5[%parallel_loop3A_892] : memref<65536xf32, #tpu.memory_space<vmem>> -> memref<4096xf32, #tpu.memory_space<vmem>>
        %parallel_loop3A_894 = tpu.vector_load_idx %parallel_loop3A_893[%parallel_loop3A_873] : memref<4096xf32, #tpu.memory_space<vmem>>[vector<16xi32>], vector<16xf32>,
        %parallel_loop3A_895 = arith.constant 16 : i32
        %parallel_loop3A_896 = arith.muli %parallel_loop3A_867, %parallel_loop3A_895 : i32
        %parallel_loop3A_897 = arith.constant 2048 : i32
        %parallel_loop3A_898 = arith.addi %parallel_loop3A_897, %parallel_loop3A_896 : i32
        %parallel_loop3A_899 = arith.index_cast %parallel_loop3A_898 : i32 to index
        %parallel_loop3A_900 = tpu.vector_load %arg7[%parallel_loop3A_899] {strides = array<i32>} : memref<32768xf32, #tpu.memory_space<vmem>>, vector<16xf32>,
        tpu.vector_store %arg7[%parallel_loop3A_899], %parallel_loop3A_894 {strides = array<i32>} : memref<32768xf32, #tpu.memory_space<vmem>>, vector<16xf32>,
        %parallel_loop3A_901 = arith.constant 12288 : i32
        %parallel_loop3A_902 = tpu.memref_slice %arg5[%parallel_loop3A_901] : memref<65536xf32, #tpu.memory_space<vmem>> -> memref<4096xf32, #tpu.memory_space<vmem>>
        %parallel_loop3A_903 = tpu.vector_load_idx %parallel_loop3A_902[%parallel_loop3A_873] : memref<4096xf32, #tpu.memory_space<vmem>>[vector<16xi32>], vector<16xf32>,
        %parallel_loop3A_904 = arith.constant 16 : i32
        %parallel_loop3A_905 = arith.muli %parallel_loop3A_867, %parallel_loop3A_904 : i32
        %parallel_loop3A_906 = arith.constant 3072 : i32
        %parallel_loop3A_907 = arith.addi %parallel_loop3A_906, %parallel_loop3A_905 : i32
        %parallel_loop3A_908 = arith.index_cast %parallel_loop3A_907 : i32 to index
        %parallel_loop3A_909 = tpu.vector_load %arg7[%parallel_loop3A_908] {strides = array<i32>} : memref<32768xf32, #tpu.memory_space<vmem>>, vector<16xf32>,
        tpu.vector_store %arg7[%parallel_loop3A_908], %parallel_loop3A_903 {strides = array<i32>} : memref<32768xf32, #tpu.memory_space<vmem>>, vector<16xf32>,
        %parallel_loop3A_910 = arith.constant 16384 : i32
        %parallel_loop3A_911 = tpu.memref_slice %arg5[%parallel_loop3A_910] : memref<65536xf32, #tpu.memory_space<vmem>> -> memref<4096xf32, #tpu.memory_space<vmem>>
        %parallel_loop3A_912 = tpu.vector_load_idx %parallel_loop3A_911[%parallel_loop3A_873] : memref<4096xf32, #tpu.memory_space<vmem>>[vector<16xi32>], vector<16xf32>,
        %parallel_loop3A_913 = arith.constant 16 : i32
        %parallel_loop3A_914 = arith.muli %parallel_loop3A_867, %parallel_loop3A_913 : i32
        %parallel_loop3A_915 = arith.constant 4096 : i32
        %parallel_loop3A_916 = arith.addi %parallel_loop3A_915, %parallel_loop3A_914 : i32
        %parallel_loop3A_917 = arith.index_cast %parallel_loop3A_916 : i32 to index
        %parallel_loop3A_918 = tpu.vector_load %arg7[%parallel_loop3A_917] {strides = array<i32>} : memref<32768xf32, #tpu.memory_space<vmem>>, vector<16xf32>,
        tpu.vector_store %arg7[%parallel_loop3A_917], %parallel_loop3A_912 {strides = array<i32>} : memref<32768xf32, #tpu.memory_space<vmem>>, vector<16xf32>,
        %parallel_loop3A_919 = arith.constant 20480 : i32
        %parallel_loop3A_920 = tpu.memref_slice %arg5[%parallel_loop3A_919] : memref<65536xf32, #tpu.memory_space<vmem>> -> memref<4096xf32, #tpu.memory_space<vmem>>
        %parallel_loop3A_921 = tpu.vector_load_idx %parallel_loop3A_920[%parallel_loop3A_873] : memref<4096xf32, #tpu.memory_space<vmem>>[vector<16xi32>], vector<16xf32>,
        %parallel_loop3A_922 = arith.constant 16 : i32
        %parallel_loop3A_923 = arith.muli %parallel_loop3A_867, %parallel_loop3A_922 : i32
        %parallel_loop3A_924 = arith.constant 5120 : i32
        %parallel_loop3A_925 = arith.addi %parallel_loop3A_924, %parallel_loop3A_923 : i32
        %parallel_loop3A_926 = arith.index_cast %parallel_loop3A_925 : i32 to index
        %parallel_loop3A_927 = tpu.vector_load %arg7[%parallel_loop3A_926] {strides = array<i32>} : memref<32768xf32, #tpu.memory_space<vmem>>, vector<16xf32>,
        tpu.vector_store %arg7[%parallel_loop3A_926], %parallel_loop3A_921 {strides = array<i32>} : memref<32768xf32, #tpu.memory_space<vmem>>, vector<16xf32>,
        %parallel_loop3A_928 = arith.constant 24576 : i32
        %parallel_loop3A_929 = tpu.memref_slice %arg5[%parallel_loop3A_928] : memref<65536xf32, #tpu.memory_space<vmem>> -> memref<4096xf32, #tpu.memory_space<vmem>>
        %parallel_loop3A_930 = tpu.vector_load_idx %parallel_loop3A_929[%parallel_loop3A_873] : memref<4096xf32, #tpu.memory_space<vmem>>[vector<16xi32>], vector<16xf32>,
        %parallel_loop3A_931 = arith.constant 16 : i32
        %parallel_loop3A_932 = arith.muli %parallel_loop3A_867, %parallel_loop3A_931 : i32
        %parallel_loop3A_933 = arith.constant 6144 : i32
        %parallel_loop3A_934 = arith.addi %parallel_loop3A_933, %parallel_loop3A_932 : i32
        %parallel_loop3A_935 = arith.index_cast %parallel_loop3A_934 : i32 to index
        %parallel_loop3A_936 = tpu.vector_load %arg7[%parallel_loop3A_935] {strides = array<i32>} : memref<32768xf32, #tpu.memory_space<vmem>>, vector<16xf32>,
        tpu.vector_store %arg7[%parallel_loop3A_935], %parallel_loop3A_930 {strides = array<i32>} : memref<32768xf32, #tpu.memory_space<vmem>>, vector<16xf32>,
        %parallel_loop3A_937 = arith.constant 28672 : i32
        %parallel_loop3A_938 = tpu.memref_slice %arg5[%parallel_loop3A_937] : memref<65536xf32, #tpu.memory_space<vmem>> -> memref<4096xf32, #tpu.memory_space<vmem>>
        %parallel_loop3A_939 = tpu.vector_load_idx %parallel_loop3A_938[%parallel_loop3A_873] : memref<4096xf32, #tpu.memory_space<vmem>>[vector<16xi32>], vector<16xf32>,
        %parallel_loop3A_940 = arith.constant 16 : i32
        %parallel_loop3A_941 = arith.muli %parallel_loop3A_867, %parallel_loop3A_940 : i32
        %parallel_loop3A_942 = arith.constant 7168 : i32
        %parallel_loop3A_943 = arith.addi %parallel_loop3A_942, %parallel_loop3A_941 : i32
        %parallel_loop3A_944 = arith.index_cast %parallel_loop3A_943 : i32 to index
        %parallel_loop3A_945 = tpu.vector_load %arg7[%parallel_loop3A_944] {strides = array<i32>} : memref<32768xf32, #tpu.memory_space<vmem>>, vector<16xf32>,
        tpu.vector_store %arg7[%parallel_loop3A_944], %parallel_loop3A_939 {strides = array<i32>} : memref<32768xf32, #tpu.memory_space<vmem>>, vector<16xf32>,
        %parallel_loop3A_946 = arith.constant 32768 : i32
        %parallel_loop3A_947 = tpu.memref_slice %arg5[%parallel_loop3A_946] : memref<65536xf32, #tpu.memory_space<vmem>> -> memref<4096xf32, #tpu.memory_space<vmem>>
        %parallel_loop3A_948 = tpu.vector_load_idx %parallel_loop3A_947[%parallel_loop3A_873] : memref<4096xf32, #tpu.memory_space<vmem>>[vector<16xi32>], vector<16xf32>,
        %parallel_loop3A_949 = arith.constant 16 : i32
        %parallel_loop3A_950 = arith.muli %parallel_loop3A_867, %parallel_loop3A_949 : i32
        %parallel_loop3A_951 = arith.constant 8192 : i32
        %parallel_loop3A_952 = arith.addi %parallel_loop3A_951, %parallel_loop3A_950 : i32
        %parallel_loop3A_953 = arith.index_cast %parallel_loop3A_952 : i32 to index
        %parallel_loop3A_954 = tpu.vector_load %arg7[%parallel_loop3A_953] {strides = array<i32>} : memref<32768xf32, #tpu.memory_space<vmem>>, vector<16xf32>,
        tpu.vector_store %arg7[%parallel_loop3A_953], %parallel_loop3A_948 {strides = array<i32>} : memref<32768xf32, #tpu.memory_space<vmem>>, vector<16xf32>,
        %parallel_loop3A_955 = arith.constant 36864 : i32
        %parallel_loop3A_956 = tpu.memref_slice %arg5[%parallel_loop3A_955] : memref<65536xf32, #tpu.memory_space<vmem>> -> memref<4096xf32, #tpu.memory_space<vmem>>
        %parallel_loop3A_957 = tpu.vector_load_idx %parallel_loop3A_956[%parallel_loop3A_873] : memref<4096xf32, #tpu.memory_space<vmem>>[vector<16xi32>], vector<16xf32>,
        %parallel_loop3A_958 = arith.constant 16 : i32
        %parallel_loop3A_959 = arith.muli %parallel_loop3A_867, %parallel_loop3A_958 : i32
        %parallel_loop3A_960 = arith.constant 9216 : i32
        %parallel_loop3A_961 = arith.addi %parallel_loop3A_960, %parallel_loop3A_959 : i32
        %parallel_loop3A_962 = arith.index_cast %parallel_loop3A_961 : i32 to index
        %parallel_loop3A_963 = tpu.vector_load %arg7[%parallel_loop3A_962] {strides = array<i32>} : memref<32768xf32, #tpu.memory_space<vmem>>, vector<16xf32>,
        tpu.vector_store %arg7[%parallel_loop3A_962], %parallel_loop3A_957 {strides = array<i32>} : memref<32768xf32, #tpu.memory_space<vmem>>, vector<16xf32>,
        %parallel_loop3A_964 = arith.constant 40960 : i32
        %parallel_loop3A_965 = tpu.memref_slice %arg5[%parallel_loop3A_964] : memref<65536xf32, #tpu.memory_space<vmem>> -> memref<4096xf32, #tpu.memory_space<vmem>>
        %parallel_loop3A_966 = tpu.vector_load_idx %parallel_loop3A_965[%parallel_loop3A_873] : memref<4096xf32, #tpu.memory_space<vmem>>[vector<16xi32>], vector<16xf32>,
        %parallel_loop3A_967 = arith.constant 16 : i32
        %parallel_loop3A_968 = arith.muli %parallel_loop3A_867, %parallel_loop3A_967 : i32
        %parallel_loop3A_969 = arith.constant 10240 : i32
        %parallel_loop3A_970 = arith.addi %parallel_loop3A_969, %parallel_loop3A_968 : i32
        %parallel_loop3A_971 = arith.index_cast %parallel_loop3A_970 : i32 to index
        %parallel_loop3A_972 = tpu.vector_load %arg7[%parallel_loop3A_971] {strides = array<i32>} : memref<32768xf32, #tpu.memory_space<vmem>>, vector<16xf32>,
        tpu.vector_store %arg7[%parallel_loop3A_971], %parallel_loop3A_966 {strides = array<i32>} : memref<32768xf32, #tpu.memory_space<vmem>>, vector<16xf32>,
        %parallel_loop3A_973 = arith.constant 45056 : i32
        %parallel_loop3A_974 = tpu.memref_slice %arg5[%parallel_loop3A_973] : memref<65536xf32, #tpu.memory_space<vmem>> -> memref<4096xf32, #tpu.memory_space<vmem>>
        %parallel_loop3A_975 = tpu.vector_load_idx %parallel_loop3A_974[%parallel_loop3A_873] : memref<4096xf32, #tpu.memory_space<vmem>>[vector<16xi32>], vector<16xf32>,
        %parallel_loop3A_976 = arith.constant 16 : i32
        %parallel_loop3A_977 = arith.muli %parallel_loop3A_867, %parallel_loop3A_976 : i32
        %parallel_loop3A_978 = arith.constant 11264 : i32
        %parallel_loop3A_979 = arith.addi %parallel_loop3A_978, %parallel_loop3A_977 : i32
        %parallel_loop3A_980 = arith.index_cast %parallel_loop3A_979 : i32 to index
        %parallel_loop3A_981 = tpu.vector_load %arg7[%parallel_loop3A_980] {strides = array<i32>} : memref<32768xf32, #tpu.memory_space<vmem>>, vector<16xf32>,
        tpu.vector_store %arg7[%parallel_loop3A_980], %parallel_loop3A_975 {strides = array<i32>} : memref<32768xf32, #tpu.memory_space<vmem>>, vector<16xf32>,
        %parallel_loop3A_982 = arith.constant 49152 : i32
        %parallel_loop3A_983 = tpu.memref_slice %arg5[%parallel_loop3A_982] : memref<65536xf32, #tpu.memory_space<vmem>> -> memref<4096xf32, #tpu.memory_space<vmem>>
        %parallel_loop3A_984 = tpu.vector_load_idx %parallel_loop3A_983[%parallel_loop3A_873] : memref<4096xf32, #tpu.memory_space<vmem>>[vector<16xi32>], vector<16xf32>,
        %parallel_loop3A_985 = arith.constant 16 : i32
        %parallel_loop3A_986 = arith.muli %parallel_loop3A_867, %parallel_loop3A_985 : i32
        %parallel_loop3A_987 = arith.constant 12288 : i32
        %parallel_loop3A_988 = arith.addi %parallel_loop3A_987, %parallel_loop3A_986 : i32
        %parallel_loop3A_989 = arith.index_cast %parallel_loop3A_988 : i32 to index
        %parallel_loop3A_990 = tpu.vector_load %arg7[%parallel_loop3A_989] {strides = array<i32>} : memref<32768xf32, #tpu.memory_space<vmem>>, vector<16xf32>,
        tpu.vector_store %arg7[%parallel_loop3A_989], %parallel_loop3A_984 {strides = array<i32>} : memref<32768xf32, #tpu.memory_space<vmem>>, vector<16xf32>,
        %parallel_loop3A_991 = arith.constant 53248 : i32
        %parallel_loop3A_992 = tpu.memref_slice %arg5[%parallel_loop3A_991] : memref<65536xf32, #tpu.memory_space<vmem>> -> memref<4096xf32, #tpu.memory_space<vmem>>
        %parallel_loop3A_993 = tpu.vector_load_idx %parallel_loop3A_992[%parallel_loop3A_873] : memref<4096xf32, #tpu.memory_space<vmem>>[vector<16xi32>], vector<16xf32>,
        %parallel_loop3A_994 = arith.constant 16 : i32
        %parallel_loop3A_995 = arith.muli %parallel_loop3A_867, %parallel_loop3A_994 : i32
        %parallel_loop3A_996 = arith.constant 13312 : i32
        %parallel_loop3A_997 = arith.addi %parallel_loop3A_996, %parallel_loop3A_995 : i32
        %parallel_loop3A_998 = arith.index_cast %parallel_loop3A_997 : i32 to index
        %parallel_loop3A_999 = tpu.vector_load %arg7[%parallel_loop3A_998] {strides = array<i32>} : memref<32768xf32, #tpu.memory_space<vmem>>, vector<16xf32>,
        tpu.vector_store %arg7[%parallel_loop3A_998], %parallel_loop3A_993 {strides = array<i32>} : memref<32768xf32, #tpu.memory_space<vmem>>, vector<16xf32>,
        %parallel_loop3A_1000 = arith.constant 57344 : i32
        %parallel_loop3A_1001 = tpu.memref_slice %arg5[%parallel_loop3A_1000] : memref<65536xf32, #tpu.memory_space<vmem>> -> memref<4096xf32, #tpu.memory_space<vmem>>
        %parallel_loop3A_1002 = tpu.vector_load_idx %parallel_loop3A_1001[%parallel_loop3A_873] : memref<4096xf32, #tpu.memory_space<vmem>>[vector<16xi32>], vector<16xf32>,
        %parallel_loop3A_1003 = arith.constant 16 : i32
        %parallel_loop3A_1004 = arith.muli %parallel_loop3A_867, %parallel_loop3A_1003 : i32
        %parallel_loop3A_1005 = arith.constant 14336 : i32
        %parallel_loop3A_1006 = arith.addi %parallel_loop3A_1005, %parallel_loop3A_1004 : i32
        %parallel_loop3A_1007 = arith.index_cast %parallel_loop3A_1006 : i32 to index
        %parallel_loop3A_1008 = tpu.vector_load %arg7[%parallel_loop3A_1007] {strides = array<i32>} : memref<32768xf32, #tpu.memory_space<vmem>>, vector<16xf32>,
        tpu.vector_store %arg7[%parallel_loop3A_1007], %parallel_loop3A_1002 {strides = array<i32>} : memref<32768xf32, #tpu.memory_space<vmem>>, vector<16xf32>,
        %parallel_loop3A_1009 = arith.constant 61440 : i32
        %parallel_loop3A_1010 = tpu.memref_slice %arg5[%parallel_loop3A_1009] : memref<65536xf32, #tpu.memory_space<vmem>> -> memref<4096xf32, #tpu.memory_space<vmem>>
        %parallel_loop3A_1011 = tpu.vector_load_idx %parallel_loop3A_1010[%parallel_loop3A_873] : memref<4096xf32, #tpu.memory_space<vmem>>[vector<16xi32>], vector<16xf32>,
        %parallel_loop3A_1012 = arith.constant 16 : i32
        %parallel_loop3A_1013 = arith.muli %parallel_loop3A_867, %parallel_loop3A_1012 : i32
        %parallel_loop3A_1014 = arith.constant 15360 : i32
        %parallel_loop3A_1015 = arith.addi %parallel_loop3A_1014, %parallel_loop3A_1013 : i32
        %parallel_loop3A_1016 = arith.index_cast %parallel_loop3A_1015 : i32 to index
        %parallel_loop3A_1017 = tpu.vector_load %arg7[%parallel_loop3A_1016] {strides = array<i32>} : memref<32768xf32, #tpu.memory_space<vmem>>, vector<16xf32>,
        tpu.vector_store %arg7[%parallel_loop3A_1016], %parallel_loop3A_1011 {strides = array<i32>} : memref<32768xf32, #tpu.memory_space<vmem>>, vector<16xf32>,
      } {sc.loop_unroll_factor = 4 : i64, sc.parallel_access}
      %add3A_448 = arith.addi %mul3A_2, %mul3A_426 : i32
      %dma_start3A_449 = arith.constant 0 : i32
      %dma_start3A_450 = arith.constant 0 : i32
      %dma_start3A_451 = tpu.memref_slice %arg7[%dma_start3A_450] : memref<32768xf32, #tpu.memory_space<vmem>> -> memref<1024xf32, #tpu.memory_space<vmem>>
      %dma_start3A_452 = arith.constant 0 : i32
      %dma_start3A_453 = tpu.memref_slice %arg4[%dma_start3A_449, %add3A_448, %dma_start3A_452] : memref<16x1024x1024xf32, #tpu.memory_space<hbm>> -> memref<1x1x1024xf32, #tpu.memory_space<hbm>>
      %dma_start3A_454 = tpu.memref_squeeze %dma_start3A_453 : memref<1x1x1024xf32, #tpu.memory_space<hbm>> -> memref<1024xf32, #tpu.memory_space<hbm>>
      %dma_start3A_455 = arith.constant 0 : i32
      %dma_start3A_456 = tpu.memref_slice %arg4[%dma_start3A_449, %add3A_448, %dma_start3A_455] : memref<16x1024x1024xf32, #tpu.memory_space<hbm>> -> memref<1x1x1024xf32, #tpu.memory_space<hbm>>
      %dma_start3A_457 = tpu.memref_squeeze %dma_start3A_456 : memref<1x1x1024xf32, #tpu.memory_space<hbm>> -> memref<1024xf32, #tpu.memory_space<hbm>>
      %dma_start3A_458 = arith.constant 0 : i32
      %dma_start3A_459 = tpu.memref_slice %arg7[%dma_start3A_458] : memref<32768xf32, #tpu.memory_space<vmem>> -> memref<1024xf32, #tpu.memory_space<vmem>>
      tpu.enqueue_dma source(%dma_start3A_459 : memref<1024xf32, #tpu.memory_space<vmem>>) target(%dma_start3A_457 : memref<1024xf32, #tpu.memory_space<hbm>>) target_semaphore(%arg11 : memref<!tpu.dma_semaphore, #tpu.memory_space<semaphore_mem>>)
      %add3A_460 = arith.addi %mul3A_2, %mul3A_426 : i32
      %dma_start3A_461 = arith.constant 1 : i32
      %dma_start3A_462 = arith.constant 1024 : i32
      %dma_start3A_463 = tpu.memref_slice %arg7[%dma_start3A_462] : memref<32768xf32, #tpu.memory_space<vmem>> -> memref<1024xf32, #tpu.memory_space<vmem>>
      %dma_start3A_464 = arith.constant 0 : i32
      %dma_start3A_465 = tpu.memref_slice %arg4[%dma_start3A_461, %add3A_460, %dma_start3A_464] : memref<16x1024x1024xf32, #tpu.memory_space<hbm>> -> memref<1x1x1024xf32, #tpu.memory_space<hbm>>
      %dma_start3A_466 = tpu.memref_squeeze %dma_start3A_465 : memref<1x1x1024xf32, #tpu.memory_space<hbm>> -> memref<1024xf32, #tpu.memory_space<hbm>>
      %dma_start3A_467 = arith.constant 0 : i32
      %dma_start3A_468 = tpu.memref_slice %arg4[%dma_start3A_461, %add3A_460, %dma_start3A_467] : memref<16x1024x1024xf32, #tpu.memory_space<hbm>> -> memref<1x1x1024xf32, #tpu.memory_space<hbm>>
      %dma_start3A_469 = tpu.memref_squeeze %dma_start3A_468 : memref<1x1x1024xf32, #tpu.memory_space<hbm>> -> memref<1024xf32, #tpu.memory_space<hbm>>
      %dma_start3A_470 = arith.constant 1024 : i32
      %dma_start3A_471 = tpu.memref_slice %arg7[%dma_start3A_470] : memref<32768xf32, #tpu.memory_space<vmem>> -> memref<1024xf32, #tpu.memory_space<vmem>>
      tpu.enqueue_dma source(%dma_start3A_471 : memref<1024xf32, #tpu.memory_space<vmem>>) target(%dma_start3A_469 : memref<1024xf32, #tpu.memory_space<hbm>>) target_semaphore(%arg11 : memref<!tpu.dma_semaphore, #tpu.memory_space<semaphore_mem>>)
      %add3A_472 = arith.addi %mul3A_2, %mul3A_426 : i32
      %dma_start3A_473 = arith.constant 2 : i32
      %dma_start3A_474 = arith.constant 2048 : i32
      %dma_start3A_475 = tpu.memref_slice %arg7[%dma_start3A_474] : memref<32768xf32, #tpu.memory_space<vmem>> -> memref<1024xf32, #tpu.memory_space<vmem>>
      %dma_start3A_476 = arith.constant 0 : i32
      %dma_start3A_477 = tpu.memref_slice %arg4[%dma_start3A_473, %add3A_472, %dma_start3A_476] : memref<16x1024x1024xf32, #tpu.memory_space<hbm>> -> memref<1x1x1024xf32, #tpu.memory_space<hbm>>
      %dma_start3A_478 = tpu.memref_squeeze %dma_start3A_477 : memref<1x1x1024xf32, #tpu.memory_space<hbm>> -> memref<1024xf32, #tpu.memory_space<hbm>>
      %dma_start3A_479 = arith.constant 0 : i32
      %dma_start3A_480 = tpu.memref_slice %arg4[%dma_start3A_473, %add3A_472, %dma_start3A_479] : memref<16x1024x1024xf32, #tpu.memory_space<hbm>> -> memref<1x1x1024xf32, #tpu.memory_space<hbm>>
      %dma_start3A_481 = tpu.memref_squeeze %dma_start3A_480 : memref<1x1x1024xf32, #tpu.memory_space<hbm>> -> memref<1024xf32, #tpu.memory_space<hbm>>
      %dma_start3A_482 = arith.constant 2048 : i32
      %dma_start3A_483 = tpu.memref_slice %arg7[%dma_start3A_482] : memref<32768xf32, #tpu.memory_space<vmem>> -> memref<1024xf32, #tpu.memory_space<vmem>>
      tpu.enqueue_dma source(%dma_start3A_483 : memref<1024xf32, #tpu.memory_space<vmem>>) target(%dma_start3A_481 : memref<1024xf32, #tpu.memory_space<hbm>>) target_semaphore(%arg11 : memref<!tpu.dma_semaphore, #tpu.memory_space<semaphore_mem>>)
      %add3A_484 = arith.addi %mul3A_2, %mul3A_426 : i32
      %dma_start3A_485 = arith.constant 3 : i32
      %dma_start3A_486 = arith.constant 3072 : i32
      %dma_start3A_487 = tpu.memref_slice %arg7[%dma_start3A_486] : memref<32768xf32, #tpu.memory_space<vmem>> -> memref<1024xf32, #tpu.memory_space<vmem>>
      %dma_start3A_488 = arith.constant 0 : i32
      %dma_start3A_489 = tpu.memref_slice %arg4[%dma_start3A_485, %add3A_484, %dma_start3A_488] : memref<16x1024x1024xf32, #tpu.memory_space<hbm>> -> memref<1x1x1024xf32, #tpu.memory_space<hbm>>
      %dma_start3A_490 = tpu.memref_squeeze %dma_start3A_489 : memref<1x1x1024xf32, #tpu.memory_space<hbm>> -> memref<1024xf32, #tpu.memory_space<hbm>>
      %dma_start3A_491 = arith.constant 0 : i32
      %dma_start3A_492 = tpu.memref_slice %arg4[%dma_start3A_485, %add3A_484, %dma_start3A_491] : memref<16x1024x1024xf32, #tpu.memory_space<hbm>> -> memref<1x1x1024xf32, #tpu.memory_space<hbm>>
      %dma_start3A_493 = tpu.memref_squeeze %dma_start3A_492 : memref<1x1x1024xf32, #tpu.memory_space<hbm>> -> memref<1024xf32, #tpu.memory_space<hbm>>
      %dma_start3A_494 = arith.constant 3072 : i32
      %dma_start3A_495 = tpu.memref_slice %arg7[%dma_start3A_494] : memref<32768xf32, #tpu.memory_space<vmem>> -> memref<1024xf32, #tpu.memory_space<vmem>>
      tpu.enqueue_dma source(%dma_start3A_495 : memref<1024xf32, #tpu.memory_space<vmem>>) target(%dma_start3A_493 : memref<1024xf32, #tpu.memory_space<hbm>>) target_semaphore(%arg11 : memref<!tpu.dma_semaphore, #tpu.memory_space<semaphore_mem>>)
      %add3A_496 = arith.addi %mul3A_2, %mul3A_426 : i32
      %dma_start3A_497 = arith.constant 4 : i32
      %dma_start3A_498 = arith.constant 4096 : i32
      %dma_start3A_499 = tpu.memref_slice %arg7[%dma_start3A_498] : memref<32768xf32, #tpu.memory_space<vmem>> -> memref<1024xf32, #tpu.memory_space<vmem>>
      %dma_start3A_500 = arith.constant 0 : i32
      %dma_start3A_501 = tpu.memref_slice %arg4[%dma_start3A_497, %add3A_496, %dma_start3A_500] : memref<16x1024x1024xf32, #tpu.memory_space<hbm>> -> memref<1x1x1024xf32, #tpu.memory_space<hbm>>
      %dma_start3A_502 = tpu.memref_squeeze %dma_start3A_501 : memref<1x1x1024xf32, #tpu.memory_space<hbm>> -> memref<1024xf32, #tpu.memory_space<hbm>>
      %dma_start3A_503 = arith.constant 0 : i32
      %dma_start3A_504 = tpu.memref_slice %arg4[%dma_start3A_497, %add3A_496, %dma_start3A_503] : memref<16x1024x1024xf32, #tpu.memory_space<hbm>> -> memref<1x1x1024xf32, #tpu.memory_space<hbm>>
      %dma_start3A_505 = tpu.memref_squeeze %dma_start3A_504 : memref<1x1x1024xf32, #tpu.memory_space<hbm>> -> memref<1024xf32, #tpu.memory_space<hbm>>
      %dma_start3A_506 = arith.constant 4096 : i32
      %dma_start3A_507 = tpu.memref_slice %arg7[%dma_start3A_506] : memref<32768xf32, #tpu.memory_space<vmem>> -> memref<1024xf32, #tpu.memory_space<vmem>>
      tpu.enqueue_dma source(%dma_start3A_507 : memref<1024xf32, #tpu.memory_space<vmem>>) target(%dma_start3A_505 : memref<1024xf32, #tpu.memory_space<hbm>>) target_semaphore(%arg11 : memref<!tpu.dma_semaphore, #tpu.memory_space<semaphore_mem>>)
      %add3A_508 = arith.addi %mul3A_2, %mul3A_426 : i32
      %dma_start3A_509 = arith.constant 5 : i32
      %dma_start3A_510 = arith.constant 5120 : i32
      %dma_start3A_511 = tpu.memref_slice %arg7[%dma_start3A_510] : memref<32768xf32, #tpu.memory_space<vmem>> -> memref<1024xf32, #tpu.memory_space<vmem>>
      %dma_start3A_512 = arith.constant 0 : i32
      %dma_start3A_513 = tpu.memref_slice %arg4[%dma_start3A_509, %add3A_508, %dma_start3A_512] : memref<16x1024x1024xf32, #tpu.memory_space<hbm>> -> memref<1x1x1024xf32, #tpu.memory_space<hbm>>
      %dma_start3A_514 = tpu.memref_squeeze %dma_start3A_513 : memref<1x1x1024xf32, #tpu.memory_space<hbm>> -> memref<1024xf32, #tpu.memory_space<hbm>>
      %dma_start3A_515 = arith.constant 0 : i32
      %dma_start3A_516 = tpu.memref_slice %arg4[%dma_start3A_509, %add3A_508, %dma_start3A_515] : memref<16x1024x1024xf32, #tpu.memory_space<hbm>> -> memref<1x1x1024xf32, #tpu.memory_space<hbm>>
      %dma_start3A_517 = tpu.memref_squeeze %dma_start3A_516 : memref<1x1x1024xf32, #tpu.memory_space<hbm>> -> memref<1024xf32, #tpu.memory_space<hbm>>
      %dma_start3A_518 = arith.constant 5120 : i32
      %dma_start3A_519 = tpu.memref_slice %arg7[%dma_start3A_518] : memref<32768xf32, #tpu.memory_space<vmem>> -> memref<1024xf32, #tpu.memory_space<vmem>>
      tpu.enqueue_dma source(%dma_start3A_519 : memref<1024xf32, #tpu.memory_space<vmem>>) target(%dma_start3A_517 : memref<1024xf32, #tpu.memory_space<hbm>>) target_semaphore(%arg11 : memref<!tpu.dma_semaphore, #tpu.memory_space<semaphore_mem>>)
      %add3A_520 = arith.addi %mul3A_2, %mul3A_426 : i32
      %dma_start3A_521 = arith.constant 6 : i32
      %dma_start3A_522 = arith.constant 6144 : i32
      %dma_start3A_523 = tpu.memref_slice %arg7[%dma_start3A_522] : memref<32768xf32, #tpu.memory_space<vmem>> -> memref<1024xf32, #tpu.memory_space<vmem>>
      %dma_start3A_524 = arith.constant 0 : i32
      %dma_start3A_525 = tpu.memref_slice %arg4[%dma_start3A_521, %add3A_520, %dma_start3A_524] : memref<16x1024x1024xf32, #tpu.memory_space<hbm>> -> memref<1x1x1024xf32, #tpu.memory_space<hbm>>
      %dma_start3A_526 = tpu.memref_squeeze %dma_start3A_525 : memref<1x1x1024xf32, #tpu.memory_space<hbm>> -> memref<1024xf32, #tpu.memory_space<hbm>>
      %dma_start3A_527 = arith.constant 0 : i32
      %dma_start3A_528 = tpu.memref_slice %arg4[%dma_start3A_521, %add3A_520, %dma_start3A_527] : memref<16x1024x1024xf32, #tpu.memory_space<hbm>> -> memref<1x1x1024xf32, #tpu.memory_space<hbm>>
      %dma_start3A_529 = tpu.memref_squeeze %dma_start3A_528 : memref<1x1x1024xf32, #tpu.memory_space<hbm>> -> memref<1024xf32, #tpu.memory_space<hbm>>
      %dma_start3A_530 = arith.constant 6144 : i32
      %dma_start3A_531 = tpu.memref_slice %arg7[%dma_start3A_530] : memref<32768xf32, #tpu.memory_space<vmem>> -> memref<1024xf32, #tpu.memory_space<vmem>>
      tpu.enqueue_dma source(%dma_start3A_531 : memref<1024xf32, #tpu.memory_space<vmem>>) target(%dma_start3A_529 : memref<1024xf32, #tpu.memory_space<hbm>>) target_semaphore(%arg11 : memref<!tpu.dma_semaphore, #tpu.memory_space<semaphore_mem>>)
      %add3A_532 = arith.addi %mul3A_2, %mul3A_426 : i32
      %dma_start3A_533 = arith.constant 7 : i32
      %dma_start3A_534 = arith.constant 7168 : i32
      %dma_start3A_535 = tpu.memref_slice %arg7[%dma_start3A_534] : memref<32768xf32, #tpu.memory_space<vmem>> -> memref<1024xf32, #tpu.memory_space<vmem>>
      %dma_start3A_536 = arith.constant 0 : i32
      %dma_start3A_537 = tpu.memref_slice %arg4[%dma_start3A_533, %add3A_532, %dma_start3A_536] : memref<16x1024x1024xf32, #tpu.memory_space<hbm>> -> memref<1x1x1024xf32, #tpu.memory_space<hbm>>
      %dma_start3A_538 = tpu.memref_squeeze %dma_start3A_537 : memref<1x1x1024xf32, #tpu.memory_space<hbm>> -> memref<1024xf32, #tpu.memory_space<hbm>>
      %dma_start3A_539 = arith.constant 0 : i32
      %dma_start3A_540 = tpu.memref_slice %arg4[%dma_start3A_533, %add3A_532, %dma_start3A_539] : memref<16x1024x1024xf32, #tpu.memory_space<hbm>> -> memref<1x1x1024xf32, #tpu.memory_space<hbm>>
      %dma_start3A_541 = tpu.memref_squeeze %dma_start3A_540 : memref<1x1x1024xf32, #tpu.memory_space<hbm>> -> memref<1024xf32, #tpu.memory_space<hbm>>
      %dma_start3A_542 = arith.constant 7168 : i32
      %dma_start3A_543 = tpu.memref_slice %arg7[%dma_start3A_542] : memref<32768xf32, #tpu.memory_space<vmem>> -> memref<1024xf32, #tpu.memory_space<vmem>>
      tpu.enqueue_dma source(%dma_start3A_543 : memref<1024xf32, #tpu.memory_space<vmem>>) target(%dma_start3A_541 : memref<1024xf32, #tpu.memory_space<hbm>>) target_semaphore(%arg11 : memref<!tpu.dma_semaphore, #tpu.memory_space<semaphore_mem>>)
      %add3A_544 = arith.addi %mul3A_2, %mul3A_426 : i32
      %dma_start3A_545 = arith.constant 8 : i32
      %dma_start3A_546 = arith.constant 8192 : i32
      %dma_start3A_547 = tpu.memref_slice %arg7[%dma_start3A_546] : memref<32768xf32, #tpu.memory_space<vmem>> -> memref<1024xf32, #tpu.memory_space<vmem>>
      %dma_start3A_548 = arith.constant 0 : i32
      %dma_start3A_549 = tpu.memref_slice %arg4[%dma_start3A_545, %add3A_544, %dma_start3A_548] : memref<16x1024x1024xf32, #tpu.memory_space<hbm>> -> memref<1x1x1024xf32, #tpu.memory_space<hbm>>
      %dma_start3A_550 = tpu.memref_squeeze %dma_start3A_549 : memref<1x1x1024xf32, #tpu.memory_space<hbm>> -> memref<1024xf32, #tpu.memory_space<hbm>>
      %dma_start3A_551 = arith.constant 0 : i32
      %dma_start3A_552 = tpu.memref_slice %arg4[%dma_start3A_545, %add3A_544, %dma_start3A_551] : memref<16x1024x1024xf32, #tpu.memory_space<hbm>> -> memref<1x1x1024xf32, #tpu.memory_space<hbm>>
      %dma_start3A_553 = tpu.memref_squeeze %dma_start3A_552 : memref<1x1x1024xf32, #tpu.memory_space<hbm>> -> memref<1024xf32, #tpu.memory_space<hbm>>
      %dma_start3A_554 = arith.constant 8192 : i32
      %dma_start3A_555 = tpu.memref_slice %arg7[%dma_start3A_554] : memref<32768xf32, #tpu.memory_space<vmem>> -> memref<1024xf32, #tpu.memory_space<vmem>>
      tpu.enqueue_dma source(%dma_start3A_555 : memref<1024xf32, #tpu.memory_space<vmem>>) target(%dma_start3A_553 : memref<1024xf32, #tpu.memory_space<hbm>>) target_semaphore(%arg11 : memref<!tpu.dma_semaphore, #tpu.memory_space<semaphore_mem>>)
      %add3A_556 = arith.addi %mul3A_2, %mul3A_426 : i32
      %dma_start3A_557 = arith.constant 9 : i32
      %dma_start3A_558 = arith.constant 9216 : i32
      %dma_start3A_559 = tpu.memref_slice %arg7[%dma_start3A_558] : memref<32768xf32, #tpu.memory_space<vmem>> -> memref<1024xf32, #tpu.memory_space<vmem>>
      %dma_start3A_560 = arith.constant 0 : i32
      %dma_start3A_561 = tpu.memref_slice %arg4[%dma_start3A_557, %add3A_556, %dma_start3A_560] : memref<16x1024x1024xf32, #tpu.memory_space<hbm>> -> memref<1x1x1024xf32, #tpu.memory_space<hbm>>
      %dma_start3A_562 = tpu.memref_squeeze %dma_start3A_561 : memref<1x1x1024xf32, #tpu.memory_space<hbm>> -> memref<1024xf32, #tpu.memory_space<hbm>>
      %dma_start3A_563 = arith.constant 0 : i32
      %dma_start3A_564 = tpu.memref_slice %arg4[%dma_start3A_557, %add3A_556, %dma_start3A_563] : memref<16x1024x1024xf32, #tpu.memory_space<hbm>> -> memref<1x1x1024xf32, #tpu.memory_space<hbm>>
      %dma_start3A_565 = tpu.memref_squeeze %dma_start3A_564 : memref<1x1x1024xf32, #tpu.memory_space<hbm>> -> memref<1024xf32, #tpu.memory_space<hbm>>
      %dma_start3A_566 = arith.constant 9216 : i32
      %dma_start3A_567 = tpu.memref_slice %arg7[%dma_start3A_566] : memref<32768xf32, #tpu.memory_space<vmem>> -> memref<1024xf32, #tpu.memory_space<vmem>>
      tpu.enqueue_dma source(%dma_start3A_567 : memref<1024xf32, #tpu.memory_space<vmem>>) target(%dma_start3A_565 : memref<1024xf32, #tpu.memory_space<hbm>>) target_semaphore(%arg11 : memref<!tpu.dma_semaphore, #tpu.memory_space<semaphore_mem>>)
      %add3A_568 = arith.addi %mul3A_2, %mul3A_426 : i32
      %dma_start3A_569 = arith.constant 10 : i32
      %dma_start3A_570 = arith.constant 10240 : i32
      %dma_start3A_571 = tpu.memref_slice %arg7[%dma_start3A_570] : memref<32768xf32, #tpu.memory_space<vmem>> -> memref<1024xf32, #tpu.memory_space<vmem>>
      %dma_start3A_572 = arith.constant 0 : i32
      %dma_start3A_573 = tpu.memref_slice %arg4[%dma_start3A_569, %add3A_568, %dma_start3A_572] : memref<16x1024x1024xf32, #tpu.memory_space<hbm>> -> memref<1x1x1024xf32, #tpu.memory_space<hbm>>
      %dma_start3A_574 = tpu.memref_squeeze %dma_start3A_573 : memref<1x1x1024xf32, #tpu.memory_space<hbm>> -> memref<1024xf32, #tpu.memory_space<hbm>>
      %dma_start3A_575 = arith.constant 0 : i32
      %dma_start3A_576 = tpu.memref_slice %arg4[%dma_start3A_569, %add3A_568, %dma_start3A_575] : memref<16x1024x1024xf32, #tpu.memory_space<hbm>> -> memref<1x1x1024xf32, #tpu.memory_space<hbm>>
      %dma_start3A_577 = tpu.memref_squeeze %dma_start3A_576 : memref<1x1x1024xf32, #tpu.memory_space<hbm>> -> memref<1024xf32, #tpu.memory_space<hbm>>
      %dma_start3A_578 = arith.constant 10240 : i32
      %dma_start3A_579 = tpu.memref_slice %arg7[%dma_start3A_578] : memref<32768xf32, #tpu.memory_space<vmem>> -> memref<1024xf32, #tpu.memory_space<vmem>>
      tpu.enqueue_dma source(%dma_start3A_579 : memref<1024xf32, #tpu.memory_space<vmem>>) target(%dma_start3A_577 : memref<1024xf32, #tpu.memory_space<hbm>>) target_semaphore(%arg11 : memref<!tpu.dma_semaphore, #tpu.memory_space<semaphore_mem>>)
      %add3A_580 = arith.addi %mul3A_2, %mul3A_426 : i32
      %dma_start3A_581 = arith.constant 11 : i32
      %dma_start3A_582 = arith.constant 11264 : i32
      %dma_start3A_583 = tpu.memref_slice %arg7[%dma_start3A_582] : memref<32768xf32, #tpu.memory_space<vmem>> -> memref<1024xf32, #tpu.memory_space<vmem>>
      %dma_start3A_584 = arith.constant 0 : i32
      %dma_start3A_585 = tpu.memref_slice %arg4[%dma_start3A_581, %add3A_580, %dma_start3A_584] : memref<16x1024x1024xf32, #tpu.memory_space<hbm>> -> memref<1x1x1024xf32, #tpu.memory_space<hbm>>
      %dma_start3A_586 = tpu.memref_squeeze %dma_start3A_585 : memref<1x1x1024xf32, #tpu.memory_space<hbm>> -> memref<1024xf32, #tpu.memory_space<hbm>>
      %dma_start3A_587 = arith.constant 0 : i32
      %dma_start3A_588 = tpu.memref_slice %arg4[%dma_start3A_581, %add3A_580, %dma_start3A_587] : memref<16x1024x1024xf32, #tpu.memory_space<hbm>> -> memref<1x1x1024xf32, #tpu.memory_space<hbm>>
      %dma_start3A_589 = tpu.memref_squeeze %dma_start3A_588 : memref<1x1x1024xf32, #tpu.memory_space<hbm>> -> memref<1024xf32, #tpu.memory_space<hbm>>
      %dma_start3A_590 = arith.constant 11264 : i32
      %dma_start3A_591 = tpu.memref_slice %arg7[%dma_start3A_590] : memref<32768xf32, #tpu.memory_space<vmem>> -> memref<1024xf32, #tpu.memory_space<vmem>>
      tpu.enqueue_dma source(%dma_start3A_591 : memref<1024xf32, #tpu.memory_space<vmem>>) target(%dma_start3A_589 : memref<1024xf32, #tpu.memory_space<hbm>>) target_semaphore(%arg11 : memref<!tpu.dma_semaphore, #tpu.memory_space<semaphore_mem>>)
      %add3A_592 = arith.addi %mul3A_2, %mul3A_426 : i32
      %dma_start3A_593 = arith.constant 12 : i32
      %dma_start3A_594 = arith.constant 12288 : i32
      %dma_start3A_595 = tpu.memref_slice %arg7[%dma_start3A_594] : memref<32768xf32, #tpu.memory_space<vmem>> -> memref<1024xf32, #tpu.memory_space<vmem>>
      %dma_start3A_596 = arith.constant 0 : i32
      %dma_start3A_597 = tpu.memref_slice %arg4[%dma_start3A_593, %add3A_592, %dma_start3A_596] : memref<16x1024x1024xf32, #tpu.memory_space<hbm>> -> memref<1x1x1024xf32, #tpu.memory_space<hbm>>
      %dma_start3A_598 = tpu.memref_squeeze %dma_start3A_597 : memref<1x1x1024xf32, #tpu.memory_space<hbm>> -> memref<1024xf32, #tpu.memory_space<hbm>>
      %dma_start3A_599 = arith.constant 0 : i32
      %dma_start3A_600 = tpu.memref_slice %arg4[%dma_start3A_593, %add3A_592, %dma_start3A_599] : memref<16x1024x1024xf32, #tpu.memory_space<hbm>> -> memref<1x1x1024xf32, #tpu.memory_space<hbm>>
      %dma_start3A_601 = tpu.memref_squeeze %dma_start3A_600 : memref<1x1x1024xf32, #tpu.memory_space<hbm>> -> memref<1024xf32, #tpu.memory_space<hbm>>
      %dma_start3A_602 = arith.constant 12288 : i32
      %dma_start3A_603 = tpu.memref_slice %arg7[%dma_start3A_602] : memref<32768xf32, #tpu.memory_space<vmem>> -> memref<1024xf32, #tpu.memory_space<vmem>>
      tpu.enqueue_dma source(%dma_start3A_603 : memref<1024xf32, #tpu.memory_space<vmem>>) target(%dma_start3A_601 : memref<1024xf32, #tpu.memory_space<hbm>>) target_semaphore(%arg11 : memref<!tpu.dma_semaphore, #tpu.memory_space<semaphore_mem>>)
      %add3A_604 = arith.addi %mul3A_2, %mul3A_426 : i32
      %dma_start3A_605 = arith.constant 13 : i32
      %dma_start3A_606 = arith.constant 13312 : i32
      %dma_start3A_607 = tpu.memref_slice %arg7[%dma_start3A_606] : memref<32768xf32, #tpu.memory_space<vmem>> -> memref<1024xf32, #tpu.memory_space<vmem>>
      %dma_start3A_608 = arith.constant 0 : i32
      %dma_start3A_609 = tpu.memref_slice %arg4[%dma_start3A_605, %add3A_604, %dma_start3A_608] : memref<16x1024x1024xf32, #tpu.memory_space<hbm>> -> memref<1x1x1024xf32, #tpu.memory_space<hbm>>
      %dma_start3A_610 = tpu.memref_squeeze %dma_start3A_609 : memref<1x1x1024xf32, #tpu.memory_space<hbm>> -> memref<1024xf32, #tpu.memory_space<hbm>>
      %dma_start3A_611 = arith.constant 0 : i32
      %dma_start3A_612 = tpu.memref_slice %arg4[%dma_start3A_605, %add3A_604, %dma_start3A_611] : memref<16x1024x1024xf32, #tpu.memory_space<hbm>> -> memref<1x1x1024xf32, #tpu.memory_space<hbm>>
      %dma_start3A_613 = tpu.memref_squeeze %dma_start3A_612 : memref<1x1x1024xf32, #tpu.memory_space<hbm>> -> memref<1024xf32, #tpu.memory_space<hbm>>
      %dma_start3A_614 = arith.constant 13312 : i32
      %dma_start3A_615 = tpu.memref_slice %arg7[%dma_start3A_614] : memref<32768xf32, #tpu.memory_space<vmem>> -> memref<1024xf32, #tpu.memory_space<vmem>>
      tpu.enqueue_dma source(%dma_start3A_615 : memref<1024xf32, #tpu.memory_space<vmem>>) target(%dma_start3A_613 : memref<1024xf32, #tpu.memory_space<hbm>>) target_semaphore(%arg11 : memref<!tpu.dma_semaphore, #tpu.memory_space<semaphore_mem>>)
      %add3A_616 = arith.addi %mul3A_2, %mul3A_426 : i32
      %dma_start3A_617 = arith.constant 14 : i32
      %dma_start3A_618 = arith.constant 14336 : i32
      %dma_start3A_619 = tpu.memref_slice %arg7[%dma_start3A_618] : memref<32768xf32, #tpu.memory_space<vmem>> -> memref<1024xf32, #tpu.memory_space<vmem>>
      %dma_start3A_620 = arith.constant 0 : i32
      %dma_start3A_621 = tpu.memref_slice %arg4[%dma_start3A_617, %add3A_616, %dma_start3A_620] : memref<16x1024x1024xf32, #tpu.memory_space<hbm>> -> memref<1x1x1024xf32, #tpu.memory_space<hbm>>
      %dma_start3A_622 = tpu.memref_squeeze %dma_start3A_621 : memref<1x1x1024xf32, #tpu.memory_space<hbm>> -> memref<1024xf32, #tpu.memory_space<hbm>>
      %dma_start3A_623 = arith.constant 0 : i32
      %dma_start3A_624 = tpu.memref_slice %arg4[%dma_start3A_617, %add3A_616, %dma_start3A_623] : memref<16x1024x1024xf32, #tpu.memory_space<hbm>> -> memref<1x1x1024xf32, #tpu.memory_space<hbm>>
      %dma_start3A_625 = tpu.memref_squeeze %dma_start3A_624 : memref<1x1x1024xf32, #tpu.memory_space<hbm>> -> memref<1024xf32, #tpu.memory_space<hbm>>
      %dma_start3A_626 = arith.constant 14336 : i32
      %dma_start3A_627 = tpu.memref_slice %arg7[%dma_start3A_626] : memref<32768xf32, #tpu.memory_space<vmem>> -> memref<1024xf32, #tpu.memory_space<vmem>>
      tpu.enqueue_dma source(%dma_start3A_627 : memref<1024xf32, #tpu.memory_space<vmem>>) target(%dma_start3A_625 : memref<1024xf32, #tpu.memory_space<hbm>>) target_semaphore(%arg11 : memref<!tpu.dma_semaphore, #tpu.memory_space<semaphore_mem>>)
      %add3A_628 = arith.addi %mul3A_2, %mul3A_426 : i32
      %dma_start3A_629 = arith.constant 15 : i32
      %dma_start3A_630 = arith.constant 15360 : i32
      %dma_start3A_631 = tpu.memref_slice %arg7[%dma_start3A_630] : memref<32768xf32, #tpu.memory_space<vmem>> -> memref<1024xf32, #tpu.memory_space<vmem>>
      %dma_start3A_632 = arith.constant 0 : i32
      %dma_start3A_633 = tpu.memref_slice %arg4[%dma_start3A_629, %add3A_628, %dma_start3A_632] : memref<16x1024x1024xf32, #tpu.memory_space<hbm>> -> memref<1x1x1024xf32, #tpu.memory_space<hbm>>
      %dma_start3A_634 = tpu.memref_squeeze %dma_start3A_633 : memref<1x1x1024xf32, #tpu.memory_space<hbm>> -> memref<1024xf32, #tpu.memory_space<hbm>>
      %dma_start3A_635 = arith.constant 0 : i32
      %dma_start3A_636 = tpu.memref_slice %arg4[%dma_start3A_629, %add3A_628, %dma_start3A_635] : memref<16x1024x1024xf32, #tpu.memory_space<hbm>> -> memref<1x1x1024xf32, #tpu.memory_space<hbm>>
      %dma_start3A_637 = tpu.memref_squeeze %dma_start3A_636 : memref<1x1x1024xf32, #tpu.memory_space<hbm>> -> memref<1024xf32, #tpu.memory_space<hbm>>
      %dma_start3A_638 = arith.constant 15360 : i32
      %dma_start3A_639 = tpu.memref_slice %arg7[%dma_start3A_638] : memref<32768xf32, #tpu.memory_space<vmem>> -> memref<1024xf32, #tpu.memory_space<vmem>>
      tpu.enqueue_dma source(%dma_start3A_639 : memref<1024xf32, #tpu.memory_space<vmem>>) target(%dma_start3A_637 : memref<1024xf32, #tpu.memory_space<hbm>>) target_semaphore(%arg11 : memref<!tpu.dma_semaphore, #tpu.memory_space<semaphore_mem>>)
      %not3A_640 = arith.constant true
      %not3A_641 = arith.xori %eq3A_430, %not3A_640 : i1
      %convert_element_type3A_642 = arith.extui %not3A_641 : i1 to i32
      %cond3A_643 = arith.constant 0 : i32
      %cond3A_644 = arith.cmpi ne, %convert_element_type3A_642, %cond3A_643 : i32
      scf.if %cond3A_644 {
        %add3A_867 = arith.constant 2 : i32
        %add3A_868 = arith.addi %mul3A_426, %add3A_867 : i32
        %add3A_869 = arith.addi %mul3A_2, %add3A_868 : i32
        %dma_start3A_870 = arith.constant 0 : i32
        %dma_start3A_871 = tpu.memref_slice %arg6[%dma_start3A_870] : memref<2048xi32, #tpu.memory_space<vmem>> -> memref<1024xi32, #tpu.memory_space<vmem>>
        %dma_start3A_872 = arith.constant 0 : i32
        %dma_start3A_873 = tpu.memref_slice %arg3[%add3A_869, %dma_start3A_872] : memref<1024x1024xi32, #tpu.memory_space<hbm>> -> memref<1x1024xi32, #tpu.memory_space<hbm>>
        %dma_start3A_874 = tpu.memref_squeeze %dma_start3A_873 : memref<1x1024xi32, #tpu.memory_space<hbm>> -> memref<1024xi32, #tpu.memory_space<hbm>>
        %dma_start3A_875 = arith.constant 0 : i32
        %dma_start3A_876 = tpu.memref_slice %arg6[%dma_start3A_875] : memref<2048xi32, #tpu.memory_space<vmem>> -> memref<1024xi32, #tpu.memory_space<vmem>>
        %dma_start3A_877 = arith.constant 0 : i32
        %dma_start3A_878 = tpu.memref_slice %arg3[%add3A_869, %dma_start3A_877] : memref<1024x1024xi32, #tpu.memory_space<hbm>> -> memref<1x1024xi32, #tpu.memory_space<hbm>>
        %dma_start3A_879 = tpu.memref_squeeze %dma_start3A_878 : memref<1x1024xi32, #tpu.memory_space<hbm>> -> memref<1024xi32, #tpu.memory_space<hbm>>
        tpu.enqueue_dma source(%dma_start3A_879 : memref<1024xi32, #tpu.memory_space<hbm>>) target(%dma_start3A_876 : memref<1024xi32, #tpu.memory_space<vmem>>) target_semaphore(%arg9 : memref<!tpu.dma_semaphore, #tpu.memory_space<semaphore_mem>>)
      } else {
      }
      %add3A_645 = arith.constant 1 : i32
      %add3A_646 = arith.addi %mul3A_426, %add3A_645 : i32
      %eq3A_647 = arith.constant 0 : i32
      %eq3A_648 = arith.cmpi eq, %add3A_424, %eq3A_647 : i32
      %eq3A_649 = arith.constant 15 : i32
      %eq3A_650 = arith.cmpi eq, %add3A_424, %eq3A_649 : i32
      %dma_wait3A_651 = arith.constant 0 : i32
      %dma_wait3A_652 = arith.constant 1024 : i32
      %dma_wait3A_653 = tpu.memref_slice %arg6[%dma_wait3A_652] : memref<2048xi32, #tpu.memory_space<vmem>> -> memref<1024xi32, #tpu.memory_space<vmem>>
      %dma_wait3A_654 = arith.constant 0 : i32
      %dma_wait3A_655 = tpu.memref_slice %arg3[%dma_wait3A_651, %dma_wait3A_654] : memref<1024x1024xi32, #tpu.memory_space<hbm>> -> memref<1x1024xi32, #tpu.memory_space<hbm>>
      %dma_wait3A_656 = tpu.memref_squeeze %dma_wait3A_655 : memref<1x1024xi32, #tpu.memory_space<hbm>> -> memref<1024xi32, #tpu.memory_space<hbm>>
      %dma_wait3A_657 = arith.constant 1024 : i32
      %dma_wait3A_658 = tpu.memref_slice %arg6[%dma_wait3A_657] : memref<2048xi32, #tpu.memory_space<vmem>> -> memref<1024xi32, #tpu.memory_space<vmem>>
      %dma_wait3A_659 = arith.constant 0 : i32
      %dma_wait3A_660 = tpu.memref_slice %arg3[%dma_wait3A_651, %dma_wait3A_659] : memref<1024x1024xi32, #tpu.memory_space<hbm>> -> memref<1x1024xi32, #tpu.memory_space<hbm>>
      %dma_wait3A_661 = tpu.memref_squeeze %dma_wait3A_660 : memref<1x1024xi32, #tpu.memory_space<hbm>> -> memref<1024xi32, #tpu.memory_space<hbm>>
      tpu.wait_dma2 semaphore(%arg10 : memref<!tpu.dma_semaphore, #tpu.memory_space<semaphore_mem>>) src(%dma_wait3A_661 : memref<1024xi32, #tpu.memory_space<hbm>>) dst(%dma_wait3A_658 : memref<1024xi32, #tpu.memory_space<vmem>>)
      %not3A_662 = arith.constant true
      %not3A_663 = arith.xori %eq3A_648, %not3A_662 : i1
      %convert_element_type3A_664 = arith.extui %not3A_663 : i1 to i32
      %cond3A_665 = arith.constant 0 : i32
      %cond3A_666 = arith.cmpi ne, %convert_element_type3A_664, %cond3A_665 : i32
      scf.if %cond3A_666 {
        %dma_wait3A_867 = arith.constant 0 : i32
        %dma_wait3A_868 = arith.constant 0 : i32
        %dma_wait3A_869 = arith.constant 16384 : i32
        %dma_wait3A_870 = tpu.memref_slice %arg7[%dma_wait3A_869] : memref<32768xf32, #tpu.memory_space<vmem>> -> memref<1024xf32, #tpu.memory_space<vmem>>
        %dma_wait3A_871 = arith.constant 0 : i32
        %dma_wait3A_872 = tpu.memref_slice %arg4[%dma_wait3A_867, %dma_wait3A_868, %dma_wait3A_871] : memref<16x1024x1024xf32, #tpu.memory_space<hbm>> -> memref<1x1x1024xf32, #tpu.memory_space<hbm>>
        %dma_wait3A_873 = tpu.memref_squeeze %dma_wait3A_872 : memref<1x1x1024xf32, #tpu.memory_space<hbm>> -> memref<1024xf32, #tpu.memory_space<hbm>>
        %dma_wait3A_874 = arith.constant 16384 : i32
        %dma_wait3A_875 = tpu.memref_slice %arg7[%dma_wait3A_874] : memref<32768xf32, #tpu.memory_space<vmem>> -> memref<1024xf32, #tpu.memory_space<vmem>>
        %dma_wait3A_876 = arith.constant 0 : i32
        %dma_wait3A_877 = tpu.memref_slice %arg4[%dma_wait3A_867, %dma_wait3A_868, %dma_wait3A_876] : memref<16x1024x1024xf32, #tpu.memory_space<hbm>> -> memref<1x1x1024xf32, #tpu.memory_space<hbm>>
        %dma_wait3A_878 = tpu.memref_squeeze %dma_wait3A_877 : memref<1x1x1024xf32, #tpu.memory_space<hbm>> -> memref<1024xf32, #tpu.memory_space<hbm>>
        tpu.wait_dma2 semaphore(%arg12 : memref<!tpu.dma_semaphore, #tpu.memory_space<semaphore_mem>>) src(%dma_wait3A_878 : memref<1024xf32, #tpu.memory_space<hbm>>) dst(%dma_wait3A_875 : memref<1024xf32, #tpu.memory_space<vmem>>)
        %dma_wait3A_879 = arith.constant 0 : i32
        %dma_wait3A_880 = arith.constant 0 : i32
        %dma_wait3A_881 = arith.constant 17408 : i32
        %dma_wait3A_882 = tpu.memref_slice %arg7[%dma_wait3A_881] : memref<32768xf32, #tpu.memory_space<vmem>> -> memref<1024xf32, #tpu.memory_space<vmem>>
        %dma_wait3A_883 = arith.constant 0 : i32
        %dma_wait3A_884 = tpu.memref_slice %arg4[%dma_wait3A_879, %dma_wait3A_880, %dma_wait3A_883] : memref<16x1024x1024xf32, #tpu.memory_space<hbm>> -> memref<1x1x1024xf32, #tpu.memory_space<hbm>>
        %dma_wait3A_885 = tpu.memref_squeeze %dma_wait3A_884 : memref<1x1x1024xf32, #tpu.memory_space<hbm>> -> memref<1024xf32, #tpu.memory_space<hbm>>
        %dma_wait3A_886 = arith.constant 17408 : i32
        %dma_wait3A_887 = tpu.memref_slice %arg7[%dma_wait3A_886] : memref<32768xf32, #tpu.memory_space<vmem>> -> memref<1024xf32, #tpu.memory_space<vmem>>
        %dma_wait3A_888 = arith.constant 0 : i32
        %dma_wait3A_889 = tpu.memref_slice %arg4[%dma_wait3A_879, %dma_wait3A_880, %dma_wait3A_888] : memref<16x1024x1024xf32, #tpu.memory_space<hbm>> -> memref<1x1x1024xf32, #tpu.memory_space<hbm>>
        %dma_wait3A_890 = tpu.memref_squeeze %dma_wait3A_889 : memref<1x1x1024xf32, #tpu.memory_space<hbm>> -> memref<1024xf32, #tpu.memory_space<hbm>>
        tpu.wait_dma2 semaphore(%arg12 : memref<!tpu.dma_semaphore, #tpu.memory_space<semaphore_mem>>) src(%dma_wait3A_890 : memref<1024xf32, #tpu.memory_space<hbm>>) dst(%dma_wait3A_887 : memref<1024xf32, #tpu.memory_space<vmem>>)
        %dma_wait3A_891 = arith.constant 0 : i32
        %dma_wait3A_892 = arith.constant 0 : i32
        %dma_wait3A_893 = arith.constant 18432 : i32
        %dma_wait3A_894 = tpu.memref_slice %arg7[%dma_wait3A_893] : memref<32768xf32, #tpu.memory_space<vmem>> -> memref<1024xf32, #tpu.memory_space<vmem>>
        %dma_wait3A_895 = arith.constant 0 : i32
        %dma_wait3A_896 = tpu.memref_slice %arg4[%dma_wait3A_891, %dma_wait3A_892, %dma_wait3A_895] : memref<16x1024x1024xf32, #tpu.memory_space<hbm>> -> memref<1x1x1024xf32, #tpu.memory_space<hbm>>
        %dma_wait3A_897 = tpu.memref_squeeze %dma_wait3A_896 : memref<1x1x1024xf32, #tpu.memory_space<hbm>> -> memref<1024xf32, #tpu.memory_space<hbm>>
        %dma_wait3A_898 = arith.constant 18432 : i32
        %dma_wait3A_899 = tpu.memref_slice %arg7[%dma_wait3A_898] : memref<32768xf32, #tpu.memory_space<vmem>> -> memref<1024xf32, #tpu.memory_space<vmem>>
        %dma_wait3A_900 = arith.constant 0 : i32
        %dma_wait3A_901 = tpu.memref_slice %arg4[%dma_wait3A_891, %dma_wait3A_892, %dma_wait3A_900] : memref<16x1024x1024xf32, #tpu.memory_space<hbm>> -> memref<1x1x1024xf32, #tpu.memory_space<hbm>>
        %dma_wait3A_902 = tpu.memref_squeeze %dma_wait3A_901 : memref<1x1x1024xf32, #tpu.memory_space<hbm>> -> memref<1024xf32, #tpu.memory_space<hbm>>
        tpu.wait_dma2 semaphore(%arg12 : memref<!tpu.dma_semaphore, #tpu.memory_space<semaphore_mem>>) src(%dma_wait3A_902 : memref<1024xf32, #tpu.memory_space<hbm>>) dst(%dma_wait3A_899 : memref<1024xf32, #tpu.memory_space<vmem>>)
        %dma_wait3A_903 = arith.constant 0 : i32
        %dma_wait3A_904 = arith.constant 0 : i32
        %dma_wait3A_905 = arith.constant 19456 : i32
        %dma_wait3A_906 = tpu.memref_slice %arg7[%dma_wait3A_905] : memref<32768xf32, #tpu.memory_space<vmem>> -> memref<1024xf32, #tpu.memory_space<vmem>>
        %dma_wait3A_907 = arith.constant 0 : i32
        %dma_wait3A_908 = tpu.memref_slice %arg4[%dma_wait3A_903, %dma_wait3A_904, %dma_wait3A_907] : memref<16x1024x1024xf32, #tpu.memory_space<hbm>> -> memref<1x1x1024xf32, #tpu.memory_space<hbm>>
        %dma_wait3A_909 = tpu.memref_squeeze %dma_wait3A_908 : memref<1x1x1024xf32, #tpu.memory_space<hbm>> -> memref<1024xf32, #tpu.memory_space<hbm>>
        %dma_wait3A_910 = arith.constant 19456 : i32
        %dma_wait3A_911 = tpu.memref_slice %arg7[%dma_wait3A_910] : memref<32768xf32, #tpu.memory_space<vmem>> -> memref<1024xf32, #tpu.memory_space<vmem>>
        %dma_wait3A_912 = arith.constant 0 : i32
        %dma_wait3A_913 = tpu.memref_slice %arg4[%dma_wait3A_903, %dma_wait3A_904, %dma_wait3A_912] : memref<16x1024x1024xf32, #tpu.memory_space<hbm>> -> memref<1x1x1024xf32, #tpu.memory_space<hbm>>
        %dma_wait3A_914 = tpu.memref_squeeze %dma_wait3A_913 : memref<1x1x1024xf32, #tpu.memory_space<hbm>> -> memref<1024xf32, #tpu.memory_space<hbm>>
        tpu.wait_dma2 semaphore(%arg12 : memref<!tpu.dma_semaphore, #tpu.memory_space<semaphore_mem>>) src(%dma_wait3A_914 : memref<1024xf32, #tpu.memory_space<hbm>>) dst(%dma_wait3A_911 : memref<1024xf32, #tpu.memory_space<vmem>>)
        %dma_wait3A_915 = arith.constant 0 : i32
        %dma_wait3A_916 = arith.constant 0 : i32
        %dma_wait3A_917 = arith.constant 20480 : i32
        %dma_wait3A_918 = tpu.memref_slice %arg7[%dma_wait3A_917] : memref<32768xf32, #tpu.memory_space<vmem>> -> memref<1024xf32, #tpu.memory_space<vmem>>
        %dma_wait3A_919 = arith.constant 0 : i32
        %dma_wait3A_920 = tpu.memref_slice %arg4[%dma_wait3A_915, %dma_wait3A_916, %dma_wait3A_919] : memref<16x1024x1024xf32, #tpu.memory_space<hbm>> -> memref<1x1x1024xf32, #tpu.memory_space<hbm>>
        %dma_wait3A_921 = tpu.memref_squeeze %dma_wait3A_920 : memref<1x1x1024xf32, #tpu.memory_space<hbm>> -> memref<1024xf32, #tpu.memory_space<hbm>>
        %dma_wait3A_922 = arith.constant 20480 : i32
        %dma_wait3A_923 = tpu.memref_slice %arg7[%dma_wait3A_922] : memref<32768xf32, #tpu.memory_space<vmem>> -> memref<1024xf32, #tpu.memory_space<vmem>>
        %dma_wait3A_924 = arith.constant 0 : i32
        %dma_wait3A_925 = tpu.memref_slice %arg4[%dma_wait3A_915, %dma_wait3A_916, %dma_wait3A_924] : memref<16x1024x1024xf32, #tpu.memory_space<hbm>> -> memref<1x1x1024xf32, #tpu.memory_space<hbm>>
        %dma_wait3A_926 = tpu.memref_squeeze %dma_wait3A_925 : memref<1x1x1024xf32, #tpu.memory_space<hbm>> -> memref<1024xf32, #tpu.memory_space<hbm>>
        tpu.wait_dma2 semaphore(%arg12 : memref<!tpu.dma_semaphore, #tpu.memory_space<semaphore_mem>>) src(%dma_wait3A_926 : memref<1024xf32, #tpu.memory_space<hbm>>) dst(%dma_wait3A_923 : memref<1024xf32, #tpu.memory_space<vmem>>)
        %dma_wait3A_927 = arith.constant 0 : i32
        %dma_wait3A_928 = arith.constant 0 : i32
        %dma_wait3A_929 = arith.constant 21504 : i32
        %dma_wait3A_930 = tpu.memref_slice %arg7[%dma_wait3A_929] : memref<32768xf32, #tpu.memory_space<vmem>> -> memref<1024xf32, #tpu.memory_space<vmem>>
        %dma_wait3A_931 = arith.constant 0 : i32
        %dma_wait3A_932 = tpu.memref_slice %arg4[%dma_wait3A_927, %dma_wait3A_928, %dma_wait3A_931] : memref<16x1024x1024xf32, #tpu.memory_space<hbm>> -> memref<1x1x1024xf32, #tpu.memory_space<hbm>>
        %dma_wait3A_933 = tpu.memref_squeeze %dma_wait3A_932 : memref<1x1x1024xf32, #tpu.memory_space<hbm>> -> memref<1024xf32, #tpu.memory_space<hbm>>
        %dma_wait3A_934 = arith.constant 21504 : i32
        %dma_wait3A_935 = tpu.memref_slice %arg7[%dma_wait3A_934] : memref<32768xf32, #tpu.memory_space<vmem>> -> memref<1024xf32, #tpu.memory_space<vmem>>
        %dma_wait3A_936 = arith.constant 0 : i32
        %dma_wait3A_937 = tpu.memref_slice %arg4[%dma_wait3A_927, %dma_wait3A_928, %dma_wait3A_936] : memref<16x1024x1024xf32, #tpu.memory_space<hbm>> -> memref<1x1x1024xf32, #tpu.memory_space<hbm>>
        %dma_wait3A_938 = tpu.memref_squeeze %dma_wait3A_937 : memref<1x1x1024xf32, #tpu.memory_space<hbm>> -> memref<1024xf32, #tpu.memory_space<hbm>>
        tpu.wait_dma2 semaphore(%arg12 : memref<!tpu.dma_semaphore, #tpu.memory_space<semaphore_mem>>) src(%dma_wait3A_938 : memref<1024xf32, #tpu.memory_space<hbm>>) dst(%dma_wait3A_935 : memref<1024xf32, #tpu.memory_space<vmem>>)
        %dma_wait3A_939 = arith.constant 0 : i32
        %dma_wait3A_940 = arith.constant 0 : i32
        %dma_wait3A_941 = arith.constant 22528 : i32
        %dma_wait3A_942 = tpu.memref_slice %arg7[%dma_wait3A_941] : memref<32768xf32, #tpu.memory_space<vmem>> -> memref<1024xf32, #tpu.memory_space<vmem>>
        %dma_wait3A_943 = arith.constant 0 : i32
        %dma_wait3A_944 = tpu.memref_slice %arg4[%dma_wait3A_939, %dma_wait3A_940, %dma_wait3A_943] : memref<16x1024x1024xf32, #tpu.memory_space<hbm>> -> memref<1x1x1024xf32, #tpu.memory_space<hbm>>
        %dma_wait3A_945 = tpu.memref_squeeze %dma_wait3A_944 : memref<1x1x1024xf32, #tpu.memory_space<hbm>> -> memref<1024xf32, #tpu.memory_space<hbm>>
        %dma_wait3A_946 = arith.constant 22528 : i32
        %dma_wait3A_947 = tpu.memref_slice %arg7[%dma_wait3A_946] : memref<32768xf32, #tpu.memory_space<vmem>> -> memref<1024xf32, #tpu.memory_space<vmem>>
        %dma_wait3A_948 = arith.constant 0 : i32
        %dma_wait3A_949 = tpu.memref_slice %arg4[%dma_wait3A_939, %dma_wait3A_940, %dma_wait3A_948] : memref<16x1024x1024xf32, #tpu.memory_space<hbm>> -> memref<1x1x1024xf32, #tpu.memory_space<hbm>>
        %dma_wait3A_950 = tpu.memref_squeeze %dma_wait3A_949 : memref<1x1x1024xf32, #tpu.memory_space<hbm>> -> memref<1024xf32, #tpu.memory_space<hbm>>
        tpu.wait_dma2 semaphore(%arg12 : memref<!tpu.dma_semaphore, #tpu.memory_space<semaphore_mem>>) src(%dma_wait3A_950 : memref<1024xf32, #tpu.memory_space<hbm>>) dst(%dma_wait3A_947 : memref<1024xf32, #tpu.memory_space<vmem>>)
        %dma_wait3A_951 = arith.constant 0 : i32
        %dma_wait3A_952 = arith.constant 0 : i32
        %dma_wait3A_953 = arith.constant 23552 : i32
        %dma_wait3A_954 = tpu.memref_slice %arg7[%dma_wait3A_953] : memref<32768xf32, #tpu.memory_space<vmem>> -> memref<1024xf32, #tpu.memory_space<vmem>>
        %dma_wait3A_955 = arith.constant 0 : i32
        %dma_wait3A_956 = tpu.memref_slice %arg4[%dma_wait3A_951, %dma_wait3A_952, %dma_wait3A_955] : memref<16x1024x1024xf32, #tpu.memory_space<hbm>> -> memref<1x1x1024xf32, #tpu.memory_space<hbm>>
        %dma_wait3A_957 = tpu.memref_squeeze %dma_wait3A_956 : memref<1x1x1024xf32, #tpu.memory_space<hbm>> -> memref<1024xf32, #tpu.memory_space<hbm>>
        %dma_wait3A_958 = arith.constant 23552 : i32
        %dma_wait3A_959 = tpu.memref_slice %arg7[%dma_wait3A_958] : memref<32768xf32, #tpu.memory_space<vmem>> -> memref<1024xf32, #tpu.memory_space<vmem>>
        %dma_wait3A_960 = arith.constant 0 : i32
        %dma_wait3A_961 = tpu.memref_slice %arg4[%dma_wait3A_951, %dma_wait3A_952, %dma_wait3A_960] : memref<16x1024x1024xf32, #tpu.memory_space<hbm>> -> memref<1x1x1024xf32, #tpu.memory_space<hbm>>
        %dma_wait3A_962 = tpu.memref_squeeze %dma_wait3A_961 : memref<1x1x1024xf32, #tpu.memory_space<hbm>> -> memref<1024xf32, #tpu.memory_space<hbm>>
        tpu.wait_dma2 semaphore(%arg12 : memref<!tpu.dma_semaphore, #tpu.memory_space<semaphore_mem>>) src(%dma_wait3A_962 : memref<1024xf32, #tpu.memory_space<hbm>>) dst(%dma_wait3A_959 : memref<1024xf32, #tpu.memory_space<vmem>>)
        %dma_wait3A_963 = arith.constant 0 : i32
        %dma_wait3A_964 = arith.constant 0 : i32
        %dma_wait3A_965 = arith.constant 24576 : i32
        %dma_wait3A_966 = tpu.memref_slice %arg7[%dma_wait3A_965] : memref<32768xf32, #tpu.memory_space<vmem>> -> memref<1024xf32, #tpu.memory_space<vmem>>
        %dma_wait3A_967 = arith.constant 0 : i32
        %dma_wait3A_968 = tpu.memref_slice %arg4[%dma_wait3A_963, %dma_wait3A_964, %dma_wait3A_967] : memref<16x1024x1024xf32, #tpu.memory_space<hbm>> -> memref<1x1x1024xf32, #tpu.memory_space<hbm>>
        %dma_wait3A_969 = tpu.memref_squeeze %dma_wait3A_968 : memref<1x1x1024xf32, #tpu.memory_space<hbm>> -> memref<1024xf32, #tpu.memory_space<hbm>>
        %dma_wait3A_970 = arith.constant 24576 : i32
        %dma_wait3A_971 = tpu.memref_slice %arg7[%dma_wait3A_970] : memref<32768xf32, #tpu.memory_space<vmem>> -> memref<1024xf32, #tpu.memory_space<vmem>>
        %dma_wait3A_972 = arith.constant 0 : i32
        %dma_wait3A_973 = tpu.memref_slice %arg4[%dma_wait3A_963, %dma_wait3A_964, %dma_wait3A_972] : memref<16x1024x1024xf32, #tpu.memory_space<hbm>> -> memref<1x1x1024xf32, #tpu.memory_space<hbm>>
        %dma_wait3A_974 = tpu.memref_squeeze %dma_wait3A_973 : memref<1x1x1024xf32, #tpu.memory_space<hbm>> -> memref<1024xf32, #tpu.memory_space<hbm>>
        tpu.wait_dma2 semaphore(%arg12 : memref<!tpu.dma_semaphore, #tpu.memory_space<semaphore_mem>>) src(%dma_wait3A_974 : memref<1024xf32, #tpu.memory_space<hbm>>) dst(%dma_wait3A_971 : memref<1024xf32, #tpu.memory_space<vmem>>)
        %dma_wait3A_975 = arith.constant 0 : i32
        %dma_wait3A_976 = arith.constant 0 : i32
        %dma_wait3A_977 = arith.constant 25600 : i32
        %dma_wait3A_978 = tpu.memref_slice %arg7[%dma_wait3A_977] : memref<32768xf32, #tpu.memory_space<vmem>> -> memref<1024xf32, #tpu.memory_space<vmem>>
        %dma_wait3A_979 = arith.constant 0 : i32
        %dma_wait3A_980 = tpu.memref_slice %arg4[%dma_wait3A_975, %dma_wait3A_976, %dma_wait3A_979] : memref<16x1024x1024xf32, #tpu.memory_space<hbm>> -> memref<1x1x1024xf32, #tpu.memory_space<hbm>>
        %dma_wait3A_981 = tpu.memref_squeeze %dma_wait3A_980 : memref<1x1x1024xf32, #tpu.memory_space<hbm>> -> memref<1024xf32, #tpu.memory_space<hbm>>
        %dma_wait3A_982 = arith.constant 25600 : i32
        %dma_wait3A_983 = tpu.memref_slice %arg7[%dma_wait3A_982] : memref<32768xf32, #tpu.memory_space<vmem>> -> memref<1024xf32, #tpu.memory_space<vmem>>
        %dma_wait3A_984 = arith.constant 0 : i32
        %dma_wait3A_985 = tpu.memref_slice %arg4[%dma_wait3A_975, %dma_wait3A_976, %dma_wait3A_984] : memref<16x1024x1024xf32, #tpu.memory_space<hbm>> -> memref<1x1x1024xf32, #tpu.memory_space<hbm>>
        %dma_wait3A_986 = tpu.memref_squeeze %dma_wait3A_985 : memref<1x1x1024xf32, #tpu.memory_space<hbm>> -> memref<1024xf32, #tpu.memory_space<hbm>>
        tpu.wait_dma2 semaphore(%arg12 : memref<!tpu.dma_semaphore, #tpu.memory_space<semaphore_mem>>) src(%dma_wait3A_986 : memref<1024xf32, #tpu.memory_space<hbm>>) dst(%dma_wait3A_983 : memref<1024xf32, #tpu.memory_space<vmem>>)
        %dma_wait3A_987 = arith.constant 0 : i32
        %dma_wait3A_988 = arith.constant 0 : i32
        %dma_wait3A_989 = arith.constant 26624 : i32
        %dma_wait3A_990 = tpu.memref_slice %arg7[%dma_wait3A_989] : memref<32768xf32, #tpu.memory_space<vmem>> -> memref<1024xf32, #tpu.memory_space<vmem>>
        %dma_wait3A_991 = arith.constant 0 : i32
        %dma_wait3A_992 = tpu.memref_slice %arg4[%dma_wait3A_987, %dma_wait3A_988, %dma_wait3A_991] : memref<16x1024x1024xf32, #tpu.memory_space<hbm>> -> memref<1x1x1024xf32, #tpu.memory_space<hbm>>
        %dma_wait3A_993 = tpu.memref_squeeze %dma_wait3A_992 : memref<1x1x1024xf32, #tpu.memory_space<hbm>> -> memref<1024xf32, #tpu.memory_space<hbm>>
        %dma_wait3A_994 = arith.constant 26624 : i32
        %dma_wait3A_995 = tpu.memref_slice %arg7[%dma_wait3A_994] : memref<32768xf32, #tpu.memory_space<vmem>> -> memref<1024xf32, #tpu.memory_space<vmem>>
        %dma_wait3A_996 = arith.constant 0 : i32
        %dma_wait3A_997 = tpu.memref_slice %arg4[%dma_wait3A_987, %dma_wait3A_988, %dma_wait3A_996] : memref<16x1024x1024xf32, #tpu.memory_space<hbm>> -> memref<1x1x1024xf32, #tpu.memory_space<hbm>>
        %dma_wait3A_998 = tpu.memref_squeeze %dma_wait3A_997 : memref<1x1x1024xf32, #tpu.memory_space<hbm>> -> memref<1024xf32, #tpu.memory_space<hbm>>
        tpu.wait_dma2 semaphore(%arg12 : memref<!tpu.dma_semaphore, #tpu.memory_space<semaphore_mem>>) src(%dma_wait3A_998 : memref<1024xf32, #tpu.memory_space<hbm>>) dst(%dma_wait3A_995 : memref<1024xf32, #tpu.memory_space<vmem>>)
        %dma_wait3A_999 = arith.constant 0 : i32
        %dma_wait3A_1000 = arith.constant 0 : i32
        %dma_wait3A_1001 = arith.constant 27648 : i32
        %dma_wait3A_1002 = tpu.memref_slice %arg7[%dma_wait3A_1001] : memref<32768xf32, #tpu.memory_space<vmem>> -> memref<1024xf32, #tpu.memory_space<vmem>>
        %dma_wait3A_1003 = arith.constant 0 : i32
        %dma_wait3A_1004 = tpu.memref_slice %arg4[%dma_wait3A_999, %dma_wait3A_1000, %dma_wait3A_1003] : memref<16x1024x1024xf32, #tpu.memory_space<hbm>> -> memref<1x1x1024xf32, #tpu.memory_space<hbm>>
        %dma_wait3A_1005 = tpu.memref_squeeze %dma_wait3A_1004 : memref<1x1x1024xf32, #tpu.memory_space<hbm>> -> memref<1024xf32, #tpu.memory_space<hbm>>
        %dma_wait3A_1006 = arith.constant 27648 : i32
        %dma_wait3A_1007 = tpu.memref_slice %arg7[%dma_wait3A_1006] : memref<32768xf32, #tpu.memory_space<vmem>> -> memref<1024xf32, #tpu.memory_space<vmem>>
        %dma_wait3A_1008 = arith.constant 0 : i32
        %dma_wait3A_1009 = tpu.memref_slice %arg4[%dma_wait3A_999, %dma_wait3A_1000, %dma_wait3A_1008] : memref<16x1024x1024xf32, #tpu.memory_space<hbm>> -> memref<1x1x1024xf32, #tpu.memory_space<hbm>>
        %dma_wait3A_1010 = tpu.memref_squeeze %dma_wait3A_1009 : memref<1x1x1024xf32, #tpu.memory_space<hbm>> -> memref<1024xf32, #tpu.memory_space<hbm>>
        tpu.wait_dma2 semaphore(%arg12 : memref<!tpu.dma_semaphore, #tpu.memory_space<semaphore_mem>>) src(%dma_wait3A_1010 : memref<1024xf32, #tpu.memory_space<hbm>>) dst(%dma_wait3A_1007 : memref<1024xf32, #tpu.memory_space<vmem>>)
        %dma_wait3A_1011 = arith.constant 0 : i32
        %dma_wait3A_1012 = arith.constant 0 : i32
        %dma_wait3A_1013 = arith.constant 28672 : i32
        %dma_wait3A_1014 = tpu.memref_slice %arg7[%dma_wait3A_1013] : memref<32768xf32, #tpu.memory_space<vmem>> -> memref<1024xf32, #tpu.memory_space<vmem>>
        %dma_wait3A_1015 = arith.constant 0 : i32
        %dma_wait3A_1016 = tpu.memref_slice %arg4[%dma_wait3A_1011, %dma_wait3A_1012, %dma_wait3A_1015] : memref<16x1024x1024xf32, #tpu.memory_space<hbm>> -> memref<1x1x1024xf32, #tpu.memory_space<hbm>>
        %dma_wait3A_1017 = tpu.memref_squeeze %dma_wait3A_1016 : memref<1x1x1024xf32, #tpu.memory_space<hbm>> -> memref<1024xf32, #tpu.memory_space<hbm>>
        %dma_wait3A_1018 = arith.constant 28672 : i32
        %dma_wait3A_1019 = tpu.memref_slice %arg7[%dma_wait3A_1018] : memref<32768xf32, #tpu.memory_space<vmem>> -> memref<1024xf32, #tpu.memory_space<vmem>>
        %dma_wait3A_1020 = arith.constant 0 : i32
        %dma_wait3A_1021 = tpu.memref_slice %arg4[%dma_wait3A_1011, %dma_wait3A_1012, %dma_wait3A_1020] : memref<16x1024x1024xf32, #tpu.memory_space<hbm>> -> memref<1x1x1024xf32, #tpu.memory_space<hbm>>
        %dma_wait3A_1022 = tpu.memref_squeeze %dma_wait3A_1021 : memref<1x1x1024xf32, #tpu.memory_space<hbm>> -> memref<1024xf32, #tpu.memory_space<hbm>>
        tpu.wait_dma2 semaphore(%arg12 : memref<!tpu.dma_semaphore, #tpu.memory_space<semaphore_mem>>) src(%dma_wait3A_1022 : memref<1024xf32, #tpu.memory_space<hbm>>) dst(%dma_wait3A_1019 : memref<1024xf32, #tpu.memory_space<vmem>>)
        %dma_wait3A_1023 = arith.constant 0 : i32
        %dma_wait3A_1024 = arith.constant 0 : i32
        %dma_wait3A_1025 = arith.constant 29696 : i32
        %dma_wait3A_1026 = tpu.memref_slice %arg7[%dma_wait3A_1025] : memref<32768xf32, #tpu.memory_space<vmem>> -> memref<1024xf32, #tpu.memory_space<vmem>>
        %dma_wait3A_1027 = arith.constant 0 : i32
        %dma_wait3A_1028 = tpu.memref_slice %arg4[%dma_wait3A_1023, %dma_wait3A_1024, %dma_wait3A_1027] : memref<16x1024x1024xf32, #tpu.memory_space<hbm>> -> memref<1x1x1024xf32, #tpu.memory_space<hbm>>
        %dma_wait3A_1029 = tpu.memref_squeeze %dma_wait3A_1028 : memref<1x1x1024xf32, #tpu.memory_space<hbm>> -> memref<1024xf32, #tpu.memory_space<hbm>>
        %dma_wait3A_1030 = arith.constant 29696 : i32
        %dma_wait3A_1031 = tpu.memref_slice %arg7[%dma_wait3A_1030] : memref<32768xf32, #tpu.memory_space<vmem>> -> memref<1024xf32, #tpu.memory_space<vmem>>
        %dma_wait3A_1032 = arith.constant 0 : i32
        %dma_wait3A_1033 = tpu.memref_slice %arg4[%dma_wait3A_1023, %dma_wait3A_1024, %dma_wait3A_1032] : memref<16x1024x1024xf32, #tpu.memory_space<hbm>> -> memref<1x1x1024xf32, #tpu.memory_space<hbm>>
        %dma_wait3A_1034 = tpu.memref_squeeze %dma_wait3A_1033 : memref<1x1x1024xf32, #tpu.memory_space<hbm>> -> memref<1024xf32, #tpu.memory_space<hbm>>
        tpu.wait_dma2 semaphore(%arg12 : memref<!tpu.dma_semaphore, #tpu.memory_space<semaphore_mem>>) src(%dma_wait3A_1034 : memref<1024xf32, #tpu.memory_space<hbm>>) dst(%dma_wait3A_1031 : memref<1024xf32, #tpu.memory_space<vmem>>)
        %dma_wait3A_1035 = arith.constant 0 : i32
        %dma_wait3A_1036 = arith.constant 0 : i32
        %dma_wait3A_1037 = arith.constant 30720 : i32
        %dma_wait3A_1038 = tpu.memref_slice %arg7[%dma_wait3A_1037] : memref<32768xf32, #tpu.memory_space<vmem>> -> memref<1024xf32, #tpu.memory_space<vmem>>
        %dma_wait3A_1039 = arith.constant 0 : i32
        %dma_wait3A_1040 = tpu.memref_slice %arg4[%dma_wait3A_1035, %dma_wait3A_1036, %dma_wait3A_1039] : memref<16x1024x1024xf32, #tpu.memory_space<hbm>> -> memref<1x1x1024xf32, #tpu.memory_space<hbm>>
        %dma_wait3A_1041 = tpu.memref_squeeze %dma_wait3A_1040 : memref<1x1x1024xf32, #tpu.memory_space<hbm>> -> memref<1024xf32, #tpu.memory_space<hbm>>
        %dma_wait3A_1042 = arith.constant 30720 : i32
        %dma_wait3A_1043 = tpu.memref_slice %arg7[%dma_wait3A_1042] : memref<32768xf32, #tpu.memory_space<vmem>> -> memref<1024xf32, #tpu.memory_space<vmem>>
        %dma_wait3A_1044 = arith.constant 0 : i32
        %dma_wait3A_1045 = tpu.memref_slice %arg4[%dma_wait3A_1035, %dma_wait3A_1036, %dma_wait3A_1044] : memref<16x1024x1024xf32, #tpu.memory_space<hbm>> -> memref<1x1x1024xf32, #tpu.memory_space<hbm>>
        %dma_wait3A_1046 = tpu.memref_squeeze %dma_wait3A_1045 : memref<1x1x1024xf32, #tpu.memory_space<hbm>> -> memref<1024xf32, #tpu.memory_space<hbm>>
        tpu.wait_dma2 semaphore(%arg12 : memref<!tpu.dma_semaphore, #tpu.memory_space<semaphore_mem>>) src(%dma_wait3A_1046 : memref<1024xf32, #tpu.memory_space<hbm>>) dst(%dma_wait3A_1043 : memref<1024xf32, #tpu.memory_space<vmem>>)
        %dma_wait3A_1047 = arith.constant 0 : i32
        %dma_wait3A_1048 = arith.constant 0 : i32
        %dma_wait3A_1049 = arith.constant 31744 : i32
        %dma_wait3A_1050 = tpu.memref_slice %arg7[%dma_wait3A_1049] : memref<32768xf32, #tpu.memory_space<vmem>> -> memref<1024xf32, #tpu.memory_space<vmem>>
        %dma_wait3A_1051 = arith.constant 0 : i32
        %dma_wait3A_1052 = tpu.memref_slice %arg4[%dma_wait3A_1047, %dma_wait3A_1048, %dma_wait3A_1051] : memref<16x1024x1024xf32, #tpu.memory_space<hbm>> -> memref<1x1x1024xf32, #tpu.memory_space<hbm>>
        %dma_wait3A_1053 = tpu.memref_squeeze %dma_wait3A_1052 : memref<1x1x1024xf32, #tpu.memory_space<hbm>> -> memref<1024xf32, #tpu.memory_space<hbm>>
        %dma_wait3A_1054 = arith.constant 31744 : i32
        %dma_wait3A_1055 = tpu.memref_slice %arg7[%dma_wait3A_1054] : memref<32768xf32, #tpu.memory_space<vmem>> -> memref<1024xf32, #tpu.memory_space<vmem>>
        %dma_wait3A_1056 = arith.constant 0 : i32
        %dma_wait3A_1057 = tpu.memref_slice %arg4[%dma_wait3A_1047, %dma_wait3A_1048, %dma_wait3A_1056] : memref<16x1024x1024xf32, #tpu.memory_space<hbm>> -> memref<1x1x1024xf32, #tpu.memory_space<hbm>>
        %dma_wait3A_1058 = tpu.memref_squeeze %dma_wait3A_1057 : memref<1x1x1024xf32, #tpu.memory_space<hbm>> -> memref<1024xf32, #tpu.memory_space<hbm>>
        tpu.wait_dma2 semaphore(%arg12 : memref<!tpu.dma_semaphore, #tpu.memory_space<semaphore_mem>>) src(%dma_wait3A_1058 : memref<1024xf32, #tpu.memory_space<hbm>>) dst(%dma_wait3A_1055 : memref<1024xf32, #tpu.memory_space<vmem>>)
      } else {
      }
      %parallel_loop3A_667 = arith.constant 0 : i32
      %parallel_loop3A_668 = arith.constant 64 : i32
      %parallel_loop3A_669 = arith.constant 1 : i32
      scf.for %parallel_loop3A_867 = %parallel_loop3A_667 to %parallel_loop3A_668 step %parallel_loop3A_669  : i32 {
        %parallel_loop3A_868 = arith.constant 16 : i32
        %parallel_loop3A_869 = arith.muli %parallel_loop3A_867, %parallel_loop3A_868 : i32
        %parallel_loop3A_870 = arith.constant 1024 : i32
        %parallel_loop3A_871 = arith.addi %parallel_loop3A_870, %parallel_loop3A_869 : i32
        %parallel_loop3A_872 = arith.index_cast %parallel_loop3A_871 : i32 to index
        %parallel_loop3A_873 = tpu.vector_load %arg6[%parallel_loop3A_872] {strides = array<i32>} : memref<2048xi32, #tpu.memory_space<vmem>>, vector<16xi32>,
        %parallel_loop3A_874 = arith.constant 0 : i32
        %parallel_loop3A_875 = tpu.memref_slice %arg5[%parallel_loop3A_874] : memref<65536xf32, #tpu.memory_space<vmem>> -> memref<4096xf32, #tpu.memory_space<vmem>>
        %parallel_loop3A_876 = tpu.vector_load_idx %parallel_loop3A_875[%parallel_loop3A_873] : memref<4096xf32, #tpu.memory_space<vmem>>[vector<16xi32>], vector<16xf32>,
        %parallel_loop3A_877 = arith.constant 16 : i32
        %parallel_loop3A_878 = arith.muli %parallel_loop3A_867, %parallel_loop3A_877 : i32
        %parallel_loop3A_879 = arith.constant 16384 : i32
        %parallel_loop3A_880 = arith.addi %parallel_loop3A_879, %parallel_loop3A_878 : i32
        %parallel_loop3A_881 = arith.index_cast %parallel_loop3A_880 : i32 to index
        %parallel_loop3A_882 = tpu.vector_load %arg7[%parallel_loop3A_881] {strides = array<i32>} : memref<32768xf32, #tpu.memory_space<vmem>>, vector<16xf32>,
        tpu.vector_store %arg7[%parallel_loop3A_881], %parallel_loop3A_876 {strides = array<i32>} : memref<32768xf32, #tpu.memory_space<vmem>>, vector<16xf32>,
        %parallel_loop3A_883 = arith.constant 4096 : i32
        %parallel_loop3A_884 = tpu.memref_slice %arg5[%parallel_loop3A_883] : memref<65536xf32, #tpu.memory_space<vmem>> -> memref<4096xf32, #tpu.memory_space<vmem>>
        %parallel_loop3A_885 = tpu.vector_load_idx %parallel_loop3A_884[%parallel_loop3A_873] : memref<4096xf32, #tpu.memory_space<vmem>>[vector<16xi32>], vector<16xf32>,
        %parallel_loop3A_886 = arith.constant 16 : i32
        %parallel_loop3A_887 = arith.muli %parallel_loop3A_867, %parallel_loop3A_886 : i32
        %parallel_loop3A_888 = arith.constant 17408 : i32
        %parallel_loop3A_889 = arith.addi %parallel_loop3A_888, %parallel_loop3A_887 : i32
        %parallel_loop3A_890 = arith.index_cast %parallel_loop3A_889 : i32 to index
        %parallel_loop3A_891 = tpu.vector_load %arg7[%parallel_loop3A_890] {strides = array<i32>} : memref<32768xf32, #tpu.memory_space<vmem>>, vector<16xf32>,
        tpu.vector_store %arg7[%parallel_loop3A_890], %parallel_loop3A_885 {strides = array<i32>} : memref<32768xf32, #tpu.memory_space<vmem>>, vector<16xf32>,
        %parallel_loop3A_892 = arith.constant 8192 : i32
        %parallel_loop3A_893 = tpu.memref_slice %arg5[%parallel_loop3A_892] : memref<65536xf32, #tpu.memory_space<vmem>> -> memref<4096xf32, #tpu.memory_space<vmem>>
        %parallel_loop3A_894 = tpu.vector_load_idx %parallel_loop3A_893[%parallel_loop3A_873] : memref<4096xf32, #tpu.memory_space<vmem>>[vector<16xi32>], vector<16xf32>,
        %parallel_loop3A_895 = arith.constant 16 : i32
        %parallel_loop3A_896 = arith.muli %parallel_loop3A_867, %parallel_loop3A_895 : i32
        %parallel_loop3A_897 = arith.constant 18432 : i32
        %parallel_loop3A_898 = arith.addi %parallel_loop3A_897, %parallel_loop3A_896 : i32
        %parallel_loop3A_899 = arith.index_cast %parallel_loop3A_898 : i32 to index
        %parallel_loop3A_900 = tpu.vector_load %arg7[%parallel_loop3A_899] {strides = array<i32>} : memref<32768xf32, #tpu.memory_space<vmem>>, vector<16xf32>,
        tpu.vector_store %arg7[%parallel_loop3A_899], %parallel_loop3A_894 {strides = array<i32>} : memref<32768xf32, #tpu.memory_space<vmem>>, vector<16xf32>,
        %parallel_loop3A_901 = arith.constant 12288 : i32
        %parallel_loop3A_902 = tpu.memref_slice %arg5[%parallel_loop3A_901] : memref<65536xf32, #tpu.memory_space<vmem>> -> memref<4096xf32, #tpu.memory_space<vmem>>
        %parallel_loop3A_903 = tpu.vector_load_idx %parallel_loop3A_902[%parallel_loop3A_873] : memref<4096xf32, #tpu.memory_space<vmem>>[vector<16xi32>], vector<16xf32>,
        %parallel_loop3A_904 = arith.constant 16 : i32
        %parallel_loop3A_905 = arith.muli %parallel_loop3A_867, %parallel_loop3A_904 : i32
        %parallel_loop3A_906 = arith.constant 19456 : i32
        %parallel_loop3A_907 = arith.addi %parallel_loop3A_906, %parallel_loop3A_905 : i32
        %parallel_loop3A_908 = arith.index_cast %parallel_loop3A_907 : i32 to index
        %parallel_loop3A_909 = tpu.vector_load %arg7[%parallel_loop3A_908] {strides = array<i32>} : memref<32768xf32, #tpu.memory_space<vmem>>, vector<16xf32>,
        tpu.vector_store %arg7[%parallel_loop3A_908], %parallel_loop3A_903 {strides = array<i32>} : memref<32768xf32, #tpu.memory_space<vmem>>, vector<16xf32>,
        %parallel_loop3A_910 = arith.constant 16384 : i32
        %parallel_loop3A_911 = tpu.memref_slice %arg5[%parallel_loop3A_910] : memref<65536xf32, #tpu.memory_space<vmem>> -> memref<4096xf32, #tpu.memory_space<vmem>>
        %parallel_loop3A_912 = tpu.vector_load_idx %parallel_loop3A_911[%parallel_loop3A_873] : memref<4096xf32, #tpu.memory_space<vmem>>[vector<16xi32>], vector<16xf32>,
        %parallel_loop3A_913 = arith.constant 16 : i32
        %parallel_loop3A_914 = arith.muli %parallel_loop3A_867, %parallel_loop3A_913 : i32
        %parallel_loop3A_915 = arith.constant 20480 : i32
        %parallel_loop3A_916 = arith.addi %parallel_loop3A_915, %parallel_loop3A_914 : i32
        %parallel_loop3A_917 = arith.index_cast %parallel_loop3A_916 : i32 to index
        %parallel_loop3A_918 = tpu.vector_load %arg7[%parallel_loop3A_917] {strides = array<i32>} : memref<32768xf32, #tpu.memory_space<vmem>>, vector<16xf32>,
        tpu.vector_store %arg7[%parallel_loop3A_917], %parallel_loop3A_912 {strides = array<i32>} : memref<32768xf32, #tpu.memory_space<vmem>>, vector<16xf32>,
        %parallel_loop3A_919 = arith.constant 20480 : i32
        %parallel_loop3A_920 = tpu.memref_slice %arg5[%parallel_loop3A_919] : memref<65536xf32, #tpu.memory_space<vmem>> -> memref<4096xf32, #tpu.memory_space<vmem>>
        %parallel_loop3A_921 = tpu.vector_load_idx %parallel_loop3A_920[%parallel_loop3A_873] : memref<4096xf32, #tpu.memory_space<vmem>>[vector<16xi32>], vector<16xf32>,
        %parallel_loop3A_922 = arith.constant 16 : i32
        %parallel_loop3A_923 = arith.muli %parallel_loop3A_867, %parallel_loop3A_922 : i32
        %parallel_loop3A_924 = arith.constant 21504 : i32
        %parallel_loop3A_925 = arith.addi %parallel_loop3A_924, %parallel_loop3A_923 : i32
        %parallel_loop3A_926 = arith.index_cast %parallel_loop3A_925 : i32 to index
        %parallel_loop3A_927 = tpu.vector_load %arg7[%parallel_loop3A_926] {strides = array<i32>} : memref<32768xf32, #tpu.memory_space<vmem>>, vector<16xf32>,
        tpu.vector_store %arg7[%parallel_loop3A_926], %parallel_loop3A_921 {strides = array<i32>} : memref<32768xf32, #tpu.memory_space<vmem>>, vector<16xf32>,
        %parallel_loop3A_928 = arith.constant 24576 : i32
        %parallel_loop3A_929 = tpu.memref_slice %arg5[%parallel_loop3A_928] : memref<65536xf32, #tpu.memory_space<vmem>> -> memref<4096xf32, #tpu.memory_space<vmem>>
        %parallel_loop3A_930 = tpu.vector_load_idx %parallel_loop3A_929[%parallel_loop3A_873] : memref<4096xf32, #tpu.memory_space<vmem>>[vector<16xi32>], vector<16xf32>,
        %parallel_loop3A_931 = arith.constant 16 : i32
        %parallel_loop3A_932 = arith.muli %parallel_loop3A_867, %parallel_loop3A_931 : i32
        %parallel_loop3A_933 = arith.constant 22528 : i32
        %parallel_loop3A_934 = arith.addi %parallel_loop3A_933, %parallel_loop3A_932 : i32
        %parallel_loop3A_935 = arith.index_cast %parallel_loop3A_934 : i32 to index
        %parallel_loop3A_936 = tpu.vector_load %arg7[%parallel_loop3A_935] {strides = array<i32>} : memref<32768xf32, #tpu.memory_space<vmem>>, vector<16xf32>,
        tpu.vector_store %arg7[%parallel_loop3A_935], %parallel_loop3A_930 {strides = array<i32>} : memref<32768xf32, #tpu.memory_space<vmem>>, vector<16xf32>,
        %parallel_loop3A_937 = arith.constant 28672 : i32
        %parallel_loop3A_938 = tpu.memref_slice %arg5[%parallel_loop3A_937] : memref<65536xf32, #tpu.memory_space<vmem>> -> memref<4096xf32, #tpu.memory_space<vmem>>
        %parallel_loop3A_939 = tpu.vector_load_idx %parallel_loop3A_938[%parallel_loop3A_873] : memref<4096xf32, #tpu.memory_space<vmem>>[vector<16xi32>], vector<16xf32>,
        %parallel_loop3A_940 = arith.constant 16 : i32
        %parallel_loop3A_941 = arith.muli %parallel_loop3A_867, %parallel_loop3A_940 : i32
        %parallel_loop3A_942 = arith.constant 23552 : i32
        %parallel_loop3A_943 = arith.addi %parallel_loop3A_942, %parallel_loop3A_941 : i32
        %parallel_loop3A_944 = arith.index_cast %parallel_loop3A_943 : i32 to index
        %parallel_loop3A_945 = tpu.vector_load %arg7[%parallel_loop3A_944] {strides = array<i32>} : memref<32768xf32, #tpu.memory_space<vmem>>, vector<16xf32>,
        tpu.vector_store %arg7[%parallel_loop3A_944], %parallel_loop3A_939 {strides = array<i32>} : memref<32768xf32, #tpu.memory_space<vmem>>, vector<16xf32>,
        %parallel_loop3A_946 = arith.constant 32768 : i32
        %parallel_loop3A_947 = tpu.memref_slice %arg5[%parallel_loop3A_946] : memref<65536xf32, #tpu.memory_space<vmem>> -> memref<4096xf32, #tpu.memory_space<vmem>>
        %parallel_loop3A_948 = tpu.vector_load_idx %parallel_loop3A_947[%parallel_loop3A_873] : memref<4096xf32, #tpu.memory_space<vmem>>[vector<16xi32>], vector<16xf32>,
        %parallel_loop3A_949 = arith.constant 16 : i32
        %parallel_loop3A_950 = arith.muli %parallel_loop3A_867, %parallel_loop3A_949 : i32
        %parallel_loop3A_951 = arith.constant 24576 : i32
        %parallel_loop3A_952 = arith.addi %parallel_loop3A_951, %parallel_loop3A_950 : i32
        %parallel_loop3A_953 = arith.index_cast %parallel_loop3A_952 : i32 to index
        %parallel_loop3A_954 = tpu.vector_load %arg7[%parallel_loop3A_953] {strides = array<i32>} : memref<32768xf32, #tpu.memory_space<vmem>>, vector<16xf32>,
        tpu.vector_store %arg7[%parallel_loop3A_953], %parallel_loop3A_948 {strides = array<i32>} : memref<32768xf32, #tpu.memory_space<vmem>>, vector<16xf32>,
        %parallel_loop3A_955 = arith.constant 36864 : i32
        %parallel_loop3A_956 = tpu.memref_slice %arg5[%parallel_loop3A_955] : memref<65536xf32, #tpu.memory_space<vmem>> -> memref<4096xf32, #tpu.memory_space<vmem>>
        %parallel_loop3A_957 = tpu.vector_load_idx %parallel_loop3A_956[%parallel_loop3A_873] : memref<4096xf32, #tpu.memory_space<vmem>>[vector<16xi32>], vector<16xf32>,
        %parallel_loop3A_958 = arith.constant 16 : i32
        %parallel_loop3A_959 = arith.muli %parallel_loop3A_867, %parallel_loop3A_958 : i32
        %parallel_loop3A_960 = arith.constant 25600 : i32
        %parallel_loop3A_961 = arith.addi %parallel_loop3A_960, %parallel_loop3A_959 : i32
        %parallel_loop3A_962 = arith.index_cast %parallel_loop3A_961 : i32 to index
        %parallel_loop3A_963 = tpu.vector_load %arg7[%parallel_loop3A_962] {strides = array<i32>} : memref<32768xf32, #tpu.memory_space<vmem>>, vector<16xf32>,
        tpu.vector_store %arg7[%parallel_loop3A_962], %parallel_loop3A_957 {strides = array<i32>} : memref<32768xf32, #tpu.memory_space<vmem>>, vector<16xf32>,
        %parallel_loop3A_964 = arith.constant 40960 : i32
        %parallel_loop3A_965 = tpu.memref_slice %arg5[%parallel_loop3A_964] : memref<65536xf32, #tpu.memory_space<vmem>> -> memref<4096xf32, #tpu.memory_space<vmem>>
        %parallel_loop3A_966 = tpu.vector_load_idx %parallel_loop3A_965[%parallel_loop3A_873] : memref<4096xf32, #tpu.memory_space<vmem>>[vector<16xi32>], vector<16xf32>,
        %parallel_loop3A_967 = arith.constant 16 : i32
        %parallel_loop3A_968 = arith.muli %parallel_loop3A_867, %parallel_loop3A_967 : i32
        %parallel_loop3A_969 = arith.constant 26624 : i32
        %parallel_loop3A_970 = arith.addi %parallel_loop3A_969, %parallel_loop3A_968 : i32
        %parallel_loop3A_971 = arith.index_cast %parallel_loop3A_970 : i32 to index
        %parallel_loop3A_972 = tpu.vector_load %arg7[%parallel_loop3A_971] {strides = array<i32>} : memref<32768xf32, #tpu.memory_space<vmem>>, vector<16xf32>,
        tpu.vector_store %arg7[%parallel_loop3A_971], %parallel_loop3A_966 {strides = array<i32>} : memref<32768xf32, #tpu.memory_space<vmem>>, vector<16xf32>,
        %parallel_loop3A_973 = arith.constant 45056 : i32
        %parallel_loop3A_974 = tpu.memref_slice %arg5[%parallel_loop3A_973] : memref<65536xf32, #tpu.memory_space<vmem>> -> memref<4096xf32, #tpu.memory_space<vmem>>
        %parallel_loop3A_975 = tpu.vector_load_idx %parallel_loop3A_974[%parallel_loop3A_873] : memref<4096xf32, #tpu.memory_space<vmem>>[vector<16xi32>], vector<16xf32>,
        %parallel_loop3A_976 = arith.constant 16 : i32
        %parallel_loop3A_977 = arith.muli %parallel_loop3A_867, %parallel_loop3A_976 : i32
        %parallel_loop3A_978 = arith.constant 27648 : i32
        %parallel_loop3A_979 = arith.addi %parallel_loop3A_978, %parallel_loop3A_977 : i32
        %parallel_loop3A_980 = arith.index_cast %parallel_loop3A_979 : i32 to index
        %parallel_loop3A_981 = tpu.vector_load %arg7[%parallel_loop3A_980] {strides = array<i32>} : memref<32768xf32, #tpu.memory_space<vmem>>, vector<16xf32>,
        tpu.vector_store %arg7[%parallel_loop3A_980], %parallel_loop3A_975 {strides = array<i32>} : memref<32768xf32, #tpu.memory_space<vmem>>, vector<16xf32>,
        %parallel_loop3A_982 = arith.constant 49152 : i32
        %parallel_loop3A_983 = tpu.memref_slice %arg5[%parallel_loop3A_982] : memref<65536xf32, #tpu.memory_space<vmem>> -> memref<4096xf32, #tpu.memory_space<vmem>>
        %parallel_loop3A_984 = tpu.vector_load_idx %parallel_loop3A_983[%parallel_loop3A_873] : memref<4096xf32, #tpu.memory_space<vmem>>[vector<16xi32>], vector<16xf32>,
        %parallel_loop3A_985 = arith.constant 16 : i32
        %parallel_loop3A_986 = arith.muli %parallel_loop3A_867, %parallel_loop3A_985 : i32
        %parallel_loop3A_987 = arith.constant 28672 : i32
        %parallel_loop3A_988 = arith.addi %parallel_loop3A_987, %parallel_loop3A_986 : i32
        %parallel_loop3A_989 = arith.index_cast %parallel_loop3A_988 : i32 to index
        %parallel_loop3A_990 = tpu.vector_load %arg7[%parallel_loop3A_989] {strides = array<i32>} : memref<32768xf32, #tpu.memory_space<vmem>>, vector<16xf32>,
        tpu.vector_store %arg7[%parallel_loop3A_989], %parallel_loop3A_984 {strides = array<i32>} : memref<32768xf32, #tpu.memory_space<vmem>>, vector<16xf32>,
        %parallel_loop3A_991 = arith.constant 53248 : i32
        %parallel_loop3A_992 = tpu.memref_slice %arg5[%parallel_loop3A_991] : memref<65536xf32, #tpu.memory_space<vmem>> -> memref<4096xf32, #tpu.memory_space<vmem>>
        %parallel_loop3A_993 = tpu.vector_load_idx %parallel_loop3A_992[%parallel_loop3A_873] : memref<4096xf32, #tpu.memory_space<vmem>>[vector<16xi32>], vector<16xf32>,
        %parallel_loop3A_994 = arith.constant 16 : i32
        %parallel_loop3A_995 = arith.muli %parallel_loop3A_867, %parallel_loop3A_994 : i32
        %parallel_loop3A_996 = arith.constant 29696 : i32
        %parallel_loop3A_997 = arith.addi %parallel_loop3A_996, %parallel_loop3A_995 : i32
        %parallel_loop3A_998 = arith.index_cast %parallel_loop3A_997 : i32 to index
        %parallel_loop3A_999 = tpu.vector_load %arg7[%parallel_loop3A_998] {strides = array<i32>} : memref<32768xf32, #tpu.memory_space<vmem>>, vector<16xf32>,
        tpu.vector_store %arg7[%parallel_loop3A_998], %parallel_loop3A_993 {strides = array<i32>} : memref<32768xf32, #tpu.memory_space<vmem>>, vector<16xf32>,
        %parallel_loop3A_1000 = arith.constant 57344 : i32
        %parallel_loop3A_1001 = tpu.memref_slice %arg5[%parallel_loop3A_1000] : memref<65536xf32, #tpu.memory_space<vmem>> -> memref<4096xf32, #tpu.memory_space<vmem>>
        %parallel_loop3A_1002 = tpu.vector_load_idx %parallel_loop3A_1001[%parallel_loop3A_873] : memref<4096xf32, #tpu.memory_space<vmem>>[vector<16xi32>], vector<16xf32>,
        %parallel_loop3A_1003 = arith.constant 16 : i32
        %parallel_loop3A_1004 = arith.muli %parallel_loop3A_867, %parallel_loop3A_1003 : i32
        %parallel_loop3A_1005 = arith.constant 30720 : i32
        %parallel_loop3A_1006 = arith.addi %parallel_loop3A_1005, %parallel_loop3A_1004 : i32
        %parallel_loop3A_1007 = arith.index_cast %parallel_loop3A_1006 : i32 to index
        %parallel_loop3A_1008 = tpu.vector_load %arg7[%parallel_loop3A_1007] {strides = array<i32>} : memref<32768xf32, #tpu.memory_space<vmem>>, vector<16xf32>,
        tpu.vector_store %arg7[%parallel_loop3A_1007], %parallel_loop3A_1002 {strides = array<i32>} : memref<32768xf32, #tpu.memory_space<vmem>>, vector<16xf32>,
        %parallel_loop3A_1009 = arith.constant 61440 : i32
        %parallel_loop3A_1010 = tpu.memref_slice %arg5[%parallel_loop3A_1009] : memref<65536xf32, #tpu.memory_space<vmem>> -> memref<4096xf32, #tpu.memory_space<vmem>>
        %parallel_loop3A_1011 = tpu.vector_load_idx %parallel_loop3A_1010[%parallel_loop3A_873] : memref<4096xf32, #tpu.memory_space<vmem>>[vector<16xi32>], vector<16xf32>,
        %parallel_loop3A_1012 = arith.constant 16 : i32
        %parallel_loop3A_1013 = arith.muli %parallel_loop3A_867, %parallel_loop3A_1012 : i32
        %parallel_loop3A_1014 = arith.constant 31744 : i32
        %parallel_loop3A_1015 = arith.addi %parallel_loop3A_1014, %parallel_loop3A_1013 : i32
        %parallel_loop3A_1016 = arith.index_cast %parallel_loop3A_1015 : i32 to index
        %parallel_loop3A_1017 = tpu.vector_load %arg7[%parallel_loop3A_1016] {strides = array<i32>} : memref<32768xf32, #tpu.memory_space<vmem>>, vector<16xf32>,
        tpu.vector_store %arg7[%parallel_loop3A_1016], %parallel_loop3A_1011 {strides = array<i32>} : memref<32768xf32, #tpu.memory_space<vmem>>, vector<16xf32>,
      } {sc.loop_unroll_factor = 4 : i64, sc.parallel_access}
      %add3A_670 = arith.addi %mul3A_2, %add3A_646 : i32
      %dma_start3A_671 = arith.constant 0 : i32
      %dma_start3A_672 = arith.constant 16384 : i32
      %dma_start3A_673 = tpu.memref_slice %arg7[%dma_start3A_672] : memref<32768xf32, #tpu.memory_space<vmem>> -> memref<1024xf32, #tpu.memory_space<vmem>>
      %dma_start3A_674 = arith.constant 0 : i32
      %dma_start3A_675 = tpu.memref_slice %arg4[%dma_start3A_671, %add3A_670, %dma_start3A_674] : memref<16x1024x1024xf32, #tpu.memory_space<hbm>> -> memref<1x1x1024xf32, #tpu.memory_space<hbm>>
      %dma_start3A_676 = tpu.memref_squeeze %dma_start3A_675 : memref<1x1x1024xf32, #tpu.memory_space<hbm>> -> memref<1024xf32, #tpu.memory_space<hbm>>
      %dma_start3A_677 = arith.constant 0 : i32
      %dma_start3A_678 = tpu.memref_slice %arg4[%dma_start3A_671, %add3A_670, %dma_start3A_677] : memref<16x1024x1024xf32, #tpu.memory_space<hbm>> -> memref<1x1x1024xf32, #tpu.memory_space<hbm>>
      %dma_start3A_679 = tpu.memref_squeeze %dma_start3A_678 : memref<1x1x1024xf32, #tpu.memory_space<hbm>> -> memref<1024xf32, #tpu.memory_space<hbm>>
      %dma_start3A_680 = arith.constant 16384 : i32
      %dma_start3A_681 = tpu.memref_slice %arg7[%dma_start3A_680] : memref<32768xf32, #tpu.memory_space<vmem>> -> memref<1024xf32, #tpu.memory_space<vmem>>
      tpu.enqueue_dma source(%dma_start3A_681 : memref<1024xf32, #tpu.memory_space<vmem>>) target(%dma_start3A_679 : memref<1024xf32, #tpu.memory_space<hbm>>) target_semaphore(%arg12 : memref<!tpu.dma_semaphore, #tpu.memory_space<semaphore_mem>>)
      %add3A_682 = arith.addi %mul3A_2, %add3A_646 : i32
      %dma_start3A_683 = arith.constant 1 : i32
      %dma_start3A_684 = arith.constant 17408 : i32
      %dma_start3A_685 = tpu.memref_slice %arg7[%dma_start3A_684] : memref<32768xf32, #tpu.memory_space<vmem>> -> memref<1024xf32, #tpu.memory_space<vmem>>
      %dma_start3A_686 = arith.constant 0 : i32
      %dma_start3A_687 = tpu.memref_slice %arg4[%dma_start3A_683, %add3A_682, %dma_start3A_686] : memref<16x1024x1024xf32, #tpu.memory_space<hbm>> -> memref<1x1x1024xf32, #tpu.memory_space<hbm>>
      %dma_start3A_688 = tpu.memref_squeeze %dma_start3A_687 : memref<1x1x1024xf32, #tpu.memory_space<hbm>> -> memref<1024xf32, #tpu.memory_space<hbm>>
      %dma_start3A_689 = arith.constant 0 : i32
      %dma_start3A_690 = tpu.memref_slice %arg4[%dma_start3A_683, %add3A_682, %dma_start3A_689] : memref<16x1024x1024xf32, #tpu.memory_space<hbm>> -> memref<1x1x1024xf32, #tpu.memory_space<hbm>>
      %dma_start3A_691 = tpu.memref_squeeze %dma_start3A_690 : memref<1x1x1024xf32, #tpu.memory_space<hbm>> -> memref<1024xf32, #tpu.memory_space<hbm>>
      %dma_start3A_692 = arith.constant 17408 : i32
      %dma_start3A_693 = tpu.memref_slice %arg7[%dma_start3A_692] : memref<32768xf32, #tpu.memory_space<vmem>> -> memref<1024xf32, #tpu.memory_space<vmem>>
      tpu.enqueue_dma source(%dma_start3A_693 : memref<1024xf32, #tpu.memory_space<vmem>>) target(%dma_start3A_691 : memref<1024xf32, #tpu.memory_space<hbm>>) target_semaphore(%arg12 : memref<!tpu.dma_semaphore, #tpu.memory_space<semaphore_mem>>)
      %add3A_694 = arith.addi %mul3A_2, %add3A_646 : i32
      %dma_start3A_695 = arith.constant 2 : i32
      %dma_start3A_696 = arith.constant 18432 : i32
      %dma_start3A_697 = tpu.memref_slice %arg7[%dma_start3A_696] : memref<32768xf32, #tpu.memory_space<vmem>> -> memref<1024xf32, #tpu.memory_space<vmem>>
      %dma_start3A_698 = arith.constant 0 : i32
      %dma_start3A_699 = tpu.memref_slice %arg4[%dma_start3A_695, %add3A_694, %dma_start3A_698] : memref<16x1024x1024xf32, #tpu.memory_space<hbm>> -> memref<1x1x1024xf32, #tpu.memory_space<hbm>>
      %dma_start3A_700 = tpu.memref_squeeze %dma_start3A_699 : memref<1x1x1024xf32, #tpu.memory_space<hbm>> -> memref<1024xf32, #tpu.memory_space<hbm>>
      %dma_start3A_701 = arith.constant 0 : i32
      %dma_start3A_702 = tpu.memref_slice %arg4[%dma_start3A_695, %add3A_694, %dma_start3A_701] : memref<16x1024x1024xf32, #tpu.memory_space<hbm>> -> memref<1x1x1024xf32, #tpu.memory_space<hbm>>
      %dma_start3A_703 = tpu.memref_squeeze %dma_start3A_702 : memref<1x1x1024xf32, #tpu.memory_space<hbm>> -> memref<1024xf32, #tpu.memory_space<hbm>>
      %dma_start3A_704 = arith.constant 18432 : i32
      %dma_start3A_705 = tpu.memref_slice %arg7[%dma_start3A_704] : memref<32768xf32, #tpu.memory_space<vmem>> -> memref<1024xf32, #tpu.memory_space<vmem>>
      tpu.enqueue_dma source(%dma_start3A_705 : memref<1024xf32, #tpu.memory_space<vmem>>) target(%dma_start3A_703 : memref<1024xf32, #tpu.memory_space<hbm>>) target_semaphore(%arg12 : memref<!tpu.dma_semaphore, #tpu.memory_space<semaphore_mem>>)
      %add3A_706 = arith.addi %mul3A_2, %add3A_646 : i32
      %dma_start3A_707 = arith.constant 3 : i32
      %dma_start3A_708 = arith.constant 19456 : i32
      %dma_start3A_709 = tpu.memref_slice %arg7[%dma_start3A_708] : memref<32768xf32, #tpu.memory_space<vmem>> -> memref<1024xf32, #tpu.memory_space<vmem>>
      %dma_start3A_710 = arith.constant 0 : i32
      %dma_start3A_711 = tpu.memref_slice %arg4[%dma_start3A_707, %add3A_706, %dma_start3A_710] : memref<16x1024x1024xf32, #tpu.memory_space<hbm>> -> memref<1x1x1024xf32, #tpu.memory_space<hbm>>
      %dma_start3A_712 = tpu.memref_squeeze %dma_start3A_711 : memref<1x1x1024xf32, #tpu.memory_space<hbm>> -> memref<1024xf32, #tpu.memory_space<hbm>>
      %dma_start3A_713 = arith.constant 0 : i32
      %dma_start3A_714 = tpu.memref_slice %arg4[%dma_start3A_707, %add3A_706, %dma_start3A_713] : memref<16x1024x1024xf32, #tpu.memory_space<hbm>> -> memref<1x1x1024xf32, #tpu.memory_space<hbm>>
      %dma_start3A_715 = tpu.memref_squeeze %dma_start3A_714 : memref<1x1x1024xf32, #tpu.memory_space<hbm>> -> memref<1024xf32, #tpu.memory_space<hbm>>
      %dma_start3A_716 = arith.constant 19456 : i32
      %dma_start3A_717 = tpu.memref_slice %arg7[%dma_start3A_716] : memref<32768xf32, #tpu.memory_space<vmem>> -> memref<1024xf32, #tpu.memory_space<vmem>>
      tpu.enqueue_dma source(%dma_start3A_717 : memref<1024xf32, #tpu.memory_space<vmem>>) target(%dma_start3A_715 : memref<1024xf32, #tpu.memory_space<hbm>>) target_semaphore(%arg12 : memref<!tpu.dma_semaphore, #tpu.memory_space<semaphore_mem>>)
      %add3A_718 = arith.addi %mul3A_2, %add3A_646 : i32
      %dma_start3A_719 = arith.constant 4 : i32
      %dma_start3A_720 = arith.constant 20480 : i32
      %dma_start3A_721 = tpu.memref_slice %arg7[%dma_start3A_720] : memref<32768xf32, #tpu.memory_space<vmem>> -> memref<1024xf32, #tpu.memory_space<vmem>>
      %dma_start3A_722 = arith.constant 0 : i32
      %dma_start3A_723 = tpu.memref_slice %arg4[%dma_start3A_719, %add3A_718, %dma_start3A_722] : memref<16x1024x1024xf32, #tpu.memory_space<hbm>> -> memref<1x1x1024xf32, #tpu.memory_space<hbm>>
      %dma_start3A_724 = tpu.memref_squeeze %dma_start3A_723 : memref<1x1x1024xf32, #tpu.memory_space<hbm>> -> memref<1024xf32, #tpu.memory_space<hbm>>
      %dma_start3A_725 = arith.constant 0 : i32
      %dma_start3A_726 = tpu.memref_slice %arg4[%dma_start3A_719, %add3A_718, %dma_start3A_725] : memref<16x1024x1024xf32, #tpu.memory_space<hbm>> -> memref<1x1x1024xf32, #tpu.memory_space<hbm>>
      %dma_start3A_727 = tpu.memref_squeeze %dma_start3A_726 : memref<1x1x1024xf32, #tpu.memory_space<hbm>> -> memref<1024xf32, #tpu.memory_space<hbm>>
      %dma_start3A_728 = arith.constant 20480 : i32
      %dma_start3A_729 = tpu.memref_slice %arg7[%dma_start3A_728] : memref<32768xf32, #tpu.memory_space<vmem>> -> memref<1024xf32, #tpu.memory_space<vmem>>
      tpu.enqueue_dma source(%dma_start3A_729 : memref<1024xf32, #tpu.memory_space<vmem>>) target(%dma_start3A_727 : memref<1024xf32, #tpu.memory_space<hbm>>) target_semaphore(%arg12 : memref<!tpu.dma_semaphore, #tpu.memory_space<semaphore_mem>>)
      %add3A_730 = arith.addi %mul3A_2, %add3A_646 : i32
      %dma_start3A_731 = arith.constant 5 : i32
      %dma_start3A_732 = arith.constant 21504 : i32
      %dma_start3A_733 = tpu.memref_slice %arg7[%dma_start3A_732] : memref<32768xf32, #tpu.memory_space<vmem>> -> memref<1024xf32, #tpu.memory_space<vmem>>
      %dma_start3A_734 = arith.constant 0 : i32
      %dma_start3A_735 = tpu.memref_slice %arg4[%dma_start3A_731, %add3A_730, %dma_start3A_734] : memref<16x1024x1024xf32, #tpu.memory_space<hbm>> -> memref<1x1x1024xf32, #tpu.memory_space<hbm>>
      %dma_start3A_736 = tpu.memref_squeeze %dma_start3A_735 : memref<1x1x1024xf32, #tpu.memory_space<hbm>> -> memref<1024xf32, #tpu.memory_space<hbm>>
      %dma_start3A_737 = arith.constant 0 : i32
      %dma_start3A_738 = tpu.memref_slice %arg4[%dma_start3A_731, %add3A_730, %dma_start3A_737] : memref<16x1024x1024xf32, #tpu.memory_space<hbm>> -> memref<1x1x1024xf32, #tpu.memory_space<hbm>>
      %dma_start3A_739 = tpu.memref_squeeze %dma_start3A_738 : memref<1x1x1024xf32, #tpu.memory_space<hbm>> -> memref<1024xf32, #tpu.memory_space<hbm>>
      %dma_start3A_740 = arith.constant 21504 : i32
      %dma_start3A_741 = tpu.memref_slice %arg7[%dma_start3A_740] : memref<32768xf32, #tpu.memory_space<vmem>> -> memref<1024xf32, #tpu.memory_space<vmem>>
      tpu.enqueue_dma source(%dma_start3A_741 : memref<1024xf32, #tpu.memory_space<vmem>>) target(%dma_start3A_739 : memref<1024xf32, #tpu.memory_space<hbm>>) target_semaphore(%arg12 : memref<!tpu.dma_semaphore, #tpu.memory_space<semaphore_mem>>)
      %add3A_742 = arith.addi %mul3A_2, %add3A_646 : i32
      %dma_start3A_743 = arith.constant 6 : i32
      %dma_start3A_744 = arith.constant 22528 : i32
      %dma_start3A_745 = tpu.memref_slice %arg7[%dma_start3A_744] : memref<32768xf32, #tpu.memory_space<vmem>> -> memref<1024xf32, #tpu.memory_space<vmem>>
      %dma_start3A_746 = arith.constant 0 : i32
      %dma_start3A_747 = tpu.memref_slice %arg4[%dma_start3A_743, %add3A_742, %dma_start3A_746] : memref<16x1024x1024xf32, #tpu.memory_space<hbm>> -> memref<1x1x1024xf32, #tpu.memory_space<hbm>>
      %dma_start3A_748 = tpu.memref_squeeze %dma_start3A_747 : memref<1x1x1024xf32, #tpu.memory_space<hbm>> -> memref<1024xf32, #tpu.memory_space<hbm>>
      %dma_start3A_749 = arith.constant 0 : i32
      %dma_start3A_750 = tpu.memref_slice %arg4[%dma_start3A_743, %add3A_742, %dma_start3A_749] : memref<16x1024x1024xf32, #tpu.memory_space<hbm>> -> memref<1x1x1024xf32, #tpu.memory_space<hbm>>
      %dma_start3A_751 = tpu.memref_squeeze %dma_start3A_750 : memref<1x1x1024xf32, #tpu.memory_space<hbm>> -> memref<1024xf32, #tpu.memory_space<hbm>>
      %dma_start3A_752 = arith.constant 22528 : i32
      %dma_start3A_753 = tpu.memref_slice %arg7[%dma_start3A_752] : memref<32768xf32, #tpu.memory_space<vmem>> -> memref<1024xf32, #tpu.memory_space<vmem>>
      tpu.enqueue_dma source(%dma_start3A_753 : memref<1024xf32, #tpu.memory_space<vmem>>) target(%dma_start3A_751 : memref<1024xf32, #tpu.memory_space<hbm>>) target_semaphore(%arg12 : memref<!tpu.dma_semaphore, #tpu.memory_space<semaphore_mem>>)
      %add3A_754 = arith.addi %mul3A_2, %add3A_646 : i32
      %dma_start3A_755 = arith.constant 7 : i32
      %dma_start3A_756 = arith.constant 23552 : i32
      %dma_start3A_757 = tpu.memref_slice %arg7[%dma_start3A_756] : memref<32768xf32, #tpu.memory_space<vmem>> -> memref<1024xf32, #tpu.memory_space<vmem>>
      %dma_start3A_758 = arith.constant 0 : i32
      %dma_start3A_759 = tpu.memref_slice %arg4[%dma_start3A_755, %add3A_754, %dma_start3A_758] : memref<16x1024x1024xf32, #tpu.memory_space<hbm>> -> memref<1x1x1024xf32, #tpu.memory_space<hbm>>
      %dma_start3A_760 = tpu.memref_squeeze %dma_start3A_759 : memref<1x1x1024xf32, #tpu.memory_space<hbm>> -> memref<1024xf32, #tpu.memory_space<hbm>>
      %dma_start3A_761 = arith.constant 0 : i32
      %dma_start3A_762 = tpu.memref_slice %arg4[%dma_start3A_755, %add3A_754, %dma_start3A_761] : memref<16x1024x1024xf32, #tpu.memory_space<hbm>> -> memref<1x1x1024xf32, #tpu.memory_space<hbm>>
      %dma_start3A_763 = tpu.memref_squeeze %dma_start3A_762 : memref<1x1x1024xf32, #tpu.memory_space<hbm>> -> memref<1024xf32, #tpu.memory_space<hbm>>
      %dma_start3A_764 = arith.constant 23552 : i32
      %dma_start3A_765 = tpu.memref_slice %arg7[%dma_start3A_764] : memref<32768xf32, #tpu.memory_space<vmem>> -> memref<1024xf32, #tpu.memory_space<vmem>>
      tpu.enqueue_dma source(%dma_start3A_765 : memref<1024xf32, #tpu.memory_space<vmem>>) target(%dma_start3A_763 : memref<1024xf32, #tpu.memory_space<hbm>>) target_semaphore(%arg12 : memref<!tpu.dma_semaphore, #tpu.memory_space<semaphore_mem>>)
      %add3A_766 = arith.addi %mul3A_2, %add3A_646 : i32
      %dma_start3A_767 = arith.constant 8 : i32
      %dma_start3A_768 = arith.constant 24576 : i32
      %dma_start3A_769 = tpu.memref_slice %arg7[%dma_start3A_768] : memref<32768xf32, #tpu.memory_space<vmem>> -> memref<1024xf32, #tpu.memory_space<vmem>>
      %dma_start3A_770 = arith.constant 0 : i32
      %dma_start3A_771 = tpu.memref_slice %arg4[%dma_start3A_767, %add3A_766, %dma_start3A_770] : memref<16x1024x1024xf32, #tpu.memory_space<hbm>> -> memref<1x1x1024xf32, #tpu.memory_space<hbm>>
      %dma_start3A_772 = tpu.memref_squeeze %dma_start3A_771 : memref<1x1x1024xf32, #tpu.memory_space<hbm>> -> memref<1024xf32, #tpu.memory_space<hbm>>
      %dma_start3A_773 = arith.constant 0 : i32
      %dma_start3A_774 = tpu.memref_slice %arg4[%dma_start3A_767, %add3A_766, %dma_start3A_773] : memref<16x1024x1024xf32, #tpu.memory_space<hbm>> -> memref<1x1x1024xf32, #tpu.memory_space<hbm>>
      %dma_start3A_775 = tpu.memref_squeeze %dma_start3A_774 : memref<1x1x1024xf32, #tpu.memory_space<hbm>> -> memref<1024xf32, #tpu.memory_space<hbm>>
      %dma_start3A_776 = arith.constant 24576 : i32
      %dma_start3A_777 = tpu.memref_slice %arg7[%dma_start3A_776] : memref<32768xf32, #tpu.memory_space<vmem>> -> memref<1024xf32, #tpu.memory_space<vmem>>
      tpu.enqueue_dma source(%dma_start3A_777 : memref<1024xf32, #tpu.memory_space<vmem>>) target(%dma_start3A_775 : memref<1024xf32, #tpu.memory_space<hbm>>) target_semaphore(%arg12 : memref<!tpu.dma_semaphore, #tpu.memory_space<semaphore_mem>>)
      %add3A_778 = arith.addi %mul3A_2, %add3A_646 : i32
      %dma_start3A_779 = arith.constant 9 : i32
      %dma_start3A_780 = arith.constant 25600 : i32
      %dma_start3A_781 = tpu.memref_slice %arg7[%dma_start3A_780] : memref<32768xf32, #tpu.memory_space<vmem>> -> memref<1024xf32, #tpu.memory_space<vmem>>
      %dma_start3A_782 = arith.constant 0 : i32
      %dma_start3A_783 = tpu.memref_slice %arg4[%dma_start3A_779, %add3A_778, %dma_start3A_782] : memref<16x1024x1024xf32, #tpu.memory_space<hbm>> -> memref<1x1x1024xf32, #tpu.memory_space<hbm>>
      %dma_start3A_784 = tpu.memref_squeeze %dma_start3A_783 : memref<1x1x1024xf32, #tpu.memory_space<hbm>> -> memref<1024xf32, #tpu.memory_space<hbm>>
      %dma_start3A_785 = arith.constant 0 : i32
      %dma_start3A_786 = tpu.memref_slice %arg4[%dma_start3A_779, %add3A_778, %dma_start3A_785] : memref<16x1024x1024xf32, #tpu.memory_space<hbm>> -> memref<1x1x1024xf32, #tpu.memory_space<hbm>>
      %dma_start3A_787 = tpu.memref_squeeze %dma_start3A_786 : memref<1x1x1024xf32, #tpu.memory_space<hbm>> -> memref<1024xf32, #tpu.memory_space<hbm>>
      %dma_start3A_788 = arith.constant 25600 : i32
      %dma_start3A_789 = tpu.memref_slice %arg7[%dma_start3A_788] : memref<32768xf32, #tpu.memory_space<vmem>> -> memref<1024xf32, #tpu.memory_space<vmem>>
      tpu.enqueue_dma source(%dma_start3A_789 : memref<1024xf32, #tpu.memory_space<vmem>>) target(%dma_start3A_787 : memref<1024xf32, #tpu.memory_space<hbm>>) target_semaphore(%arg12 : memref<!tpu.dma_semaphore, #tpu.memory_space<semaphore_mem>>)
      %add3A_790 = arith.addi %mul3A_2, %add3A_646 : i32
      %dma_start3A_791 = arith.constant 10 : i32
      %dma_start3A_792 = arith.constant 26624 : i32
      %dma_start3A_793 = tpu.memref_slice %arg7[%dma_start3A_792] : memref<32768xf32, #tpu.memory_space<vmem>> -> memref<1024xf32, #tpu.memory_space<vmem>>
      %dma_start3A_794 = arith.constant 0 : i32
      %dma_start3A_795 = tpu.memref_slice %arg4[%dma_start3A_791, %add3A_790, %dma_start3A_794] : memref<16x1024x1024xf32, #tpu.memory_space<hbm>> -> memref<1x1x1024xf32, #tpu.memory_space<hbm>>
      %dma_start3A_796 = tpu.memref_squeeze %dma_start3A_795 : memref<1x1x1024xf32, #tpu.memory_space<hbm>> -> memref<1024xf32, #tpu.memory_space<hbm>>
      %dma_start3A_797 = arith.constant 0 : i32
      %dma_start3A_798 = tpu.memref_slice %arg4[%dma_start3A_791, %add3A_790, %dma_start3A_797] : memref<16x1024x1024xf32, #tpu.memory_space<hbm>> -> memref<1x1x1024xf32, #tpu.memory_space<hbm>>
      %dma_start3A_799 = tpu.memref_squeeze %dma_start3A_798 : memref<1x1x1024xf32, #tpu.memory_space<hbm>> -> memref<1024xf32, #tpu.memory_space<hbm>>
      %dma_start3A_800 = arith.constant 26624 : i32
      %dma_start3A_801 = tpu.memref_slice %arg7[%dma_start3A_800] : memref<32768xf32, #tpu.memory_space<vmem>> -> memref<1024xf32, #tpu.memory_space<vmem>>
      tpu.enqueue_dma source(%dma_start3A_801 : memref<1024xf32, #tpu.memory_space<vmem>>) target(%dma_start3A_799 : memref<1024xf32, #tpu.memory_space<hbm>>) target_semaphore(%arg12 : memref<!tpu.dma_semaphore, #tpu.memory_space<semaphore_mem>>)
      %add3A_802 = arith.addi %mul3A_2, %add3A_646 : i32
      %dma_start3A_803 = arith.constant 11 : i32
      %dma_start3A_804 = arith.constant 27648 : i32
      %dma_start3A_805 = tpu.memref_slice %arg7[%dma_start3A_804] : memref<32768xf32, #tpu.memory_space<vmem>> -> memref<1024xf32, #tpu.memory_space<vmem>>
      %dma_start3A_806 = arith.constant 0 : i32
      %dma_start3A_807 = tpu.memref_slice %arg4[%dma_start3A_803, %add3A_802, %dma_start3A_806] : memref<16x1024x1024xf32, #tpu.memory_space<hbm>> -> memref<1x1x1024xf32, #tpu.memory_space<hbm>>
      %dma_start3A_808 = tpu.memref_squeeze %dma_start3A_807 : memref<1x1x1024xf32, #tpu.memory_space<hbm>> -> memref<1024xf32, #tpu.memory_space<hbm>>
      %dma_start3A_809 = arith.constant 0 : i32
      %dma_start3A_810 = tpu.memref_slice %arg4[%dma_start3A_803, %add3A_802, %dma_start3A_809] : memref<16x1024x1024xf32, #tpu.memory_space<hbm>> -> memref<1x1x1024xf32, #tpu.memory_space<hbm>>
      %dma_start3A_811 = tpu.memref_squeeze %dma_start3A_810 : memref<1x1x1024xf32, #tpu.memory_space<hbm>> -> memref<1024xf32, #tpu.memory_space<hbm>>
      %dma_start3A_812 = arith.constant 27648 : i32
      %dma_start3A_813 = tpu.memref_slice %arg7[%dma_start3A_812] : memref<32768xf32, #tpu.memory_space<vmem>> -> memref<1024xf32, #tpu.memory_space<vmem>>
      tpu.enqueue_dma source(%dma_start3A_813 : memref<1024xf32, #tpu.memory_space<vmem>>) target(%dma_start3A_811 : memref<1024xf32, #tpu.memory_space<hbm>>) target_semaphore(%arg12 : memref<!tpu.dma_semaphore, #tpu.memory_space<semaphore_mem>>)
      %add3A_814 = arith.addi %mul3A_2, %add3A_646 : i32
      %dma_start3A_815 = arith.constant 12 : i32
      %dma_start3A_816 = arith.constant 28672 : i32
      %dma_start3A_817 = tpu.memref_slice %arg7[%dma_start3A_816] : memref<32768xf32, #tpu.memory_space<vmem>> -> memref<1024xf32, #tpu.memory_space<vmem>>
      %dma_start3A_818 = arith.constant 0 : i32
      %dma_start3A_819 = tpu.memref_slice %arg4[%dma_start3A_815, %add3A_814, %dma_start3A_818] : memref<16x1024x1024xf32, #tpu.memory_space<hbm>> -> memref<1x1x1024xf32, #tpu.memory_space<hbm>>
      %dma_start3A_820 = tpu.memref_squeeze %dma_start3A_819 : memref<1x1x1024xf32, #tpu.memory_space<hbm>> -> memref<1024xf32, #tpu.memory_space<hbm>>
      %dma_start3A_821 = arith.constant 0 : i32
      %dma_start3A_822 = tpu.memref_slice %arg4[%dma_start3A_815, %add3A_814, %dma_start3A_821] : memref<16x1024x1024xf32, #tpu.memory_space<hbm>> -> memref<1x1x1024xf32, #tpu.memory_space<hbm>>
      %dma_start3A_823 = tpu.memref_squeeze %dma_start3A_822 : memref<1x1x1024xf32, #tpu.memory_space<hbm>> -> memref<1024xf32, #tpu.memory_space<hbm>>
      %dma_start3A_824 = arith.constant 28672 : i32
      %dma_start3A_825 = tpu.memref_slice %arg7[%dma_start3A_824] : memref<32768xf32, #tpu.memory_space<vmem>> -> memref<1024xf32, #tpu.memory_space<vmem>>
      tpu.enqueue_dma source(%dma_start3A_825 : memref<1024xf32, #tpu.memory_space<vmem>>) target(%dma_start3A_823 : memref<1024xf32, #tpu.memory_space<hbm>>) target_semaphore(%arg12 : memref<!tpu.dma_semaphore, #tpu.memory_space<semaphore_mem>>)
      %add3A_826 = arith.addi %mul3A_2, %add3A_646 : i32
      %dma_start3A_827 = arith.constant 13 : i32
      %dma_start3A_828 = arith.constant 29696 : i32
      %dma_start3A_829 = tpu.memref_slice %arg7[%dma_start3A_828] : memref<32768xf32, #tpu.memory_space<vmem>> -> memref<1024xf32, #tpu.memory_space<vmem>>
      %dma_start3A_830 = arith.constant 0 : i32
      %dma_start3A_831 = tpu.memref_slice %arg4[%dma_start3A_827, %add3A_826, %dma_start3A_830] : memref<16x1024x1024xf32, #tpu.memory_space<hbm>> -> memref<1x1x1024xf32, #tpu.memory_space<hbm>>
      %dma_start3A_832 = tpu.memref_squeeze %dma_start3A_831 : memref<1x1x1024xf32, #tpu.memory_space<hbm>> -> memref<1024xf32, #tpu.memory_space<hbm>>
      %dma_start3A_833 = arith.constant 0 : i32
      %dma_start3A_834 = tpu.memref_slice %arg4[%dma_start3A_827, %add3A_826, %dma_start3A_833] : memref<16x1024x1024xf32, #tpu.memory_space<hbm>> -> memref<1x1x1024xf32, #tpu.memory_space<hbm>>
      %dma_start3A_835 = tpu.memref_squeeze %dma_start3A_834 : memref<1x1x1024xf32, #tpu.memory_space<hbm>> -> memref<1024xf32, #tpu.memory_space<hbm>>
      %dma_start3A_836 = arith.constant 29696 : i32
      %dma_start3A_837 = tpu.memref_slice %arg7[%dma_start3A_836] : memref<32768xf32, #tpu.memory_space<vmem>> -> memref<1024xf32, #tpu.memory_space<vmem>>
      tpu.enqueue_dma source(%dma_start3A_837 : memref<1024xf32, #tpu.memory_space<vmem>>) target(%dma_start3A_835 : memref<1024xf32, #tpu.memory_space<hbm>>) target_semaphore(%arg12 : memref<!tpu.dma_semaphore, #tpu.memory_space<semaphore_mem>>)
      %add3A_838 = arith.addi %mul3A_2, %add3A_646 : i32
      %dma_start3A_839 = arith.constant 14 : i32
      %dma_start3A_840 = arith.constant 30720 : i32
      %dma_start3A_841 = tpu.memref_slice %arg7[%dma_start3A_840] : memref<32768xf32, #tpu.memory_space<vmem>> -> memref<1024xf32, #tpu.memory_space<vmem>>
      %dma_start3A_842 = arith.constant 0 : i32
      %dma_start3A_843 = tpu.memref_slice %arg4[%dma_start3A_839, %add3A_838, %dma_start3A_842] : memref<16x1024x1024xf32, #tpu.memory_space<hbm>> -> memref<1x1x1024xf32, #tpu.memory_space<hbm>>
      %dma_start3A_844 = tpu.memref_squeeze %dma_start3A_843 : memref<1x1x1024xf32, #tpu.memory_space<hbm>> -> memref<1024xf32, #tpu.memory_space<hbm>>
      %dma_start3A_845 = arith.constant 0 : i32
      %dma_start3A_846 = tpu.memref_slice %arg4[%dma_start3A_839, %add3A_838, %dma_start3A_845] : memref<16x1024x1024xf32, #tpu.memory_space<hbm>> -> memref<1x1x1024xf32, #tpu.memory_space<hbm>>
      %dma_start3A_847 = tpu.memref_squeeze %dma_start3A_846 : memref<1x1x1024xf32, #tpu.memory_space<hbm>> -> memref<1024xf32, #tpu.memory_space<hbm>>
      %dma_start3A_848 = arith.constant 30720 : i32
      %dma_start3A_849 = tpu.memref_slice %arg7[%dma_start3A_848] : memref<32768xf32, #tpu.memory_space<vmem>> -> memref<1024xf32, #tpu.memory_space<vmem>>
      tpu.enqueue_dma source(%dma_start3A_849 : memref<1024xf32, #tpu.memory_space<vmem>>) target(%dma_start3A_847 : memref<1024xf32, #tpu.memory_space<hbm>>) target_semaphore(%arg12 : memref<!tpu.dma_semaphore, #tpu.memory_space<semaphore_mem>>)
      %add3A_850 = arith.addi %mul3A_2, %add3A_646 : i32
      %dma_start3A_851 = arith.constant 15 : i32
      %dma_start3A_852 = arith.constant 31744 : i32
      %dma_start3A_853 = tpu.memref_slice %arg7[%dma_start3A_852] : memref<32768xf32, #tpu.memory_space<vmem>> -> memref<1024xf32, #tpu.memory_space<vmem>>
      %dma_start3A_854 = arith.constant 0 : i32
      %dma_start3A_855 = tpu.memref_slice %arg4[%dma_start3A_851, %add3A_850, %dma_start3A_854] : memref<16x1024x1024xf32, #tpu.memory_space<hbm>> -> memref<1x1x1024xf32, #tpu.memory_space<hbm>>
      %dma_start3A_856 = tpu.memref_squeeze %dma_start3A_855 : memref<1x1x1024xf32, #tpu.memory_space<hbm>> -> memref<1024xf32, #tpu.memory_space<hbm>>
      %dma_start3A_857 = arith.constant 0 : i32
      %dma_start3A_858 = tpu.memref_slice %arg4[%dma_start3A_851, %add3A_850, %dma_start3A_857] : memref<16x1024x1024xf32, #tpu.memory_space<hbm>> -> memref<1x1x1024xf32, #tpu.memory_space<hbm>>
      %dma_start3A_859 = tpu.memref_squeeze %dma_start3A_858 : memref<1x1x1024xf32, #tpu.memory_space<hbm>> -> memref<1024xf32, #tpu.memory_space<hbm>>
      %dma_start3A_860 = arith.constant 31744 : i32
      %dma_start3A_861 = tpu.memref_slice %arg7[%dma_start3A_860] : memref<32768xf32, #tpu.memory_space<vmem>> -> memref<1024xf32, #tpu.memory_space<vmem>>
      tpu.enqueue_dma source(%dma_start3A_861 : memref<1024xf32, #tpu.memory_space<vmem>>) target(%dma_start3A_859 : memref<1024xf32, #tpu.memory_space<hbm>>) target_semaphore(%arg12 : memref<!tpu.dma_semaphore, #tpu.memory_space<semaphore_mem>>)
      %not3A_862 = arith.constant true
      %not3A_863 = arith.xori %eq3A_650, %not3A_862 : i1
      %convert_element_type3A_864 = arith.extui %not3A_863 : i1 to i32
      %cond3A_865 = arith.constant 0 : i32
      %cond3A_866 = arith.cmpi ne, %convert_element_type3A_864, %cond3A_865 : i32
      scf.if %cond3A_866 {
        %add3A_867 = arith.constant 2 : i32
        %add3A_868 = arith.addi %add3A_646, %add3A_867 : i32
        %add3A_869 = arith.addi %mul3A_2, %add3A_868 : i32
        %dma_start3A_870 = arith.constant 1024 : i32
        %dma_start3A_871 = tpu.memref_slice %arg6[%dma_start3A_870] : memref<2048xi32, #tpu.memory_space<vmem>> -> memref<1024xi32, #tpu.memory_space<vmem>>
        %dma_start3A_872 = arith.constant 0 : i32
        %dma_start3A_873 = tpu.memref_slice %arg3[%add3A_869, %dma_start3A_872] : memref<1024x1024xi32, #tpu.memory_space<hbm>> -> memref<1x1024xi32, #tpu.memory_space<hbm>>
        %dma_start3A_874 = tpu.memref_squeeze %dma_start3A_873 : memref<1x1024xi32, #tpu.memory_space<hbm>> -> memref<1024xi32, #tpu.memory_space<hbm>>
        %dma_start3A_875 = arith.constant 1024 : i32
        %dma_start3A_876 = tpu.memref_slice %arg6[%dma_start3A_875] : memref<2048xi32, #tpu.memory_space<vmem>> -> memref<1024xi32, #tpu.memory_space<vmem>>
        %dma_start3A_877 = arith.constant 0 : i32
        %dma_start3A_878 = tpu.memref_slice %arg3[%add3A_869, %dma_start3A_877] : memref<1024x1024xi32, #tpu.memory_space<hbm>> -> memref<1x1024xi32, #tpu.memory_space<hbm>>
        %dma_start3A_879 = tpu.memref_squeeze %dma_start3A_878 : memref<1x1024xi32, #tpu.memory_space<hbm>> -> memref<1024xi32, #tpu.memory_space<hbm>>
        tpu.enqueue_dma source(%dma_start3A_879 : memref<1024xi32, #tpu.memory_space<hbm>>) target(%dma_start3A_876 : memref<1024xi32, #tpu.memory_space<vmem>>) target_semaphore(%arg10 : memref<!tpu.dma_semaphore, #tpu.memory_space<semaphore_mem>>)
      } else {
      }
    }
    %scan3A_36 = arith.constant 16 : i32
    %dma_wait3A = arith.constant 0 : i32
    %dma_wait3A_37 = arith.constant 0 : i32
    %dma_wait3A_38 = arith.constant 0 : i32
    %dma_wait3A_39 = tpu.memref_slice %arg7[%dma_wait3A_38] : memref<32768xf32, #tpu.memory_space<vmem>> -> memref<1024xf32, #tpu.memory_space<vmem>>
    %dma_wait3A_40 = arith.constant 0 : i32
    %dma_wait3A_41 = tpu.memref_slice %arg4[%dma_wait3A, %dma_wait3A_37, %dma_wait3A_40] : memref<16x1024x1024xf32, #tpu.memory_space<hbm>> -> memref<1x1x1024xf32, #tpu.memory_space<hbm>>
    %dma_wait3A_42 = tpu.memref_squeeze %dma_wait3A_41 : memref<1x1x1024xf32, #tpu.memory_space<hbm>> -> memref<1024xf32, #tpu.memory_space<hbm>>
    %dma_wait3A_43 = arith.constant 0 : i32
    %dma_wait3A_44 = tpu.memref_slice %arg7[%dma_wait3A_43] : memref<32768xf32, #tpu.memory_space<vmem>> -> memref<1024xf32, #tpu.memory_space<vmem>>
    %dma_wait3A_45 = arith.constant 0 : i32
    %dma_wait3A_46 = tpu.memref_slice %arg4[%dma_wait3A, %dma_wait3A_37, %dma_wait3A_45] : memref<16x1024x1024xf32, #tpu.memory_space<hbm>> -> memref<1x1x1024xf32, #tpu.memory_space<hbm>>
    %dma_wait3A_47 = tpu.memref_squeeze %dma_wait3A_46 : memref<1x1x1024xf32, #tpu.memory_space<hbm>> -> memref<1024xf32, #tpu.memory_space<hbm>>
    tpu.wait_dma2 semaphore(%arg11 : memref<!tpu.dma_semaphore, #tpu.memory_space<semaphore_mem>>) src(%dma_wait3A_47 : memref<1024xf32, #tpu.memory_space<hbm>>) dst(%dma_wait3A_44 : memref<1024xf32, #tpu.memory_space<vmem>>)
    %dma_wait3A_48 = arith.constant 0 : i32
    %dma_wait3A_49 = arith.constant 0 : i32
    %dma_wait3A_50 = arith.constant 1024 : i32
    %dma_wait3A_51 = tpu.memref_slice %arg7[%dma_wait3A_50] : memref<32768xf32, #tpu.memory_space<vmem>> -> memref<1024xf32, #tpu.memory_space<vmem>>
    %dma_wait3A_52 = arith.constant 0 : i32
    %dma_wait3A_53 = tpu.memref_slice %arg4[%dma_wait3A_48, %dma_wait3A_49, %dma_wait3A_52] : memref<16x1024x1024xf32, #tpu.memory_space<hbm>> -> memref<1x1x1024xf32, #tpu.memory_space<hbm>>
    %dma_wait3A_54 = tpu.memref_squeeze %dma_wait3A_53 : memref<1x1x1024xf32, #tpu.memory_space<hbm>> -> memref<1024xf32, #tpu.memory_space<hbm>>
    %dma_wait3A_55 = arith.constant 1024 : i32
    %dma_wait3A_56 = tpu.memref_slice %arg7[%dma_wait3A_55] : memref<32768xf32, #tpu.memory_space<vmem>> -> memref<1024xf32, #tpu.memory_space<vmem>>
    %dma_wait3A_57 = arith.constant 0 : i32
    %dma_wait3A_58 = tpu.memref_slice %arg4[%dma_wait3A_48, %dma_wait3A_49, %dma_wait3A_57] : memref<16x1024x1024xf32, #tpu.memory_space<hbm>> -> memref<1x1x1024xf32, #tpu.memory_space<hbm>>
    %dma_wait3A_59 = tpu.memref_squeeze %dma_wait3A_58 : memref<1x1x1024xf32, #tpu.memory_space<hbm>> -> memref<1024xf32, #tpu.memory_space<hbm>>
    tpu.wait_dma2 semaphore(%arg11 : memref<!tpu.dma_semaphore, #tpu.memory_space<semaphore_mem>>) src(%dma_wait3A_59 : memref<1024xf32, #tpu.memory_space<hbm>>) dst(%dma_wait3A_56 : memref<1024xf32, #tpu.memory_space<vmem>>)
    %dma_wait3A_60 = arith.constant 0 : i32
    %dma_wait3A_61 = arith.constant 0 : i32
    %dma_wait3A_62 = arith.constant 2048 : i32
    %dma_wait3A_63 = tpu.memref_slice %arg7[%dma_wait3A_62] : memref<32768xf32, #tpu.memory_space<vmem>> -> memref<1024xf32, #tpu.memory_space<vmem>>
    %dma_wait3A_64 = arith.constant 0 : i32
    %dma_wait3A_65 = tpu.memref_slice %arg4[%dma_wait3A_60, %dma_wait3A_61, %dma_wait3A_64] : memref<16x1024x1024xf32, #tpu.memory_space<hbm>> -> memref<1x1x1024xf32, #tpu.memory_space<hbm>>
    %dma_wait3A_66 = tpu.memref_squeeze %dma_wait3A_65 : memref<1x1x1024xf32, #tpu.memory_space<hbm>> -> memref<1024xf32, #tpu.memory_space<hbm>>
    %dma_wait3A_67 = arith.constant 2048 : i32
    %dma_wait3A_68 = tpu.memref_slice %arg7[%dma_wait3A_67] : memref<32768xf32, #tpu.memory_space<vmem>> -> memref<1024xf32, #tpu.memory_space<vmem>>
    %dma_wait3A_69 = arith.constant 0 : i32
    %dma_wait3A_70 = tpu.memref_slice %arg4[%dma_wait3A_60, %dma_wait3A_61, %dma_wait3A_69] : memref<16x1024x1024xf32, #tpu.memory_space<hbm>> -> memref<1x1x1024xf32, #tpu.memory_space<hbm>>
    %dma_wait3A_71 = tpu.memref_squeeze %dma_wait3A_70 : memref<1x1x1024xf32, #tpu.memory_space<hbm>> -> memref<1024xf32, #tpu.memory_space<hbm>>
    tpu.wait_dma2 semaphore(%arg11 : memref<!tpu.dma_semaphore, #tpu.memory_space<semaphore_mem>>) src(%dma_wait3A_71 : memref<1024xf32, #tpu.memory_space<hbm>>) dst(%dma_wait3A_68 : memref<1024xf32, #tpu.memory_space<vmem>>)
    %dma_wait3A_72 = arith.constant 0 : i32
    %dma_wait3A_73 = arith.constant 0 : i32
    %dma_wait3A_74 = arith.constant 3072 : i32
    %dma_wait3A_75 = tpu.memref_slice %arg7[%dma_wait3A_74] : memref<32768xf32, #tpu.memory_space<vmem>> -> memref<1024xf32, #tpu.memory_space<vmem>>
    %dma_wait3A_76 = arith.constant 0 : i32
    %dma_wait3A_77 = tpu.memref_slice %arg4[%dma_wait3A_72, %dma_wait3A_73, %dma_wait3A_76] : memref<16x1024x1024xf32, #tpu.memory_space<hbm>> -> memref<1x1x1024xf32, #tpu.memory_space<hbm>>
    %dma_wait3A_78 = tpu.memref_squeeze %dma_wait3A_77 : memref<1x1x1024xf32, #tpu.memory_space<hbm>> -> memref<1024xf32, #tpu.memory_space<hbm>>
    %dma_wait3A_79 = arith.constant 3072 : i32
    %dma_wait3A_80 = tpu.memref_slice %arg7[%dma_wait3A_79] : memref<32768xf32, #tpu.memory_space<vmem>> -> memref<1024xf32, #tpu.memory_space<vmem>>
    %dma_wait3A_81 = arith.constant 0 : i32
    %dma_wait3A_82 = tpu.memref_slice %arg4[%dma_wait3A_72, %dma_wait3A_73, %dma_wait3A_81] : memref<16x1024x1024xf32, #tpu.memory_space<hbm>> -> memref<1x1x1024xf32, #tpu.memory_space<hbm>>
    %dma_wait3A_83 = tpu.memref_squeeze %dma_wait3A_82 : memref<1x1x1024xf32, #tpu.memory_space<hbm>> -> memref<1024xf32, #tpu.memory_space<hbm>>
    tpu.wait_dma2 semaphore(%arg11 : memref<!tpu.dma_semaphore, #tpu.memory_space<semaphore_mem>>) src(%dma_wait3A_83 : memref<1024xf32, #tpu.memory_space<hbm>>) dst(%dma_wait3A_80 : memref<1024xf32, #tpu.memory_space<vmem>>)
    %dma_wait3A_84 = arith.constant 0 : i32
    %dma_wait3A_85 = arith.constant 0 : i32
    %dma_wait3A_86 = arith.constant 4096 : i32
    %dma_wait3A_87 = tpu.memref_slice %arg7[%dma_wait3A_86] : memref<32768xf32, #tpu.memory_space<vmem>> -> memref<1024xf32, #tpu.memory_space<vmem>>
    %dma_wait3A_88 = arith.constant 0 : i32
    %dma_wait3A_89 = tpu.memref_slice %arg4[%dma_wait3A_84, %dma_wait3A_85, %dma_wait3A_88] : memref<16x1024x1024xf32, #tpu.memory_space<hbm>> -> memref<1x1x1024xf32, #tpu.memory_space<hbm>>
    %dma_wait3A_90 = tpu.memref_squeeze %dma_wait3A_89 : memref<1x1x1024xf32, #tpu.memory_space<hbm>> -> memref<1024xf32, #tpu.memory_space<hbm>>
    %dma_wait3A_91 = arith.constant 4096 : i32
    %dma_wait3A_92 = tpu.memref_slice %arg7[%dma_wait3A_91] : memref<32768xf32, #tpu.memory_space<vmem>> -> memref<1024xf32, #tpu.memory_space<vmem>>
    %dma_wait3A_93 = arith.constant 0 : i32
    %dma_wait3A_94 = tpu.memref_slice %arg4[%dma_wait3A_84, %dma_wait3A_85, %dma_wait3A_93] : memref<16x1024x1024xf32, #tpu.memory_space<hbm>> -> memref<1x1x1024xf32, #tpu.memory_space<hbm>>
    %dma_wait3A_95 = tpu.memref_squeeze %dma_wait3A_94 : memref<1x1x1024xf32, #tpu.memory_space<hbm>> -> memref<1024xf32, #tpu.memory_space<hbm>>
    tpu.wait_dma2 semaphore(%arg11 : memref<!tpu.dma_semaphore, #tpu.memory_space<semaphore_mem>>) src(%dma_wait3A_95 : memref<1024xf32, #tpu.memory_space<hbm>>) dst(%dma_wait3A_92 : memref<1024xf32, #tpu.memory_space<vmem>>)
    %dma_wait3A_96 = arith.constant 0 : i32
    %dma_wait3A_97 = arith.constant 0 : i32
    %dma_wait3A_98 = arith.constant 5120 : i32
    %dma_wait3A_99 = tpu.memref_slice %arg7[%dma_wait3A_98] : memref<32768xf32, #tpu.memory_space<vmem>> -> memref<1024xf32, #tpu.memory_space<vmem>>
    %dma_wait3A_100 = arith.constant 0 : i32
    %dma_wait3A_101 = tpu.memref_slice %arg4[%dma_wait3A_96, %dma_wait3A_97, %dma_wait3A_100] : memref<16x1024x1024xf32, #tpu.memory_space<hbm>> -> memref<1x1x1024xf32, #tpu.memory_space<hbm>>
    %dma_wait3A_102 = tpu.memref_squeeze %dma_wait3A_101 : memref<1x1x1024xf32, #tpu.memory_space<hbm>> -> memref<1024xf32, #tpu.memory_space<hbm>>
    %dma_wait3A_103 = arith.constant 5120 : i32
    %dma_wait3A_104 = tpu.memref_slice %arg7[%dma_wait3A_103] : memref<32768xf32, #tpu.memory_space<vmem>> -> memref<1024xf32, #tpu.memory_space<vmem>>
    %dma_wait3A_105 = arith.constant 0 : i32
    %dma_wait3A_106 = tpu.memref_slice %arg4[%dma_wait3A_96, %dma_wait3A_97, %dma_wait3A_105] : memref<16x1024x1024xf32, #tpu.memory_space<hbm>> -> memref<1x1x1024xf32, #tpu.memory_space<hbm>>
    %dma_wait3A_107 = tpu.memref_squeeze %dma_wait3A_106 : memref<1x1x1024xf32, #tpu.memory_space<hbm>> -> memref<1024xf32, #tpu.memory_space<hbm>>
    tpu.wait_dma2 semaphore(%arg11 : memref<!tpu.dma_semaphore, #tpu.memory_space<semaphore_mem>>) src(%dma_wait3A_107 : memref<1024xf32, #tpu.memory_space<hbm>>) dst(%dma_wait3A_104 : memref<1024xf32, #tpu.memory_space<vmem>>)
    %dma_wait3A_108 = arith.constant 0 : i32
    %dma_wait3A_109 = arith.constant 0 : i32
    %dma_wait3A_110 = arith.constant 6144 : i32
    %dma_wait3A_111 = tpu.memref_slice %arg7[%dma_wait3A_110] : memref<32768xf32, #tpu.memory_space<vmem>> -> memref<1024xf32, #tpu.memory_space<vmem>>
    %dma_wait3A_112 = arith.constant 0 : i32
    %dma_wait3A_113 = tpu.memref_slice %arg4[%dma_wait3A_108, %dma_wait3A_109, %dma_wait3A_112] : memref<16x1024x1024xf32, #tpu.memory_space<hbm>> -> memref<1x1x1024xf32, #tpu.memory_space<hbm>>
    %dma_wait3A_114 = tpu.memref_squeeze %dma_wait3A_113 : memref<1x1x1024xf32, #tpu.memory_space<hbm>> -> memref<1024xf32, #tpu.memory_space<hbm>>
    %dma_wait3A_115 = arith.constant 6144 : i32
    %dma_wait3A_116 = tpu.memref_slice %arg7[%dma_wait3A_115] : memref<32768xf32, #tpu.memory_space<vmem>> -> memref<1024xf32, #tpu.memory_space<vmem>>
    %dma_wait3A_117 = arith.constant 0 : i32
    %dma_wait3A_118 = tpu.memref_slice %arg4[%dma_wait3A_108, %dma_wait3A_109, %dma_wait3A_117] : memref<16x1024x1024xf32, #tpu.memory_space<hbm>> -> memref<1x1x1024xf32, #tpu.memory_space<hbm>>
    %dma_wait3A_119 = tpu.memref_squeeze %dma_wait3A_118 : memref<1x1x1024xf32, #tpu.memory_space<hbm>> -> memref<1024xf32, #tpu.memory_space<hbm>>
    tpu.wait_dma2 semaphore(%arg11 : memref<!tpu.dma_semaphore, #tpu.memory_space<semaphore_mem>>) src(%dma_wait3A_119 : memref<1024xf32, #tpu.memory_space<hbm>>) dst(%dma_wait3A_116 : memref<1024xf32, #tpu.memory_space<vmem>>)
    %dma_wait3A_120 = arith.constant 0 : i32
    %dma_wait3A_121 = arith.constant 0 : i32
    %dma_wait3A_122 = arith.constant 7168 : i32
    %dma_wait3A_123 = tpu.memref_slice %arg7[%dma_wait3A_122] : memref<32768xf32, #tpu.memory_space<vmem>> -> memref<1024xf32, #tpu.memory_space<vmem>>
    %dma_wait3A_124 = arith.constant 0 : i32
    %dma_wait3A_125 = tpu.memref_slice %arg4[%dma_wait3A_120, %dma_wait3A_121, %dma_wait3A_124] : memref<16x1024x1024xf32, #tpu.memory_space<hbm>> -> memref<1x1x1024xf32, #tpu.memory_space<hbm>>
    %dma_wait3A_126 = tpu.memref_squeeze %dma_wait3A_125 : memref<1x1x1024xf32, #tpu.memory_space<hbm>> -> memref<1024xf32, #tpu.memory_space<hbm>>
    %dma_wait3A_127 = arith.constant 7168 : i32
    %dma_wait3A_128 = tpu.memref_slice %arg7[%dma_wait3A_127] : memref<32768xf32, #tpu.memory_space<vmem>> -> memref<1024xf32, #tpu.memory_space<vmem>>
    %dma_wait3A_129 = arith.constant 0 : i32
    %dma_wait3A_130 = tpu.memref_slice %arg4[%dma_wait3A_120, %dma_wait3A_121, %dma_wait3A_129] : memref<16x1024x1024xf32, #tpu.memory_space<hbm>> -> memref<1x1x1024xf32, #tpu.memory_space<hbm>>
    %dma_wait3A_131 = tpu.memref_squeeze %dma_wait3A_130 : memref<1x1x1024xf32, #tpu.memory_space<hbm>> -> memref<1024xf32, #tpu.memory_space<hbm>>
    tpu.wait_dma2 semaphore(%arg11 : memref<!tpu.dma_semaphore, #tpu.memory_space<semaphore_mem>>) src(%dma_wait3A_131 : memref<1024xf32, #tpu.memory_space<hbm>>) dst(%dma_wait3A_128 : memref<1024xf32, #tpu.memory_space<vmem>>)
    %dma_wait3A_132 = arith.constant 0 : i32
    %dma_wait3A_133 = arith.constant 0 : i32
    %dma_wait3A_134 = arith.constant 8192 : i32
    %dma_wait3A_135 = tpu.memref_slice %arg7[%dma_wait3A_134] : memref<32768xf32, #tpu.memory_space<vmem>> -> memref<1024xf32, #tpu.memory_space<vmem>>
    %dma_wait3A_136 = arith.constant 0 : i32
    %dma_wait3A_137 = tpu.memref_slice %arg4[%dma_wait3A_132, %dma_wait3A_133, %dma_wait3A_136] : memref<16x1024x1024xf32, #tpu.memory_space<hbm>> -> memref<1x1x1024xf32, #tpu.memory_space<hbm>>
    %dma_wait3A_138 = tpu.memref_squeeze %dma_wait3A_137 : memref<1x1x1024xf32, #tpu.memory_space<hbm>> -> memref<1024xf32, #tpu.memory_space<hbm>>
    %dma_wait3A_139 = arith.constant 8192 : i32
    %dma_wait3A_140 = tpu.memref_slice %arg7[%dma_wait3A_139] : memref<32768xf32, #tpu.memory_space<vmem>> -> memref<1024xf32, #tpu.memory_space<vmem>>
    %dma_wait3A_141 = arith.constant 0 : i32
    %dma_wait3A_142 = tpu.memref_slice %arg4[%dma_wait3A_132, %dma_wait3A_133, %dma_wait3A_141] : memref<16x1024x1024xf32, #tpu.memory_space<hbm>> -> memref<1x1x1024xf32, #tpu.memory_space<hbm>>
    %dma_wait3A_143 = tpu.memref_squeeze %dma_wait3A_142 : memref<1x1x1024xf32, #tpu.memory_space<hbm>> -> memref<1024xf32, #tpu.memory_space<hbm>>
    tpu.wait_dma2 semaphore(%arg11 : memref<!tpu.dma_semaphore, #tpu.memory_space<semaphore_mem>>) src(%dma_wait3A_143 : memref<1024xf32, #tpu.memory_space<hbm>>) dst(%dma_wait3A_140 : memref<1024xf32, #tpu.memory_space<vmem>>)
    %dma_wait3A_144 = arith.constant 0 : i32
    %dma_wait3A_145 = arith.constant 0 : i32
    %dma_wait3A_146 = arith.constant 9216 : i32
    %dma_wait3A_147 = tpu.memref_slice %arg7[%dma_wait3A_146] : memref<32768xf32, #tpu.memory_space<vmem>> -> memref<1024xf32, #tpu.memory_space<vmem>>
    %dma_wait3A_148 = arith.constant 0 : i32
    %dma_wait3A_149 = tpu.memref_slice %arg4[%dma_wait3A_144, %dma_wait3A_145, %dma_wait3A_148] : memref<16x1024x1024xf32, #tpu.memory_space<hbm>> -> memref<1x1x1024xf32, #tpu.memory_space<hbm>>
    %dma_wait3A_150 = tpu.memref_squeeze %dma_wait3A_149 : memref<1x1x1024xf32, #tpu.memory_space<hbm>> -> memref<1024xf32, #tpu.memory_space<hbm>>
    %dma_wait3A_151 = arith.constant 9216 : i32
    %dma_wait3A_152 = tpu.memref_slice %arg7[%dma_wait3A_151] : memref<32768xf32, #tpu.memory_space<vmem>> -> memref<1024xf32, #tpu.memory_space<vmem>>
    %dma_wait3A_153 = arith.constant 0 : i32
    %dma_wait3A_154 = tpu.memref_slice %arg4[%dma_wait3A_144, %dma_wait3A_145, %dma_wait3A_153] : memref<16x1024x1024xf32, #tpu.memory_space<hbm>> -> memref<1x1x1024xf32, #tpu.memory_space<hbm>>
    %dma_wait3A_155 = tpu.memref_squeeze %dma_wait3A_154 : memref<1x1x1024xf32, #tpu.memory_space<hbm>> -> memref<1024xf32, #tpu.memory_space<hbm>>
    tpu.wait_dma2 semaphore(%arg11 : memref<!tpu.dma_semaphore, #tpu.memory_space<semaphore_mem>>) src(%dma_wait3A_155 : memref<1024xf32, #tpu.memory_space<hbm>>) dst(%dma_wait3A_152 : memref<1024xf32, #tpu.memory_space<vmem>>)
    %dma_wait3A_156 = arith.constant 0 : i32
    %dma_wait3A_157 = arith.constant 0 : i32
    %dma_wait3A_158 = arith.constant 10240 : i32
    %dma_wait3A_159 = tpu.memref_slice %arg7[%dma_wait3A_158] : memref<32768xf32, #tpu.memory_space<vmem>> -> memref<1024xf32, #tpu.memory_space<vmem>>
    %dma_wait3A_160 = arith.constant 0 : i32
    %dma_wait3A_161 = tpu.memref_slice %arg4[%dma_wait3A_156, %dma_wait3A_157, %dma_wait3A_160] : memref<16x1024x1024xf32, #tpu.memory_space<hbm>> -> memref<1x1x1024xf32, #tpu.memory_space<hbm>>
    %dma_wait3A_162 = tpu.memref_squeeze %dma_wait3A_161 : memref<1x1x1024xf32, #tpu.memory_space<hbm>> -> memref<1024xf32, #tpu.memory_space<hbm>>
    %dma_wait3A_163 = arith.constant 10240 : i32
    %dma_wait3A_164 = tpu.memref_slice %arg7[%dma_wait3A_163] : memref<32768xf32, #tpu.memory_space<vmem>> -> memref<1024xf32, #tpu.memory_space<vmem>>
    %dma_wait3A_165 = arith.constant 0 : i32
    %dma_wait3A_166 = tpu.memref_slice %arg4[%dma_wait3A_156, %dma_wait3A_157, %dma_wait3A_165] : memref<16x1024x1024xf32, #tpu.memory_space<hbm>> -> memref<1x1x1024xf32, #tpu.memory_space<hbm>>
    %dma_wait3A_167 = tpu.memref_squeeze %dma_wait3A_166 : memref<1x1x1024xf32, #tpu.memory_space<hbm>> -> memref<1024xf32, #tpu.memory_space<hbm>>
    tpu.wait_dma2 semaphore(%arg11 : memref<!tpu.dma_semaphore, #tpu.memory_space<semaphore_mem>>) src(%dma_wait3A_167 : memref<1024xf32, #tpu.memory_space<hbm>>) dst(%dma_wait3A_164 : memref<1024xf32, #tpu.memory_space<vmem>>)
    %dma_wait3A_168 = arith.constant 0 : i32
    %dma_wait3A_169 = arith.constant 0 : i32
    %dma_wait3A_170 = arith.constant 11264 : i32
    %dma_wait3A_171 = tpu.memref_slice %arg7[%dma_wait3A_170] : memref<32768xf32, #tpu.memory_space<vmem>> -> memref<1024xf32, #tpu.memory_space<vmem>>
    %dma_wait3A_172 = arith.constant 0 : i32
    %dma_wait3A_173 = tpu.memref_slice %arg4[%dma_wait3A_168, %dma_wait3A_169, %dma_wait3A_172] : memref<16x1024x1024xf32, #tpu.memory_space<hbm>> -> memref<1x1x1024xf32, #tpu.memory_space<hbm>>
    %dma_wait3A_174 = tpu.memref_squeeze %dma_wait3A_173 : memref<1x1x1024xf32, #tpu.memory_space<hbm>> -> memref<1024xf32, #tpu.memory_space<hbm>>
    %dma_wait3A_175 = arith.constant 11264 : i32
    %dma_wait3A_176 = tpu.memref_slice %arg7[%dma_wait3A_175] : memref<32768xf32, #tpu.memory_space<vmem>> -> memref<1024xf32, #tpu.memory_space<vmem>>
    %dma_wait3A_177 = arith.constant 0 : i32
    %dma_wait3A_178 = tpu.memref_slice %arg4[%dma_wait3A_168, %dma_wait3A_169, %dma_wait3A_177] : memref<16x1024x1024xf32, #tpu.memory_space<hbm>> -> memref<1x1x1024xf32, #tpu.memory_space<hbm>>
    %dma_wait3A_179 = tpu.memref_squeeze %dma_wait3A_178 : memref<1x1x1024xf32, #tpu.memory_space<hbm>> -> memref<1024xf32, #tpu.memory_space<hbm>>
    tpu.wait_dma2 semaphore(%arg11 : memref<!tpu.dma_semaphore, #tpu.memory_space<semaphore_mem>>) src(%dma_wait3A_179 : memref<1024xf32, #tpu.memory_space<hbm>>) dst(%dma_wait3A_176 : memref<1024xf32, #tpu.memory_space<vmem>>)
    %dma_wait3A_180 = arith.constant 0 : i32
    %dma_wait3A_181 = arith.constant 0 : i32
    %dma_wait3A_182 = arith.constant 12288 : i32
    %dma_wait3A_183 = tpu.memref_slice %arg7[%dma_wait3A_182] : memref<32768xf32, #tpu.memory_space<vmem>> -> memref<1024xf32, #tpu.memory_space<vmem>>
    %dma_wait3A_184 = arith.constant 0 : i32
    %dma_wait3A_185 = tpu.memref_slice %arg4[%dma_wait3A_180, %dma_wait3A_181, %dma_wait3A_184] : memref<16x1024x1024xf32, #tpu.memory_space<hbm>> -> memref<1x1x1024xf32, #tpu.memory_space<hbm>>
    %dma_wait3A_186 = tpu.memref_squeeze %dma_wait3A_185 : memref<1x1x1024xf32, #tpu.memory_space<hbm>> -> memref<1024xf32, #tpu.memory_space<hbm>>
    %dma_wait3A_187 = arith.constant 12288 : i32
    %dma_wait3A_188 = tpu.memref_slice %arg7[%dma_wait3A_187] : memref<32768xf32, #tpu.memory_space<vmem>> -> memref<1024xf32, #tpu.memory_space<vmem>>
    %dma_wait3A_189 = arith.constant 0 : i32
    %dma_wait3A_190 = tpu.memref_slice %arg4[%dma_wait3A_180, %dma_wait3A_181, %dma_wait3A_189] : memref<16x1024x1024xf32, #tpu.memory_space<hbm>> -> memref<1x1x1024xf32, #tpu.memory_space<hbm>>
    %dma_wait3A_191 = tpu.memref_squeeze %dma_wait3A_190 : memref<1x1x1024xf32, #tpu.memory_space<hbm>> -> memref<1024xf32, #tpu.memory_space<hbm>>
    tpu.wait_dma2 semaphore(%arg11 : memref<!tpu.dma_semaphore, #tpu.memory_space<semaphore_mem>>) src(%dma_wait3A_191 : memref<1024xf32, #tpu.memory_space<hbm>>) dst(%dma_wait3A_188 : memref<1024xf32, #tpu.memory_space<vmem>>)
    %dma_wait3A_192 = arith.constant 0 : i32
    %dma_wait3A_193 = arith.constant 0 : i32
    %dma_wait3A_194 = arith.constant 13312 : i32
    %dma_wait3A_195 = tpu.memref_slice %arg7[%dma_wait3A_194] : memref<32768xf32, #tpu.memory_space<vmem>> -> memref<1024xf32, #tpu.memory_space<vmem>>
    %dma_wait3A_196 = arith.constant 0 : i32
    %dma_wait3A_197 = tpu.memref_slice %arg4[%dma_wait3A_192, %dma_wait3A_193, %dma_wait3A_196] : memref<16x1024x1024xf32, #tpu.memory_space<hbm>> -> memref<1x1x1024xf32, #tpu.memory_space<hbm>>
    %dma_wait3A_198 = tpu.memref_squeeze %dma_wait3A_197 : memref<1x1x1024xf32, #tpu.memory_space<hbm>> -> memref<1024xf32, #tpu.memory_space<hbm>>
    %dma_wait3A_199 = arith.constant 13312 : i32
    %dma_wait3A_200 = tpu.memref_slice %arg7[%dma_wait3A_199] : memref<32768xf32, #tpu.memory_space<vmem>> -> memref<1024xf32, #tpu.memory_space<vmem>>
    %dma_wait3A_201 = arith.constant 0 : i32
    %dma_wait3A_202 = tpu.memref_slice %arg4[%dma_wait3A_192, %dma_wait3A_193, %dma_wait3A_201] : memref<16x1024x1024xf32, #tpu.memory_space<hbm>> -> memref<1x1x1024xf32, #tpu.memory_space<hbm>>
    %dma_wait3A_203 = tpu.memref_squeeze %dma_wait3A_202 : memref<1x1x1024xf32, #tpu.memory_space<hbm>> -> memref<1024xf32, #tpu.memory_space<hbm>>
    tpu.wait_dma2 semaphore(%arg11 : memref<!tpu.dma_semaphore, #tpu.memory_space<semaphore_mem>>) src(%dma_wait3A_203 : memref<1024xf32, #tpu.memory_space<hbm>>) dst(%dma_wait3A_200 : memref<1024xf32, #tpu.memory_space<vmem>>)
    %dma_wait3A_204 = arith.constant 0 : i32
    %dma_wait3A_205 = arith.constant 0 : i32
    %dma_wait3A_206 = arith.constant 14336 : i32
    %dma_wait3A_207 = tpu.memref_slice %arg7[%dma_wait3A_206] : memref<32768xf32, #tpu.memory_space<vmem>> -> memref<1024xf32, #tpu.memory_space<vmem>>
    %dma_wait3A_208 = arith.constant 0 : i32
    %dma_wait3A_209 = tpu.memref_slice %arg4[%dma_wait3A_204, %dma_wait3A_205, %dma_wait3A_208] : memref<16x1024x1024xf32, #tpu.memory_space<hbm>> -> memref<1x1x1024xf32, #tpu.memory_space<hbm>>
    %dma_wait3A_210 = tpu.memref_squeeze %dma_wait3A_209 : memref<1x1x1024xf32, #tpu.memory_space<hbm>> -> memref<1024xf32, #tpu.memory_space<hbm>>
    %dma_wait3A_211 = arith.constant 14336 : i32
    %dma_wait3A_212 = tpu.memref_slice %arg7[%dma_wait3A_211] : memref<32768xf32, #tpu.memory_space<vmem>> -> memref<1024xf32, #tpu.memory_space<vmem>>
    %dma_wait3A_213 = arith.constant 0 : i32
    %dma_wait3A_214 = tpu.memref_slice %arg4[%dma_wait3A_204, %dma_wait3A_205, %dma_wait3A_213] : memref<16x1024x1024xf32, #tpu.memory_space<hbm>> -> memref<1x1x1024xf32, #tpu.memory_space<hbm>>
    %dma_wait3A_215 = tpu.memref_squeeze %dma_wait3A_214 : memref<1x1x1024xf32, #tpu.memory_space<hbm>> -> memref<1024xf32, #tpu.memory_space<hbm>>
    tpu.wait_dma2 semaphore(%arg11 : memref<!tpu.dma_semaphore, #tpu.memory_space<semaphore_mem>>) src(%dma_wait3A_215 : memref<1024xf32, #tpu.memory_space<hbm>>) dst(%dma_wait3A_212 : memref<1024xf32, #tpu.memory_space<vmem>>)
    %dma_wait3A_216 = arith.constant 0 : i32
    %dma_wait3A_217 = arith.constant 0 : i32
    %dma_wait3A_218 = arith.constant 15360 : i32
    %dma_wait3A_219 = tpu.memref_slice %arg7[%dma_wait3A_218] : memref<32768xf32, #tpu.memory_space<vmem>> -> memref<1024xf32, #tpu.memory_space<vmem>>
    %dma_wait3A_220 = arith.constant 0 : i32
    %dma_wait3A_221 = tpu.memref_slice %arg4[%dma_wait3A_216, %dma_wait3A_217, %dma_wait3A_220] : memref<16x1024x1024xf32, #tpu.memory_space<hbm>> -> memref<1x1x1024xf32, #tpu.memory_space<hbm>>
    %dma_wait3A_222 = tpu.memref_squeeze %dma_wait3A_221 : memref<1x1x1024xf32, #tpu.memory_space<hbm>> -> memref<1024xf32, #tpu.memory_space<hbm>>
    %dma_wait3A_223 = arith.constant 15360 : i32
    %dma_wait3A_224 = tpu.memref_slice %arg7[%dma_wait3A_223] : memref<32768xf32, #tpu.memory_space<vmem>> -> memref<1024xf32, #tpu.memory_space<vmem>>
    %dma_wait3A_225 = arith.constant 0 : i32
    %dma_wait3A_226 = tpu.memref_slice %arg4[%dma_wait3A_216, %dma_wait3A_217, %dma_wait3A_225] : memref<16x1024x1024xf32, #tpu.memory_space<hbm>> -> memref<1x1x1024xf32, #tpu.memory_space<hbm>>
    %dma_wait3A_227 = tpu.memref_squeeze %dma_wait3A_226 : memref<1x1x1024xf32, #tpu.memory_space<hbm>> -> memref<1024xf32, #tpu.memory_space<hbm>>
    tpu.wait_dma2 semaphore(%arg11 : memref<!tpu.dma_semaphore, #tpu.memory_space<semaphore_mem>>) src(%dma_wait3A_227 : memref<1024xf32, #tpu.memory_space<hbm>>) dst(%dma_wait3A_224 : memref<1024xf32, #tpu.memory_space<vmem>>)
    %dma_wait3A_228 = arith.constant 0 : i32
    %dma_wait3A_229 = arith.constant 0 : i32
    %dma_wait3A_230 = arith.constant 16384 : i32
    %dma_wait3A_231 = tpu.memref_slice %arg7[%dma_wait3A_230] : memref<32768xf32, #tpu.memory_space<vmem>> -> memref<1024xf32, #tpu.memory_space<vmem>>
    %dma_wait3A_232 = arith.constant 0 : i32
    %dma_wait3A_233 = tpu.memref_slice %arg4[%dma_wait3A_228, %dma_wait3A_229, %dma_wait3A_232] : memref<16x1024x1024xf32, #tpu.memory_space<hbm>> -> memref<1x1x1024xf32, #tpu.memory_space<hbm>>
    %dma_wait3A_234 = tpu.memref_squeeze %dma_wait3A_233 : memref<1x1x1024xf32, #tpu.memory_space<hbm>> -> memref<1024xf32, #tpu.memory_space<hbm>>
    %dma_wait3A_235 = arith.constant 16384 : i32
    %dma_wait3A_236 = tpu.memref_slice %arg7[%dma_wait3A_235] : memref<32768xf32, #tpu.memory_space<vmem>> -> memref<1024xf32, #tpu.memory_space<vmem>>
    %dma_wait3A_237 = arith.constant 0 : i32
    %dma_wait3A_238 = tpu.memref_slice %arg4[%dma_wait3A_228, %dma_wait3A_229, %dma_wait3A_237] : memref<16x1024x1024xf32, #tpu.memory_space<hbm>> -> memref<1x1x1024xf32, #tpu.memory_space<hbm>>
    %dma_wait3A_239 = tpu.memref_squeeze %dma_wait3A_238 : memref<1x1x1024xf32, #tpu.memory_space<hbm>> -> memref<1024xf32, #tpu.memory_space<hbm>>
    tpu.wait_dma2 semaphore(%arg12 : memref<!tpu.dma_semaphore, #tpu.memory_space<semaphore_mem>>) src(%dma_wait3A_239 : memref<1024xf32, #tpu.memory_space<hbm>>) dst(%dma_wait3A_236 : memref<1024xf32, #tpu.memory_space<vmem>>)
    %dma_wait3A_240 = arith.constant 0 : i32
    %dma_wait3A_241 = arith.constant 0 : i32
    %dma_wait3A_242 = arith.constant 17408 : i32
    %dma_wait3A_243 = tpu.memref_slice %arg7[%dma_wait3A_242] : memref<32768xf32, #tpu.memory_space<vmem>> -> memref<1024xf32, #tpu.memory_space<vmem>>
    %dma_wait3A_244 = arith.constant 0 : i32
    %dma_wait3A_245 = tpu.memref_slice %arg4[%dma_wait3A_240, %dma_wait3A_241, %dma_wait3A_244] : memref<16x1024x1024xf32, #tpu.memory_space<hbm>> -> memref<1x1x1024xf32, #tpu.memory_space<hbm>>
    %dma_wait3A_246 = tpu.memref_squeeze %dma_wait3A_245 : memref<1x1x1024xf32, #tpu.memory_space<hbm>> -> memref<1024xf32, #tpu.memory_space<hbm>>
    %dma_wait3A_247 = arith.constant 17408 : i32
    %dma_wait3A_248 = tpu.memref_slice %arg7[%dma_wait3A_247] : memref<32768xf32, #tpu.memory_space<vmem>> -> memref<1024xf32, #tpu.memory_space<vmem>>
    %dma_wait3A_249 = arith.constant 0 : i32
    %dma_wait3A_250 = tpu.memref_slice %arg4[%dma_wait3A_240, %dma_wait3A_241, %dma_wait3A_249] : memref<16x1024x1024xf32, #tpu.memory_space<hbm>> -> memref<1x1x1024xf32, #tpu.memory_space<hbm>>
    %dma_wait3A_251 = tpu.memref_squeeze %dma_wait3A_250 : memref<1x1x1024xf32, #tpu.memory_space<hbm>> -> memref<1024xf32, #tpu.memory_space<hbm>>
    tpu.wait_dma2 semaphore(%arg12 : memref<!tpu.dma_semaphore, #tpu.memory_space<semaphore_mem>>) src(%dma_wait3A_251 : memref<1024xf32, #tpu.memory_space<hbm>>) dst(%dma_wait3A_248 : memref<1024xf32, #tpu.memory_space<vmem>>)
    %dma_wait3A_252 = arith.constant 0 : i32
    %dma_wait3A_253 = arith.constant 0 : i32
    %dma_wait3A_254 = arith.constant 18432 : i32
    %dma_wait3A_255 = tpu.memref_slice %arg7[%dma_wait3A_254] : memref<32768xf32, #tpu.memory_space<vmem>> -> memref<1024xf32, #tpu.memory_space<vmem>>
    %dma_wait3A_256 = arith.constant 0 : i32
    %dma_wait3A_257 = tpu.memref_slice %arg4[%dma_wait3A_252, %dma_wait3A_253, %dma_wait3A_256] : memref<16x1024x1024xf32, #tpu.memory_space<hbm>> -> memref<1x1x1024xf32, #tpu.memory_space<hbm>>
    %dma_wait3A_258 = tpu.memref_squeeze %dma_wait3A_257 : memref<1x1x1024xf32, #tpu.memory_space<hbm>> -> memref<1024xf32, #tpu.memory_space<hbm>>
    %dma_wait3A_259 = arith.constant 18432 : i32
    %dma_wait3A_260 = tpu.memref_slice %arg7[%dma_wait3A_259] : memref<32768xf32, #tpu.memory_space<vmem>> -> memref<1024xf32, #tpu.memory_space<vmem>>
    %dma_wait3A_261 = arith.constant 0 : i32
    %dma_wait3A_262 = tpu.memref_slice %arg4[%dma_wait3A_252, %dma_wait3A_253, %dma_wait3A_261] : memref<16x1024x1024xf32, #tpu.memory_space<hbm>> -> memref<1x1x1024xf32, #tpu.memory_space<hbm>>
    %dma_wait3A_263 = tpu.memref_squeeze %dma_wait3A_262 : memref<1x1x1024xf32, #tpu.memory_space<hbm>> -> memref<1024xf32, #tpu.memory_space<hbm>>
    tpu.wait_dma2 semaphore(%arg12 : memref<!tpu.dma_semaphore, #tpu.memory_space<semaphore_mem>>) src(%dma_wait3A_263 : memref<1024xf32, #tpu.memory_space<hbm>>) dst(%dma_wait3A_260 : memref<1024xf32, #tpu.memory_space<vmem>>)
    %dma_wait3A_264 = arith.constant 0 : i32
    %dma_wait3A_265 = arith.constant 0 : i32
    %dma_wait3A_266 = arith.constant 19456 : i32
    %dma_wait3A_267 = tpu.memref_slice %arg7[%dma_wait3A_266] : memref<32768xf32, #tpu.memory_space<vmem>> -> memref<1024xf32, #tpu.memory_space<vmem>>
    %dma_wait3A_268 = arith.constant 0 : i32
    %dma_wait3A_269 = tpu.memref_slice %arg4[%dma_wait3A_264, %dma_wait3A_265, %dma_wait3A_268] : memref<16x1024x1024xf32, #tpu.memory_space<hbm>> -> memref<1x1x1024xf32, #tpu.memory_space<hbm>>
    %dma_wait3A_270 = tpu.memref_squeeze %dma_wait3A_269 : memref<1x1x1024xf32, #tpu.memory_space<hbm>> -> memref<1024xf32, #tpu.memory_space<hbm>>
    %dma_wait3A_271 = arith.constant 19456 : i32
    %dma_wait3A_272 = tpu.memref_slice %arg7[%dma_wait3A_271] : memref<32768xf32, #tpu.memory_space<vmem>> -> memref<1024xf32, #tpu.memory_space<vmem>>
    %dma_wait3A_273 = arith.constant 0 : i32
    %dma_wait3A_274 = tpu.memref_slice %arg4[%dma_wait3A_264, %dma_wait3A_265, %dma_wait3A_273] : memref<16x1024x1024xf32, #tpu.memory_space<hbm>> -> memref<1x1x1024xf32, #tpu.memory_space<hbm>>
    %dma_wait3A_275 = tpu.memref_squeeze %dma_wait3A_274 : memref<1x1x1024xf32, #tpu.memory_space<hbm>> -> memref<1024xf32, #tpu.memory_space<hbm>>
    tpu.wait_dma2 semaphore(%arg12 : memref<!tpu.dma_semaphore, #tpu.memory_space<semaphore_mem>>) src(%dma_wait3A_275 : memref<1024xf32, #tpu.memory_space<hbm>>) dst(%dma_wait3A_272 : memref<1024xf32, #tpu.memory_space<vmem>>)
    %dma_wait3A_276 = arith.constant 0 : i32
    %dma_wait3A_277 = arith.constant 0 : i32
    %dma_wait3A_278 = arith.constant 20480 : i32
    %dma_wait3A_279 = tpu.memref_slice %arg7[%dma_wait3A_278] : memref<32768xf32, #tpu.memory_space<vmem>> -> memref<1024xf32, #tpu.memory_space<vmem>>
    %dma_wait3A_280 = arith.constant 0 : i32
    %dma_wait3A_281 = tpu.memref_slice %arg4[%dma_wait3A_276, %dma_wait3A_277, %dma_wait3A_280] : memref<16x1024x1024xf32, #tpu.memory_space<hbm>> -> memref<1x1x1024xf32, #tpu.memory_space<hbm>>
    %dma_wait3A_282 = tpu.memref_squeeze %dma_wait3A_281 : memref<1x1x1024xf32, #tpu.memory_space<hbm>> -> memref<1024xf32, #tpu.memory_space<hbm>>
    %dma_wait3A_283 = arith.constant 20480 : i32
    %dma_wait3A_284 = tpu.memref_slice %arg7[%dma_wait3A_283] : memref<32768xf32, #tpu.memory_space<vmem>> -> memref<1024xf32, #tpu.memory_space<vmem>>
    %dma_wait3A_285 = arith.constant 0 : i32
    %dma_wait3A_286 = tpu.memref_slice %arg4[%dma_wait3A_276, %dma_wait3A_277, %dma_wait3A_285] : memref<16x1024x1024xf32, #tpu.memory_space<hbm>> -> memref<1x1x1024xf32, #tpu.memory_space<hbm>>
    %dma_wait3A_287 = tpu.memref_squeeze %dma_wait3A_286 : memref<1x1x1024xf32, #tpu.memory_space<hbm>> -> memref<1024xf32, #tpu.memory_space<hbm>>
    tpu.wait_dma2 semaphore(%arg12 : memref<!tpu.dma_semaphore, #tpu.memory_space<semaphore_mem>>) src(%dma_wait3A_287 : memref<1024xf32, #tpu.memory_space<hbm>>) dst(%dma_wait3A_284 : memref<1024xf32, #tpu.memory_space<vmem>>)
    %dma_wait3A_288 = arith.constant 0 : i32
    %dma_wait3A_289 = arith.constant 0 : i32
    %dma_wait3A_290 = arith.constant 21504 : i32
    %dma_wait3A_291 = tpu.memref_slice %arg7[%dma_wait3A_290] : memref<32768xf32, #tpu.memory_space<vmem>> -> memref<1024xf32, #tpu.memory_space<vmem>>
    %dma_wait3A_292 = arith.constant 0 : i32
    %dma_wait3A_293 = tpu.memref_slice %arg4[%dma_wait3A_288, %dma_wait3A_289, %dma_wait3A_292] : memref<16x1024x1024xf32, #tpu.memory_space<hbm>> -> memref<1x1x1024xf32, #tpu.memory_space<hbm>>
    %dma_wait3A_294 = tpu.memref_squeeze %dma_wait3A_293 : memref<1x1x1024xf32, #tpu.memory_space<hbm>> -> memref<1024xf32, #tpu.memory_space<hbm>>
    %dma_wait3A_295 = arith.constant 21504 : i32
    %dma_wait3A_296 = tpu.memref_slice %arg7[%dma_wait3A_295] : memref<32768xf32, #tpu.memory_space<vmem>> -> memref<1024xf32, #tpu.memory_space<vmem>>
    %dma_wait3A_297 = arith.constant 0 : i32
    %dma_wait3A_298 = tpu.memref_slice %arg4[%dma_wait3A_288, %dma_wait3A_289, %dma_wait3A_297] : memref<16x1024x1024xf32, #tpu.memory_space<hbm>> -> memref<1x1x1024xf32, #tpu.memory_space<hbm>>
    %dma_wait3A_299 = tpu.memref_squeeze %dma_wait3A_298 : memref<1x1x1024xf32, #tpu.memory_space<hbm>> -> memref<1024xf32, #tpu.memory_space<hbm>>
    tpu.wait_dma2 semaphore(%arg12 : memref<!tpu.dma_semaphore, #tpu.memory_space<semaphore_mem>>) src(%dma_wait3A_299 : memref<1024xf32, #tpu.memory_space<hbm>>) dst(%dma_wait3A_296 : memref<1024xf32, #tpu.memory_space<vmem>>)
    %dma_wait3A_300 = arith.constant 0 : i32
    %dma_wait3A_301 = arith.constant 0 : i32
    %dma_wait3A_302 = arith.constant 22528 : i32
    %dma_wait3A_303 = tpu.memref_slice %arg7[%dma_wait3A_302] : memref<32768xf32, #tpu.memory_space<vmem>> -> memref<1024xf32, #tpu.memory_space<vmem>>
    %dma_wait3A_304 = arith.constant 0 : i32
    %dma_wait3A_305 = tpu.memref_slice %arg4[%dma_wait3A_300, %dma_wait3A_301, %dma_wait3A_304] : memref<16x1024x1024xf32, #tpu.memory_space<hbm>> -> memref<1x1x1024xf32, #tpu.memory_space<hbm>>
    %dma_wait3A_306 = tpu.memref_squeeze %dma_wait3A_305 : memref<1x1x1024xf32, #tpu.memory_space<hbm>> -> memref<1024xf32, #tpu.memory_space<hbm>>
    %dma_wait3A_307 = arith.constant 22528 : i32
    %dma_wait3A_308 = tpu.memref_slice %arg7[%dma_wait3A_307] : memref<32768xf32, #tpu.memory_space<vmem>> -> memref<1024xf32, #tpu.memory_space<vmem>>
    %dma_wait3A_309 = arith.constant 0 : i32
    %dma_wait3A_310 = tpu.memref_slice %arg4[%dma_wait3A_300, %dma_wait3A_301, %dma_wait3A_309] : memref<16x1024x1024xf32, #tpu.memory_space<hbm>> -> memref<1x1x1024xf32, #tpu.memory_space<hbm>>
    %dma_wait3A_311 = tpu.memref_squeeze %dma_wait3A_310 : memref<1x1x1024xf32, #tpu.memory_space<hbm>> -> memref<1024xf32, #tpu.memory_space<hbm>>
    tpu.wait_dma2 semaphore(%arg12 : memref<!tpu.dma_semaphore, #tpu.memory_space<semaphore_mem>>) src(%dma_wait3A_311 : memref<1024xf32, #tpu.memory_space<hbm>>) dst(%dma_wait3A_308 : memref<1024xf32, #tpu.memory_space<vmem>>)
    %dma_wait3A_312 = arith.constant 0 : i32
    %dma_wait3A_313 = arith.constant 0 : i32
    %dma_wait3A_314 = arith.constant 23552 : i32
    %dma_wait3A_315 = tpu.memref_slice %arg7[%dma_wait3A_314] : memref<32768xf32, #tpu.memory_space<vmem>> -> memref<1024xf32, #tpu.memory_space<vmem>>
    %dma_wait3A_316 = arith.constant 0 : i32
    %dma_wait3A_317 = tpu.memref_slice %arg4[%dma_wait3A_312, %dma_wait3A_313, %dma_wait3A_316] : memref<16x1024x1024xf32, #tpu.memory_space<hbm>> -> memref<1x1x1024xf32, #tpu.memory_space<hbm>>
    %dma_wait3A_318 = tpu.memref_squeeze %dma_wait3A_317 : memref<1x1x1024xf32, #tpu.memory_space<hbm>> -> memref<1024xf32, #tpu.memory_space<hbm>>
    %dma_wait3A_319 = arith.constant 23552 : i32
    %dma_wait3A_320 = tpu.memref_slice %arg7[%dma_wait3A_319] : memref<32768xf32, #tpu.memory_space<vmem>> -> memref<1024xf32, #tpu.memory_space<vmem>>
    %dma_wait3A_321 = arith.constant 0 : i32
    %dma_wait3A_322 = tpu.memref_slice %arg4[%dma_wait3A_312, %dma_wait3A_313, %dma_wait3A_321] : memref<16x1024x1024xf32, #tpu.memory_space<hbm>> -> memref<1x1x1024xf32, #tpu.memory_space<hbm>>
    %dma_wait3A_323 = tpu.memref_squeeze %dma_wait3A_322 : memref<1x1x1024xf32, #tpu.memory_space<hbm>> -> memref<1024xf32, #tpu.memory_space<hbm>>
    tpu.wait_dma2 semaphore(%arg12 : memref<!tpu.dma_semaphore, #tpu.memory_space<semaphore_mem>>) src(%dma_wait3A_323 : memref<1024xf32, #tpu.memory_space<hbm>>) dst(%dma_wait3A_320 : memref<1024xf32, #tpu.memory_space<vmem>>)
    %dma_wait3A_324 = arith.constant 0 : i32
    %dma_wait3A_325 = arith.constant 0 : i32
    %dma_wait3A_326 = arith.constant 24576 : i32
    %dma_wait3A_327 = tpu.memref_slice %arg7[%dma_wait3A_326] : memref<32768xf32, #tpu.memory_space<vmem>> -> memref<1024xf32, #tpu.memory_space<vmem>>
    %dma_wait3A_328 = arith.constant 0 : i32
    %dma_wait3A_329 = tpu.memref_slice %arg4[%dma_wait3A_324, %dma_wait3A_325, %dma_wait3A_328] : memref<16x1024x1024xf32, #tpu.memory_space<hbm>> -> memref<1x1x1024xf32, #tpu.memory_space<hbm>>
    %dma_wait3A_330 = tpu.memref_squeeze %dma_wait3A_329 : memref<1x1x1024xf32, #tpu.memory_space<hbm>> -> memref<1024xf32, #tpu.memory_space<hbm>>
    %dma_wait3A_331 = arith.constant 24576 : i32
    %dma_wait3A_332 = tpu.memref_slice %arg7[%dma_wait3A_331] : memref<32768xf32, #tpu.memory_space<vmem>> -> memref<1024xf32, #tpu.memory_space<vmem>>
    %dma_wait3A_333 = arith.constant 0 : i32
    %dma_wait3A_334 = tpu.memref_slice %arg4[%dma_wait3A_324, %dma_wait3A_325, %dma_wait3A_333] : memref<16x1024x1024xf32, #tpu.memory_space<hbm>> -> memref<1x1x1024xf32, #tpu.memory_space<hbm>>
    %dma_wait3A_335 = tpu.memref_squeeze %dma_wait3A_334 : memref<1x1x1024xf32, #tpu.memory_space<hbm>> -> memref<1024xf32, #tpu.memory_space<hbm>>
    tpu.wait_dma2 semaphore(%arg12 : memref<!tpu.dma_semaphore, #tpu.memory_space<semaphore_mem>>) src(%dma_wait3A_335 : memref<1024xf32, #tpu.memory_space<hbm>>) dst(%dma_wait3A_332 : memref<1024xf32, #tpu.memory_space<vmem>>)
    %dma_wait3A_336 = arith.constant 0 : i32
    %dma_wait3A_337 = arith.constant 0 : i32
    %dma_wait3A_338 = arith.constant 25600 : i32
    %dma_wait3A_339 = tpu.memref_slice %arg7[%dma_wait3A_338] : memref<32768xf32, #tpu.memory_space<vmem>> -> memref<1024xf32, #tpu.memory_space<vmem>>
    %dma_wait3A_340 = arith.constant 0 : i32
    %dma_wait3A_341 = tpu.memref_slice %arg4[%dma_wait3A_336, %dma_wait3A_337, %dma_wait3A_340] : memref<16x1024x1024xf32, #tpu.memory_space<hbm>> -> memref<1x1x1024xf32, #tpu.memory_space<hbm>>
    %dma_wait3A_342 = tpu.memref_squeeze %dma_wait3A_341 : memref<1x1x1024xf32, #tpu.memory_space<hbm>> -> memref<1024xf32, #tpu.memory_space<hbm>>
    %dma_wait3A_343 = arith.constant 25600 : i32
    %dma_wait3A_344 = tpu.memref_slice %arg7[%dma_wait3A_343] : memref<32768xf32, #tpu.memory_space<vmem>> -> memref<1024xf32, #tpu.memory_space<vmem>>
    %dma_wait3A_345 = arith.constant 0 : i32
    %dma_wait3A_346 = tpu.memref_slice %arg4[%dma_wait3A_336, %dma_wait3A_337, %dma_wait3A_345] : memref<16x1024x1024xf32, #tpu.memory_space<hbm>> -> memref<1x1x1024xf32, #tpu.memory_space<hbm>>
    %dma_wait3A_347 = tpu.memref_squeeze %dma_wait3A_346 : memref<1x1x1024xf32, #tpu.memory_space<hbm>> -> memref<1024xf32, #tpu.memory_space<hbm>>
    tpu.wait_dma2 semaphore(%arg12 : memref<!tpu.dma_semaphore, #tpu.memory_space<semaphore_mem>>) src(%dma_wait3A_347 : memref<1024xf32, #tpu.memory_space<hbm>>) dst(%dma_wait3A_344 : memref<1024xf32, #tpu.memory_space<vmem>>)
    %dma_wait3A_348 = arith.constant 0 : i32
    %dma_wait3A_349 = arith.constant 0 : i32
    %dma_wait3A_350 = arith.constant 26624 : i32
    %dma_wait3A_351 = tpu.memref_slice %arg7[%dma_wait3A_350] : memref<32768xf32, #tpu.memory_space<vmem>> -> memref<1024xf32, #tpu.memory_space<vmem>>
    %dma_wait3A_352 = arith.constant 0 : i32
    %dma_wait3A_353 = tpu.memref_slice %arg4[%dma_wait3A_348, %dma_wait3A_349, %dma_wait3A_352] : memref<16x1024x1024xf32, #tpu.memory_space<hbm>> -> memref<1x1x1024xf32, #tpu.memory_space<hbm>>
    %dma_wait3A_354 = tpu.memref_squeeze %dma_wait3A_353 : memref<1x1x1024xf32, #tpu.memory_space<hbm>> -> memref<1024xf32, #tpu.memory_space<hbm>>
    %dma_wait3A_355 = arith.constant 26624 : i32
    %dma_wait3A_356 = tpu.memref_slice %arg7[%dma_wait3A_355] : memref<32768xf32, #tpu.memory_space<vmem>> -> memref<1024xf32, #tpu.memory_space<vmem>>
    %dma_wait3A_357 = arith.constant 0 : i32
    %dma_wait3A_358 = tpu.memref_slice %arg4[%dma_wait3A_348, %dma_wait3A_349, %dma_wait3A_357] : memref<16x1024x1024xf32, #tpu.memory_space<hbm>> -> memref<1x1x1024xf32, #tpu.memory_space<hbm>>
    %dma_wait3A_359 = tpu.memref_squeeze %dma_wait3A_358 : memref<1x1x1024xf32, #tpu.memory_space<hbm>> -> memref<1024xf32, #tpu.memory_space<hbm>>
    tpu.wait_dma2 semaphore(%arg12 : memref<!tpu.dma_semaphore, #tpu.memory_space<semaphore_mem>>) src(%dma_wait3A_359 : memref<1024xf32, #tpu.memory_space<hbm>>) dst(%dma_wait3A_356 : memref<1024xf32, #tpu.memory_space<vmem>>)
    %dma_wait3A_360 = arith.constant 0 : i32
    %dma_wait3A_361 = arith.constant 0 : i32
    %dma_wait3A_362 = arith.constant 27648 : i32
    %dma_wait3A_363 = tpu.memref_slice %arg7[%dma_wait3A_362] : memref<32768xf32, #tpu.memory_space<vmem>> -> memref<1024xf32, #tpu.memory_space<vmem>>
    %dma_wait3A_364 = arith.constant 0 : i32
    %dma_wait3A_365 = tpu.memref_slice %arg4[%dma_wait3A_360, %dma_wait3A_361, %dma_wait3A_364] : memref<16x1024x1024xf32, #tpu.memory_space<hbm>> -> memref<1x1x1024xf32, #tpu.memory_space<hbm>>
    %dma_wait3A_366 = tpu.memref_squeeze %dma_wait3A_365 : memref<1x1x1024xf32, #tpu.memory_space<hbm>> -> memref<1024xf32, #tpu.memory_space<hbm>>
    %dma_wait3A_367 = arith.constant 27648 : i32
    %dma_wait3A_368 = tpu.memref_slice %arg7[%dma_wait3A_367] : memref<32768xf32, #tpu.memory_space<vmem>> -> memref<1024xf32, #tpu.memory_space<vmem>>
    %dma_wait3A_369 = arith.constant 0 : i32
    %dma_wait3A_370 = tpu.memref_slice %arg4[%dma_wait3A_360, %dma_wait3A_361, %dma_wait3A_369] : memref<16x1024x1024xf32, #tpu.memory_space<hbm>> -> memref<1x1x1024xf32, #tpu.memory_space<hbm>>
    %dma_wait3A_371 = tpu.memref_squeeze %dma_wait3A_370 : memref<1x1x1024xf32, #tpu.memory_space<hbm>> -> memref<1024xf32, #tpu.memory_space<hbm>>
    tpu.wait_dma2 semaphore(%arg12 : memref<!tpu.dma_semaphore, #tpu.memory_space<semaphore_mem>>) src(%dma_wait3A_371 : memref<1024xf32, #tpu.memory_space<hbm>>) dst(%dma_wait3A_368 : memref<1024xf32, #tpu.memory_space<vmem>>)
    %dma_wait3A_372 = arith.constant 0 : i32
    %dma_wait3A_373 = arith.constant 0 : i32
    %dma_wait3A_374 = arith.constant 28672 : i32
    %dma_wait3A_375 = tpu.memref_slice %arg7[%dma_wait3A_374] : memref<32768xf32, #tpu.memory_space<vmem>> -> memref<1024xf32, #tpu.memory_space<vmem>>
    %dma_wait3A_376 = arith.constant 0 : i32
    %dma_wait3A_377 = tpu.memref_slice %arg4[%dma_wait3A_372, %dma_wait3A_373, %dma_wait3A_376] : memref<16x1024x1024xf32, #tpu.memory_space<hbm>> -> memref<1x1x1024xf32, #tpu.memory_space<hbm>>
    %dma_wait3A_378 = tpu.memref_squeeze %dma_wait3A_377 : memref<1x1x1024xf32, #tpu.memory_space<hbm>> -> memref<1024xf32, #tpu.memory_space<hbm>>
    %dma_wait3A_379 = arith.constant 28672 : i32
    %dma_wait3A_380 = tpu.memref_slice %arg7[%dma_wait3A_379] : memref<32768xf32, #tpu.memory_space<vmem>> -> memref<1024xf32, #tpu.memory_space<vmem>>
    %dma_wait3A_381 = arith.constant 0 : i32
    %dma_wait3A_382 = tpu.memref_slice %arg4[%dma_wait3A_372, %dma_wait3A_373, %dma_wait3A_381] : memref<16x1024x1024xf32, #tpu.memory_space<hbm>> -> memref<1x1x1024xf32, #tpu.memory_space<hbm>>
    %dma_wait3A_383 = tpu.memref_squeeze %dma_wait3A_382 : memref<1x1x1024xf32, #tpu.memory_space<hbm>> -> memref<1024xf32, #tpu.memory_space<hbm>>
    tpu.wait_dma2 semaphore(%arg12 : memref<!tpu.dma_semaphore, #tpu.memory_space<semaphore_mem>>) src(%dma_wait3A_383 : memref<1024xf32, #tpu.memory_space<hbm>>) dst(%dma_wait3A_380 : memref<1024xf32, #tpu.memory_space<vmem>>)
    %dma_wait3A_384 = arith.constant 0 : i32
    %dma_wait3A_385 = arith.constant 0 : i32
    %dma_wait3A_386 = arith.constant 29696 : i32
    %dma_wait3A_387 = tpu.memref_slice %arg7[%dma_wait3A_386] : memref<32768xf32, #tpu.memory_space<vmem>> -> memref<1024xf32, #tpu.memory_space<vmem>>
    %dma_wait3A_388 = arith.constant 0 : i32
    %dma_wait3A_389 = tpu.memref_slice %arg4[%dma_wait3A_384, %dma_wait3A_385, %dma_wait3A_388] : memref<16x1024x1024xf32, #tpu.memory_space<hbm>> -> memref<1x1x1024xf32, #tpu.memory_space<hbm>>
    %dma_wait3A_390 = tpu.memref_squeeze %dma_wait3A_389 : memref<1x1x1024xf32, #tpu.memory_space<hbm>> -> memref<1024xf32, #tpu.memory_space<hbm>>
    %dma_wait3A_391 = arith.constant 29696 : i32
    %dma_wait3A_392 = tpu.memref_slice %arg7[%dma_wait3A_391] : memref<32768xf32, #tpu.memory_space<vmem>> -> memref<1024xf32, #tpu.memory_space<vmem>>
    %dma_wait3A_393 = arith.constant 0 : i32
    %dma_wait3A_394 = tpu.memref_slice %arg4[%dma_wait3A_384, %dma_wait3A_385, %dma_wait3A_393] : memref<16x1024x1024xf32, #tpu.memory_space<hbm>> -> memref<1x1x1024xf32, #tpu.memory_space<hbm>>
    %dma_wait3A_395 = tpu.memref_squeeze %dma_wait3A_394 : memref<1x1x1024xf32, #tpu.memory_space<hbm>> -> memref<1024xf32, #tpu.memory_space<hbm>>
    tpu.wait_dma2 semaphore(%arg12 : memref<!tpu.dma_semaphore, #tpu.memory_space<semaphore_mem>>) src(%dma_wait3A_395 : memref<1024xf32, #tpu.memory_space<hbm>>) dst(%dma_wait3A_392 : memref<1024xf32, #tpu.memory_space<vmem>>)
    %dma_wait3A_396 = arith.constant 0 : i32
    %dma_wait3A_397 = arith.constant 0 : i32
    %dma_wait3A_398 = arith.constant 30720 : i32
    %dma_wait3A_399 = tpu.memref_slice %arg7[%dma_wait3A_398] : memref<32768xf32, #tpu.memory_space<vmem>> -> memref<1024xf32, #tpu.memory_space<vmem>>
    %dma_wait3A_400 = arith.constant 0 : i32
    %dma_wait3A_401 = tpu.memref_slice %arg4[%dma_wait3A_396, %dma_wait3A_397, %dma_wait3A_400] : memref<16x1024x1024xf32, #tpu.memory_space<hbm>> -> memref<1x1x1024xf32, #tpu.memory_space<hbm>>
    %dma_wait3A_402 = tpu.memref_squeeze %dma_wait3A_401 : memref<1x1x1024xf32, #tpu.memory_space<hbm>> -> memref<1024xf32, #tpu.memory_space<hbm>>
    %dma_wait3A_403 = arith.constant 30720 : i32
    %dma_wait3A_404 = tpu.memref_slice %arg7[%dma_wait3A_403] : memref<32768xf32, #tpu.memory_space<vmem>> -> memref<1024xf32, #tpu.memory_space<vmem>>
    %dma_wait3A_405 = arith.constant 0 : i32
    %dma_wait3A_406 = tpu.memref_slice %arg4[%dma_wait3A_396, %dma_wait3A_397, %dma_wait3A_405] : memref<16x1024x1024xf32, #tpu.memory_space<hbm>> -> memref<1x1x1024xf32, #tpu.memory_space<hbm>>
    %dma_wait3A_407 = tpu.memref_squeeze %dma_wait3A_406 : memref<1x1x1024xf32, #tpu.memory_space<hbm>> -> memref<1024xf32, #tpu.memory_space<hbm>>
    tpu.wait_dma2 semaphore(%arg12 : memref<!tpu.dma_semaphore, #tpu.memory_space<semaphore_mem>>) src(%dma_wait3A_407 : memref<1024xf32, #tpu.memory_space<hbm>>) dst(%dma_wait3A_404 : memref<1024xf32, #tpu.memory_space<vmem>>)
    %dma_wait3A_408 = arith.constant 0 : i32
    %dma_wait3A_409 = arith.constant 0 : i32
    %dma_wait3A_410 = arith.constant 31744 : i32
    %dma_wait3A_411 = tpu.memref_slice %arg7[%dma_wait3A_410] : memref<32768xf32, #tpu.memory_space<vmem>> -> memref<1024xf32, #tpu.memory_space<vmem>>
    %dma_wait3A_412 = arith.constant 0 : i32
    %dma_wait3A_413 = tpu.memref_slice %arg4[%dma_wait3A_408, %dma_wait3A_409, %dma_wait3A_412] : memref<16x1024x1024xf32, #tpu.memory_space<hbm>> -> memref<1x1x1024xf32, #tpu.memory_space<hbm>>
    %dma_wait3A_414 = tpu.memref_squeeze %dma_wait3A_413 : memref<1x1x1024xf32, #tpu.memory_space<hbm>> -> memref<1024xf32, #tpu.memory_space<hbm>>
    %dma_wait3A_415 = arith.constant 31744 : i32
    %dma_wait3A_416 = tpu.memref_slice %arg7[%dma_wait3A_415] : memref<32768xf32, #tpu.memory_space<vmem>> -> memref<1024xf32, #tpu.memory_space<vmem>>
    %dma_wait3A_417 = arith.constant 0 : i32
    %dma_wait3A_418 = tpu.memref_slice %arg4[%dma_wait3A_408, %dma_wait3A_409, %dma_wait3A_417] : memref<16x1024x1024xf32, #tpu.memory_space<hbm>> -> memref<1x1x1024xf32, #tpu.memory_space<hbm>>
    %dma_wait3A_419 = tpu.memref_squeeze %dma_wait3A_418 : memref<1x1x1024xf32, #tpu.memory_space<hbm>> -> memref<1024xf32, #tpu.memory_space<hbm>>
    tpu.wait_dma2 semaphore(%arg12 : memref<!tpu.dma_semaphore, #tpu.memory_space<semaphore_mem>>) src(%dma_wait3A_419 : memref<1024xf32, #tpu.memory_space<hbm>>) dst(%dma_wait3A_416 : memref<1024xf32, #tpu.memory_space<vmem>>)
    return
  }
}

</mosaic_0001>

<sc_bundles>
// kernel: _sc_gather.3.cloned.1.call-start
scs
__scs_entry_jumppad:
0x0: {  	(pc) =	sbr.rel $0x88, $3  }
0x1: {  	(tag) =	ssettag $0x0;
	lr =	simm.s32 $0x1  }
0x2: {  	[smem:$0x3F9F] =	sst lr;
	_ =	strace $0xD0000000  }
0x3: {  	_ = 	snop  }
0x4: {  	_ = 	snop  }
0x5: {  	_ = 	snop  }
0x6: {  	_ = 	snop  }
0x7: {  	_ = 	snop  }
__scs_overlays_trampoline_lowered:
0x8: {  	[smem:$0x3FAE] =	sst s0  }
0x9: {  	[smem:$0x3FAF] =	sst s1  }
0xa: {  	[smem:$0x3FB0] =	sst s2  }
0xb: {  	[smem:$0x3FB1] =	sst s3  }
0xc: {  	[smem:$0x3FB2] =	sst s4  }
0xd: {  	[smem:$0x3FB3] =	sst s5  }
0xe: {  	[smem:$0x3FB4] =	sst s6  }
0xf: {  	[smem:$0x3FB5] =	sst s7  }
0x10: {  	[smem:$0x3FB6] =	sst s8  }
0x11: {  	[smem:$0x3FB7] =	sst s9;
	s0 =	simm.s32 @!p0 $0x0  }
0x12: {  	s1 =	sld [smem:$0x3F9D];
	s0 =	simm.s32 @p0 $0x1  }
0x13: {  	[smem:$0x3FB8] =	sst s0;
	s0 =	simm.s32 @!p1 $0x0  }
0x14: {  	s2 =	sld [smem:$0x3F9C];
	s0 =	simm.s32 @p1 $0x1  }
0x15: {  	[smem:$0x3FB9] =	sst s0;
	s0 =	simm.s32 @!p2 $0x0  }
0x16: {  	s3 =	sld [smem:$0x3FDB];
	s0 =	simm.s32 @p2 $0x1  }
0x17: {  	s4 =	simm.s32 $0x1BF5;
	[smem:$0x3FBB] =	sst s0  }
0x18: {  	s0 =	sld [smem:$0x3F9E];
	_ =	swait.ge [sflag:s4], $0x0  }
0x19: {  	s7 =	sld [smem:$0x3F9F]  }
0x1a: {  	s8 =	sadd.s32 $0xFFFFE003, lr  }
0x1b: {  	s9 =	sadd.s32 $0xFFFFFEF7, lr;
	s5 =	simm.s32 $0xFFFFFFFF;
	p2 =	slt.u32 s8, $0xFFFFF086  }
0x1c: {  	p1 =	slt.u32 s9, $0xF7A;
	s5 =	simm.s32 @!p2 $0x0  }
0x1d: {  	s5 =	simm.s32 @p1 $0x1;
	p0 =	seq.s32 s7, s2  }
0x1e: {  	s7 =	smul.u32 @!p0 $0xF7A, s2;
	p2 =	seq.s32 @!p0 s5, $0x0  }
0x1f: {  	s9 =	smul.u32 $0xF7A, s1;
	s8 =	simm.s32 @!p0 $0x1BF5;
	p2 =	por !p2, p0  }
0x20: {  	[sflag:s8] =	ssyncset.s32 @!p0 $0xFFFFF086;
	s6 =	sadd.s32 @!p0 s3, s7;
	s7 =	simm.s32 @!p0 $0x108  }
0x21: {  	s3 =	sadd.s32 s3, s9;
	s6 =	sadd.s32 @!p0 $0x88, s6;
	s7 =	simm.s32 @p2 $0x1082  }
0x22: {  	[simem:s7], [sflag:s8] =	dma.local @!p0 [hbm:s6], $0xF7A  }
0x23: {  	s9 =	sor.u32 $0xD0000000, s2;
	s6 =	simm.s32 $0x108;
	_ =	swait.ge @!p0 [sflag:s8], $0x0  }
0x24: {  	s3 =	sadd.s32 $0x88, s3;
	s6 =	simm.s32 @!p1 $0x1082;
	[sflag:s4] =	ssyncset.s32 $0xFFFFF086  }
0x25: {  	[simem:s6], [sflag:s4] =	dma.local [hbm:s3], $0xF7A  }
0x26: {  	[smem:$0x3F9F] =	sst s1;
	(tag) =	ssettag s2;
	_ =	strace s9  }
0x27: {  	s1 =	sld [smem:$0x3FAF]  }
0x28: {  	s2 =	sld [smem:$0x3FB0]  }
0x29: {  	s4 =	sld [smem:$0x3FB2]  }
0x2a: {  	p0 =	seq.s32 s5, $0x0;
	s5 =	sld [smem:$0x3FB3]  }
0x2b: {  	s6 =	sld [smem:$0x3FB4]  }
0x2c: {  	s7 =	sld [smem:$0x3FB5]  }
0x2d: {  	s3 =	simm.s32 $0x108;
	s8 =	sld [smem:$0x3FB6]  }
0x2e: {  	s3 =	simm.s32 @!p0 $0x1082;
	s9 =	sld [smem:$0x3FB7]  }
0x2f: {  	lr =	sadd.s32 s0, s3;
	s0 =	sld [smem:$0x3FAE]  }
0x30: {  	s3 =	sld [smem:$0x3FB1]  }
0x31: {  	[smem:$0x3FBA] =	sst s10  }
0x32: {  	s10 =	sld [smem:$0x3FB8];
	_ =	sdelay $0x3  }
0x33: {  	p0 =	seq.s32 s10, $0x1;
	s10 =	sld [smem:$0x3FBA];
	_ =	sdelay $0x3  }
0x34: {  	[smem:$0x3FBA] =	sst s10  }
0x35: {  	s10 =	sld [smem:$0x3FB9];
	_ =	sdelay $0x3  }
0x36: {  	p1 =	seq.s32 s10, $0x1;
	s10 =	sld [smem:$0x3FBA];
	_ =	sdelay $0x3  }
0x37: {  	[smem:$0x3FBA] =	sst s10  }
0x38: {  	s10 =	sld [smem:$0x3FBB]  }
0x39: {  	_ = 	snop;
	(pc) =	sbr.ind lr, $3  }
0x3a: {  	_ = 	snop  }
0x3b: {  	_ = 	snop  }
0x3c: {  	p2 =	seq.s32 s10, $0x1;
	s10 =	sld [smem:$0x3FBA]  }
0x3d: {  	_ =	shalt  }
0x3e: {  	_ =	shalt  }
0x3f: {  	_ =	shalt  }
0x40: {  	_ =	shalt  }
0x41: {  	_ =	shalt  }
0x42: {  	_ =	shalt  }
0x43: {  	_ =	shalt  }
0x44: {  	_ =	shalt  }
0x45: {  	_ =	shalt  }
0x46: {  	_ =	shalt  }
0x47: {  	_ =	shalt  }
0x48: {  	_ =	shalt  }
0x49: {  	_ =	shalt  }
0x4a: {  	_ =	shalt  }
0x4b: {  	_ =	shalt  }
0x4c: {  	_ =	shalt  }
0x4d: {  	_ =	shalt  }
0x4e: {  	_ =	shalt  }
0x4f: {  	_ =	shalt  }
0x50: {  	_ =	shalt  }
0x51: {  	_ =	shalt  }
0x52: {  	_ =	shalt  }
0x53: {  	_ =	shalt  }
0x54: {  	_ =	shalt  }
0x55: {  	_ =	shalt  }
0x56: {  	_ =	shalt  }
0x57: {  	_ =	shalt  }
0x58: {  	_ =	shalt  }
0x59: {  	_ =	shalt  }
0x5a: {  	_ =	shalt  }
0x5b: {  	_ =	shalt  }
0x5c: {  	_ =	shalt  }
0x5d: {  	_ =	shalt  }
0x5e: {  	_ =	shalt  }
0x5f: {  	_ =	shalt  }
0x60: {  	_ =	shalt  }
0x61: {  	_ =	shalt  }
0x62: {  	_ =	shalt  }
0x63: {  	_ =	shalt  }
0x64: {  	_ =	shalt  }
0x65: {  	_ =	shalt  }
0x66: {  	_ =	shalt  }
0x67: {  	_ =	shalt  }
0x68: {  	_ =	shalt  }
0x69: {  	_ =	shalt  }
0x6a: {  	_ =	shalt  }
0x6b: {  	_ =	shalt  }
0x6c: {  	_ =	shalt  }
0x6d: {  	_ =	shalt  }
0x6e: {  	_ =	shalt  }
0x6f: {  	_ =	shalt  }
0x70: {  	_ =	shalt  }
0x71: {  	_ =	shalt  }
0x72: {  	_ =	shalt  }
0x73: {  	_ =	shalt  }
0x74: {  	_ =	shalt  }
0x75: {  	_ =	shalt  }
0x76: {  	_ =	shalt  }
0x77: {  	_ =	shalt  }
0x78: {  	_ =	shalt  }
0x79: {  	_ =	shalt  }
0x7a: {  	_ =	shalt  }
0x7b: {  	_ =	shalt  }
0x7c: {  	_ =	shalt  }
0x7d: {  	_ =	shalt  }
0x7e: {  	_ =	shalt  }
0x7f: {  	_ =	shalt  }
0x80: {  	_ =	shalt  }
0x81: {  	_ =	shalt  }
0x82: {  	_ =	shalt  }
0x83: {  	_ =	shalt  }
0x84: {  	_ =	shalt  }
0x85: {  	_ =	shalt  }
0x86: {  	_ =	shalt  }
0x87: {  	_ =	shalt  }
.Lfunc_end0:
.L_simem_size_0:
called_computation_lowered:
.L_overlay_start_0:
0x88: {  	s2 =	sld [smem:$0x3FD9]  }
0x89: {  	s3 =	sld [smem:$0x3FFE];
	_ =	sdelay $0x1  }
0x8a: {  	s1 =	srdreg.scid  }
0x8b: {  	s0 =	sand.u32 $0x1, s1  }
0x8c: {  	s18 =	sshll.u32 s0, $0xA;
	s2 =	sadd.s32 s3, s2  }
0x8d: {  	s2 =	sadd.s32 s2, s18  }
0x8e: {  	[smem:$0x3FC6] =	sst s2  }
0x8f: {  	_ = 	snop  }
0x90: {  	s2 =	sld [smem:$0x3FC9]  }
0x91: {  	s19 =	sld [smem:$0x3FC8]  }
0x92: {  	s4 =	sld [smem:$0x3FD0];
	(tm) =	ssettm $0x1  }
0x93: {  	s5 =	sld [smem:$0x3FFB];
	_ =	sdelay $0x3  }
0x94: {  	_ =	strace s5  }
0x95: {  	s5 =	sld [smem:$0x3FFC];
	_ =	sdelay $0x3  }
0x96: {  	_ =	strace s5  }
0x97: {  	s5 =	sld [smem:$0x3FFD];
	_ =	sdelay $0x3  }
0x98: {  	_ =	strace s5  }
0x99: {  	_ =	strace $0x8FFFFFFF  }
0x9a: {  	s20 =	sld [smem:$0x3FDB];
	_ =	sdelay $0x1  }
0x9b: {  	s6 =	simm.s32 $_scs_section_size  }
0x9c: {  	s7 =	simm.s32 $_size__tile_overlayer_lowered;
	s8 =	simm.s32 $_tile_overlayer_lowered  }
0x9d: {  	s23 =	simm.s32 $0x1BFF;
	s22 =	sshll.u32 s8, $0x1;
	s5 =	sadd.s32 s6, s20  }
0x9e: {  	s9 =	simm.s32 $0x0;
	s21 =	sshll.u32 s7, $0x1;
	s7 =	sadd.s32 s22, s5  }
0x9f: {  	[timem:s9], [sflag:s23] =	dma.local [hbm:s7], s21  }
0xa0: {  	_ =	swait.ge [sflag:s23], s21  }
0xa1: {  	s6 =	ssub.s32 $0x0, s21;
	[sflag:s23] =	ssyncset.done $0x0  }
0xa2: {  	[sflag:s23] =	ssyncadd.s32 s6;
	_ =	sdelay $0x1  }
0xa3: {  	s24 =	simm.s32 $0x1B8B  }
0xa4: {  	_ =	swait.ge [sflag:s24], $0x1  }
0xa5: {  	[sflag:s24] =	ssyncset.done $0x0  }
0xa6: {  	s25 =	simm.s32 $0x1B8E;
	[sflag:s24] =	ssyncadd.s32 $0xFFFFFFFF  }
0xa7: {  	s26 =	simm.s32 $execute0_lowered;
	[smem:$0x3FD2] =	sst s25  }
0xa8: {  	s6 =	sshll.u32 s26, $0x1;
	_ =	strace $0x80000046;
	[dreg:$0x1] =	wrdreg $0xFFFFFFFF  }
0xa9: {  	s28 =	simm.s32 $_size_execute0_lowered;
	s5 =	sadd.s32 s5, s6;
	[dreg:$0x0] =	wrdreg $0x0  }
0xaa: {  	s6 =	sshll.u32 s28, $0x1;
	[dreg:$0x2] =	wrdreg s5  }
0xab: {  	[dreg:$0x3] =	wrdreg s6  }
0xac: {  	[dreg:$0x4] =	wrdreg $0xC0  }
0xad: {  	_ =	task [dreg:s9], $0x5FFFF  }
0xae: {  	[dreg:$0x1] =	wrdreg $0xFFFFFFFF  }
0xaf: {  	[dreg:$0x0] =	wrdreg $0x60  }
0xb0: {  	[dreg:$0x2] =	wrdreg s2  }
0xb1: {  	[dreg:$0x3] =	wrdreg s19  }
0xb2: {  	[dreg:$0x4] =	wrdreg s4  }
0xb3: {  	[dreg:$0x5] =	wrdreg $0x188000  }
0xb4: {  	[dreg:$0x6] =	wrdreg $0x9  }
0xb5: {  	_ =	task.clear_ibuf [dreg:s9], $0x7FFFF;
	_ =	strace $0x90000046  }
0xb6: {  	s29 =	simm.s32 $0x9;
	_ =	strace $0x80000048  }
0xb7: {  	_ =	swait.ge [sflag:s29], $0x1  }
0xb8: {  	[sflag:s29] =	ssyncadd.s32 $0xFFFFFFFF  }
0xb9: {  	_ =	strace $0x90000048  }
0xba: {  	_ =	sfence  }
0xbb: {  	s30 =	sld [smem:$0x0];
	_ =	sdelay $0x2  }
0xbc: {  	s31 =	sshll.u32 s1, $0xD;
	s1 =	sshrl.u32 s1, $0x2  }
0xbd: {  	s3 =	sand.u32 $0x4000, s31;
	s1 =	sadd.s32 s1, s30  }
0xbe: {  	s0 =	sor.u32 s3, s0;
	s1 =	sshll.u32 s1, $0x11  }
0xbf: {  	s0 =	sor.u32 s1, s0  }
0xc0: {  	s0 =	sadd.s32 $0x8F2B, s0  }
0xc1: {  	[sflag:s0] =	ssyncadd.remote.s32 $0x1  }
0xc2: {  	_ =	sfence.sel $0xFFFF  }
0xc3: {  	[dreg:$0x0] =	wrdreg $0xFFFFFFFF;
	(pc) =	sbr.abs _section_cstart, $3  }
0xc4: {  	[dreg:$0x1] =	wrdreg $0xFFFFFFFF  }
0xc5: {  	_ =	task.clear_ibuf [dreg:s9], $0x2FFFF;
	_ =	strace $0x9FFFFFFF  }
0xc6: {  	(tm) =	ssettm $0x7FFFFFFF  }
0xc7: {  	_ =	shalt  }
tec
execute0_lowered:
.L_overlay_start_1:
0x0: {  	(tag) =	ssettag $0x1  }
0x1: {  	s18 =	rddreg [dreg:$0x0]  }
0x2: {  	s19 =	rddreg [dreg:$0x1]  }
0x3: {  	s31 =	rddreg [dreg:$0x2]  }
0x4: {  	s21 =	rddreg [dreg:$0x3];
	s0 =	srdreg.scid;
	s5 =	simm.s32 $0x0  }
0x5: {  	s2 =	stileid.u32;
	[smem:$0x7FF] =	sst s5  }
0x6: {  	s24 =	sshll.u32 s2, $0x6;
	s26 =	sadd.s32 $0x10, s18;
	s4 =	sadd.s32 $0x20, s18  }
0x7: {  	s29 =	sadd.s32 $0x3000, s21;
	_ =	strace $0x80000047;
	[dreg:$0x6] =	wrdreg s26  }
0x8: {  	p0 =	sne.s32 s2, $0x0;
	s2 =	sadd.s32 $0x70, s18;
	[dreg:$0x7] =	wrdreg s4  }
0x9: {  	s6 =	sadd.s32 $0x4000, s21;
	s4 =	sshrl.u32 s29, $0x3;
	[dreg:$0x1d] =	wrdreg s2  }
0xa: {  	s7 =	sadd.s32 $0x5000, s21;
	s6 =	sshrl.u32 s6, $0x3;
	[dreg:$0xc] =	wrdreg s4  }
0xb: {  	s8 =	sadd.s32 $0x6000, s21;
	s7 =	sshrl.u32 s7, $0x3;
	[dreg:$0xd] =	wrdreg s6  }
0xc: {  	s9 =	sadd.s32 $0x7000, s21;
	s8 =	sshrl.u32 s8, $0x3;
	[dreg:$0xe] =	wrdreg s7  }
0xd: {  	s10 =	sadd.s32 $0x8000, s21;
	s9 =	sshrl.u32 s9, $0x3;
	[dreg:$0xf] =	wrdreg s8  }
0xe: {  	s11 =	sadd.s32 $0x9000, s21;
	s10 =	sshrl.u32 s10, $0x3;
	[dreg:$0x10] =	wrdreg s9  }
0xf: {  	s13 =	sadd.s32 $0xB000, s21;
	s11 =	sshrl.u32 s11, $0x3;
	[dreg:$0x11] =	wrdreg s10  }
0x10: {  	s14 =	sadd.s32 $0xC000, s21;
	s20 =	sshrl.u32 s13, $0x3;
	[dreg:$0x12] =	wrdreg s11  }
0x11: {  	s30 =	sadd.s32 $0xF000, s21;
	s23 =	sshrl.u32 s14, $0x3;
	[dreg:$0x14] =	wrdreg s20  }
0x12: {  	s0 =	sand.u32 $0x1, s0;
	s26 =	sshrl.u32 s30, $0x3;
	[dreg:$0x15] =	wrdreg s23  }
0x13: {  	s25 =	sadd.s32 $0x1000, s21;
	s29 =	sadd.s32 $0x40, s18;
	[dreg:$0x18] =	wrdreg s26  }
0x14: {  	s15 =	sadd.s32 $0xD000, s21;
	s30 =	sadd.s32 $0x50, s18;
	[dreg:$0x1a] =	wrdreg s29  }
0x15: {  	s1 =	ssub.s32 $0x2, s0;
	s13 =	sadd.s32 $0x20000, s31;
	[dreg:$0x1b] =	wrdreg s30  }
0x16: {  	s0 =	sshll.u32 s0, $0x5;
	s14 =	sadd.s32 $0x40000, s31;
	[smem:$0x7EF] =	sst s13  }
0x17: {  	s22 =	sor.u32 s0, s24;
	s0 =	sshrl.u32 s25, $0x3;
	[smem:$0x7F0] =	sst s14  }
0x18: {  	s16 =	sadd.s32 $0xE000, s21;
	s24 =	sshrl.u32 s15, $0x3;
	[dreg:$0xa] =	wrdreg s0  }
0x19: {  	s25 =	sshrl.u32 s16, $0x3;
	[dreg:$0x16] =	wrdreg s24  }
0x1a: {  	s4 =	sadd.s32 $0x1010, s18;
	[dreg:$0x17] =	wrdreg s25  }
0x1b: {  	s6 =	sadd.s32 $0x1020, s18;
	[dreg:$0x1f] =	wrdreg s4  }
0x1c: {  	s7 =	sadd.s32 $0x1030, s18;
	[smem:$0x7E8] =	sst s6  }
0x1d: {  	s8 =	sadd.s32 $0x1040, s18;
	[smem:$0x7E9] =	sst s7  }
0x1e: {  	s9 =	sadd.s32 $0x1050, s18;
	[smem:$0x7EA] =	sst s8  }
0x1f: {  	s10 =	sadd.s32 $0x1060, s18;
	[smem:$0x7EB] =	sst s9  }
0x20: {  	s11 =	sadd.s32 $0x1070, s18;
	[smem:$0x7EC] =	sst s10  }
0x21: {  	s15 =	sadd.s32 $0x60000, s31;
	[smem:$0x7ED] =	sst s11  }
0x22: {  	s16 =	sadd.s32 $0x80000, s31;
	[smem:$0x7F1] =	sst s15  }
0x23: {  	s20 =	sadd.s32 $0x100000, s31;
	[smem:$0x7F2] =	sst s16  }
0x24: {  	s28 =	sadd.s32 $0x2000, s21;
	s23 =	sadd.s32 $0x120000, s31;
	[smem:$0x7F6] =	sst s20  }
0x25: {  	s12 =	sadd.s32 $0xA000, s21;
	s26 =	sadd.s32 $0x180000, s31;
	[smem:$0x7F7] =	sst s23  }
0x26: {  	s2 =	simm.s32 $0xA000;
	s29 =	sadd.s32 $0x1C0000, s31;
	[smem:$0x7FA] =	sst s26  }
0x27: {  	s3 =	sshrl.u32 s1, $0x1;
	s30 =	sadd.s32 $0x1E0000, s31;
	[smem:$0x7FC] =	sst s29  }
0x28: {  	s13 =	simm.s32 $0x400;
	s14 =	simm.s32 $0x7000;
	[smem:$0x7FD] =	sst s30  }
0x29: {  	s1 =	ssub.s32 s1, s3;
	s3 =	sshrl.u32 s28, $0x3;
	[dreg:$0x5] =	wrdreg s22  }
0x2a: {  	s17 =	sshll.u32 s22, $0x7;
	s28 =	sadd.s32 $0x30, s18;
	[dreg:$0xb] =	wrdreg s3  }
0x2b: {  	s24 =	sadd.s32 $0x140000, s31;
	s25 =	sadd.s32 $0x160000, s31;
	[dreg:$0x19] =	wrdreg s28  }
0x2c: {  	s11 =	simm.s32 $0x80;
	s10 =	simm.s32 $0x1000;
	[smem:$0x7F8] =	sst s24  }
0x2d: {  	s16 =	simm.s32 $0x2000;
	s1 =	smax.u32 s1, $0x1;
	[smem:$0x7F9] =	sst s25  }
0x2e: {  	s17 =	sadd.s32 s19, s17;
	s19 =	sshrl.u32 s12, $0x3;
	[dreg:$0x9] =	wrdreg s1  }
0x2f: {  	s9 =	simm.s32 $0x3000;
	s3 =	sadd.s32 $0x1000, s18;
	[dreg:$0x13] =	wrdreg s19  }
0x30: {  	s4 =	simm.s32 $0x4000;
	s8 =	simm.s32 $0x5000;
	[dreg:$0x1e] =	wrdreg s3  }
0x31: {  	s15 =	simm.s32 $0x9000;
	s28 =	sadd.s32 $0x1A0000, s31;
	[dreg:$0x8] =	wrdreg s17  }
0x32: {  	s7 =	simm.s32 $0xC000;
	s1 =	sadd.s32 $0x60, s18;
	[smem:$0x7FB] =	sst s28  }
0x33: {  	s20 =	simm.s32 $0x4;
	s12 =	sadd.s32 $0x10, s17;
	[dreg:$0x1c] =	wrdreg s1  }
.Ltmp0:
0x34: {  	s17 =	sadd.s32 $0xA0000, s31;
	[smem:$0x7EE] =	sst s12;
	(pc) =	sbr.rel .LBB2_1-.Ltmp0, $4  }
0x35: {  	s6 =	simm.s32 $0x0;
	s18 =	sadd.s32 $0xC0000, s31;
	[smem:$0x7F3] =	sst s17  }
0x36: {  	s19 =	sadd.s32 $0xE0000, s31;
	s3 =	simm.s32 $0xB000;
	[smem:$0x7F4] =	sst s18  }
0x37: {  	[smem:$0x7F5] =	sst s19;
	s12 =	simm.s32 $0x6000;
	s1 =	simm.s32 $0x8000  }
0x38: {  	s17 =	simm.s32 $0xD000;
	s18 =	simm.s32 $0xE000;
	s19 =	simm.s32 $0xF000  }
.LBB2_15:
0x39: {  	s0 =	simm.s32 $0x3  }
0x3a: {  	_ =	swait.ge [sflag:s0], $0x400  }
0x3b: {  	[sflag:s0] =	ssyncset.done $0x0  }
0x3c: {  	[sflag:s0] =	ssyncadd.s32 $0xFFFFFC00  }
0x3d: {  	_ =	swait.ge [sflag:s0], $0x400  }
0x3e: {  	[sflag:s0] =	ssyncset.done $0x0  }
0x3f: {  	[sflag:s0] =	ssyncadd.s32 $0xFFFFFC00  }
0x40: {  	_ =	swait.ge [sflag:s0], $0x400  }
0x41: {  	[sflag:s0] =	ssyncset.done $0x0  }
0x42: {  	[sflag:s0] =	ssyncadd.s32 $0xFFFFFC00  }
0x43: {  	_ =	swait.ge [sflag:s0], $0x400  }
0x44: {  	[sflag:s0] =	ssyncset.done $0x0  }
0x45: {  	[sflag:s0] =	ssyncadd.s32 $0xFFFFFC00  }
0x46: {  	_ =	swait.ge [sflag:s0], $0x400  }
0x47: {  	[sflag:s0] =	ssyncset.done $0x0  }
0x48: {  	[sflag:s0] =	ssyncadd.s32 $0xFFFFFC00  }
0x49: {  	_ =	swait.ge [sflag:s0], $0x400  }
0x4a: {  	[sflag:s0] =	ssyncset.done $0x0  }
0x4b: {  	[sflag:s0] =	ssyncadd.s32 $0xFFFFFC00  }
0x4c: {  	_ =	swait.ge [sflag:s0], $0x400  }
0x4d: {  	[sflag:s0] =	ssyncset.done $0x0  }
0x4e: {  	[sflag:s0] =	ssyncadd.s32 $0xFFFFFC00  }
0x4f: {  	_ =	swait.ge [sflag:s0], $0x400  }
0x50: {  	[sflag:s0] =	ssyncset.done $0x0  }
0x51: {  	[sflag:s0] =	ssyncadd.s32 $0xFFFFFC00  }
0x52: {  	_ =	swait.ge [sflag:s0], $0x400  }
0x53: {  	[sflag:s0] =	ssyncset.done $0x0  }
0x54: {  	[sflag:s0] =	ssyncadd.s32 $0xFFFFFC00  }
0x55: {  	_ =	swait.ge [sflag:s0], $0x400  }
0x56: {  	[sflag:s0] =	ssyncset.done $0x0  }
0x57: {  	[sflag:s0] =	ssyncadd.s32 $0xFFFFFC00  }
0x58: {  	_ =	swait.ge [sflag:s0], $0x400  }
0x59: {  	[sflag:s0] =	ssyncset.done $0x0  }
0x5a: {  	[sflag:s0] =	ssyncadd.s32 $0xFFFFFC00  }
0x5b: {  	_ =	swait.ge [sflag:s0], $0x400  }
0x5c: {  	[sflag:s0] =	ssyncset.done $0x0  }
0x5d: {  	[sflag:s0] =	ssyncadd.s32 $0xFFFFFC00  }
0x5e: {  	_ =	swait.ge [sflag:s0], $0x400  }
0x5f: {  	[sflag:s0] =	ssyncset.done $0x0  }
0x60: {  	[sflag:s0] =	ssyncadd.s32 $0xFFFFFC00  }
0x61: {  	_ =	swait.ge [sflag:s0], $0x400  }
0x62: {  	[sflag:s0] =	ssyncset.done $0x0  }
0x63: {  	[sflag:s0] =	ssyncadd.s32 $0xFFFFFC00  }
0x64: {  	_ =	swait.ge [sflag:s0], $0x400  }
0x65: {  	[sflag:s0] =	ssyncset.done $0x0  }
0x66: {  	[sflag:s0] =	ssyncadd.s32 $0xFFFFFC00  }
0x67: {  	_ =	swait.ge [sflag:s0], $0x400  }
0x68: {  	[sflag:s0] =	ssyncset.done $0x0  }
0x69: {  	[sflag:s0] =	ssyncadd.s32 $0xFFFFFC00  }
0x6a: {  	_ =	swait.ge [sflag:s20], $0x400  }
0x6b: {  	[sflag:s20] =	ssyncset.done $0x0  }
0x6c: {  	[sflag:s20] =	ssyncadd.s32 $0xFFFFFC00  }
0x6d: {  	_ =	swait.ge [sflag:s20], $0x400  }
0x6e: {  	[sflag:s20] =	ssyncset.done $0x0  }
0x6f: {  	[sflag:s20] =	ssyncadd.s32 $0xFFFFFC00  }
0x70: {  	_ =	swait.ge [sflag:s20], $0x400  }
0x71: {  	[sflag:s20] =	ssyncset.done $0x0  }
0x72: {  	[sflag:s20] =	ssyncadd.s32 $0xFFFFFC00  }
0x73: {  	_ =	swait.ge [sflag:s20], $0x400  }
0x74: {  	[sflag:s20] =	ssyncset.done $0x0  }
0x75: {  	[sflag:s20] =	ssyncadd.s32 $0xFFFFFC00  }
0x76: {  	_ =	swait.ge [sflag:s20], $0x400  }
0x77: {  	[sflag:s20] =	ssyncset.done $0x0  }
0x78: {  	[sflag:s20] =	ssyncadd.s32 $0xFFFFFC00  }
0x79: {  	_ =	swait.ge [sflag:s20], $0x400  }
0x7a: {  	[sflag:s20] =	ssyncset.done $0x0  }
0x7b: {  	[sflag:s20] =	ssyncadd.s32 $0xFFFFFC00  }
0x7c: {  	_ =	swait.ge [sflag:s20], $0x400  }
0x7d: {  	[sflag:s20] =	ssyncset.done $0x0  }
0x7e: {  	[sflag:s20] =	ssyncadd.s32 $0xFFFFFC00  }
0x7f: {  	_ =	swait.ge [sflag:s20], $0x400  }
0x80: {  	[sflag:s20] =	ssyncset.done $0x0  }
0x81: {  	[sflag:s20] =	ssyncadd.s32 $0xFFFFFC00  }
0x82: {  	_ =	swait.ge [sflag:s20], $0x400  }
0x83: {  	[sflag:s20] =	ssyncset.done $0x0  }
0x84: {  	[sflag:s20] =	ssyncadd.s32 $0xFFFFFC00  }
0x85: {  	_ =	swait.ge [sflag:s20], $0x400  }
0x86: {  	[sflag:s20] =	ssyncset.done $0x0  }
0x87: {  	[sflag:s20] =	ssyncadd.s32 $0xFFFFFC00  }
0x88: {  	_ =	swait.ge [sflag:s20], $0x400  }
0x89: {  	[sflag:s20] =	ssyncset.done $0x0  }
0x8a: {  	[sflag:s20] =	ssyncadd.s32 $0xFFFFFC00  }
0x8b: {  	_ =	swait.ge [sflag:s20], $0x400  }
0x8c: {  	[sflag:s20] =	ssyncset.done $0x0  }
0x8d: {  	[sflag:s20] =	ssyncadd.s32 $0xFFFFFC00  }
0x8e: {  	_ =	swait.ge [sflag:s20], $0x400  }
0x8f: {  	[sflag:s20] =	ssyncset.done $0x0  }
0x90: {  	[sflag:s20] =	ssyncadd.s32 $0xFFFFFC00  }
0x91: {  	_ =	swait.ge [sflag:s20], $0x400  }
0x92: {  	[sflag:s20] =	ssyncset.done $0x0  }
0x93: {  	[sflag:s20] =	ssyncadd.s32 $0xFFFFFC00  }
0x94: {  	_ =	swait.ge [sflag:s20], $0x400  }
0x95: {  	[sflag:s20] =	ssyncset.done $0x0  }
0x96: {  	[sflag:s20] =	ssyncadd.s32 $0xFFFFFC00  }
0x97: {  	_ =	swait.ge [sflag:s20], $0x400  }
0x98: {  	s6 =	sld [smem:$0x7E7];
	_ =	sdelay $0x2  }
0x99: {  	s30 =	rddreg [dreg:$0x9];
	s6 =	sadd.s32 $0x1, s6  }
0x9a: {  	p1 =	sne.s32 s6, s30  }
.Ltmp1:
0x9b: {  	_ = 	snop;
	(pc) =	sbr.rel @!p1 .LBB2_16-.Ltmp1, $4  }
0x9c: {  	_ = 	snop  }
0x9d: {  	[sflag:s20] =	ssyncset.done $0x0  }
0x9e: {  	[sflag:s20] =	ssyncadd.s32 $0xFFFFFC00  }
0x9f: {  	s21 =	rddreg [dreg:$0x3]  }
.LBB2_1:
.Ltmp2:
0xa0: {  	(pc) =	sbr.rel @!p0 .LBB2_2-.Ltmp2, $2  }
0xa1: {  	_ =	sdelay $0x2  }
0xa2: {  	[smem:$0x7E7] =	sst s6  }
.Ltmp3:
0xa3: {  	s0 =	rddreg [dreg:$0x8];
	(pc) =	sbr.rel .LBB2_4-.Ltmp3, $4  }
0xa4: {  	s6 =	simm.s32 $0x10000;
	s29 =	sld [smem:$0x7EE]  }
0xa5: {  	[tilespmem:s6], [sflag:$0x1] =	stream.strided.gather [hbm4b:s0+s11], $0x400, s13, s11, $0x38;
	[tilespmem:$0x19800] =	vst v63  }
0xa6: {  	s30 =	simm.s32 $0x10400  }
0xa7: {  	[tilespmem:s30], [sflag:$0x2] =	stream.strided.gather [hbm4b:s29+s11], $0x400, s13, s11, $0x38;
	[tilespmem:$0x19800] =	vst v63  }
.LBB2_2:
0xa8: {  	s0 =	sshrl.u32 s21, $0x3;
	s6 =	rddreg [dreg:$0x0]  }
0xa9: {  	s23 =	simm.s32 $0x1;
	s24 =	simm.s32 $0x10;
	s25 =	simm.s32 $0x1C05  }
0xaa: {  	[spmem:s0@s24], [sflag:s25] =	dma.strided [hbm:s6@s11], $0x200, s23, $0x10   }
0xab: {  	s0 =	rddreg [dreg:$0x6]  }
0xac: {  	s6 =	rddreg [dreg:$0xa]  }
0xad: {  	[spmem:s6@s24], [sflag:s25] =	dma.strided [hbm:s0@s11], $0x200, s23, $0x10   }
0xae: {  	s0 =	rddreg [dreg:$0x7]  }
0xaf: {  	s6 =	rddreg [dreg:$0xb]  }
0xb0: {  	[spmem:s6@s24], [sflag:s25] =	dma.strided [hbm:s0@s11], $0x200, s23, $0x10   }
0xb1: {  	s0 =	rddreg [dreg:$0xc]  }
0xb2: {  	s6 =	rddreg [dreg:$0x19]  }
0xb3: {  	[spmem:s0@s24], [sflag:s25] =	dma.strided [hbm:s6@s11], $0x200, s23, $0x10   }
0xb4: {  	s0 =	rddreg [dreg:$0xd]  }
0xb5: {  	s6 =	rddreg [dreg:$0x1a]  }
0xb6: {  	[spmem:s0@s24], [sflag:s25] =	dma.strided [hbm:s6@s11], $0x200, s23, $0x10   }
0xb7: {  	s0 =	rddreg [dreg:$0xe]  }
0xb8: {  	s6 =	rddreg [dreg:$0x1b]  }
0xb9: {  	[spmem:s0@s24], [sflag:s25] =	dma.strided [hbm:s6@s11], $0x200, s23, $0x10   }
0xba: {  	s0 =	rddreg [dreg:$0xf]  }
0xbb: {  	s6 =	rddreg [dreg:$0x1c]  }
0xbc: {  	[spmem:s0@s24], [sflag:s25] =	dma.strided [hbm:s6@s11], $0x200, s23, $0x10   }
0xbd: {  	s0 =	rddreg [dreg:$0x10]  }
0xbe: {  	s6 =	rddreg [dreg:$0x1d]  }
0xbf: {  	[spmem:s0@s24], [sflag:s25] =	dma.strided [hbm:s6@s11], $0x200, s23, $0x10   }
0xc0: {  	s0 =	rddreg [dreg:$0x11]  }
0xc1: {  	s6 =	rddreg [dreg:$0x1e]  }
0xc2: {  	[spmem:s0@s24], [sflag:s25] =	dma.strided [hbm:s6@s11], $0x200, s23, $0x10   }
0xc3: {  	s0 =	rddreg [dreg:$0x12]  }
0xc4: {  	s6 =	rddreg [dreg:$0x1f]  }
0xc5: {  	[spmem:s0@s24], [sflag:s25] =	dma.strided [hbm:s6@s11], $0x200, s23, $0x10   }
0xc6: {  	s6 =	sld [smem:$0x7E8];
	_ =	sdelay $0x1  }
0xc7: {  	s0 =	rddreg [dreg:$0x13]  }
0xc8: {  	[spmem:s0@s24], [sflag:s25] =	dma.strided [hbm:s6@s11], $0x200, s23, $0x10   }
0xc9: {  	s6 =	sld [smem:$0x7E9];
	_ =	sdelay $0x1  }
0xca: {  	s0 =	rddreg [dreg:$0x14]  }
0xcb: {  	[spmem:s0@s24], [sflag:s25] =	dma.strided [hbm:s6@s11], $0x200, s23, $0x10   }
0xcc: {  	s6 =	sld [smem:$0x7EA];
	_ =	sdelay $0x1  }
0xcd: {  	s0 =	rddreg [dreg:$0x15]  }
0xce: {  	[spmem:s0@s24], [sflag:s25] =	dma.strided [hbm:s6@s11], $0x200, s23, $0x10   }
0xcf: {  	s6 =	sld [smem:$0x7EB];
	_ =	sdelay $0x1  }
0xd0: {  	s0 =	rddreg [dreg:$0x16]  }
0xd1: {  	[spmem:s0@s24], [sflag:s25] =	dma.strided [hbm:s6@s11], $0x200, s23, $0x10   }
0xd2: {  	s6 =	sld [smem:$0x7EC];
	_ =	sdelay $0x1  }
0xd3: {  	s0 =	rddreg [dreg:$0x17]  }
0xd4: {  	[spmem:s0@s24], [sflag:s25] =	dma.strided [hbm:s6@s11], $0x200, s23, $0x10   }
0xd5: {  	s6 =	sld [smem:$0x7ED];
	_ =	sdelay $0x1  }
0xd6: {  	s0 =	rddreg [dreg:$0x18]  }
0xd7: {  	[spmem:s0@s24], [sflag:s25] =	dma.strided [hbm:s6@s11], $0x200, s23, $0x10   }
0xd8: {  	s0 =	rddreg [dreg:$0x8]  }
0xd9: {  	s26 =	simm.s32 $0x10000;
	s28 =	sld [smem:$0x7EE]  }
0xda: {  	[tilespmem:s26], [sflag:$0x1] =	stream.strided.gather [hbm4b:s0+s11], $0x400, s13, s11, $0x38;
	[tilespmem:$0x19800] =	vst v63  }
0xdb: {  	s29 =	simm.s32 $0x10400;
	s30 =	simm.s32 $0x5  }
0xdc: {  	[tilespmem:s29], [sflag:$0x2] =	stream.strided.gather [hbm4b:s28+s11], $0x400, s13, s11, $0x38;
	[tilespmem:$0x19800] =	vst v63  }
0xdd: {  	_ =	swait.ge [sflag:s30], $0x200  }
0xde: {  	[sflag:s30] =	ssyncset.done $0x0  }
0xdf: {  	[sflag:s30] =	ssyncadd.s32 $0xFFFFFE00  }
0xe0: {  	_ =	swait.ge [sflag:s30], $0x200  }
0xe1: {  	[sflag:s30] =	ssyncset.done $0x0  }
0xe2: {  	[sflag:s30] =	ssyncadd.s32 $0xFFFFFE00  }
0xe3: {  	_ =	swait.ge [sflag:s30], $0x200  }
0xe4: {  	[sflag:s30] =	ssyncset.done $0x0  }
0xe5: {  	[sflag:s30] =	ssyncadd.s32 $0xFFFFFE00  }
0xe6: {  	_ =	swait.ge [sflag:s30], $0x200  }
0xe7: {  	[sflag:s30] =	ssyncset.done $0x0  }
0xe8: {  	[sflag:s30] =	ssyncadd.s32 $0xFFFFFE00  }
0xe9: {  	_ =	swait.ge [sflag:s30], $0x200  }
0xea: {  	[sflag:s30] =	ssyncset.done $0x0  }
0xeb: {  	[sflag:s30] =	ssyncadd.s32 $0xFFFFFE00  }
0xec: {  	_ =	swait.ge [sflag:s30], $0x200  }
0xed: {  	[sflag:s30] =	ssyncset.done $0x0  }
0xee: {  	[sflag:s30] =	ssyncadd.s32 $0xFFFFFE00  }
0xef: {  	_ =	swait.ge [sflag:s30], $0x200  }
0xf0: {  	[sflag:s30] =	ssyncset.done $0x0  }
0xf1: {  	[sflag:s30] =	ssyncadd.s32 $0xFFFFFE00  }
0xf2: {  	_ =	swait.ge [sflag:s30], $0x200  }
0xf3: {  	[sflag:s30] =	ssyncset.done $0x0  }
0xf4: {  	[sflag:s30] =	ssyncadd.s32 $0xFFFFFE00  }
0xf5: {  	_ =	swait.ge [sflag:s30], $0x200  }
0xf6: {  	[sflag:s30] =	ssyncset.done $0x0  }
0xf7: {  	[sflag:s30] =	ssyncadd.s32 $0xFFFFFE00  }
0xf8: {  	_ =	swait.ge [sflag:s30], $0x200  }
0xf9: {  	[sflag:s30] =	ssyncset.done $0x0  }
0xfa: {  	[sflag:s30] =	ssyncadd.s32 $0xFFFFFE00  }
0xfb: {  	_ =	swait.ge [sflag:s30], $0x200  }
0xfc: {  	[sflag:s30] =	ssyncset.done $0x0  }
0xfd: {  	[sflag:s30] =	ssyncadd.s32 $0xFFFFFE00  }
0xfe: {  	_ =	swait.ge [sflag:s30], $0x200  }
0xff: {  	[sflag:s30] =	ssyncset.done $0x0  }
0x100: {  	[sflag:s30] =	ssyncadd.s32 $0xFFFFFE00  }
0x101: {  	_ =	swait.ge [sflag:s30], $0x200  }
0x102: {  	[sflag:s30] =	ssyncset.done $0x0  }
0x103: {  	[sflag:s30] =	ssyncadd.s32 $0xFFFFFE00  }
0x104: {  	_ =	swait.ge [sflag:s30], $0x200  }
0x105: {  	[sflag:s30] =	ssyncset.done $0x0  }
0x106: {  	[sflag:s30] =	ssyncadd.s32 $0xFFFFFE00  }
0x107: {  	_ =	swait.ge [sflag:s30], $0x200  }
0x108: {  	[sflag:s30] =	ssyncset.done $0x0  }
0x109: {  	[sflag:s30] =	ssyncadd.s32 $0xFFFFFE00  }
0x10a: {  	_ =	swait.ge [sflag:s30], $0x200  }
0x10b: {  	[sflag:s30] =	ssyncset.done $0x0  }
0x10c: {  	[sflag:s30] =	ssyncadd.s32 $0xFFFFFE00  }
.LBB2_4:
0x10d: {  	[bflag:$0x0] =	sbarrier.arrive $0xFFFF;
	s0 =	simm.s32 $0x0;
	s30 =	simm.s32 $0x6  }
0x10e: {  	[tilespmem:s0], [sflag:$0x6] =	stream.linear.gather [spmem:s21], $0x10000, $0x38;
	[tilespmem:$0x19800] =	vst v63  }
0x10f: {  	_ =	swait.ge [sflag:s30], $0x10000  }
0x110: {  	[sflag:s30] =	ssyncset.done $0x0  }
0x111: {  	s21 =	simm.s32 $0x0;
	[sflag:s30] =	ssyncadd.s32 $0xFFFF0000  }
.LBB2_5:
0x112: {  	s0 =	simm.s32 $0x1  }
0x113: {  	_ =	swait.ge [sflag:s0], $0x400  }
0x114: {  	p1 =	seq.s32 s21, $0x0;
	[sflag:s0] =	ssyncset.done $0x0  }
0x115: {  	[sflag:s0] =	ssyncadd.s32 $0xFFFFFC00;
	s0 =	simm.s32 @!p1 $0x3  }
0x116: {  	_ =	swait.ge @!p1 [sflag:s0], $0x400  }
0x117: {  	[sflag:s0] =	ssyncset.done @!p1 $0x0  }
0x118: {  	[sflag:s0] =	ssyncadd.s32 @!p1 $0xFFFFFC00  }
0x119: {  	_ =	swait.ge @!p1 [sflag:s0], $0x400  }
0x11a: {  	[sflag:s0] =	ssyncset.done @!p1 $0x0  }
0x11b: {  	[sflag:s0] =	ssyncadd.s32 @!p1 $0xFFFFFC00  }
0x11c: {  	_ =	swait.ge @!p1 [sflag:s0], $0x400  }
0x11d: {  	[sflag:s0] =	ssyncset.done @!p1 $0x0  }
0x11e: {  	[sflag:s0] =	ssyncadd.s32 @!p1 $0xFFFFFC00  }
0x11f: {  	_ =	swait.ge @!p1 [sflag:s0], $0x400  }
0x120: {  	[sflag:s0] =	ssyncset.done @!p1 $0x0  }
0x121: {  	[sflag:s0] =	ssyncadd.s32 @!p1 $0xFFFFFC00  }
0x122: {  	_ =	swait.ge @!p1 [sflag:s0], $0x400  }
0x123: {  	[sflag:s0] =	ssyncset.done @!p1 $0x0  }
0x124: {  	[sflag:s0] =	ssyncadd.s32 @!p1 $0xFFFFFC00  }
0x125: {  	_ =	swait.ge @!p1 [sflag:s0], $0x400  }
0x126: {  	[sflag:s0] =	ssyncset.done @!p1 $0x0  }
0x127: {  	[sflag:s0] =	ssyncadd.s32 @!p1 $0xFFFFFC00  }
0x128: {  	_ =	swait.ge @!p1 [sflag:s0], $0x400  }
0x129: {  	[sflag:s0] =	ssyncset.done @!p1 $0x0  }
0x12a: {  	[sflag:s0] =	ssyncadd.s32 @!p1 $0xFFFFFC00  }
0x12b: {  	_ =	swait.ge @!p1 [sflag:s0], $0x400  }
0x12c: {  	[sflag:s0] =	ssyncset.done @!p1 $0x0  }
0x12d: {  	[sflag:s0] =	ssyncadd.s32 @!p1 $0xFFFFFC00  }
0x12e: {  	_ =	swait.ge @!p1 [sflag:s0], $0x400  }
0x12f: {  	[sflag:s0] =	ssyncset.done @!p1 $0x0  }
0x130: {  	[sflag:s0] =	ssyncadd.s32 @!p1 $0xFFFFFC00  }
0x131: {  	_ =	swait.ge @!p1 [sflag:s0], $0x400  }
0x132: {  	[sflag:s0] =	ssyncset.done @!p1 $0x0  }
0x133: {  	[sflag:s0] =	ssyncadd.s32 @!p1 $0xFFFFFC00  }
0x134: {  	_ =	swait.ge @!p1 [sflag:s0], $0x400  }
0x135: {  	[sflag:s0] =	ssyncset.done @!p1 $0x0  }
0x136: {  	[sflag:s0] =	ssyncadd.s32 @!p1 $0xFFFFFC00  }
0x137: {  	_ =	swait.ge @!p1 [sflag:s0], $0x400  }
0x138: {  	[sflag:s0] =	ssyncset.done @!p1 $0x0  }
0x139: {  	[sflag:s0] =	ssyncadd.s32 @!p1 $0xFFFFFC00  }
0x13a: {  	_ =	swait.ge @!p1 [sflag:s0], $0x400  }
0x13b: {  	[sflag:s0] =	ssyncset.done @!p1 $0x0  }
0x13c: {  	[sflag:s0] =	ssyncadd.s32 @!p1 $0xFFFFFC00  }
0x13d: {  	_ =	swait.ge @!p1 [sflag:s0], $0x400  }
0x13e: {  	[sflag:s0] =	ssyncset.done @!p1 $0x0  }
0x13f: {  	[sflag:s0] =	ssyncadd.s32 @!p1 $0xFFFFFC00  }
0x140: {  	_ =	swait.ge @!p1 [sflag:s0], $0x400  }
0x141: {  	[sflag:s0] =	ssyncset.done @!p1 $0x0  }
0x142: {  	[sflag:s0] =	ssyncadd.s32 @!p1 $0xFFFFFC00  }
0x143: {  	_ =	swait.ge @!p1 [sflag:s0], $0x400  }
0x144: {  	[sflag:s0] =	ssyncset.done @!p1 $0x0  }
0x145: {  	s24 =	simm.s32 $0x10020;
	[sflag:s0] =	ssyncadd.s32 @!p1 $0xFFFFFC00  }
0x146: {  	v7 =	vld [tilespmem:s24+$0x10]  }
0x147: {  	v4 =	vld [tilespmem:s24+$0x0]  }
0x148: {  	v5 =	vld [tilespmem:s24+$0xFFFFFFF0];
	_ =	sdelay $0x2  }
0x149: {  	v6 =	vld [tilespmem:s24+$0xFFFFFFE0];
	_ =	sdelay $0x2  }
0x14a: {  	v0 =	vld.idx.msk [tilespmem:v7+s5+$0x0], $0xffff  }
0x14b: {  	v2 =	vld.idx.msk [tilespmem:v4+s5+$0x0], $0xffff  }
0x14c: {  	v1 =	vld.idx.msk [tilespmem:v5+s5+$0x0], $0xffff;
	_ =	sdelay $0x1  }
0x14d: {  	s23 =	simm.s32 $0x12810  }
0x14e: {  	v3 =	vld.idx.msk [tilespmem:v6+s5+$0x0], $0xffff;
	[tilespmem:s23+$0xFFFFE020] =	vst v0  }
0x14f: {  	[tilespmem:s23+$0xFFFFE010] =	vst v2;
	v0 =	vld.idx.msk [tilespmem:v7+s10+$0x0], $0xffff  }
0x150: {  	[tilespmem:s23+$0xFFFFE000] =	vst v1;
	v2 =	vld.idx.msk [tilespmem:v4+s10+$0x0], $0xffff  }
0x151: {  	v1 =	vld.idx.msk [tilespmem:v5+s10+$0x0], $0xffff;
	_ =	sdelay $0x1  }
0x152: {  	[tilespmem:s23+$0xFFFFDFF0] =	vst v3  }
0x153: {  	v3 =	vld.idx.msk [tilespmem:v6+s10+$0x0], $0xffff;
	[tilespmem:s23+$0xFFFFE420] =	vst v0  }
0x154: {  	[tilespmem:s23+$0xFFFFE410] =	vst v2;
	v0 =	vld.idx.msk [tilespmem:v7+s16+$0x0], $0xffff  }
0x155: {  	[tilespmem:s23+$0xFFFFE400] =	vst v1;
	v2 =	vld.idx.msk [tilespmem:v4+s16+$0x0], $0xffff  }
0x156: {  	s25 =	simm.s32 $0x0;
	v1 =	vld.idx.msk [tilespmem:v5+s16+$0x0], $0xffff  }
0x157: {  	s24 =	sand.u32 $0x3C0, s25  }
0x158: {  	[tilespmem:s24+$0x10C00] =	vst v3  }
0x159: {  	v3 =	vld.idx.msk [tilespmem:v6+s16+$0x0], $0xffff;
	[tilespmem:s23+$0xFFFFE820] =	vst v0  }
0x15a: {  	[tilespmem:s23+$0xFFFFE810] =	vst v2;
	v0 =	vld.idx.msk [tilespmem:v7+s9+$0x0], $0xffff  }
0x15b: {  	[tilespmem:s23+$0xFFFFE800] =	vst v1;
	v2 =	vld.idx.msk [tilespmem:v4+s9+$0x0], $0xffff  }
0x15c: {  	v1 =	vld.idx.msk [tilespmem:v5+s9+$0x0], $0xffff;
	_ =	sdelay $0x1  }
0x15d: {  	[tilespmem:s24+$0x11000] =	vst v3  }
0x15e: {  	v3 =	vld.idx.msk [tilespmem:v6+s9+$0x0], $0xffff;
	[tilespmem:s23+$0xFFFFEC20] =	vst v0  }
0x15f: {  	[tilespmem:s23+$0xFFFFEC10] =	vst v2;
	v0 =	vld.idx.msk [tilespmem:v7+s4+$0x0], $0xffff  }
0x160: {  	[tilespmem:s23+$0xFFFFEC00] =	vst v1;
	v2 =	vld.idx.msk [tilespmem:v4+s4+$0x0], $0xffff  }
0x161: {  	v1 =	vld.idx.msk [tilespmem:v5+s4+$0x0], $0xffff;
	_ =	sdelay $0x1  }
0x162: {  	[tilespmem:s24+$0x11400] =	vst v3  }
0x163: {  	v3 =	vld.idx.msk [tilespmem:v6+s4+$0x0], $0xffff;
	[tilespmem:s23+$0xFFFFF020] =	vst v0  }
0x164: {  	[tilespmem:s23+$0xFFFFF010] =	vst v2;
	v0 =	vld.idx.msk [tilespmem:v7+s8+$0x0], $0xffff  }
0x165: {  	[tilespmem:s23+$0xFFFFF000] =	vst v1;
	v2 =	vld.idx.msk [tilespmem:v4+s8+$0x0], $0xffff  }
0x166: {  	v1 =	vld.idx.msk [tilespmem:v5+s8+$0x0], $0xffff;
	_ =	sdelay $0x1  }
0x167: {  	[tilespmem:s24+$0x11800] =	vst v3  }
0x168: {  	v3 =	vld.idx.msk [tilespmem:v6+s8+$0x0], $0xffff;
	[tilespmem:s23+$0xFFFFF420] =	vst v0  }
0x169: {  	[tilespmem:s23+$0xFFFFF410] =	vst v2;
	v0 =	vld.idx.msk [tilespmem:v7+s12+$0x0], $0xffff  }
0x16a: {  	[tilespmem:s23+$0xFFFFF400] =	vst v1;
	v2 =	vld.idx.msk [tilespmem:v4+s12+$0x0], $0xffff  }
0x16b: {  	v1 =	vld.idx.msk [tilespmem:v5+s12+$0x0], $0xffff;
	_ =	sdelay $0x1  }
0x16c: {  	[tilespmem:s24+$0x11C00] =	vst v3  }
0x16d: {  	v3 =	vld.idx.msk [tilespmem:v6+s12+$0x0], $0xffff;
	[tilespmem:s23+$0xFFFFF820] =	vst v0  }
0x16e: {  	[tilespmem:s23+$0xFFFFF810] =	vst v2;
	v0 =	vld.idx.msk [tilespmem:v7+s14+$0x0], $0xffff  }
0x16f: {  	[tilespmem:s23+$0xFFFFF800] =	vst v1;
	v2 =	vld.idx.msk [tilespmem:v4+s14+$0x0], $0xffff  }
0x170: {  	v1 =	vld.idx.msk [tilespmem:v5+s14+$0x0], $0xffff;
	_ =	sdelay $0x1  }
0x171: {  	[tilespmem:s24+$0x12000] =	vst v3  }
0x172: {  	s26 =	simm.s32 $0x10060;
	v3 =	vld.idx.msk [tilespmem:v6+s14+$0x0], $0xffff;
	[tilespmem:s23+$0xFFFFFC20] =	vst v0  }
0x173: {  	[tilespmem:s23+$0xFFFFFC10] =	vst v2;
	v2 =	vld [tilespmem:s26+$0x10]  }
0x174: {  	[tilespmem:s23+$0xFFFFFC00] =	vst v1;
	v8 =	vld.idx.msk [tilespmem:v7+s1+$0x0], $0xffff  }
0x175: {  	v9 =	vld.idx.msk [tilespmem:v5+s1+$0x0], $0xffff  }
0x176: {  	v1 =	vld [tilespmem:s26+$0xFFFFFFF0]  }
0x177: {  	v10 =	vld.idx.msk [tilespmem:v4+s1+$0x0], $0xffff  }
0x178: {  	v0 =	vld [tilespmem:s26+$0x0];
	[tilespmem:s24+$0x12400] =	vst v3  }
0x179: {  	v3 =	vld [tilespmem:s26+$0xFFFFFFE0];
	[tilespmem:s23+$0x20] =	vst v8  }
0x17a: {  	[tilespmem:s23+$0x0] =	vst v9;
	v9 =	vld.idx.msk [tilespmem:v6+s1+$0x0], $0xffff  }
0x17b: {  	v8 =	vld.idx.msk [tilespmem:v7+s15+$0x0], $0xffff  }
0x17c: {  	[tilespmem:s23+$0x10] =	vst v10;
	v10 =	vld.idx.msk [tilespmem:v5+s15+$0x0], $0xffff  }
0x17d: {  	v11 =	vld.idx.msk [tilespmem:v4+s15+$0x0], $0xffff  }
0x17e: {  	v12 =	vld.idx.msk [tilespmem:v2+s5+$0x0], $0xffff  }
0x17f: {  	v13 =	vld.idx.msk [tilespmem:v1+s5+$0x0], $0xffff;
	[tilespmem:s24+$0x12800] =	vst v9  }
0x180: {  	v14 =	vld.idx.msk [tilespmem:v0+s5+$0x0], $0xffff;
	[tilespmem:s23+$0x420] =	vst v8  }
0x181: {  	v9 =	vld.idx.msk [tilespmem:v3+s5+$0x0], $0xffff;
	[tilespmem:s23+$0x400] =	vst v10  }
0x182: {  	s25 =	simm.s32 $0x12850;
	v10 =	vld.idx.msk [tilespmem:v6+s15+$0x0], $0xffff;
	[tilespmem:s23+$0x410] =	vst v11  }
0x183: {  	v8 =	vld.idx.msk [tilespmem:v7+s2+$0x0], $0xffff;
	[tilespmem:s25+$0xFFFFE020] =	vst v12  }
0x184: {  	v11 =	vld.idx.msk [tilespmem:v5+s2+$0x0], $0xffff;
	[tilespmem:s25+$0xFFFFE000] =	vst v13  }
0x185: {  	[tilespmem:s25+$0xFFFFE010] =	vst v14;
	v12 =	vld.idx.msk [tilespmem:v2+s10+$0x0], $0xffff  }
0x186: {  	v13 =	vld.idx.msk [tilespmem:v1+s10+$0x0], $0xffff;
	[tilespmem:s25+$0xFFFFDFF0] =	vst v9  }
0x187: {  	v9 =	vld.idx.msk [tilespmem:v0+s10+$0x0], $0xffff;
	[tilespmem:s24+$0x12C00] =	vst v10  }
0x188: {  	v14 =	vld.idx.msk [tilespmem:v3+s10+$0x0], $0xffff;
	[tilespmem:s23+$0x820] =	vst v8  }
0x189: {  	v10 =	vld.idx.msk [tilespmem:v6+s2+$0x0], $0xffff;
	[tilespmem:s23+$0x800] =	vst v11  }
0x18a: {  	v11 =	vld.idx.msk [tilespmem:v4+s2+$0x0], $0xffff;
	[tilespmem:s25+$0xFFFFE420] =	vst v12  }
0x18b: {  	s26 =	simm.s32 $0x40;
	v8 =	vld.idx.msk [tilespmem:v7+s3+$0x0], $0xffff;
	[tilespmem:s25+$0xFFFFE400] =	vst v13  }
0x18c: {  	s28 =	sand.u32 $0x3C0, s26;
	v12 =	vld.idx.msk [tilespmem:v2+s16+$0x0], $0xffff;
	[tilespmem:s25+$0xFFFFE410] =	vst v9  }
0x18d: {  	v13 =	vld.idx.msk [tilespmem:v1+s16+$0x0], $0xffff;
	[tilespmem:s28+$0x10C00] =	vst v14  }
0x18e: {  	v9 =	vld.idx.msk [tilespmem:v0+s16+$0x0], $0xffff;
	[tilespmem:s24+$0x13000] =	vst v10  }
0x18f: {  	v14 =	vld.idx.msk [tilespmem:v3+s16+$0x0], $0xffff;
	[tilespmem:s23+$0x810] =	vst v11  }
0x190: {  	v11 =	vld.idx.msk [tilespmem:v5+s3+$0x0], $0xffff;
	[tilespmem:s23+$0xC20] =	vst v8  }
0x191: {  	v10 =	vld.idx.msk [tilespmem:v6+s3+$0x0], $0xffff;
	[tilespmem:s25+$0xFFFFE820] =	vst v12  }
0x192: {  	v8 =	vld.idx.msk [tilespmem:v7+s7+$0x0], $0xffff;
	[tilespmem:s25+$0xFFFFE800] =	vst v13  }
0x193: {  	v12 =	vld.idx.msk [tilespmem:v2+s9+$0x0], $0xffff;
	[tilespmem:s25+$0xFFFFE810] =	vst v9  }
0x194: {  	v13 =	vld.idx.msk [tilespmem:v1+s9+$0x0], $0xffff;
	[tilespmem:s28+$0x11000] =	vst v14  }
0x195: {  	v9 =	vld.idx.msk [tilespmem:v0+s9+$0x0], $0xffff;
	[tilespmem:s23+$0xC00] =	vst v11  }
0x196: {  	v14 =	vld.idx.msk [tilespmem:v3+s9+$0x0], $0xffff;
	[tilespmem:s24+$0x13400] =	vst v10  }
0x197: {  	v10 =	vld.idx.msk [tilespmem:v4+s3+$0x0], $0xffff;
	[tilespmem:s23+$0x1020] =	vst v8  }
0x198: {  	v11 =	vld.idx.msk [tilespmem:v6+s7+$0x0], $0xffff;
	[tilespmem:s25+$0xFFFFEC20] =	vst v12  }
0x199: {  	v8 =	vld.idx.msk [tilespmem:v7+s17+$0x0], $0xffff;
	[tilespmem:s25+$0xFFFFEC00] =	vst v13  }
0x19a: {  	v12 =	vld.idx.msk [tilespmem:v2+s4+$0x0], $0xffff;
	[tilespmem:s25+$0xFFFFEC10] =	vst v9  }
0x19b: {  	v13 =	vld.idx.msk [tilespmem:v1+s4+$0x0], $0xffff;
	[tilespmem:s28+$0x11400] =	vst v14  }
0x19c: {  	v9 =	vld.idx.msk [tilespmem:v0+s4+$0x0], $0xffff;
	[tilespmem:s23+$0xC10] =	vst v10  }
0x19d: {  	v10 =	vld.idx.msk [tilespmem:v5+s7+$0x0], $0xffff;
	[tilespmem:s24+$0x13800] =	vst v11  }
0x19e: {  	v14 =	vld.idx.msk [tilespmem:v3+s4+$0x0], $0xffff;
	[tilespmem:s23+$0x1420] =	vst v8  }
0x19f: {  	v11 =	vld.idx.msk [tilespmem:v4+s7+$0x0], $0xffff;
	[tilespmem:s25+$0xFFFFF020] =	vst v12  }
0x1a0: {  	v8 =	vld.idx.msk [tilespmem:v7+s18+$0x0], $0xffff;
	[tilespmem:s25+$0xFFFFF000] =	vst v13  }
0x1a1: {  	v12 =	vld.idx.msk [tilespmem:v2+s8+$0x0], $0xffff;
	[tilespmem:s25+$0xFFFFF010] =	vst v9  }
0x1a2: {  	v13 =	vld.idx.msk [tilespmem:v1+s8+$0x0], $0xffff;
	[tilespmem:s23+$0x1000] =	vst v10  }
0x1a3: {  	v10 =	vld.idx.msk [tilespmem:v6+s17+$0x0], $0xffff;
	[tilespmem:s28+$0x11800] =	vst v14  }
0x1a4: {  	[tilespmem:s23+$0x1010] =	vst v11;
	v11 =	vld.idx.msk [tilespmem:v5+s17+$0x0], $0xffff  }
0x1a5: {  	v9 =	vld.idx.msk [tilespmem:v3+s8+$0x0], $0xffff;
	[tilespmem:s23+$0x1820] =	vst v8  }
0x1a6: {  	v8 =	vld.idx.msk [tilespmem:v0+s8+$0x0], $0xffff;
	[tilespmem:s25+$0xFFFFF420] =	vst v12  }
0x1a7: {  	v7 =	vld.idx.msk [tilespmem:v7+s19+$0x0], $0xffff;
	[tilespmem:s25+$0xFFFFF400] =	vst v13  }
0x1a8: {  	v12 =	vld.idx.msk [tilespmem:v2+s12+$0x0], $0xffff;
	[tilespmem:s24+$0x13C00] =	vst v10  }
0x1a9: {  	v13 =	vld.idx.msk [tilespmem:v1+s12+$0x0], $0xffff;
	[tilespmem:s23+$0x1400] =	vst v11  }
0x1aa: {  	v10 =	vld.idx.msk [tilespmem:v6+s18+$0x0], $0xffff;
	[tilespmem:s28+$0x11C00] =	vst v9  }
0x1ab: {  	[tilespmem:s25+$0xFFFFF410] =	vst v8;
	v9 =	vld.idx.msk [tilespmem:v3+s12+$0x0], $0xffff  }
0x1ac: {  	[tilespmem:s23+$0x1C20] =	vst v7;
	v7 =	vld.idx.msk [tilespmem:v4+s17+$0x0], $0xffff  }
0x1ad: {  	v8 =	vld.idx.msk [tilespmem:v0+s12+$0x0], $0xffff;
	[tilespmem:s25+$0xFFFFF820] =	vst v12  }
0x1ae: {  	v11 =	vld.idx.msk [tilespmem:v5+s18+$0x0], $0xffff;
	[tilespmem:s25+$0xFFFFF800] =	vst v13  }
0x1af: {  	v12 =	vld.idx.msk [tilespmem:v2+s14+$0x0], $0xffff;
	[tilespmem:s24+$0x14000] =	vst v10  }
0x1b0: {  	v13 =	vld.idx.msk [tilespmem:v1+s14+$0x0], $0xffff;
	[tilespmem:s28+$0x12000] =	vst v9  }
0x1b1: {  	v9 =	vld.idx.msk [tilespmem:v6+s19+$0x0], $0xffff;
	[tilespmem:s23+$0x1410] =	vst v7  }
0x1b2: {  	[tilespmem:s25+$0xFFFFF810] =	vst v8;
	v7 =	vld.idx.msk [tilespmem:v4+s18+$0x0], $0xffff  }
0x1b3: {  	v8 =	vld.idx.msk [tilespmem:v0+s14+$0x0], $0xffff  }
0x1b4: {  	[tilespmem:s23+$0x1800] =	vst v11;
	v14 =	vld.idx.msk [tilespmem:v3+s14+$0x0], $0xffff  }
0x1b5: {  	v6 =	vld.idx.msk [tilespmem:v5+s19+$0x0], $0xffff;
	[tilespmem:s25+$0xFFFFFC20] =	vst v12  }
0x1b6: {  	[tilespmem:s25+$0xFFFFFC00] =	vst v13;
	v11 =	vld.idx.msk [tilespmem:v2+s1+$0x0], $0xffff  }
0x1b7: {  	v10 =	vld.idx.msk [tilespmem:v1+s1+$0x0], $0xffff;
	[tilespmem:s23+$0x1810] =	vst v7  }
0x1b8: {  	[tilespmem:s25+$0xFFFFFC10] =	vst v8;
	v8 =	vld.idx.msk [tilespmem:v4+s19+$0x0], $0xffff  }
0x1b9: {  	s22 =	sshll.u32 s21, $0x1;
	s29 =	simm.s32 $0x4;
	s30 =	simm.s32 $0x100A0;
	[tilespmem:s28+$0x12400] =	vst v14;
	v12 =	vld.idx.msk [tilespmem:v0+s1+$0x0], $0xffff  }
.LBB2_6:
0x1ba: {  	v7 =	vld [tilespmem:s30+$0x10];
	s29 =	sadd.s32 $0x4, s29;
	[tilespmem:s24+$0x14400] =	vst v9;
	s24 =	smov.u32 s28  }
0x1bb: {  	v5 =	vld [tilespmem:s30+$0xFFFFFFF0];
	p2 =	slt.u32 s29, $0x3C;
	[tilespmem:s23+$0x1C00] =	vst v6  }
0x1bc: {  	v4 =	vld [tilespmem:s30+$0x0];
	[tilespmem:s25+$0x20] =	vst v11  }
0x1bd: {  	[tilespmem:s25+$0x0] =	vst v10;
	v9 =	vld.idx.msk [tilespmem:v2+s15+$0x0], $0xffff  }
0x1be: {  	v6 =	vld [tilespmem:s30+$0xFFFFFFE0];
	[tilespmem:s23+$0x1C10] =	vst v8;
	s23 =	smov.u32 s25  }
0x1bf: {  	v8 =	vld.idx.msk [tilespmem:v3+s1+$0x0], $0xffff;
	[tilespmem:s25+$0x10] =	vst v12  }
0x1c0: {  	v10 =	vld.idx.msk [tilespmem:v1+s15+$0x0], $0xffff  }
0x1c1: {  	v11 =	vld.idx.msk [tilespmem:v0+s15+$0x0], $0xffff  }
0x1c2: {  	v12 =	vld.idx.msk [tilespmem:v7+s5+$0x0], $0xffff  }
0x1c3: {  	v13 =	vld.idx.msk [tilespmem:v5+s5+$0x0], $0xffff;
	[tilespmem:s25+$0x420] =	vst v9  }
0x1c4: {  	v9 =	vld.idx.msk [tilespmem:v2+s2+$0x0], $0xffff  }
0x1c5: {  	v14 =	vld.idx.msk [tilespmem:v4+s5+$0x0], $0xffff;
	[tilespmem:s24+$0x12800] =	vst v8  }
0x1c6: {  	v8 =	vld.idx.msk [tilespmem:v6+s5+$0x0], $0xffff;
	[tilespmem:s25+$0x400] =	vst v10  }
0x1c7: {  	s25 =	sadd.s32 $0x40, s25;
	v10 =	vld.idx.msk [tilespmem:v3+s15+$0x0], $0xffff;
	[tilespmem:s23+$0x410] =	vst v11  }
0x1c8: {  	[tilespmem:s25+$0xFFFFE020] =	vst v12;
	v11 =	vld.idx.msk [tilespmem:v1+s2+$0x0], $0xffff  }
0x1c9: {  	[tilespmem:s25+$0xFFFFE000] =	vst v13;
	v12 =	vld.idx.msk [tilespmem:v7+s10+$0x0], $0xffff  }
0x1ca: {  	v13 =	vld.idx.msk [tilespmem:v5+s10+$0x0], $0xffff;
	[tilespmem:s23+$0x820] =	vst v9  }
0x1cb: {  	[tilespmem:s25+$0xFFFFE010] =	vst v14;
	v9 =	vld.idx.msk [tilespmem:v2+s3+$0x0], $0xffff  }
0x1cc: {  	[tilespmem:s25+$0xFFFFDFF0] =	vst v8;
	v8 =	vld.idx.msk [tilespmem:v4+s10+$0x0], $0xffff  }
0x1cd: {  	v14 =	vld.idx.msk [tilespmem:v6+s10+$0x0], $0xffff;
	[tilespmem:s24+$0x12C00] =	vst v10  }
0x1ce: {  	v10 =	vld.idx.msk [tilespmem:v3+s2+$0x0], $0xffff;
	[tilespmem:s23+$0x800] =	vst v11  }
0x1cf: {  	[tilespmem:s25+$0xFFFFE420] =	vst v12;
	v11 =	vld.idx.msk [tilespmem:v0+s2+$0x0], $0xffff  }
0x1d0: {  	[tilespmem:s25+$0xFFFFE400] =	vst v13;
	v12 =	vld.idx.msk [tilespmem:v7+s16+$0x0], $0xffff  }
0x1d1: {  	s26 =	sadd.s32 $0x40, s26;
	v13 =	vld.idx.msk [tilespmem:v5+s16+$0x0], $0xffff;
	[tilespmem:s23+$0xC20] =	vst v9  }
0x1d2: {  	s28 =	sand.u32 $0x3C0, s26;
	[tilespmem:s25+$0xFFFFE410] =	vst v8;
	v8 =	vld.idx.msk [tilespmem:v2+s7+$0x0], $0xffff  }
0x1d3: {  	[tilespmem:s28+$0x10C00] =	vst v14;
	v9 =	vld.idx.msk [tilespmem:v4+s16+$0x0], $0xffff  }
0x1d4: {  	v14 =	vld.idx.msk [tilespmem:v6+s16+$0x0], $0xffff;
	[tilespmem:s24+$0x13000] =	vst v10  }
0x1d5: {  	v10 =	vld.idx.msk [tilespmem:v3+s3+$0x0], $0xffff;
	[tilespmem:s23+$0x810] =	vst v11  }
0x1d6: {  	[tilespmem:s25+$0xFFFFE820] =	vst v12;
	v11 =	vld.idx.msk [tilespmem:v1+s3+$0x0], $0xffff  }
0x1d7: {  	[tilespmem:s25+$0xFFFFE800] =	vst v13;
	v12 =	vld.idx.msk [tilespmem:v7+s9+$0x0], $0xffff  }
0x1d8: {  	v13 =	vld.idx.msk [tilespmem:v5+s9+$0x0], $0xffff;
	[tilespmem:s23+$0x1020] =	vst v8  }
0x1d9: {  	[tilespmem:s25+$0xFFFFE810] =	vst v9;
	v8 =	vld.idx.msk [tilespmem:v2+s17+$0x0], $0xffff  }
0x1da: {  	[tilespmem:s28+$0x11000] =	vst v14;
	v9 =	vld.idx.msk [tilespmem:v4+s9+$0x0], $0xffff  }
0x1db: {  	v14 =	vld.idx.msk [tilespmem:v6+s9+$0x0], $0xffff;
	[tilespmem:s24+$0x13400] =	vst v10  }
0x1dc: {  	[tilespmem:s23+$0xC00] =	vst v11;
	v10 =	vld.idx.msk [tilespmem:v0+s3+$0x0], $0xffff  }
0x1dd: {  	[tilespmem:s25+$0xFFFFEC20] =	vst v12;
	v11 =	vld.idx.msk [tilespmem:v3+s7+$0x0], $0xffff  }
0x1de: {  	[tilespmem:s25+$0xFFFFEC00] =	vst v13;
	v12 =	vld.idx.msk [tilespmem:v7+s4+$0x0], $0xffff  }
0x1df: {  	v13 =	vld.idx.msk [tilespmem:v5+s4+$0x0], $0xffff;
	[tilespmem:s23+$0x1420] =	vst v8  }
0x1e0: {  	[tilespmem:s25+$0xFFFFEC10] =	vst v9;
	v8 =	vld.idx.msk [tilespmem:v2+s18+$0x0], $0xffff  }
0x1e1: {  	[tilespmem:s28+$0x11400] =	vst v14;
	v9 =	vld.idx.msk [tilespmem:v4+s4+$0x0], $0xffff  }
0x1e2: {  	v14 =	vld.idx.msk [tilespmem:v6+s4+$0x0], $0xffff;
	[tilespmem:s23+$0xC10] =	vst v10  }
0x1e3: {  	[tilespmem:s24+$0x13800] =	vst v11;
	v10 =	vld.idx.msk [tilespmem:v1+s7+$0x0], $0xffff  }
0x1e4: {  	[tilespmem:s25+$0xFFFFF020] =	vst v12;
	v11 =	vld.idx.msk [tilespmem:v0+s7+$0x0], $0xffff  }
0x1e5: {  	[tilespmem:s25+$0xFFFFF000] =	vst v13;
	v12 =	vld.idx.msk [tilespmem:v7+s8+$0x0], $0xffff  }
0x1e6: {  	v13 =	vld.idx.msk [tilespmem:v5+s8+$0x0], $0xffff;
	[tilespmem:s23+$0x1820] =	vst v8  }
0x1e7: {  	[tilespmem:s25+$0xFFFFF010] =	vst v9;
	v8 =	vld.idx.msk [tilespmem:v2+s19+$0x0], $0xffff;
	v2 =	vmov v7  }
0x1e8: {  	[tilespmem:s28+$0x11800] =	vst v14;
	v7 =	vld.idx.msk [tilespmem:v4+s8+$0x0], $0xffff  }
0x1e9: {  	v9 =	vld.idx.msk [tilespmem:v6+s8+$0x0], $0xffff;
	[tilespmem:s23+$0x1000] =	vst v10  }
0x1ea: {  	v10 =	vld.idx.msk [tilespmem:v3+s17+$0x0], $0xffff;
	[tilespmem:s23+$0x1010] =	vst v11  }
0x1eb: {  	[tilespmem:s25+$0xFFFFF420] =	vst v12;
	v11 =	vld.idx.msk [tilespmem:v1+s17+$0x0], $0xffff  }
0x1ec: {  	[tilespmem:s25+$0xFFFFF400] =	vst v13;
	v12 =	vld.idx.msk [tilespmem:v2+s12+$0x0], $0xffff  }
0x1ed: {  	v13 =	vld.idx.msk [tilespmem:v5+s12+$0x0], $0xffff;
	[tilespmem:s23+$0x1C20] =	vst v8  }
0x1ee: {  	[tilespmem:s25+$0xFFFFF410] =	vst v7;
	v7 =	vld.idx.msk [tilespmem:v0+s17+$0x0], $0xffff  }
0x1ef: {  	[tilespmem:s28+$0x11C00] =	vst v9;
	v8 =	vld.idx.msk [tilespmem:v4+s12+$0x0], $0xffff  }
0x1f0: {  	v9 =	vld.idx.msk [tilespmem:v6+s12+$0x0], $0xffff;
	[tilespmem:s24+$0x13C00] =	vst v10  }
0x1f1: {  	v10 =	vld.idx.msk [tilespmem:v3+s18+$0x0], $0xffff;
	[tilespmem:s23+$0x1400] =	vst v11  }
0x1f2: {  	[tilespmem:s25+$0xFFFFF820] =	vst v12;
	v11 =	vld.idx.msk [tilespmem:v1+s18+$0x0], $0xffff  }
0x1f3: {  	[tilespmem:s25+$0xFFFFF800] =	vst v13;
	v12 =	vld.idx.msk [tilespmem:v2+s14+$0x0], $0xffff  }
0x1f4: {  	v13 =	vld.idx.msk [tilespmem:v5+s14+$0x0], $0xffff;
	[tilespmem:s23+$0x1410] =	vst v7  }
0x1f5: {  	[tilespmem:s25+$0xFFFFF810] =	vst v8;
	v7 =	vld.idx.msk [tilespmem:v0+s18+$0x0], $0xffff  }
0x1f6: {  	[tilespmem:s28+$0x12000] =	vst v9;
	v8 =	vld.idx.msk [tilespmem:v4+s14+$0x0], $0xffff  }
0x1f7: {  	v14 =	vld.idx.msk [tilespmem:v6+s14+$0x0], $0xffff;
	[tilespmem:s24+$0x14000] =	vst v10  }
0x1f8: {  	v9 =	vld.idx.msk [tilespmem:v3+s19+$0x0], $0xffff;
	[tilespmem:s23+$0x1800] =	vst v11;
	v3 =	vmov v6  }
.Ltmp4:
0x1f9: {  	[tilespmem:s25+$0xFFFFFC20] =	vst v12;
	v6 =	vld.idx.msk [tilespmem:v1+s19+$0x0], $0xffff;
	v1 =	vmov v5;
	(pc) =	sbr.rel @p2 .LBB2_6-.Ltmp4, $4  }
0x1fa: {  	[tilespmem:s25+$0xFFFFFC00] =	vst v13;
	v11 =	vld.idx.msk [tilespmem:v2+s1+$0x0], $0xffff  }
0x1fb: {  	v10 =	vld.idx.msk [tilespmem:v5+s1+$0x0], $0xffff;
	[tilespmem:s23+$0x1810] =	vst v7  }
0x1fc: {  	[tilespmem:s25+$0xFFFFFC10] =	vst v8;
	v8 =	vld.idx.msk [tilespmem:v0+s19+$0x0], $0xffff;
	v0 =	vmov v4  }
0x1fd: {  	s30 =	sadd.s32 $0x40, s30;
	[tilespmem:s28+$0x12400] =	vst v14;
	v12 =	vld.idx.msk [tilespmem:v4+s1+$0x0], $0xffff  }
0x1fe: {  	_ =	sdelay $0x3  }
0x1ff: {  	v4 =	vld.idx.msk [tilespmem:v3+s1+$0x0], $0xffff;
	_ =	sdelay $0x1  }
0x200: {  	[tilespmem:s25+$0x20] =	vst v11  }
0x201: {  	[tilespmem:s25+$0x0] =	vst v10;
	v5 =	vld.idx.msk [tilespmem:v2+s15+$0x0], $0xffff  }
0x202: {  	v7 =	vld.idx.msk [tilespmem:v1+s15+$0x0], $0xffff;
	[tilespmem:s25+$0x10] =	vst v12  }
0x203: {  	[tilespmem:s28+$0x12800] =	vst v4;
	v59 =	vld.idx.msk [tilespmem:v0+s15+$0x0], $0xffff  }
0x204: {  	v4 =	vld.idx.msk [tilespmem:v3+s15+$0x0], $0xffff;
	_ =	sdelay $0x1  }
0x205: {  	[tilespmem:s25+$0x420] =	vst v5  }
0x206: {  	v5 =	vld.idx.msk [tilespmem:v2+s2+$0x0], $0xffff;
	[tilespmem:s25+$0x400] =	vst v7  }
0x207: {  	v7 =	vld.idx.msk [tilespmem:v1+s2+$0x0], $0xffff;
	[tilespmem:s25+$0x410] =	vst v59  }
0x208: {  	[tilespmem:s28+$0x12C00] =	vst v4;
	v10 =	vld.idx.msk [tilespmem:v0+s2+$0x0], $0xffff  }
0x209: {  	v4 =	vld.idx.msk [tilespmem:v3+s2+$0x0], $0xffff;
	_ =	sdelay $0x1  }
0x20a: {  	[tilespmem:s25+$0x820] =	vst v5  }
0x20b: {  	v5 =	vld.idx.msk [tilespmem:v2+s3+$0x0], $0xffff;
	[tilespmem:s25+$0x800] =	vst v7  }
0x20c: {  	v7 =	vld.idx.msk [tilespmem:v1+s3+$0x0], $0xffff;
	[tilespmem:s25+$0x810] =	vst v10  }
0x20d: {  	[tilespmem:s28+$0x13000] =	vst v4;
	v10 =	vld.idx.msk [tilespmem:v0+s3+$0x0], $0xffff  }
0x20e: {  	v4 =	vld.idx.msk [tilespmem:v3+s3+$0x0], $0xffff;
	_ =	sdelay $0x1  }
0x20f: {  	[tilespmem:s25+$0xC20] =	vst v5  }
0x210: {  	v5 =	vld.idx.msk [tilespmem:v2+s7+$0x0], $0xffff;
	[tilespmem:s25+$0xC00] =	vst v7  }
0x211: {  	v7 =	vld.idx.msk [tilespmem:v1+s7+$0x0], $0xffff;
	[tilespmem:s25+$0xC10] =	vst v10  }
0x212: {  	[tilespmem:s28+$0x13400] =	vst v4;
	v10 =	vld.idx.msk [tilespmem:v0+s7+$0x0], $0xffff  }
0x213: {  	v4 =	vld.idx.msk [tilespmem:v3+s7+$0x0], $0xffff;
	_ =	sdelay $0x1  }
0x214: {  	[tilespmem:s25+$0x1020] =	vst v5  }
0x215: {  	v5 =	vld.idx.msk [tilespmem:v2+s17+$0x0], $0xffff;
	[tilespmem:s25+$0x1000] =	vst v7  }
0x216: {  	v7 =	vld.idx.msk [tilespmem:v1+s17+$0x0], $0xffff;
	[tilespmem:s25+$0x1010] =	vst v10  }
0x217: {  	[tilespmem:s28+$0x13800] =	vst v4;
	v10 =	vld.idx.msk [tilespmem:v0+s17+$0x0], $0xffff  }
0x218: {  	v4 =	vld.idx.msk [tilespmem:v3+s17+$0x0], $0xffff;
	_ =	sdelay $0x1  }
0x219: {  	[tilespmem:s25+$0x1420] =	vst v5  }
0x21a: {  	v5 =	vld.idx.msk [tilespmem:v2+s18+$0x0], $0xffff;
	[tilespmem:s25+$0x1400] =	vst v7  }
0x21b: {  	v7 =	vld.idx.msk [tilespmem:v1+s18+$0x0], $0xffff;
	[tilespmem:s25+$0x1410] =	vst v10  }
0x21c: {  	[tilespmem:s28+$0x13C00] =	vst v4;
	v10 =	vld.idx.msk [tilespmem:v0+s18+$0x0], $0xffff  }
0x21d: {  	v4 =	vld.idx.msk [tilespmem:v3+s18+$0x0], $0xffff  }
0x21e: {  	[tilespmem:s24+$0x14400] =	vst v9  }
0x21f: {  	[tilespmem:s25+$0x1820] =	vst v5  }
0x220: {  	v61 =	vld.idx.msk [tilespmem:v2+s19+$0x0], $0xffff;
	[tilespmem:s25+$0x1800] =	vst v7  }
0x221: {  	v62 =	vld.idx.msk [tilespmem:v1+s19+$0x0], $0xffff;
	[tilespmem:s25+$0x1810] =	vst v10  }
0x222: {  	[tilespmem:s28+$0x14000] =	vst v4;
	v63 =	vld.idx.msk [tilespmem:v0+s19+$0x0], $0xffff  }
0x223: {  	[tilespmem:s23+$0x1C00] =	vst v6;
	v60 =	vld.idx.msk [tilespmem:v3+s19+$0x0], $0xffff  }
0x224: {  	s24 =	rddreg [dreg:$0x5];
	[tilespmem:s23+$0x1C10] =	vst v8  }
0x225: {  	s0 =	sadd.s32 s24, s22;
	[tilespmem:s25+$0x1C20] =	vst v61  }
0x226: {  	s6 =	sshll.u32 s21, $0x8;
	s0 =	sshll.u32 s0, $0xA;
	[tilespmem:s25+$0x1C00] =	vst v62  }
0x227: {  	s6 =	sand.u32 $0x300, s6;
	s0 =	sand.u32 $0xFE000, s0;
	[tilespmem:s25+$0x1C10] =	vst v63  }
0x228: {  	s0 =	sor.u32 s6, s0;
	[tilespmem:s28+$0x14400] =	vst v60  }
0x229: {  	s23 =	sshrl.u32 s0, $0x3;
	s25 =	sld [smem:$0x7EF]  }
0x22a: {  	s0 =	sadd.s32 s31, s23;
	s31 =	simm.s32 $0x10800;
	s28 =	sld [smem:$0x7F0]  }
0x22b: {  	[hbm4b:s0+s11] =	stream.strided.scatter [tilespmem:s31], [sflag:$0x3], $0x400, s13, s11, $0x38;
	[tilespmem:$0x19800] =	vst v63  }
0x22c: {  	s26 =	simm.s32 $0x10C00;
	s30 =	sld [smem:$0x7F1];
	s0 =	sadd.s32 s23, s25  }
0x22d: {  	[hbm4b:s0+s11] =	stream.strided.scatter [tilespmem:s26], [sflag:$0x3], $0x400, s13, s11, $0x38;
	[tilespmem:$0x19800] =	vst v63  }
0x22e: {  	s29 =	simm.s32 $0x11000;
	s25 =	sld [smem:$0x7F2];
	s0 =	sadd.s32 s23, s28  }
0x22f: {  	[hbm4b:s0+s11] =	stream.strided.scatter [tilespmem:s29], [sflag:$0x3], $0x400, s13, s11, $0x38;
	[tilespmem:$0x19800] =	vst v63  }
0x230: {  	s31 =	simm.s32 $0x11400;
	s28 =	sld [smem:$0x7F3];
	s0 =	sadd.s32 s23, s30  }
0x231: {  	[hbm4b:s0+s11] =	stream.strided.scatter [tilespmem:s31], [sflag:$0x3], $0x400, s13, s11, $0x38;
	[tilespmem:$0x19800] =	vst v63  }
0x232: {  	s26 =	simm.s32 $0x11800;
	s30 =	sld [smem:$0x7F4];
	s0 =	sadd.s32 s23, s25  }
0x233: {  	[hbm4b:s0+s11] =	stream.strided.scatter [tilespmem:s26], [sflag:$0x3], $0x400, s13, s11, $0x38;
	[tilespmem:$0x19800] =	vst v63  }
0x234: {  	s29 =	simm.s32 $0x11C00;
	s25 =	sld [smem:$0x7F5];
	s0 =	sadd.s32 s23, s28  }
0x235: {  	[hbm4b:s0+s11] =	stream.strided.scatter [tilespmem:s29], [sflag:$0x3], $0x400, s13, s11, $0x38;
	[tilespmem:$0x19800] =	vst v63  }
0x236: {  	s31 =	simm.s32 $0x12000;
	s28 =	sld [smem:$0x7F6];
	s0 =	sadd.s32 s23, s30  }
0x237: {  	[hbm4b:s0+s11] =	stream.strided.scatter [tilespmem:s31], [sflag:$0x3], $0x400, s13, s11, $0x38;
	[tilespmem:$0x19800] =	vst v63  }
0x238: {  	s26 =	simm.s32 $0x12400;
	s30 =	sld [smem:$0x7F7];
	s0 =	sadd.s32 s23, s25  }
0x239: {  	[hbm4b:s0+s11] =	stream.strided.scatter [tilespmem:s26], [sflag:$0x3], $0x400, s13, s11, $0x38;
	[tilespmem:$0x19800] =	vst v63  }
0x23a: {  	s29 =	simm.s32 $0x12800;
	s25 =	sld [smem:$0x7F8];
	s0 =	sadd.s32 s23, s28  }
0x23b: {  	[hbm4b:s0+s11] =	stream.strided.scatter [tilespmem:s29], [sflag:$0x3], $0x400, s13, s11, $0x38;
	[tilespmem:$0x19800] =	vst v63  }
0x23c: {  	s31 =	simm.s32 $0x12C00;
	s28 =	sld [smem:$0x7F9];
	s0 =	sadd.s32 s23, s30  }
0x23d: {  	[hbm4b:s0+s11] =	stream.strided.scatter [tilespmem:s31], [sflag:$0x3], $0x400, s13, s11, $0x38;
	[tilespmem:$0x19800] =	vst v63  }
0x23e: {  	s26 =	simm.s32 $0x13000;
	s30 =	sld [smem:$0x7FA];
	s0 =	sadd.s32 s23, s25  }
0x23f: {  	[hbm4b:s0+s11] =	stream.strided.scatter [tilespmem:s26], [sflag:$0x3], $0x400, s13, s11, $0x38;
	[tilespmem:$0x19800] =	vst v63  }
0x240: {  	s29 =	simm.s32 $0x13400;
	s25 =	sld [smem:$0x7FB];
	s0 =	sadd.s32 s23, s28  }
0x241: {  	[hbm4b:s0+s11] =	stream.strided.scatter [tilespmem:s29], [sflag:$0x3], $0x400, s13, s11, $0x38;
	[tilespmem:$0x19800] =	vst v63  }
0x242: {  	p2 =	sne.s32 s21, $0xF;
	s31 =	simm.s32 $0x13800;
	s0 =	sadd.s32 s23, s30  }
0x243: {  	[hbm4b:s0+s11] =	stream.strided.scatter [tilespmem:s31], [sflag:$0x3], $0x400, s13, s11, $0x38;
	[tilespmem:$0x19800] =	vst v63  }
0x244: {  	s26 =	simm.s32 $0x13C00;
	s28 =	sld [smem:$0x7FC];
	s0 =	sadd.s32 s23, s25  }
0x245: {  	[hbm4b:s0+s11] =	stream.strided.scatter [tilespmem:s26], [sflag:$0x3], $0x400, s13, s11, $0x38;
	[tilespmem:$0x19800] =	vst v63  }
.Ltmp5:
0x246: {  	s30 =	sld [smem:$0x7FD];
	(pc) =	sbr.rel @p2 .LBB2_9-.Ltmp5, $4  }
0x247: {  	s29 =	simm.s32 $0x14000;
	s0 =	sadd.s32 s23, s28  }
0x248: {  	[hbm4b:s0+s11] =	stream.strided.scatter [tilespmem:s29], [sflag:$0x3], $0x400, s13, s11, $0x38;
	[tilespmem:$0x19800] =	vst v63  }
0x249: {  	s31 =	simm.s32 $0x14400;
	s0 =	sadd.s32 s23, s30  }
0x24a: {  	[hbm4b:s0+s11] =	stream.strided.scatter [tilespmem:s31], [sflag:$0x3], $0x400, s13, s11, $0x38;
	[tilespmem:$0x19800] =	vst v63  }
.Ltmp6:
0x24b: {  	(pc) =	sbr.rel .LBB2_10-.Ltmp6, $4  }
0x24c: {  	s0 =	simm.s32 $0x2  }
0x24d: {  	_ =	swait.ge [sflag:s0], $0x400  }
0x24e: {  	[sflag:s0] =	ssyncset.done $0x0  }
0x24f: {  	[sflag:s0] =	ssyncadd.s32 $0xFFFFFC00  }
.LBB2_9:
0x250: {  	s0 =	sadd.s32 $0x2, s22  }
0x251: {  	s6 =	sadd.s32 s24, s0;
	s0 =	sshll.u32 s0, $0x4  }
0x252: {  	s29 =	rddreg [dreg:$0x1];
	s6 =	sshll.u32 s6, $0x7;
	s0 =	sand.u32 $0x60, s0  }
0x253: {  	s30 =	simm.s32 $0x10000;
	s6 =	sand.u32 $0x3FC00, s6;
	s0 =	sadd.s32 s29, s0  }
.Ltmp7:
0x254: {  	s31 =	simm.s32 $0x2;
	s0 =	sadd.s32 s6, s0;
	(pc) =	sbr.rel @p1 .LBB2_11-.Ltmp7, $4  }
0x255: {  	[tilespmem:s30], [sflag:$0x1] =	stream.strided.gather [hbm4b:s0+s11], $0x400, s13, s11, $0x38;
	[tilespmem:$0x19800] =	vst v63  }
0x256: {  	_ =	swait.ge [sflag:s31], $0x400  }
0x257: {  	[sflag:s31] =	ssyncset.done $0x0  }
0x258: {  	[sflag:s31] =	ssyncadd.s32 $0xFFFFFC00  }
.LBB2_10:
0x259: {  	_ =	swait.ge [sflag:s20], $0x400  }
0x25a: {  	[sflag:s20] =	ssyncset.done $0x0  }
0x25b: {  	[sflag:s20] =	ssyncadd.s32 $0xFFFFFC00  }
0x25c: {  	_ =	swait.ge [sflag:s20], $0x400  }
0x25d: {  	[sflag:s20] =	ssyncset.done $0x0  }
0x25e: {  	[sflag:s20] =	ssyncadd.s32 $0xFFFFFC00  }
0x25f: {  	_ =	swait.ge [sflag:s20], $0x400  }
0x260: {  	[sflag:s20] =	ssyncset.done $0x0  }
0x261: {  	[sflag:s20] =	ssyncadd.s32 $0xFFFFFC00  }
0x262: {  	_ =	swait.ge [sflag:s20], $0x400  }
0x263: {  	[sflag:s20] =	ssyncset.done $0x0  }
0x264: {  	[sflag:s20] =	ssyncadd.s32 $0xFFFFFC00  }
0x265: {  	_ =	swait.ge [sflag:s20], $0x400  }
0x266: {  	[sflag:s20] =	ssyncset.done $0x0  }
0x267: {  	[sflag:s20] =	ssyncadd.s32 $0xFFFFFC00  }
0x268: {  	_ =	swait.ge [sflag:s20], $0x400  }
0x269: {  	[sflag:s20] =	ssyncset.done $0x0  }
0x26a: {  	[sflag:s20] =	ssyncadd.s32 $0xFFFFFC00  }
0x26b: {  	_ =	swait.ge [sflag:s20], $0x400  }
0x26c: {  	[sflag:s20] =	ssyncset.done $0x0  }
0x26d: {  	[sflag:s20] =	ssyncadd.s32 $0xFFFFFC00  }
0x26e: {  	_ =	swait.ge [sflag:s20], $0x400  }
0x26f: {  	[sflag:s20] =	ssyncset.done $0x0  }
0x270: {  	[sflag:s20] =	ssyncadd.s32 $0xFFFFFC00  }
0x271: {  	_ =	swait.ge [sflag:s20], $0x400  }
0x272: {  	[sflag:s20] =	ssyncset.done $0x0  }
0x273: {  	[sflag:s20] =	ssyncadd.s32 $0xFFFFFC00  }
0x274: {  	_ =	swait.ge [sflag:s20], $0x400  }
0x275: {  	[sflag:s20] =	ssyncset.done $0x0  }
0x276: {  	[sflag:s20] =	ssyncadd.s32 $0xFFFFFC00  }
0x277: {  	_ =	swait.ge [sflag:s20], $0x400  }
0x278: {  	[sflag:s20] =	ssyncset.done $0x0  }
0x279: {  	[sflag:s20] =	ssyncadd.s32 $0xFFFFFC00  }
0x27a: {  	_ =	swait.ge [sflag:s20], $0x400  }
0x27b: {  	[sflag:s20] =	ssyncset.done $0x0  }
0x27c: {  	[sflag:s20] =	ssyncadd.s32 $0xFFFFFC00  }
0x27d: {  	_ =	swait.ge [sflag:s20], $0x400  }
0x27e: {  	[sflag:s20] =	ssyncset.done $0x0  }
0x27f: {  	[sflag:s20] =	ssyncadd.s32 $0xFFFFFC00  }
0x280: {  	_ =	swait.ge [sflag:s20], $0x400  }
0x281: {  	[sflag:s20] =	ssyncset.done $0x0  }
0x282: {  	[sflag:s20] =	ssyncadd.s32 $0xFFFFFC00  }
0x283: {  	_ =	swait.ge [sflag:s20], $0x400  }
0x284: {  	[sflag:s20] =	ssyncset.done $0x0  }
0x285: {  	[sflag:s20] =	ssyncadd.s32 $0xFFFFFC00  }
0x286: {  	_ =	swait.ge [sflag:s20], $0x400  }
0x287: {  	[sflag:s20] =	ssyncset.done $0x0  }
0x288: {  	[sflag:s20] =	ssyncadd.s32 $0xFFFFFC00  }
.LBB2_11:
0x289: {  	s24 =	simm.s32 $0x0  }
0x28a: {  	v2 =	vld [tilespmem:s24+$0x10410]  }
0x28b: {  	v3 =	vld [tilespmem:s24+$0x10420]  }
0x28c: {  	s0 =	simm.s32 $0x0;
	v1 =	vld [tilespmem:s24+$0x10430]  }
0x28d: {  	s25 =	sand.u32 $0x3C0, s0  }
0x28e: {  	v0 =	vld [tilespmem:s25+$0x10400];
	_ =	sdelay $0x3  }
0x28f: {  	v4 =	vld.idx.msk [tilespmem:v2+s5+$0x0], $0xffff  }
0x290: {  	v6 =	vld.idx.msk [tilespmem:v3+s5+$0x0], $0xffff  }
0x291: {  	v7 =	vld.idx.msk [tilespmem:v1+s5+$0x0], $0xffff;
	_ =	sdelay $0x1  }
0x292: {  	v5 =	vld.idx.msk [tilespmem:v0+s5+$0x0], $0xffff  }
0x293: {  	[tilespmem:s24+$0x14810] =	vst v4  }
0x294: {  	[tilespmem:s24+$0x14820] =	vst v6;
	v4 =	vld.idx.msk [tilespmem:v2+s10+$0x0], $0xffff  }
0x295: {  	[tilespmem:s24+$0x14830] =	vst v7;
	v6 =	vld.idx.msk [tilespmem:v3+s10+$0x0], $0xffff  }
0x296: {  	v7 =	vld.idx.msk [tilespmem:v1+s10+$0x0], $0xffff  }
0x297: {  	[tilespmem:s25+$0x14800] =	vst v5  }
0x298: {  	v5 =	vld.idx.msk [tilespmem:v0+s10+$0x0], $0xffff  }
0x299: {  	[tilespmem:s24+$0x14C10] =	vst v4  }
0x29a: {  	[tilespmem:s24+$0x14C20] =	vst v6;
	v4 =	vld.idx.msk [tilespmem:v2+s16+$0x0], $0xffff  }
0x29b: {  	[tilespmem:s24+$0x14C30] =	vst v7;
	v6 =	vld.idx.msk [tilespmem:v3+s16+$0x0], $0xffff  }
0x29c: {  	v7 =	vld.idx.msk [tilespmem:v1+s16+$0x0], $0xffff  }
0x29d: {  	[tilespmem:s25+$0x14C00] =	vst v5  }
0x29e: {  	v5 =	vld.idx.msk [tilespmem:v0+s16+$0x0], $0xffff  }
0x29f: {  	[tilespmem:s24+$0x15010] =	vst v4  }
0x2a0: {  	[tilespmem:s24+$0x15020] =	vst v6;
	v4 =	vld.idx.msk [tilespmem:v2+s9+$0x0], $0xffff  }
0x2a1: {  	[tilespmem:s24+$0x15030] =	vst v7;
	v6 =	vld.idx.msk [tilespmem:v3+s9+$0x0], $0xffff  }
0x2a2: {  	v7 =	vld.idx.msk [tilespmem:v1+s9+$0x0], $0xffff  }
0x2a3: {  	[tilespmem:s25+$0x15000] =	vst v5  }
0x2a4: {  	v5 =	vld.idx.msk [tilespmem:v0+s9+$0x0], $0xffff  }
0x2a5: {  	[tilespmem:s24+$0x15410] =	vst v4  }
0x2a6: {  	[tilespmem:s24+$0x15420] =	vst v6;
	v4 =	vld.idx.msk [tilespmem:v2+s4+$0x0], $0xffff  }
0x2a7: {  	[tilespmem:s24+$0x15430] =	vst v7;
	v6 =	vld.idx.msk [tilespmem:v3+s4+$0x0], $0xffff  }
0x2a8: {  	v7 =	vld.idx.msk [tilespmem:v1+s4+$0x0], $0xffff  }
0x2a9: {  	[tilespmem:s25+$0x15400] =	vst v5  }
0x2aa: {  	v5 =	vld.idx.msk [tilespmem:v0+s4+$0x0], $0xffff  }
0x2ab: {  	[tilespmem:s24+$0x15810] =	vst v4  }
0x2ac: {  	[tilespmem:s24+$0x15820] =	vst v6;
	v4 =	vld.idx.msk [tilespmem:v2+s8+$0x0], $0xffff  }
0x2ad: {  	[tilespmem:s24+$0x15830] =	vst v7;
	v6 =	vld.idx.msk [tilespmem:v3+s8+$0x0], $0xffff  }
0x2ae: {  	v7 =	vld.idx.msk [tilespmem:v1+s8+$0x0], $0xffff  }
0x2af: {  	s26 =	simm.s32 $0x40;
	[tilespmem:s25+$0x15800] =	vst v5  }
0x2b0: {  	s26 =	sand.u32 $0x3C0, s26;
	v5 =	vld.idx.msk [tilespmem:v0+s8+$0x0], $0xffff  }
0x2b1: {  	s28 =	simm.s32 $0x40;
	[tilespmem:s24+$0x15C10] =	vst v4;
	v4 =	vld [tilespmem:s26+$0x10400]  }
0x2b2: {  	[tilespmem:s24+$0x15C20] =	vst v6;
	v6 =	vld [tilespmem:s28+$0x10420]  }
0x2b3: {  	[tilespmem:s24+$0x15C30] =	vst v7;
	v7 =	vld [tilespmem:s28+$0x10410]  }
0x2b4: {  	v8 =	vld.idx.msk [tilespmem:v2+s12+$0x0], $0xffff  }
0x2b5: {  	v10 =	vld.idx.msk [tilespmem:v3+s12+$0x0], $0xffff  }
0x2b6: {  	[tilespmem:s25+$0x15C00] =	vst v5;
	v11 =	vld.idx.msk [tilespmem:v1+s12+$0x0], $0xffff  }
0x2b7: {  	v9 =	vld.idx.msk [tilespmem:v0+s12+$0x0], $0xffff;
	_ =	sdelay $0x1  }
0x2b8: {  	v5 =	vld [tilespmem:s28+$0x10430];
	[tilespmem:s24+$0x16010] =	vst v8  }
0x2b9: {  	[tilespmem:s24+$0x16020] =	vst v10;
	v8 =	vld.idx.msk [tilespmem:v2+s14+$0x0], $0xffff  }
0x2ba: {  	[tilespmem:s24+$0x16030] =	vst v11;
	v10 =	vld.idx.msk [tilespmem:v3+s14+$0x0], $0xffff  }
0x2bb: {  	[tilespmem:s25+$0x16000] =	vst v9;
	v9 =	vld.idx.msk [tilespmem:v4+s5+$0x0], $0xffff  }
0x2bc: {  	v11 =	vld.idx.msk [tilespmem:v1+s14+$0x0], $0xffff  }
0x2bd: {  	v13 =	vld.idx.msk [tilespmem:v6+s5+$0x0], $0xffff  }
0x2be: {  	v15 =	vld.idx.msk [tilespmem:v7+s5+$0x0], $0xffff;
	[tilespmem:s24+$0x16410] =	vst v8  }
0x2bf: {  	v12 =	vld.idx.msk [tilespmem:v0+s14+$0x0], $0xffff;
	[tilespmem:s24+$0x16420] =	vst v10  }
0x2c0: {  	v10 =	vld.idx.msk [tilespmem:v5+s5+$0x0], $0xffff;
	[tilespmem:s26+$0x14800] =	vst v9  }
0x2c1: {  	[tilespmem:s24+$0x16430] =	vst v11;
	v9 =	vld.idx.msk [tilespmem:v4+s10+$0x0], $0xffff  }
0x2c2: {  	v8 =	vld.idx.msk [tilespmem:v2+s1+$0x0], $0xffff;
	[tilespmem:s28+$0x14820] =	vst v13  }
0x2c3: {  	v14 =	vld.idx.msk [tilespmem:v3+s1+$0x0], $0xffff;
	[tilespmem:s28+$0x14810] =	vst v15  }
0x2c4: {  	v13 =	vld.idx.msk [tilespmem:v1+s1+$0x0], $0xffff;
	[tilespmem:s25+$0x16400] =	vst v12  }
0x2c5: {  	v15 =	vld.idx.msk [tilespmem:v7+s10+$0x0], $0xffff;
	[tilespmem:s28+$0x14830] =	vst v10  }
0x2c6: {  	v10 =	vld.idx.msk [tilespmem:v6+s10+$0x0], $0xffff;
	[tilespmem:s26+$0x14C00] =	vst v9  }
0x2c7: {  	[tilespmem:s24+$0x16810] =	vst v8;
	v9 =	vld.idx.msk [tilespmem:v4+s16+$0x0], $0xffff  }
0x2c8: {  	v11 =	vld.idx.msk [tilespmem:v5+s10+$0x0], $0xffff;
	[tilespmem:s24+$0x16820] =	vst v14  }
0x2c9: {  	[tilespmem:s24+$0x16830] =	vst v13;
	v14 =	vld.idx.msk [tilespmem:v3+s15+$0x0], $0xffff  }
0x2ca: {  	v13 =	vld.idx.msk [tilespmem:v1+s15+$0x0], $0xffff;
	[tilespmem:s28+$0x14C10] =	vst v15  }
0x2cb: {  	v8 =	vld.idx.msk [tilespmem:v2+s15+$0x0], $0xffff;
	[tilespmem:s28+$0x14C20] =	vst v10  }
0x2cc: {  	v10 =	vld.idx.msk [tilespmem:v6+s16+$0x0], $0xffff;
	[tilespmem:s26+$0x15000] =	vst v9  }
0x2cd: {  	[tilespmem:s28+$0x14C30] =	vst v11;
	v9 =	vld.idx.msk [tilespmem:v4+s9+$0x0], $0xffff  }
0x2ce: {  	v12 =	vld.idx.msk [tilespmem:v0+s1+$0x0], $0xffff;
	[tilespmem:s24+$0x16C20] =	vst v14  }
0x2cf: {  	v11 =	vld.idx.msk [tilespmem:v5+s16+$0x0], $0xffff;
	[tilespmem:s24+$0x16C30] =	vst v13  }
0x2d0: {  	[tilespmem:s24+$0x16C10] =	vst v8;
	v8 =	vld.idx.msk [tilespmem:v1+s2+$0x0], $0xffff  }
0x2d1: {  	v14 =	vld.idx.msk [tilespmem:v3+s2+$0x0], $0xffff;
	[tilespmem:s28+$0x15020] =	vst v10  }
0x2d2: {  	[tilespmem:s26+$0x15400] =	vst v9;
	v9 =	vld.idx.msk [tilespmem:v7+s16+$0x0], $0xffff  }
0x2d3: {  	v10 =	vld.idx.msk [tilespmem:v6+s9+$0x0], $0xffff  }
0x2d4: {  	[tilespmem:s28+$0x15030] =	vst v11;
	v15 =	vld.idx.msk [tilespmem:v4+s4+$0x0], $0xffff  }
0x2d5: {  	v13 =	vld.idx.msk [tilespmem:v2+s2+$0x0], $0xffff;
	[tilespmem:s24+$0x17030] =	vst v8  }
0x2d6: {  	v11 =	vld.idx.msk [tilespmem:v5+s9+$0x0], $0xffff;
	[tilespmem:s24+$0x17020] =	vst v14  }
0x2d7: {  	v14 =	vld.idx.msk [tilespmem:v3+s3+$0x0], $0xffff;
	[tilespmem:s28+$0x15010] =	vst v9  }
0x2d8: {  	[tilespmem:s28+$0x15420] =	vst v10;
	v9 =	vld.idx.msk [tilespmem:v7+s9+$0x0], $0xffff  }
0x2d9: {  	v10 =	vld.idx.msk [tilespmem:v6+s4+$0x0], $0xffff;
	[tilespmem:s26+$0x15800] =	vst v15  }
0x2da: {  	[tilespmem:s24+$0x17010] =	vst v13;
	v15 =	vld.idx.msk [tilespmem:v4+s8+$0x0], $0xffff  }
0x2db: {  	[tilespmem:s28+$0x15430] =	vst v11;
	v11 =	vld.idx.msk [tilespmem:v1+s3+$0x0], $0xffff  }
0x2dc: {  	v8 =	vld.idx.msk [tilespmem:v5+s4+$0x0], $0xffff;
	[tilespmem:s24+$0x17420] =	vst v14  }
0x2dd: {  	[tilespmem:s28+$0x15410] =	vst v9;
	v9 =	vld.idx.msk [tilespmem:v2+s3+$0x0], $0xffff  }
0x2de: {  	[tilespmem:s28+$0x15820] =	vst v10;
	v13 =	vld.idx.msk [tilespmem:v7+s4+$0x0], $0xffff  }
0x2df: {  	v18 =	vld.idx.msk [tilespmem:v3+s7+$0x0], $0xffff;
	[tilespmem:s26+$0x15C00] =	vst v15  }
0x2e0: {  	[tilespmem:s24+$0x17430] =	vst v11;
	v15 =	vld.idx.msk [tilespmem:v4+s12+$0x0], $0xffff  }
0x2e1: {  	v16 =	vld.idx.msk [tilespmem:v6+s8+$0x0], $0xffff;
	[tilespmem:s28+$0x15830] =	vst v8  }
0x2e2: {  	v8 =	vld.idx.msk [tilespmem:v5+s8+$0x0], $0xffff;
	[tilespmem:s24+$0x17410] =	vst v9  }
0x2e3: {  	v9 =	vld.idx.msk [tilespmem:v1+s7+$0x0], $0xffff;
	[tilespmem:s28+$0x15810] =	vst v13  }
0x2e4: {  	v17 =	vld.idx.msk [tilespmem:v7+s8+$0x0], $0xffff  }
0x2e5: {  	v10 =	vld.idx.msk [tilespmem:v2+s7+$0x0], $0xffff;
	[tilespmem:s26+$0x16000] =	vst v15  }
0x2e6: {  	[tilespmem:s28+$0x15C20] =	vst v16;
	v11 =	vld.idx.msk [tilespmem:v4+s14+$0x0], $0xffff  }
0x2e7: {  	[tilespmem:s28+$0x15C30] =	vst v8;
	v15 =	vld.idx.msk [tilespmem:v6+s12+$0x0], $0xffff  }
0x2e8: {  	v13 =	vld.idx.msk [tilespmem:v5+s12+$0x0], $0xffff;
	[tilespmem:s24+$0x17830] =	vst v9  }
0x2e9: {  	v14 =	vld.idx.msk [tilespmem:v1+s17+$0x0], $0xffff;
	[tilespmem:s28+$0x15C10] =	vst v17  }
0x2ea: {  	s29 =	simm.s32 $0x4;
	s30 =	simm.s32 $0x100;
	s31 =	simm.s32 $0x80;
	[tilespmem:s24+$0x17820] =	vst v18;
	v8 =	vmov v6;
	v16 =	vld.idx.msk [tilespmem:v7+s12+$0x0], $0xffff  }
.LBB2_12:
0x2eb: {  	s0 =	sand.u32 $0x3C0, s31;
	s29 =	sadd.s32 $0x4, s29;
	s30 =	sadd.s32 $0x100, s30;
	[tilespmem:s24+$0x17810] =	vst v10;
	v17 =	vld.idx.msk [tilespmem:v3+s17+$0x0], $0xffff;
	v9 =	vmov v11  }
0x2ec: {  	s6 =	sshra.s32 s30, $0x2;
	p1 =	slt.u32 s29, $0x3C;
	[tilespmem:s28+$0x16020] =	vst v15;
	v11 =	vld.idx.msk [tilespmem:v2+s17+$0x0], $0xffff  }
0x2ed: {  	v10 =	vld [tilespmem:s0+$0x10400];
	[tilespmem:s28+$0x16030] =	vst v13  }
0x2ee: {  	v13 =	vld.idx.msk [tilespmem:v6+s14+$0x0], $0xffff;
	[tilespmem:s24+$0x17C30] =	vst v14  }
0x2ef: {  	v14 =	vld.idx.msk [tilespmem:v5+s14+$0x0], $0xffff;
	[tilespmem:s25+$0x16800] =	vst v12  }
0x2f0: {  	v12 =	vld [tilespmem:s6+$0x10430];
	[tilespmem:s28+$0x16010] =	vst v16  }
0x2f1: {  	v15 =	vld.idx.msk [tilespmem:v0+s15+$0x0], $0xffff  }
0x2f2: {  	v16 =	vld.idx.msk [tilespmem:v7+s14+$0x0], $0xffff;
	[tilespmem:s24+$0x17C20] =	vst v17  }
0x2f3: {  	v17 =	vld [tilespmem:s6+$0x10410];
	[tilespmem:s24+$0x17C10] =	vst v11  }
0x2f4: {  	v11 =	vld [tilespmem:s6+$0x10420];
	[tilespmem:s28+$0x16420] =	vst v13  }
0x2f5: {  	v13 =	vld.idx.msk [tilespmem:v6+s1+$0x0], $0xffff;
	[tilespmem:s28+$0x16430] =	vst v14  }
0x2f6: {  	v14 =	vld.idx.msk [tilespmem:v3+s18+$0x0], $0xffff  }
0x2f7: {  	v18 =	vld.idx.msk [tilespmem:v10+s5+$0x0], $0xffff;
	[tilespmem:s25+$0x16C00] =	vst v15  }
0x2f8: {  	v15 =	vld.idx.msk [tilespmem:v0+s2+$0x0], $0xffff  }
0x2f9: {  	v19 =	vld.idx.msk [tilespmem:v12+s5+$0x0], $0xffff;
	[tilespmem:s28+$0x16410] =	vst v16  }
0x2fa: {  	v16 =	vld.idx.msk [tilespmem:v7+s1+$0x0], $0xffff  }
0x2fb: {  	v20 =	vld.idx.msk [tilespmem:v17+s5+$0x0], $0xffff;
	[tilespmem:s28+$0x16820] =	vst v13  }
0x2fc: {  	v13 =	vld.idx.msk [tilespmem:v2+s18+$0x0], $0xffff;
	[tilespmem:s24+$0x18020] =	vst v14  }
0x2fd: {  	[tilespmem:s0+$0x14800] =	vst v18;
	v14 =	vld.idx.msk [tilespmem:v11+s5+$0x0], $0xffff  }
0x2fe: {  	v18 =	vld.idx.msk [tilespmem:v10+s10+$0x0], $0xffff;
	[tilespmem:s25+$0x17000] =	vst v15  }
0x2ff: {  	[tilespmem:s6+$0x14830] =	vst v19;
	v15 =	vld.idx.msk [tilespmem:v0+s3+$0x0], $0xffff  }
0x300: {  	[tilespmem:s28+$0x16810] =	vst v16;
	v16 =	vld.idx.msk [tilespmem:v3+s19+$0x0], $0xffff;
	v3 =	vmov v6;
	v6 =	vmov v11  }
0x301: {  	[tilespmem:s6+$0x14810] =	vst v20;
	v19 =	vld.idx.msk [tilespmem:v7+s15+$0x0], $0xffff  }
0x302: {  	v20 =	vld.idx.msk [tilespmem:v12+s10+$0x0], $0xffff;
	[tilespmem:s24+$0x18010] =	vst v13  }
0x303: {  	[tilespmem:s6+$0x14820] =	vst v14;
	v13 =	vld.idx.msk [tilespmem:v8+s15+$0x0], $0xffff;
	v8 =	vmov v11  }
0x304: {  	[tilespmem:s0+$0x14C00] =	vst v18;
	v11 =	vld.idx.msk [tilespmem:v2+s19+$0x0], $0xffff;
	v2 =	vmov v7;
	v7 =	vmov v17  }
0x305: {  	v14 =	vld.idx.msk [tilespmem:v10+s16+$0x0], $0xffff;
	[tilespmem:s25+$0x17400] =	vst v15  }
0x306: {  	v15 =	vld.idx.msk [tilespmem:v0+s7+$0x0], $0xffff;
	[tilespmem:s24+$0x18420] =	vst v16  }
0x307: {  	v16 =	vld.idx.msk [tilespmem:v6+s10+$0x0], $0xffff;
	[tilespmem:s28+$0x16C10] =	vst v19  }
0x308: {  	[tilespmem:s6+$0x14C30] =	vst v20;
	v17 =	vld.idx.msk [tilespmem:v5+s1+$0x0], $0xffff  }
0x309: {  	v18 =	vld.idx.msk [tilespmem:v12+s16+$0x0], $0xffff;
	[tilespmem:s28+$0x16C20] =	vst v13  }
0x30a: {  	v13 =	vld.idx.msk [tilespmem:v7+s10+$0x0], $0xffff;
	[tilespmem:s24+$0x18410] =	vst v11  }
0x30b: {  	[tilespmem:s0+$0x15000] =	vst v14;
	v11 =	vld.idx.msk [tilespmem:v3+s2+$0x0], $0xffff  }
0x30c: {  	v14 =	vld.idx.msk [tilespmem:v10+s9+$0x0], $0xffff;
	[tilespmem:s25+$0x17800] =	vst v15  }
0x30d: {  	[tilespmem:s6+$0x14C20] =	vst v16;
	v15 =	vld.idx.msk [tilespmem:v0+s17+$0x0], $0xffff  }
0x30e: {  	v16 =	vld.idx.msk [tilespmem:v6+s16+$0x0], $0xffff;
	[tilespmem:s28+$0x16830] =	vst v17  }
0x30f: {  	[tilespmem:s6+$0x15030] =	vst v18;
	v17 =	vld.idx.msk [tilespmem:v5+s15+$0x0], $0xffff  }
0x310: {  	[tilespmem:s6+$0x14C10] =	vst v13;
	v13 =	vld.idx.msk [tilespmem:v12+s9+$0x0], $0xffff  }
0x311: {  	[tilespmem:s28+$0x17020] =	vst v11;
	v11 =	vld.idx.msk [tilespmem:v1+s18+$0x0], $0xffff  }
0x312: {  	[tilespmem:s0+$0x15400] =	vst v14;
	v14 =	vld.idx.msk [tilespmem:v7+s16+$0x0], $0xffff  }
0x313: {  	v18 =	vld.idx.msk [tilespmem:v10+s4+$0x0], $0xffff;
	[tilespmem:s25+$0x17C00] =	vst v15  }
0x314: {  	[tilespmem:s6+$0x15020] =	vst v16;
	v15 =	vld.idx.msk [tilespmem:v0+s18+$0x0], $0xffff  }
0x315: {  	v16 =	vld.idx.msk [tilespmem:v6+s9+$0x0], $0xffff;
	[tilespmem:s28+$0x16C30] =	vst v17  }
0x316: {  	[tilespmem:s6+$0x15430] =	vst v13;
	v13 =	vld.idx.msk [tilespmem:v5+s2+$0x0], $0xffff  }
0x317: {  	v17 =	vld.idx.msk [tilespmem:v2+s2+$0x0], $0xffff;
	[tilespmem:s24+$0x18030] =	vst v11  }
0x318: {  	[tilespmem:s6+$0x15010] =	vst v14;
	v11 =	vld.idx.msk [tilespmem:v1+s19+$0x0], $0xffff;
	v1 =	vmov v5;
	v5 =	vmov v12  }
0x319: {  	[tilespmem:s0+$0x15800] =	vst v18;
	v12 =	vld.idx.msk [tilespmem:v7+s9+$0x0], $0xffff  }
0x31a: {  	v14 =	vld.idx.msk [tilespmem:v10+s8+$0x0], $0xffff;
	[tilespmem:s25+$0x18000] =	vst v15  }
0x31b: {  	[tilespmem:s6+$0x15420] =	vst v16;
	v15 =	vld.idx.msk [tilespmem:v0+s19+$0x0], $0xffff;
	v0 =	vmov v4;
	v4 =	vmov v10  }
0x31c: {  	v10 =	vld.idx.msk [tilespmem:v6+s4+$0x0], $0xffff;
	[tilespmem:s28+$0x17030] =	vst v13  }
0x31d: {  	v13 =	vld.idx.msk [tilespmem:v5+s4+$0x0], $0xffff;
	[tilespmem:s28+$0x17010] =	vst v17  }
0x31e: {  	v16 =	vld.idx.msk [tilespmem:v1+s3+$0x0], $0xffff;
	[tilespmem:s24+$0x18430] =	vst v11;
	s24 =	smov.u32 s28;
	s28 =	smov.u32 s6  }
0x31f: {  	[tilespmem:s28+$0x15410] =	vst v12;
	v11 =	vld.idx.msk [tilespmem:v2+s3+$0x0], $0xffff  }
0x320: {  	[tilespmem:s0+$0x15C00] =	vst v14;
	v12 =	vld.idx.msk [tilespmem:v7+s4+$0x0], $0xffff  }
0x321: {  	v14 =	vld.idx.msk [tilespmem:v3+s3+$0x0], $0xffff;
	[tilespmem:s25+$0x18400] =	vst v15;
	s25 =	smov.u32 s26;
	s26 =	smov.u32 s0  }
0x322: {  	v15 =	vld.idx.msk [tilespmem:v4+s12+$0x0], $0xffff;
	[tilespmem:s28+$0x15820] =	vst v10  }
0x323: {  	v17 =	vld.idx.msk [tilespmem:v6+s8+$0x0], $0xffff;
	[tilespmem:s28+$0x15830] =	vst v13  }
0x324: {  	v13 =	vld.idx.msk [tilespmem:v5+s8+$0x0], $0xffff;
	[tilespmem:s24+$0x17430] =	vst v16  }
0x325: {  	[tilespmem:s24+$0x17410] =	vst v11;
	v16 =	vld.idx.msk [tilespmem:v1+s7+$0x0], $0xffff  }
0x326: {  	[tilespmem:s28+$0x15810] =	vst v12;
	v10 =	vld.idx.msk [tilespmem:v2+s7+$0x0], $0xffff  }
0x327: {  	v12 =	vld.idx.msk [tilespmem:v7+s8+$0x0], $0xffff;
	[tilespmem:s24+$0x17420] =	vst v14  }
0x328: {  	[tilespmem:s26+$0x16000] =	vst v15;
	v18 =	vld.idx.msk [tilespmem:v3+s7+$0x0], $0xffff  }
0x329: {  	v11 =	vld.idx.msk [tilespmem:v4+s14+$0x0], $0xffff;
	[tilespmem:s28+$0x15C20] =	vst v17  }
.Ltmp8:
0x32a: {  	v15 =	vld.idx.msk [tilespmem:v6+s12+$0x0], $0xffff;
	[tilespmem:s28+$0x15C30] =	vst v13;
	(pc) =	sbr.rel @p1 .LBB2_12-.Ltmp8, $4  }
0x32b: {  	v13 =	vld.idx.msk [tilespmem:v5+s12+$0x0], $0xffff;
	[tilespmem:s24+$0x17830] =	vst v16  }
0x32c: {  	[tilespmem:s25+$0x16400] =	vst v9;
	v14 =	vld.idx.msk [tilespmem:v1+s17+$0x0], $0xffff  }
0x32d: {  	[tilespmem:s28+$0x15C10] =	vst v12;
	v12 =	vld.idx.msk [tilespmem:v0+s1+$0x0], $0xffff  }
0x32e: {  	s31 =	sadd.s32 $0x40, s31;
	v16 =	vld.idx.msk [tilespmem:v7+s12+$0x0], $0xffff;
	[tilespmem:s24+$0x17820] =	vst v18  }
0x32f: {  	_ =	sdelay $0x2  }
0x330: {  	[tilespmem:s28+$0x16020] =	vst v15  }
0x331: {  	v9 =	vld.idx.msk [tilespmem:v6+s14+$0x0], $0xffff;
	[tilespmem:s28+$0x16030] =	vst v13  }
0x332: {  	v42 =	vld.idx.msk [tilespmem:v5+s14+$0x0], $0xffff;
	[tilespmem:s28+$0x16010] =	vst v16  }
0x333: {  	[tilespmem:s24+$0x17810] =	vst v10;
	v41 =	vld.idx.msk [tilespmem:v7+s14+$0x0], $0xffff  }
0x334: {  	v43 =	vld.idx.msk [tilespmem:v3+s17+$0x0], $0xffff;
	[tilespmem:s26+$0x16400] =	vst v11  }
0x335: {  	v11 =	vld.idx.msk [tilespmem:v4+s1+$0x0], $0xffff;
	[tilespmem:s24+$0x17C30] =	vst v14  }
0x336: {  	v45 =	vld.idx.msk [tilespmem:v2+s17+$0x0], $0xffff;
	[tilespmem:s28+$0x16420] =	vst v9  }
0x337: {  	v9 =	vld.idx.msk [tilespmem:v6+s1+$0x0], $0xffff;
	[tilespmem:s28+$0x16430] =	vst v42  }
0x338: {  	v44 =	vld.idx.msk [tilespmem:v5+s1+$0x0], $0xffff;
	[tilespmem:s28+$0x16410] =	vst v41  }
0x339: {  	[tilespmem:s25+$0x16800] =	vst v12;
	v13 =	vld.idx.msk [tilespmem:v7+s1+$0x0], $0xffff  }
0x33a: {  	v57 =	vld.idx.msk [tilespmem:v1+s18+$0x0], $0xffff;
	[tilespmem:s24+$0x17C20] =	vst v43  }
0x33b: {  	v46 =	vld.idx.msk [tilespmem:v0+s15+$0x0], $0xffff;
	[tilespmem:s26+$0x16800] =	vst v11  }
0x33c: {  	v11 =	vld.idx.msk [tilespmem:v4+s15+$0x0], $0xffff;
	[tilespmem:s28+$0x16820] =	vst v9  }
0x33d: {  	v8 =	vld.idx.msk [tilespmem:v8+s15+$0x0], $0xffff;
	[tilespmem:s28+$0x16830] =	vst v44  }
0x33e: {  	v48 =	vld.idx.msk [tilespmem:v5+s15+$0x0], $0xffff;
	[tilespmem:s28+$0x16810] =	vst v13  }
0x33f: {  	[tilespmem:s24+$0x17C10] =	vst v45;
	v47 =	vld.idx.msk [tilespmem:v7+s15+$0x0], $0xffff  }
0x340: {  	v49 =	vld.idx.msk [tilespmem:v3+s18+$0x0], $0xffff;
	[tilespmem:s25+$0x16C00] =	vst v46  }
0x341: {  	v10 =	vld.idx.msk [tilespmem:v0+s2+$0x0], $0xffff;
	[tilespmem:s26+$0x16C00] =	vst v11  }
0x342: {  	v11 =	vld.idx.msk [tilespmem:v4+s2+$0x0], $0xffff;
	[tilespmem:s28+$0x16C20] =	vst v8  }
0x343: {  	v8 =	vld.idx.msk [tilespmem:v6+s2+$0x0], $0xffff;
	[tilespmem:s28+$0x16C30] =	vst v48  }
0x344: {  	v13 =	vld.idx.msk [tilespmem:v5+s2+$0x0], $0xffff;
	[tilespmem:s28+$0x16C10] =	vst v47  }
0x345: {  	[tilespmem:s24+$0x18030] =	vst v57;
	v9 =	vld.idx.msk [tilespmem:v7+s2+$0x0], $0xffff  }
0x346: {  	v50 =	vld.idx.msk [tilespmem:v2+s18+$0x0], $0xffff;
	[tilespmem:s25+$0x17000] =	vst v10  }
0x347: {  	v10 =	vld.idx.msk [tilespmem:v0+s3+$0x0], $0xffff;
	[tilespmem:s26+$0x17000] =	vst v11  }
0x348: {  	v11 =	vld.idx.msk [tilespmem:v4+s3+$0x0], $0xffff;
	[tilespmem:s28+$0x17020] =	vst v8  }
0x349: {  	v8 =	vld.idx.msk [tilespmem:v6+s3+$0x0], $0xffff;
	[tilespmem:s28+$0x17030] =	vst v13  }
0x34a: {  	v13 =	vld.idx.msk [tilespmem:v5+s3+$0x0], $0xffff;
	[tilespmem:s28+$0x17010] =	vst v9  }
0x34b: {  	[tilespmem:s24+$0x18020] =	vst v49;
	v9 =	vld.idx.msk [tilespmem:v7+s3+$0x0], $0xffff  }
0x34c: {  	v58 =	vld.idx.msk [tilespmem:v1+s19+$0x0], $0xffff;
	[tilespmem:s25+$0x17400] =	vst v10  }
0x34d: {  	v10 =	vld.idx.msk [tilespmem:v0+s7+$0x0], $0xffff;
	[tilespmem:s26+$0x17400] =	vst v11  }
0x34e: {  	v53 =	vld.idx.msk [tilespmem:v4+s7+$0x0], $0xffff;
	[tilespmem:s28+$0x17420] =	vst v8  }
0x34f: {  	v8 =	vld.idx.msk [tilespmem:v6+s7+$0x0], $0xffff;
	[tilespmem:s28+$0x17430] =	vst v13  }
0x350: {  	v52 =	vld.idx.msk [tilespmem:v5+s7+$0x0], $0xffff;
	[tilespmem:s28+$0x17410] =	vst v9  }
0x351: {  	[tilespmem:s24+$0x18010] =	vst v50;
	v9 =	vld.idx.msk [tilespmem:v7+s7+$0x0], $0xffff  }
0x352: {  	v51 =	vld.idx.msk [tilespmem:v3+s19+$0x0], $0xffff;
	[tilespmem:s25+$0x17800] =	vst v10  }
0x353: {  	v10 =	vld.idx.msk [tilespmem:v0+s17+$0x0], $0xffff;
	[tilespmem:s26+$0x17800] =	vst v53  }
0x354: {  	v56 =	vld.idx.msk [tilespmem:v4+s17+$0x0], $0xffff;
	[tilespmem:s28+$0x17820] =	vst v8  }
0x355: {  	v8 =	vld.idx.msk [tilespmem:v6+s17+$0x0], $0xffff;
	[tilespmem:s28+$0x17830] =	vst v52  }
0x356: {  	v55 =	vld.idx.msk [tilespmem:v5+s17+$0x0], $0xffff;
	[tilespmem:s28+$0x17810] =	vst v9  }
0x357: {  	[tilespmem:s24+$0x18430] =	vst v58;
	v9 =	vld.idx.msk [tilespmem:v7+s17+$0x0], $0xffff  }
0x358: {  	v54 =	vld.idx.msk [tilespmem:v2+s19+$0x0], $0xffff;
	[tilespmem:s25+$0x17C00] =	vst v10  }
0x359: {  	v10 =	vld.idx.msk [tilespmem:v0+s18+$0x0], $0xffff;
	[tilespmem:s26+$0x17C00] =	vst v56  }
0x35a: {  	v2 =	vld.idx.msk [tilespmem:v4+s18+$0x0], $0xffff;
	[tilespmem:s28+$0x17C20] =	vst v8  }
0x35b: {  	v8 =	vld.idx.msk [tilespmem:v6+s18+$0x0], $0xffff;
	[tilespmem:s28+$0x17C30] =	vst v55  }
0x35c: {  	v11 =	vld.idx.msk [tilespmem:v5+s18+$0x0], $0xffff;
	[tilespmem:s28+$0x17C10] =	vst v9  }
0x35d: {  	[tilespmem:s24+$0x18420] =	vst v51;
	v9 =	vld.idx.msk [tilespmem:v7+s18+$0x0], $0xffff  }
0x35e: {  	[tilespmem:s25+$0x18000] =	vst v10  }
0x35f: {  	v59 =	vld.idx.msk [tilespmem:v0+s19+$0x0], $0xffff;
	[tilespmem:s26+$0x18000] =	vst v2  }
0x360: {  	v63 =	vld.idx.msk [tilespmem:v4+s19+$0x0], $0xffff;
	[tilespmem:s28+$0x18020] =	vst v8  }
0x361: {  	v60 =	vld.idx.msk [tilespmem:v6+s19+$0x0], $0xffff;
	[tilespmem:s28+$0x18030] =	vst v11  }
0x362: {  	v62 =	vld.idx.msk [tilespmem:v5+s19+$0x0], $0xffff;
	[tilespmem:s28+$0x18010] =	vst v9  }
0x363: {  	[tilespmem:s24+$0x18410] =	vst v54;
	v61 =	vld.idx.msk [tilespmem:v7+s19+$0x0], $0xffff  }
0x364: {  	[tilespmem:s25+$0x18400] =	vst v59  }
0x365: {  	[tilespmem:s26+$0x18400] =	vst v63  }
0x366: {  	[tilespmem:s28+$0x18420] =	vst v60  }
0x367: {  	[tilespmem:s28+$0x18430] =	vst v62  }
0x368: {  	s0 =	sor.u32 $0x10, s23;
	s31 =	rddreg [dreg:$0x2];
	[tilespmem:s28+$0x18410] =	vst v61  }
0x369: {  	s30 =	simm.s32 $0x14800;
	s6 =	sadd.s32 s31, s0;
	s24 =	sld [smem:$0x7EF]  }
0x36a: {  	[hbm4b:s6+s11] =	stream.strided.scatter [tilespmem:s30], [sflag:$0x4], $0x400, s13, s11, $0x38;
	[tilespmem:$0x19800] =	vst v63  }
0x36b: {  	s26 =	sld [smem:$0x7F0]  }
0x36c: {  	s25 =	simm.s32 $0x14C00;
	s29 =	sld [smem:$0x7F1];
	s6 =	sadd.s32 s0, s24  }
0x36d: {  	[hbm4b:s6+s11] =	stream.strided.scatter [tilespmem:s25], [sflag:$0x4], $0x400, s13, s11, $0x38;
	[tilespmem:$0x19800] =	vst v63  }
0x36e: {  	s28 =	simm.s32 $0x15000;
	s24 =	sld [smem:$0x7F2];
	s6 =	sadd.s32 s0, s26  }
0x36f: {  	[hbm4b:s6+s11] =	stream.strided.scatter [tilespmem:s28], [sflag:$0x4], $0x400, s13, s11, $0x38;
	[tilespmem:$0x19800] =	vst v63  }
0x370: {  	s30 =	simm.s32 $0x15400;
	s26 =	sld [smem:$0x7F3];
	s6 =	sadd.s32 s0, s29  }
0x371: {  	[hbm4b:s6+s11] =	stream.strided.scatter [tilespmem:s30], [sflag:$0x4], $0x400, s13, s11, $0x38;
	[tilespmem:$0x19800] =	vst v63  }
0x372: {  	s25 =	simm.s32 $0x15800;
	s29 =	sld [smem:$0x7F4];
	s6 =	sadd.s32 s0, s24  }
0x373: {  	[hbm4b:s6+s11] =	stream.strided.scatter [tilespmem:s25], [sflag:$0x4], $0x400, s13, s11, $0x38;
	[tilespmem:$0x19800] =	vst v63  }
0x374: {  	s28 =	simm.s32 $0x15C00;
	s24 =	sld [smem:$0x7F5];
	s6 =	sadd.s32 s0, s26  }
0x375: {  	[hbm4b:s6+s11] =	stream.strided.scatter [tilespmem:s28], [sflag:$0x4], $0x400, s13, s11, $0x38;
	[tilespmem:$0x19800] =	vst v63  }
0x376: {  	s30 =	simm.s32 $0x16000;
	s26 =	sld [smem:$0x7F6];
	s6 =	sadd.s32 s0, s29  }
0x377: {  	[hbm4b:s6+s11] =	stream.strided.scatter [tilespmem:s30], [sflag:$0x4], $0x400, s13, s11, $0x38;
	[tilespmem:$0x19800] =	vst v63  }
0x378: {  	s25 =	simm.s32 $0x16400;
	s29 =	sld [smem:$0x7F7];
	s6 =	sadd.s32 s0, s24  }
0x379: {  	[hbm4b:s6+s11] =	stream.strided.scatter [tilespmem:s25], [sflag:$0x4], $0x400, s13, s11, $0x38;
	[tilespmem:$0x19800] =	vst v63  }
0x37a: {  	s28 =	simm.s32 $0x16800;
	s24 =	sld [smem:$0x7F8];
	s6 =	sadd.s32 s0, s26  }
0x37b: {  	[hbm4b:s6+s11] =	stream.strided.scatter [tilespmem:s28], [sflag:$0x4], $0x400, s13, s11, $0x38;
	[tilespmem:$0x19800] =	vst v63  }
0x37c: {  	s30 =	simm.s32 $0x16C00;
	s26 =	sld [smem:$0x7F9];
	s6 =	sadd.s32 s0, s29  }
0x37d: {  	[hbm4b:s6+s11] =	stream.strided.scatter [tilespmem:s30], [sflag:$0x4], $0x400, s13, s11, $0x38;
	[tilespmem:$0x19800] =	vst v63  }
0x37e: {  	s25 =	simm.s32 $0x17000;
	s29 =	sld [smem:$0x7FA];
	s6 =	sadd.s32 s0, s24  }
0x37f: {  	[hbm4b:s6+s11] =	stream.strided.scatter [tilespmem:s25], [sflag:$0x4], $0x400, s13, s11, $0x38;
	[tilespmem:$0x19800] =	vst v63  }
0x380: {  	s28 =	simm.s32 $0x17400;
	s24 =	sld [smem:$0x7FB];
	s6 =	sadd.s32 s0, s26  }
0x381: {  	[hbm4b:s6+s11] =	stream.strided.scatter [tilespmem:s28], [sflag:$0x4], $0x400, s13, s11, $0x38;
	[tilespmem:$0x19800] =	vst v63  }
0x382: {  	p1 =	seq.s32 s21, $0xF;
	s30 =	simm.s32 $0x17800;
	s6 =	sadd.s32 s0, s29  }
0x383: {  	[hbm4b:s6+s11] =	stream.strided.scatter [tilespmem:s30], [sflag:$0x4], $0x400, s13, s11, $0x38;
	[tilespmem:$0x19800] =	vst v63  }
0x384: {  	s25 =	simm.s32 $0x17C00;
	s26 =	sld [smem:$0x7FC];
	s6 =	sadd.s32 s0, s24  }
0x385: {  	[hbm4b:s6+s11] =	stream.strided.scatter [tilespmem:s25], [sflag:$0x4], $0x400, s13, s11, $0x38;
	[tilespmem:$0x19800] =	vst v63  }
.Ltmp9:
0x386: {  	s29 =	sld [smem:$0x7FD];
	(pc) =	sbr.rel @p1 .LBB2_15-.Ltmp9, $4  }
0x387: {  	s28 =	simm.s32 $0x18000;
	s6 =	sadd.s32 s0, s26  }
0x388: {  	[hbm4b:s6+s11] =	stream.strided.scatter [tilespmem:s28], [sflag:$0x4], $0x400, s13, s11, $0x38;
	[tilespmem:$0x19800] =	vst v63  }
0x389: {  	s30 =	simm.s32 $0x18400;
	s0 =	sadd.s32 s0, s29  }
0x38a: {  	[hbm4b:s0+s11] =	stream.strided.scatter [tilespmem:s30], [sflag:$0x4], $0x400, s13, s11, $0x38;
	[tilespmem:$0x19800] =	vst v63  }
0x38b: {  	s0 =	sadd.s32 $0x3, s22;
	s6 =	rddreg [dreg:$0x5]  }
.Ltmp10:
0x38c: {  	s6 =	sadd.s32 s6, s0;
	s0 =	sshll.u32 s0, $0x4;
	(pc) =	sbr.rel .LBB2_5-.Ltmp10, $4  }
0x38d: {  	s29 =	rddreg [dreg:$0x1];
	s6 =	sshll.u32 s6, $0x7;
	s0 =	sand.u32 $0x70, s0  }
0x38e: {  	s6 =	sand.u32 $0x3FC00, s6;
	s0 =	sadd.s32 s29, s0  }
0x38f: {  	s30 =	simm.s32 $0x10400;
	s21 =	sadd.s32 $0x1, s21;
	s0 =	sadd.s32 s6, s0  }
0x390: {  	[tilespmem:s30], [sflag:$0x2] =	stream.strided.gather [hbm4b:s0+s11], $0x400, s13, s11, $0x38;
	[tilespmem:$0x19800] =	vst v63  }
.LBB2_16:
0x391: {  	_ =	sfence.sel $0x180000  }
0x392: {  	[bflag:$0x0] =	sbarrier.arrive $0xFFFF  }
0x393: {  	_ =	strace $0x90000047  }
0x394: {  	[bflag:$0x2] =	sbarrier.arrive $0xFFFF  }
0x395: {  	s0 =	rddreg [dreg:$0x4]  }
0x396: {  	s0 =	sadd.s32 @!p0 $0x100000, s0  }
0x397: {  	[sflag:s0] =	ssyncadd.tile.s32 @!p0 $0x1;
	_ =	shalt  }
.Lfunc_end2:
_tile_overlayer_lowered:
.L_overlay_start_2:
0x398: {  	(tag) =	ssettag $0x2  }
0x399: {  	s0 =	rddreg [dreg:$0x0];
	s2 =	stileid.u32  }
0x39a: {  	s1 =	rddreg [dreg:$0x1];
	p0 =	sne.s32 s2, $0x0  }
0x39b: {  	s3 =	rddreg [dreg:$0x2];
	[bflag:$0x3] =	sbarrier.arrive $0xFFFF;
	s2 =	simm.s32 @!p0 $0x1C06  }
0x39c: {  	[timem:s3], [sflag:s2] =	dma.local @!p0 [hbm:s0], s1  }
0x39d: {  	s0 =	simm.s32 @!p0 $0x6  }
0x39e: {  	_ =	swait.ge @!p0 [sflag:s0], s1  }
0x39f: {  	s1 =	ssub.s32 @!p0 $0x0, s1;
	[sflag:s0] =	ssyncset.done @!p0 $0x0  }
0x3a0: {  	[sflag:s0] =	ssyncadd.s32 @!p0 s1  }
0x3a1: {  	[bflag:$0x3] =	sbarrier.arrive $0xFFFF  }
0x3a2: {  	_ =	shalt  }

</sc_bundles>
